<compile_context>
chip_gen: v7x
topology: tpu7x:2x2x1
jax: 0.10.2.dev20260603
libtpu: 0.0.44.dev20260713+nightly
codegen_flags: <defaults>
</compile_context>

<pallas_src>
import functools

import jax
import jax.numpy as jnp
from jax import lax
from jax.experimental import pallas as pl
from jax.experimental.pallas import tpu as pltpu
from jax.experimental.pallas import tpu_sc as plsc

_NC = 2
_NS = 16
_LANES = 16
_C = 128
_W = 40


def _lane_broadcast(vec, l):
    idx = jnp.full((_LANES, 1), l, jnp.int32)
    dn = lax.GatherDimensionNumbers(
        offset_dims=(), collapsed_slice_dims=(0,), start_index_map=(0,))
    return lax.gather(vec, idx, dn, slice_sizes=(1,),
                      mode=lax.GatherScatterMode.PROMISE_IN_BOUNDS)


def _sc_body(n_win, n_rows_tile, d, x_hbm, src_hbm,
             dst_hbm, w_hbm, out_hbm, swin, dwin, wwin, buf0, buf1,
             acc, gsem0, gsem1):
    c = lax.axis_index("c")
    s = lax.axis_index("s")

    def zrow(r, carry):
        for k in range(d // _LANES):
            buf0[r, pl.ds(k * _LANES, _LANES)] = jnp.zeros(
                (_LANES,), jnp.float32)
        return carry

    lax.fori_loop(0, _C, zrow, 0)
    base = s * n_rows_tile
    for off in range(0, n_rows_tile - _C + 1, _C):
        pltpu.sync_copy(buf0, acc.at[pl.ds(base + off, _C)])
    rem = n_rows_tile % _C
    if rem:
        pltpu.sync_copy(buf0.at[pl.ds(0, rem)],
                        acc.at[pl.ds(base + n_rows_tile - rem, rem)])
    plsc.subcore_barrier()

    def scale(buf, jw):
        def group_body(g, carry2):
            wvec = wwin[jw, pl.ds(g * _LANES, _LANES)]
            for l in range(_LANES):
                wb = _lane_broadcast(wvec, l)
                e = g * _LANES + l
                for k in range(d // _LANES):
                    sl = pl.ds(k * _LANES, _LANES)
                    buf[e, sl] = buf[e, sl] * wb
            return carry2

        lax.fori_loop(0, _C // _LANES, group_body, 0)

    def gwait(sem, buf):
        pltpu.make_async_copy(x_hbm.at[swin.at[0]], buf, sem).wait()

    def win_body(wi, carry):
        pltpu.sync_copy(src_hbm.at[c, s, pl.ds(wi * _W, _W)], swin)
        pltpu.sync_copy(dst_hbm.at[c, s, pl.ds(wi * _W, _W)], dwin)
        pltpu.sync_copy(w_hbm.at[c, s, pl.ds(wi * _W, _W)], wwin)
        pltpu.async_copy(x_hbm.at[swin.at[0]], buf0, gsem0)

        def half_body(h, carry2):
            jw = 2 * h
            pltpu.async_copy(x_hbm.at[swin.at[jw + 1]], buf1, gsem1)
            gwait(gsem0, buf0)
            scale(buf0, jw)
            pltpu.sync_copy(buf0, acc.at[dwin.at[jw]], add=True)

            @pl.when(jw + 2 < _W)
            def _prefetch_next():
                pltpu.async_copy(x_hbm.at[swin.at[jw + 2]], buf0, gsem0)

            gwait(gsem1, buf1)
            scale(buf1, jw + 1)
            pltpu.sync_copy(buf1, acc.at[dwin.at[jw + 1]], add=True)
            return carry2

        lax.fori_loop(0, _W // 2, half_body, 0)
        return carry

    lax.fori_loop(0, n_win, win_body, 0)
    plsc.subcore_barrier()
    pltpu.sync_copy(acc.at[pl.ds(s * n_rows_tile, n_rows_tile)],
                    out_hbm.at[c, pl.ds(s * n_rows_tile, n_rows_tile)])


def _tc_body(p_ref, w_ref, o_ref):
    a = p_ref[0] + p_ref[1]
    o_ref[...] = jnp.maximum(
        jnp.dot(a, w_ref[...], preferred_element_type=jnp.float32), 0.0)


def kernel(x, edge_index, edge_weight, W):
    n, d = x.shape
    e = edge_index.shape[1]
    nw = _NC * _NS
    per_tile = -(-e // (nw * _W * _C)) * (_W * _C)
    n_chunks = per_tile // _C
    n_win = n_chunks // _W
    e_pad = nw * per_tile
    n_pad = -(-n // (_NS * 8)) * (_NS * 8)
    n_rows_tile = n_pad // _NS

    pad_len = e_pad - e
    spread = jnp.arange(pad_len, dtype=jnp.int32) % n

    def slabs(a, pad):
        a = jnp.concatenate([a, pad])
        return a.reshape(_NC, _NS, n_chunks, _C)

    src = slabs(edge_index[0], spread)
    dst = slabs(edge_index[1], spread)
    w = slabs(edge_weight, jnp.zeros((pad_len,), jnp.float32))

    mesh = plsc.VectorSubcoreMesh(core_axis_name="c", subcore_axis_name="s")
    sc = pl.kernel(
        functools.partial(_sc_body, n_win, n_rows_tile, d),
        out_type=jax.ShapeDtypeStruct((_NC, n_pad, d), jnp.float32),
        mesh=mesh,
        scratch_types=[
            pltpu.VMEM((_W, _C), jnp.int32),
            pltpu.VMEM((_W, _C), jnp.int32),
            pltpu.VMEM((_W, _C), jnp.float32),
            pltpu.VMEM((_C, d), jnp.float32),
            pltpu.VMEM((_C, d), jnp.float32),
            pltpu.VMEM_SHARED((n_pad, d), jnp.float32),
            pltpu.SemaphoreType.DMA,
            pltpu.SemaphoreType.DMA,
        ],
    )
    partials = sc(x, src, dst, w)

    bn = 1000
    out = pl.pallas_call(
        _tc_body,
        grid=(n // bn,),
        in_specs=[
            pl.BlockSpec((_NC, bn, d), lambda i: (0, i, 0)),
            pl.BlockSpec((d, d), lambda i: (0, 0)),
        ],
        out_specs=pl.BlockSpec((bn, d), lambda i: (i, 0)),
        out_shape=jax.ShapeDtypeStruct((n, d), jnp.float32),
    )(partials, W)
    return out

# --- scband reference (transcript-rebuilt; emitter-appended) ---
"""Pipeline reference for scband-graph-neural-network-61984968015976 (READ-ONLY COPY).

The authoritative reference and input builder live on the scoring server;
editing this copy changes nothing except your own understanding.
"""

import jax, jax.numpy as jnp
import numpy as np

N, E, D = 10000, 320000, 128

def setup_inputs(seed: int = 0) -> dict:
    key = jax.random.key(seed)
    k1, k2, k3, k4 = jax.random.split(key, 4)
    x = jax.random.normal(k1, (N, D), dtype=jnp.float32)
    edge_index = jax.random.randint(k2, (2, E), 0, N, dtype=jnp.int32)
    # per-edge scalar weights, He-style init as in the torch module: randn * sqrt(2/(fan_in+fan_out))
    edge_weight = jax.random.normal(k3, (E,), dtype=jnp.float32) * np.sqrt(2.0 / (2 * D))
    # node-feature transform applied after aggregation
    W = jax.random.normal(k4, (D, D), dtype=jnp.float32) * np.sqrt(2.0 / (2 * D))
    return {"x": x, "edge_index": edge_index, "edge_weight": edge_weight, "W": W}

def reference(x, edge_index, edge_weight, W):
    # Vectorized gather along source neurons, per-edge scalar weighting,
    # scatter-add into destination neurons (mirrors the torch module's
    # edge_index buffer + per-edge 'weights' parameter), then activation.
    src = edge_index[0]
    dst = edge_index[1]
    msgs = jnp.take(x, src, axis=0) * edge_weight[:, None]
    agg = jax.ops.segment_sum(msgs, dst, num_segments=x.shape[0])
    out = jax.nn.relu(agg @ W)
    return out

if __name__ == "__main__":
    import jax
    _d = setup_inputs()
    print(jax.jit(kernel)(*tuple(_d.values())))

</pallas_src>

<mosaic_0001>
#map = affine_map<(d0, d1) -> (0, 0)>
#map1 = affine_map<(d0, d1) -> (0, 0, 0, 0)>
#map2 = affine_map<(d0, d1) -> (0, 0, 0)>
module attributes {stable_mosaic.version = 14 : i64} {
  func.func @_sc_body(%arg0: i32, %arg1: i32, %arg2: memref<10000x128xf32, #tpu.memory_space<hbm>>, %arg3: memref<2x16x80x128xi32, #tpu.memory_space<hbm>>, %arg4: memref<2x16x80x128xi32, #tpu.memory_space<hbm>>, %arg5: memref<2x16x80x128xf32, #tpu.memory_space<hbm>>, %arg6: memref<2x10112x128xf32, #tpu.memory_space<hbm>>, %arg7: memref<40x128xi32, #tpu.memory_space<vmem>>, %arg8: memref<40x128xi32, #tpu.memory_space<vmem>>, %arg9: memref<40x128xf32, #tpu.memory_space<vmem>>, %arg10: memref<128x128xf32, #tpu.memory_space<vmem>>, %arg11: memref<128x128xf32, #tpu.memory_space<vmem>>, %arg12: memref<10112x128xf32, #tpu.memory_space<vmem_shared>>, %arg13: memref<!tpu.dma_semaphore, #tpu.memory_space<semaphore_mem>>, %arg14: memref<!tpu.dma_semaphore, #tpu.memory_space<semaphore_mem>>) attributes {dimension_semantics = [#tpu.dimension_semantics<core_parallel>, #tpu.dimension_semantics<subcore_parallel>], iteration_bounds = array<i64: 2, 16>, scalar_prefetch = 0 : i64, scratch_operands = 8 : i64, tpu.core_type = #tpu.core_type<sc_vector_subcore>, window_params = [{transform_indices = #map}, {transform_indices = #map1}, {transform_indices = #map1}, {transform_indices = #map1}, {transform_indices = #map2}]} {
    %scan3A = arith.constant 0 : i32
    %scan3A_0 = arith.constant 0 : i32
    %scan3A_1 = arith.constant 128 : i32
    %scan3A_2 = arith.addi %scan3A_0, %scan3A_1 : i32
    %scan3A_3 = arith.constant 1 : i32
    scf.for %scan3A_27 = %scan3A_0 to %scan3A_2 step %scan3A_3  : i32 {
      %broadcast_in_dim3A = arith.constant 0.000000e+00 : f32
      %broadcast_in_dim3A_28 = vector.broadcast %broadcast_in_dim3A : f32 to vector<16xf32>
      %swap3A = arith.index_cast %scan3A_27 : i32 to index
      %swap3A_29 = arith.constant 0 : index
      %swap3A_30 = tpu.vector_load %arg10[%swap3A, %swap3A_29] {strides = array<i32>} : memref<128x128xf32, #tpu.memory_space<vmem>>, vector<1x16xf32>,
      %swap3A_31 = vector.shape_cast %swap3A_30 : vector<1x16xf32> to vector<16xf32>
      %swap3A_32 = vector.shape_cast %broadcast_in_dim3A_28 : vector<16xf32> to vector<1x16xf32>
      tpu.vector_store %arg10[%swap3A, %swap3A_29], %swap3A_32 {strides = array<i32>} : memref<128x128xf32, #tpu.memory_space<vmem>>, vector<1x16xf32>,
      %broadcast_in_dim3A_33 = arith.constant 0.000000e+00 : f32
      %broadcast_in_dim3A_34 = vector.broadcast %broadcast_in_dim3A_33 : f32 to vector<16xf32>
      %swap3A_35 = arith.index_cast %scan3A_27 : i32 to index
      %swap3A_36 = arith.constant 16 : index
      %swap3A_37 = tpu.vector_load %arg10[%swap3A_35, %swap3A_36] {strides = array<i32>} : memref<128x128xf32, #tpu.memory_space<vmem>>, vector<1x16xf32>,
      %swap3A_38 = vector.shape_cast %swap3A_37 : vector<1x16xf32> to vector<16xf32>
      %swap3A_39 = vector.shape_cast %broadcast_in_dim3A_34 : vector<16xf32> to vector<1x16xf32>
      tpu.vector_store %arg10[%swap3A_35, %swap3A_36], %swap3A_39 {strides = array<i32>} : memref<128x128xf32, #tpu.memory_space<vmem>>, vector<1x16xf32>,
      %broadcast_in_dim3A_40 = arith.constant 0.000000e+00 : f32
      %broadcast_in_dim3A_41 = vector.broadcast %broadcast_in_dim3A_40 : f32 to vector<16xf32>
      %swap3A_42 = arith.index_cast %scan3A_27 : i32 to index
      %swap3A_43 = arith.constant 32 : index
      %swap3A_44 = tpu.vector_load %arg10[%swap3A_42, %swap3A_43] {strides = array<i32>} : memref<128x128xf32, #tpu.memory_space<vmem>>, vector<1x16xf32>,
      %swap3A_45 = vector.shape_cast %swap3A_44 : vector<1x16xf32> to vector<16xf32>
      %swap3A_46 = vector.shape_cast %broadcast_in_dim3A_41 : vector<16xf32> to vector<1x16xf32>
      tpu.vector_store %arg10[%swap3A_42, %swap3A_43], %swap3A_46 {strides = array<i32>} : memref<128x128xf32, #tpu.memory_space<vmem>>, vector<1x16xf32>,
      %broadcast_in_dim3A_47 = arith.constant 0.000000e+00 : f32
      %broadcast_in_dim3A_48 = vector.broadcast %broadcast_in_dim3A_47 : f32 to vector<16xf32>
      %swap3A_49 = arith.index_cast %scan3A_27 : i32 to index
      %swap3A_50 = arith.constant 48 : index
      %swap3A_51 = tpu.vector_load %arg10[%swap3A_49, %swap3A_50] {strides = array<i32>} : memref<128x128xf32, #tpu.memory_space<vmem>>, vector<1x16xf32>,
      %swap3A_52 = vector.shape_cast %swap3A_51 : vector<1x16xf32> to vector<16xf32>
      %swap3A_53 = vector.shape_cast %broadcast_in_dim3A_48 : vector<16xf32> to vector<1x16xf32>
      tpu.vector_store %arg10[%swap3A_49, %swap3A_50], %swap3A_53 {strides = array<i32>} : memref<128x128xf32, #tpu.memory_space<vmem>>, vector<1x16xf32>,
      %broadcast_in_dim3A_54 = arith.constant 0.000000e+00 : f32
      %broadcast_in_dim3A_55 = vector.broadcast %broadcast_in_dim3A_54 : f32 to vector<16xf32>
      %swap3A_56 = arith.index_cast %scan3A_27 : i32 to index
      %swap3A_57 = arith.constant 64 : index
      %swap3A_58 = tpu.vector_load %arg10[%swap3A_56, %swap3A_57] {strides = array<i32>} : memref<128x128xf32, #tpu.memory_space<vmem>>, vector<1x16xf32>,
      %swap3A_59 = vector.shape_cast %swap3A_58 : vector<1x16xf32> to vector<16xf32>
      %swap3A_60 = vector.shape_cast %broadcast_in_dim3A_55 : vector<16xf32> to vector<1x16xf32>
      tpu.vector_store %arg10[%swap3A_56, %swap3A_57], %swap3A_60 {strides = array<i32>} : memref<128x128xf32, #tpu.memory_space<vmem>>, vector<1x16xf32>,
      %broadcast_in_dim3A_61 = arith.constant 0.000000e+00 : f32
      %broadcast_in_dim3A_62 = vector.broadcast %broadcast_in_dim3A_61 : f32 to vector<16xf32>
      %swap3A_63 = arith.index_cast %scan3A_27 : i32 to index
      %swap3A_64 = arith.constant 80 : index
      %swap3A_65 = tpu.vector_load %arg10[%swap3A_63, %swap3A_64] {strides = array<i32>} : memref<128x128xf32, #tpu.memory_space<vmem>>, vector<1x16xf32>,
      %swap3A_66 = vector.shape_cast %swap3A_65 : vector<1x16xf32> to vector<16xf32>
      %swap3A_67 = vector.shape_cast %broadcast_in_dim3A_62 : vector<16xf32> to vector<1x16xf32>
      tpu.vector_store %arg10[%swap3A_63, %swap3A_64], %swap3A_67 {strides = array<i32>} : memref<128x128xf32, #tpu.memory_space<vmem>>, vector<1x16xf32>,
      %broadcast_in_dim3A_68 = arith.constant 0.000000e+00 : f32
      %broadcast_in_dim3A_69 = vector.broadcast %broadcast_in_dim3A_68 : f32 to vector<16xf32>
      %swap3A_70 = arith.index_cast %scan3A_27 : i32 to index
      %swap3A_71 = arith.constant 96 : index
      %swap3A_72 = tpu.vector_load %arg10[%swap3A_70, %swap3A_71] {strides = array<i32>} : memref<128x128xf32, #tpu.memory_space<vmem>>, vector<1x16xf32>,
      %swap3A_73 = vector.shape_cast %swap3A_72 : vector<1x16xf32> to vector<16xf32>
      %swap3A_74 = vector.shape_cast %broadcast_in_dim3A_69 : vector<16xf32> to vector<1x16xf32>
      tpu.vector_store %arg10[%swap3A_70, %swap3A_71], %swap3A_74 {strides = array<i32>} : memref<128x128xf32, #tpu.memory_space<vmem>>, vector<1x16xf32>,
      %broadcast_in_dim3A_75 = arith.constant 0.000000e+00 : f32
      %broadcast_in_dim3A_76 = vector.broadcast %broadcast_in_dim3A_75 : f32 to vector<16xf32>
      %swap3A_77 = arith.index_cast %scan3A_27 : i32 to index
      %swap3A_78 = arith.constant 112 : index
      %swap3A_79 = tpu.vector_load %arg10[%swap3A_77, %swap3A_78] {strides = array<i32>} : memref<128x128xf32, #tpu.memory_space<vmem>>, vector<1x16xf32>,
      %swap3A_80 = vector.shape_cast %swap3A_79 : vector<1x16xf32> to vector<16xf32>
      %swap3A_81 = vector.shape_cast %broadcast_in_dim3A_76 : vector<16xf32> to vector<1x16xf32>
      tpu.vector_store %arg10[%swap3A_77, %swap3A_78], %swap3A_81 {strides = array<i32>} : memref<128x128xf32, #tpu.memory_space<vmem>>, vector<1x16xf32>,
    }
    %scan3A_4 = arith.constant 128 : i32
    %mul3A = arith.constant 632 : i32
    %mul3A_5 = arith.muli %arg1, %mul3A : i32
    %add3A = arith.constant 0 : i32
    %add3A_6 = arith.addi %mul3A_5, %add3A : i32
    "tpu.region"() ({
      %run_scoped3A = tpu.sem_alloc : memref<!tpu.dma_semaphore, #tpu.memory_space<semaphore_mem>>
      %dma_start3A = arith.constant 0 : i32
      %dma_start3A_27 = tpu.memref_slice %arg12[%add3A_6, %dma_start3A] : memref<10112x128xf32, #tpu.memory_space<vmem_shared>> -> memref<128x128xf32, #tpu.memory_space<vmem_shared>>
      %dma_start3A_28 = arith.constant 0 : i32
      %dma_start3A_29 = tpu.memref_slice %arg12[%add3A_6, %dma_start3A_28] : memref<10112x128xf32, #tpu.memory_space<vmem_shared>> -> memref<128x128xf32, #tpu.memory_space<vmem_shared>>
      tpu.enqueue_dma source(%arg10 : memref<128x128xf32, #tpu.memory_space<vmem>>) target(%dma_start3A_29 : memref<128x128xf32, #tpu.memory_space<vmem_shared>>) target_semaphore(%run_scoped3A : memref<!tpu.dma_semaphore, #tpu.memory_space<semaphore_mem>>)
      %dma_wait3A = arith.constant 0 : i32
      %dma_wait3A_30 = tpu.memref_slice %arg12[%add3A_6, %dma_wait3A] : memref<10112x128xf32, #tpu.memory_space<vmem_shared>> -> memref<128x128xf32, #tpu.memory_space<vmem_shared>>
      %dma_wait3A_31 = arith.constant 0 : i32
      %dma_wait3A_32 = tpu.memref_slice %arg12[%add3A_6, %dma_wait3A_31] : memref<10112x128xf32, #tpu.memory_space<vmem_shared>> -> memref<128x128xf32, #tpu.memory_space<vmem_shared>>
      tpu.wait_dma2 semaphore(%run_scoped3A : memref<!tpu.dma_semaphore, #tpu.memory_space<semaphore_mem>>) src(%arg10 : memref<128x128xf32, #tpu.memory_space<vmem>>) dst(%dma_wait3A_32 : memref<128x128xf32, #tpu.memory_space<vmem_shared>>)
      tpu.yield
    }) : () -> ()
    %add3A_7 = arith.constant 128 : i32
    %add3A_8 = arith.addi %mul3A_5, %add3A_7 : i32
    "tpu.region"() ({
      %run_scoped3A = tpu.sem_alloc : memref<!tpu.dma_semaphore, #tpu.memory_space<semaphore_mem>>
      %dma_start3A = arith.constant 0 : i32
      %dma_start3A_27 = tpu.memref_slice %arg12[%add3A_8, %dma_start3A] : memref<10112x128xf32, #tpu.memory_space<vmem_shared>> -> memref<128x128xf32, #tpu.memory_space<vmem_shared>>
      %dma_start3A_28 = arith.constant 0 : i32
      %dma_start3A_29 = tpu.memref_slice %arg12[%add3A_8, %dma_start3A_28] : memref<10112x128xf32, #tpu.memory_space<vmem_shared>> -> memref<128x128xf32, #tpu.memory_space<vmem_shared>>
      tpu.enqueue_dma source(%arg10 : memref<128x128xf32, #tpu.memory_space<vmem>>) target(%dma_start3A_29 : memref<128x128xf32, #tpu.memory_space<vmem_shared>>) target_semaphore(%run_scoped3A : memref<!tpu.dma_semaphore, #tpu.memory_space<semaphore_mem>>)
      %dma_wait3A = arith.constant 0 : i32
      %dma_wait3A_30 = tpu.memref_slice %arg12[%add3A_8, %dma_wait3A] : memref<10112x128xf32, #tpu.memory_space<vmem_shared>> -> memref<128x128xf32, #tpu.memory_space<vmem_shared>>
      %dma_wait3A_31 = arith.constant 0 : i32
      %dma_wait3A_32 = tpu.memref_slice %arg12[%add3A_8, %dma_wait3A_31] : memref<10112x128xf32, #tpu.memory_space<vmem_shared>> -> memref<128x128xf32, #tpu.memory_space<vmem_shared>>
      tpu.wait_dma2 semaphore(%run_scoped3A : memref<!tpu.dma_semaphore, #tpu.memory_space<semaphore_mem>>) src(%arg10 : memref<128x128xf32, #tpu.memory_space<vmem>>) dst(%dma_wait3A_32 : memref<128x128xf32, #tpu.memory_space<vmem_shared>>)
      tpu.yield
    }) : () -> ()
    %add3A_9 = arith.constant 256 : i32
    %add3A_10 = arith.addi %mul3A_5, %add3A_9 : i32
    "tpu.region"() ({
      %run_scoped3A = tpu.sem_alloc : memref<!tpu.dma_semaphore, #tpu.memory_space<semaphore_mem>>
      %dma_start3A = arith.constant 0 : i32
      %dma_start3A_27 = tpu.memref_slice %arg12[%add3A_10, %dma_start3A] : memref<10112x128xf32, #tpu.memory_space<vmem_shared>> -> memref<128x128xf32, #tpu.memory_space<vmem_shared>>
      %dma_start3A_28 = arith.constant 0 : i32
      %dma_start3A_29 = tpu.memref_slice %arg12[%add3A_10, %dma_start3A_28] : memref<10112x128xf32, #tpu.memory_space<vmem_shared>> -> memref<128x128xf32, #tpu.memory_space<vmem_shared>>
      tpu.enqueue_dma source(%arg10 : memref<128x128xf32, #tpu.memory_space<vmem>>) target(%dma_start3A_29 : memref<128x128xf32, #tpu.memory_space<vmem_shared>>) target_semaphore(%run_scoped3A : memref<!tpu.dma_semaphore, #tpu.memory_space<semaphore_mem>>)
      %dma_wait3A = arith.constant 0 : i32
      %dma_wait3A_30 = tpu.memref_slice %arg12[%add3A_10, %dma_wait3A] : memref<10112x128xf32, #tpu.memory_space<vmem_shared>> -> memref<128x128xf32, #tpu.memory_space<vmem_shared>>
      %dma_wait3A_31 = arith.constant 0 : i32
      %dma_wait3A_32 = tpu.memref_slice %arg12[%add3A_10, %dma_wait3A_31] : memref<10112x128xf32, #tpu.memory_space<vmem_shared>> -> memref<128x128xf32, #tpu.memory_space<vmem_shared>>
      tpu.wait_dma2 semaphore(%run_scoped3A : memref<!tpu.dma_semaphore, #tpu.memory_space<semaphore_mem>>) src(%arg10 : memref<128x128xf32, #tpu.memory_space<vmem>>) dst(%dma_wait3A_32 : memref<128x128xf32, #tpu.memory_space<vmem_shared>>)
      tpu.yield
    }) : () -> ()
    %add3A_11 = arith.constant 384 : i32
    %add3A_12 = arith.addi %mul3A_5, %add3A_11 : i32
    "tpu.region"() ({
      %run_scoped3A = tpu.sem_alloc : memref<!tpu.dma_semaphore, #tpu.memory_space<semaphore_mem>>
      %dma_start3A = arith.constant 0 : i32
      %dma_start3A_27 = tpu.memref_slice %arg12[%add3A_12, %dma_start3A] : memref<10112x128xf32, #tpu.memory_space<vmem_shared>> -> memref<128x128xf32, #tpu.memory_space<vmem_shared>>
      %dma_start3A_28 = arith.constant 0 : i32
      %dma_start3A_29 = tpu.memref_slice %arg12[%add3A_12, %dma_start3A_28] : memref<10112x128xf32, #tpu.memory_space<vmem_shared>> -> memref<128x128xf32, #tpu.memory_space<vmem_shared>>
      tpu.enqueue_dma source(%arg10 : memref<128x128xf32, #tpu.memory_space<vmem>>) target(%dma_start3A_29 : memref<128x128xf32, #tpu.memory_space<vmem_shared>>) target_semaphore(%run_scoped3A : memref<!tpu.dma_semaphore, #tpu.memory_space<semaphore_mem>>)
      %dma_wait3A = arith.constant 0 : i32
      %dma_wait3A_30 = tpu.memref_slice %arg12[%add3A_12, %dma_wait3A] : memref<10112x128xf32, #tpu.memory_space<vmem_shared>> -> memref<128x128xf32, #tpu.memory_space<vmem_shared>>
      %dma_wait3A_31 = arith.constant 0 : i32
      %dma_wait3A_32 = tpu.memref_slice %arg12[%add3A_12, %dma_wait3A_31] : memref<10112x128xf32, #tpu.memory_space<vmem_shared>> -> memref<128x128xf32, #tpu.memory_space<vmem_shared>>
      tpu.wait_dma2 semaphore(%run_scoped3A : memref<!tpu.dma_semaphore, #tpu.memory_space<semaphore_mem>>) src(%arg10 : memref<128x128xf32, #tpu.memory_space<vmem>>) dst(%dma_wait3A_32 : memref<128x128xf32, #tpu.memory_space<vmem_shared>>)
      tpu.yield
    }) : () -> ()
    %add3A_13 = arith.constant 632 : i32
    %add3A_14 = arith.addi %mul3A_5, %add3A_13 : i32
    %sub3A = arith.constant 120 : i32
    %sub3A_15 = arith.subi %add3A_14, %sub3A : i32
    "tpu.region"() ({
      %run_scoped3A = tpu.sem_alloc : memref<!tpu.dma_semaphore, #tpu.memory_space<semaphore_mem>>
      %dma_start3A = arith.constant 0 : i32
      %dma_start3A_27 = arith.constant 0 : i32
      %dma_start3A_28 = tpu.memref_slice %arg10[%dma_start3A, %dma_start3A_27] : memref<128x128xf32, #tpu.memory_space<vmem>> -> memref<120x128xf32, #tpu.memory_space<vmem>>
      %dma_start3A_29 = arith.constant 0 : i32
      %dma_start3A_30 = tpu.memref_slice %arg12[%sub3A_15, %dma_start3A_29] : memref<10112x128xf32, #tpu.memory_space<vmem_shared>> -> memref<120x128xf32, #tpu.memory_space<vmem_shared>>
      %dma_start3A_31 = arith.constant 0 : i32
      %dma_start3A_32 = tpu.memref_slice %arg12[%sub3A_15, %dma_start3A_31] : memref<10112x128xf32, #tpu.memory_space<vmem_shared>> -> memref<120x128xf32, #tpu.memory_space<vmem_shared>>
      %dma_start3A_33 = arith.constant 0 : i32
      %dma_start3A_34 = arith.constant 0 : i32
      %dma_start3A_35 = tpu.memref_slice %arg10[%dma_start3A_33, %dma_start3A_34] : memref<128x128xf32, #tpu.memory_space<vmem>> -> memref<120x128xf32, #tpu.memory_space<vmem>>
      tpu.enqueue_dma source(%dma_start3A_35 : memref<120x128xf32, #tpu.memory_space<vmem>>) target(%dma_start3A_32 : memref<120x128xf32, #tpu.memory_space<vmem_shared>>) target_semaphore(%run_scoped3A : memref<!tpu.dma_semaphore, #tpu.memory_space<semaphore_mem>>)
      %dma_wait3A = arith.constant 0 : i32
      %dma_wait3A_36 = arith.constant 0 : i32
      %dma_wait3A_37 = tpu.memref_slice %arg10[%dma_wait3A, %dma_wait3A_36] : memref<128x128xf32, #tpu.memory_space<vmem>> -> memref<120x128xf32, #tpu.memory_space<vmem>>
      %dma_wait3A_38 = arith.constant 0 : i32
      %dma_wait3A_39 = tpu.memref_slice %arg12[%sub3A_15, %dma_wait3A_38] : memref<10112x128xf32, #tpu.memory_space<vmem_shared>> -> memref<120x128xf32, #tpu.memory_space<vmem_shared>>
      %dma_wait3A_40 = arith.constant 0 : i32
      %dma_wait3A_41 = tpu.memref_slice %arg12[%sub3A_15, %dma_wait3A_40] : memref<10112x128xf32, #tpu.memory_space<vmem_shared>> -> memref<120x128xf32, #tpu.memory_space<vmem_shared>>
      %dma_wait3A_42 = arith.constant 0 : i32
      %dma_wait3A_43 = arith.constant 0 : i32
      %dma_wait3A_44 = tpu.memref_slice %arg10[%dma_wait3A_42, %dma_wait3A_43] : memref<128x128xf32, #tpu.memory_space<vmem>> -> memref<120x128xf32, #tpu.memory_space<vmem>>
      tpu.wait_dma2 semaphore(%run_scoped3A : memref<!tpu.dma_semaphore, #tpu.memory_space<semaphore_mem>>) src(%dma_wait3A_44 : memref<120x128xf32, #tpu.memory_space<vmem>>) dst(%dma_wait3A_41 : memref<120x128xf32, #tpu.memory_space<vmem_shared>>)
      tpu.yield
    }) : () -> ()
    %barrier3A = arith.constant 0 : index
    tpu.barrier barrier_id(%barrier3A)
    %scan3A_16 = arith.constant 0 : i32
    %scan3A_17 = arith.constant 0 : i32
    %scan3A_18 = arith.constant 2 : i32
    %scan3A_19 = arith.addi %scan3A_17, %scan3A_18 : i32
    %scan3A_20 = arith.constant 1 : i32
    scf.for %scan3A_27 = %scan3A_17 to %scan3A_19 step %scan3A_20  : i32 {
      %mul3A_28 = arith.constant 40 : i32
      %mul3A_29 = arith.muli %scan3A_27, %mul3A_28 : i32
      "tpu.region"() ({
        %run_scoped3A = tpu.sem_alloc : memref<!tpu.dma_semaphore, #tpu.memory_space<semaphore_mem>>
        %dma_start3A_46 = arith.constant 0 : i32
        %dma_start3A_47 = tpu.memref_slice %arg3[%arg0, %arg1, %mul3A_29, %dma_start3A_46] : memref<2x16x80x128xi32, #tpu.memory_space<hbm>> -> memref<1x1x40x128xi32, #tpu.memory_space<hbm>>
        %dma_start3A_48 = tpu.memref_squeeze %dma_start3A_47 : memref<1x1x40x128xi32, #tpu.memory_space<hbm>> -> memref<40x128xi32, #tpu.memory_space<hbm>>
        %dma_start3A_49 = arith.constant 0 : i32
        %dma_start3A_50 = tpu.memref_slice %arg3[%arg0, %arg1, %mul3A_29, %dma_start3A_49] : memref<2x16x80x128xi32, #tpu.memory_space<hbm>> -> memref<1x1x40x128xi32, #tpu.memory_space<hbm>>
        %dma_start3A_51 = tpu.memref_squeeze %dma_start3A_50 : memref<1x1x40x128xi32, #tpu.memory_space<hbm>> -> memref<40x128xi32, #tpu.memory_space<hbm>>
        tpu.enqueue_dma source(%dma_start3A_51 : memref<40x128xi32, #tpu.memory_space<hbm>>) target(%arg7 : memref<40x128xi32, #tpu.memory_space<vmem>>) target_semaphore(%run_scoped3A : memref<!tpu.dma_semaphore, #tpu.memory_space<semaphore_mem>>)
        %dma_wait3A = arith.constant 0 : i32
        %dma_wait3A_52 = tpu.memref_slice %arg3[%arg0, %arg1, %mul3A_29, %dma_wait3A] : memref<2x16x80x128xi32, #tpu.memory_space<hbm>> -> memref<1x1x40x128xi32, #tpu.memory_space<hbm>>
        %dma_wait3A_53 = tpu.memref_squeeze %dma_wait3A_52 : memref<1x1x40x128xi32, #tpu.memory_space<hbm>> -> memref<40x128xi32, #tpu.memory_space<hbm>>
        %dma_wait3A_54 = arith.constant 0 : i32
        %dma_wait3A_55 = tpu.memref_slice %arg3[%arg0, %arg1, %mul3A_29, %dma_wait3A_54] : memref<2x16x80x128xi32, #tpu.memory_space<hbm>> -> memref<1x1x40x128xi32, #tpu.memory_space<hbm>>
        %dma_wait3A_56 = tpu.memref_squeeze %dma_wait3A_55 : memref<1x1x40x128xi32, #tpu.memory_space<hbm>> -> memref<40x128xi32, #tpu.memory_space<hbm>>
        tpu.wait_dma2 semaphore(%run_scoped3A : memref<!tpu.dma_semaphore, #tpu.memory_space<semaphore_mem>>) src(%dma_wait3A_56 : memref<40x128xi32, #tpu.memory_space<hbm>>) dst(%arg7 : memref<40x128xi32, #tpu.memory_space<vmem>>)
        tpu.yield
      }) : () -> ()
      %mul3A_30 = arith.constant 40 : i32
      %mul3A_31 = arith.muli %scan3A_27, %mul3A_30 : i32
      "tpu.region"() ({
        %run_scoped3A = tpu.sem_alloc : memref<!tpu.dma_semaphore, #tpu.memory_space<semaphore_mem>>
        %dma_start3A_46 = arith.constant 0 : i32
        %dma_start3A_47 = tpu.memref_slice %arg4[%arg0, %arg1, %mul3A_31, %dma_start3A_46] : memref<2x16x80x128xi32, #tpu.memory_space<hbm>> -> memref<1x1x40x128xi32, #tpu.memory_space<hbm>>
        %dma_start3A_48 = tpu.memref_squeeze %dma_start3A_47 : memref<1x1x40x128xi32, #tpu.memory_space<hbm>> -> memref<40x128xi32, #tpu.memory_space<hbm>>
        %dma_start3A_49 = arith.constant 0 : i32
        %dma_start3A_50 = tpu.memref_slice %arg4[%arg0, %arg1, %mul3A_31, %dma_start3A_49] : memref<2x16x80x128xi32, #tpu.memory_space<hbm>> -> memref<1x1x40x128xi32, #tpu.memory_space<hbm>>
        %dma_start3A_51 = tpu.memref_squeeze %dma_start3A_50 : memref<1x1x40x128xi32, #tpu.memory_space<hbm>> -> memref<40x128xi32, #tpu.memory_space<hbm>>
        tpu.enqueue_dma source(%dma_start3A_51 : memref<40x128xi32, #tpu.memory_space<hbm>>) target(%arg8 : memref<40x128xi32, #tpu.memory_space<vmem>>) target_semaphore(%run_scoped3A : memref<!tpu.dma_semaphore, #tpu.memory_space<semaphore_mem>>)
        %dma_wait3A = arith.constant 0 : i32
        %dma_wait3A_52 = tpu.memref_slice %arg4[%arg0, %arg1, %mul3A_31, %dma_wait3A] : memref<2x16x80x128xi32, #tpu.memory_space<hbm>> -> memref<1x1x40x128xi32, #tpu.memory_space<hbm>>
        %dma_wait3A_53 = tpu.memref_squeeze %dma_wait3A_52 : memref<1x1x40x128xi32, #tpu.memory_space<hbm>> -> memref<40x128xi32, #tpu.memory_space<hbm>>
        %dma_wait3A_54 = arith.constant 0 : i32
        %dma_wait3A_55 = tpu.memref_slice %arg4[%arg0, %arg1, %mul3A_31, %dma_wait3A_54] : memref<2x16x80x128xi32, #tpu.memory_space<hbm>> -> memref<1x1x40x128xi32, #tpu.memory_space<hbm>>
        %dma_wait3A_56 = tpu.memref_squeeze %dma_wait3A_55 : memref<1x1x40x128xi32, #tpu.memory_space<hbm>> -> memref<40x128xi32, #tpu.memory_space<hbm>>
        tpu.wait_dma2 semaphore(%run_scoped3A : memref<!tpu.dma_semaphore, #tpu.memory_space<semaphore_mem>>) src(%dma_wait3A_56 : memref<40x128xi32, #tpu.memory_space<hbm>>) dst(%arg8 : memref<40x128xi32, #tpu.memory_space<vmem>>)
        tpu.yield
      }) : () -> ()
      %mul3A_32 = arith.constant 40 : i32
      %mul3A_33 = arith.muli %scan3A_27, %mul3A_32 : i32
      "tpu.region"() ({
        %run_scoped3A = tpu.sem_alloc : memref<!tpu.dma_semaphore, #tpu.memory_space<semaphore_mem>>
        %dma_start3A_46 = arith.constant 0 : i32
        %dma_start3A_47 = tpu.memref_slice %arg5[%arg0, %arg1, %mul3A_33, %dma_start3A_46] : memref<2x16x80x128xf32, #tpu.memory_space<hbm>> -> memref<1x1x40x128xf32, #tpu.memory_space<hbm>>
        %dma_start3A_48 = tpu.memref_squeeze %dma_start3A_47 : memref<1x1x40x128xf32, #tpu.memory_space<hbm>> -> memref<40x128xf32, #tpu.memory_space<hbm>>
        %dma_start3A_49 = arith.constant 0 : i32
        %dma_start3A_50 = tpu.memref_slice %arg5[%arg0, %arg1, %mul3A_33, %dma_start3A_49] : memref<2x16x80x128xf32, #tpu.memory_space<hbm>> -> memref<1x1x40x128xf32, #tpu.memory_space<hbm>>
        %dma_start3A_51 = tpu.memref_squeeze %dma_start3A_50 : memref<1x1x40x128xf32, #tpu.memory_space<hbm>> -> memref<40x128xf32, #tpu.memory_space<hbm>>
        tpu.enqueue_dma source(%dma_start3A_51 : memref<40x128xf32, #tpu.memory_space<hbm>>) target(%arg9 : memref<40x128xf32, #tpu.memory_space<vmem>>) target_semaphore(%run_scoped3A : memref<!tpu.dma_semaphore, #tpu.memory_space<semaphore_mem>>)
        %dma_wait3A = arith.constant 0 : i32
        %dma_wait3A_52 = tpu.memref_slice %arg5[%arg0, %arg1, %mul3A_33, %dma_wait3A] : memref<2x16x80x128xf32, #tpu.memory_space<hbm>> -> memref<1x1x40x128xf32, #tpu.memory_space<hbm>>
        %dma_wait3A_53 = tpu.memref_squeeze %dma_wait3A_52 : memref<1x1x40x128xf32, #tpu.memory_space<hbm>> -> memref<40x128xf32, #tpu.memory_space<hbm>>
        %dma_wait3A_54 = arith.constant 0 : i32
        %dma_wait3A_55 = tpu.memref_slice %arg5[%arg0, %arg1, %mul3A_33, %dma_wait3A_54] : memref<2x16x80x128xf32, #tpu.memory_space<hbm>> -> memref<1x1x40x128xf32, #tpu.memory_space<hbm>>
        %dma_wait3A_56 = tpu.memref_squeeze %dma_wait3A_55 : memref<1x1x40x128xf32, #tpu.memory_space<hbm>> -> memref<40x128xf32, #tpu.memory_space<hbm>>
        tpu.wait_dma2 semaphore(%run_scoped3A : memref<!tpu.dma_semaphore, #tpu.memory_space<semaphore_mem>>) src(%dma_wait3A_56 : memref<40x128xf32, #tpu.memory_space<hbm>>) dst(%arg9 : memref<40x128xf32, #tpu.memory_space<vmem>>)
        tpu.yield
      }) : () -> ()
      %dma_start3A = arith.constant 0 : i32
      %dma_start3A_34 = arith.constant 0 : i32
      %dma_start3A_35 = tpu.memref_slice %arg7[%dma_start3A, %dma_start3A_34] : memref<40x128xi32, #tpu.memory_space<vmem>> -> memref<1x128xi32, #tpu.memory_space<vmem>>
      %dma_start3A_36 = tpu.memref_squeeze %dma_start3A_35 : memref<1x128xi32, #tpu.memory_space<vmem>> -> memref<128xi32, #tpu.memory_space<vmem>>
      %dma_start3A_37 = arith.constant 0 : i32
      %dma_start3A_38 = arith.constant 0 : i32
      %dma_start3A_39 = tpu.memref_slice %arg2[%dma_start3A_37, %dma_start3A_38] : memref<10000x128xf32, #tpu.memory_space<hbm>> -> memref<10000x128xf32, #tpu.memory_space<hbm>>
      tpu.enqueue_indirect_dma source(%dma_start3A_39 : memref<10000x128xf32, #tpu.memory_space<hbm>>) target(%arg10 : memref<128x128xf32, #tpu.memory_space<vmem>>) offsets(%dma_start3A_36 : memref<128xi32, #tpu.memory_space<vmem>>) semaphore(%arg13 : memref<!tpu.dma_semaphore, #tpu.memory_space<semaphore_mem>>)
      %scan3A_40 = arith.constant 0 : i32
      %scan3A_41 = arith.constant 0 : i32
      %scan3A_42 = arith.constant 20 : i32
      %scan3A_43 = arith.addi %scan3A_41, %scan3A_42 : i32
      %scan3A_44 = arith.constant 1 : i32
      scf.for %scan3A_46 = %scan3A_41 to %scan3A_43 step %scan3A_44  : i32 {
        %mul3A_47 = arith.constant 2 : i32
        %mul3A_48 = arith.muli %mul3A_47, %scan3A_46 : i32
        %add3A_49 = arith.constant 1 : i32
        %add3A_50 = arith.addi %mul3A_48, %add3A_49 : i32
        %dma_start3A_51 = arith.constant 0 : i32
        %dma_start3A_52 = tpu.memref_slice %arg7[%add3A_50, %dma_start3A_51] : memref<40x128xi32, #tpu.memory_space<vmem>> -> memref<1x128xi32, #tpu.memory_space<vmem>>
        %dma_start3A_53 = tpu.memref_squeeze %dma_start3A_52 : memref<1x128xi32, #tpu.memory_space<vmem>> -> memref<128xi32, #tpu.memory_space<vmem>>
        %dma_start3A_54 = arith.constant 0 : i32
        %dma_start3A_55 = arith.constant 0 : i32
        %dma_start3A_56 = tpu.memref_slice %arg2[%dma_start3A_54, %dma_start3A_55] : memref<10000x128xf32, #tpu.memory_space<hbm>> -> memref<10000x128xf32, #tpu.memory_space<hbm>>
        tpu.enqueue_indirect_dma source(%dma_start3A_56 : memref<10000x128xf32, #tpu.memory_space<hbm>>) target(%arg11 : memref<128x128xf32, #tpu.memory_space<vmem>>) offsets(%dma_start3A_53 : memref<128xi32, #tpu.memory_space<vmem>>) semaphore(%arg14 : memref<!tpu.dma_semaphore, #tpu.memory_space<semaphore_mem>>)
        %dma_wait3A = arith.constant 0 : i32
        %dma_wait3A_57 = arith.constant 0 : i32
        %dma_wait3A_58 = tpu.memref_slice %arg7[%dma_wait3A, %dma_wait3A_57] : memref<40x128xi32, #tpu.memory_space<vmem>> -> memref<1x128xi32, #tpu.memory_space<vmem>>
        %dma_wait3A_59 = tpu.memref_squeeze %dma_wait3A_58 : memref<1x128xi32, #tpu.memory_space<vmem>> -> memref<128xi32, #tpu.memory_space<vmem>>
        %dma_wait3A_60 = arith.constant 0 : i32
        %dma_wait3A_61 = arith.constant 0 : i32
        %dma_wait3A_62 = tpu.memref_slice %arg2[%dma_wait3A_60, %dma_wait3A_61] : memref<10000x128xf32, #tpu.memory_space<hbm>> -> memref<10000x128xf32, #tpu.memory_space<hbm>>
        tpu.wait_indirect_dma semaphore(%arg13 : memref<!tpu.dma_semaphore, #tpu.memory_space<semaphore_mem>>) src(%dma_wait3A_62 : memref<10000x128xf32, #tpu.memory_space<hbm>>) dst(%arg10 : memref<128x128xf32, #tpu.memory_space<vmem>>)
        %scan3A_63 = arith.constant 0 : i32
        %scan3A_64 = arith.constant 0 : i32
        %scan3A_65 = arith.constant 8 : i32
        %scan3A_66 = arith.addi %scan3A_64, %scan3A_65 : i32
        %scan3A_67 = arith.constant 1 : i32
        scf.for %scan3A_90 = %scan3A_64 to %scan3A_66 step %scan3A_67  : i32 {
          %mul3A_91 = arith.constant 16 : i32
          %mul3A_92 = arith.muli %scan3A_90, %mul3A_91 : i32
          %get3A = arith.index_cast %mul3A_48 : i32 to index
          %get3A_93 = arith.index_cast %mul3A_92 : i32 to index
          %get3A_94 = tpu.vector_load %arg9[%get3A, %get3A_93] {strides = array<i32>} : memref<40x128xf32, #tpu.memory_space<vmem>>, vector<1x16xf32>,
          %get3A_95 = vector.shape_cast %get3A_94 : vector<1x16xf32> to vector<16xf32>
          %broadcast_in_dim3A = arith.constant 0 : i32
          %broadcast_in_dim3A_96 = vector.broadcast %broadcast_in_dim3A : i32 to vector<16x1xi32>
          %gather3A = vector.shape_cast %broadcast_in_dim3A_96 : vector<16x1xi32> to vector<16xi32>
          %gather3A_97 = tpu.dynamic_gather %get3A_95[%gather3A] in [0] : vector<16xf32>, vector<16xi32> -> vector<16xf32>
          %mul3A_98 = arith.constant 16 : i32
          %mul3A_99 = arith.muli %scan3A_90, %mul3A_98 : i32
          %add3A_100 = arith.constant 0 : i32
          %add3A_101 = arith.addi %mul3A_99, %add3A_100 : i32
          %get3A_102 = arith.index_cast %add3A_101 : i32 to index
          %get3A_103 = arith.constant 0 : index
          %get3A_104 = tpu.vector_load %arg10[%get3A_102, %get3A_103] {strides = array<i32>} : memref<128x128xf32, #tpu.memory_space<vmem>>, vector<1x16xf32>,
          %get3A_105 = vector.shape_cast %get3A_104 : vector<1x16xf32> to vector<16xf32>
          %mul3A_106 = arith.mulf %get3A_105, %gather3A_97 : vector<16xf32>
          %swap3A = arith.index_cast %add3A_101 : i32 to index
          %swap3A_107 = arith.constant 0 : index
          %swap3A_108 = tpu.vector_load %arg10[%swap3A, %swap3A_107] {strides = array<i32>} : memref<128x128xf32, #tpu.memory_space<vmem>>, vector<1x16xf32>,
          %swap3A_109 = vector.shape_cast %swap3A_108 : vector<1x16xf32> to vector<16xf32>
          %swap3A_110 = vector.shape_cast %mul3A_106 : vector<16xf32> to vector<1x16xf32>
          tpu.vector_store %arg10[%swap3A, %swap3A_107], %swap3A_110 {strides = array<i32>} : memref<128x128xf32, #tpu.memory_space<vmem>>, vector<1x16xf32>,
          %get3A_111 = arith.index_cast %add3A_101 : i32 to index
          %get3A_112 = arith.constant 16 : index
          %get3A_113 = tpu.vector_load %arg10[%get3A_111, %get3A_112] {strides = array<i32>} : memref<128x128xf32, #tpu.memory_space<vmem>>, vector<1x16xf32>,
          %get3A_114 = vector.shape_cast %get3A_113 : vector<1x16xf32> to vector<16xf32>
          %mul3A_115 = arith.mulf %get3A_114, %gather3A_97 : vector<16xf32>
          %swap3A_116 = arith.index_cast %add3A_101 : i32 to index
          %swap3A_117 = arith.constant 16 : index
          %swap3A_118 = tpu.vector_load %arg10[%swap3A_116, %swap3A_117] {strides = array<i32>} : memref<128x128xf32, #tpu.memory_space<vmem>>, vector<1x16xf32>,
          %swap3A_119 = vector.shape_cast %swap3A_118 : vector<1x16xf32> to vector<16xf32>
          %swap3A_120 = vector.shape_cast %mul3A_115 : vector<16xf32> to vector<1x16xf32>
          tpu.vector_store %arg10[%swap3A_116, %swap3A_117], %swap3A_120 {strides = array<i32>} : memref<128x128xf32, #tpu.memory_space<vmem>>, vector<1x16xf32>,
          %get3A_121 = arith.index_cast %add3A_101 : i32 to index
          %get3A_122 = arith.constant 32 : index
          %get3A_123 = tpu.vector_load %arg10[%get3A_121, %get3A_122] {strides = array<i32>} : memref<128x128xf32, #tpu.memory_space<vmem>>, vector<1x16xf32>,
          %get3A_124 = vector.shape_cast %get3A_123 : vector<1x16xf32> to vector<16xf32>
          %mul3A_125 = arith.mulf %get3A_124, %gather3A_97 : vector<16xf32>
          %swap3A_126 = arith.index_cast %add3A_101 : i32 to index
          %swap3A_127 = arith.constant 32 : index
          %swap3A_128 = tpu.vector_load %arg10[%swap3A_126, %swap3A_127] {strides = array<i32>} : memref<128x128xf32, #tpu.memory_space<vmem>>, vector<1x16xf32>,
          %swap3A_129 = vector.shape_cast %swap3A_128 : vector<1x16xf32> to vector<16xf32>
          %swap3A_130 = vector.shape_cast %mul3A_125 : vector<16xf32> to vector<1x16xf32>
          tpu.vector_store %arg10[%swap3A_126, %swap3A_127], %swap3A_130 {strides = array<i32>} : memref<128x128xf32, #tpu.memory_space<vmem>>, vector<1x16xf32>,
          %get3A_131 = arith.index_cast %add3A_101 : i32 to index
          %get3A_132 = arith.constant 48 : index
          %get3A_133 = tpu.vector_load %arg10[%get3A_131, %get3A_132] {strides = array<i32>} : memref<128x128xf32, #tpu.memory_space<vmem>>, vector<1x16xf32>,
          %get3A_134 = vector.shape_cast %get3A_133 : vector<1x16xf32> to vector<16xf32>
          %mul3A_135 = arith.mulf %get3A_134, %gather3A_97 : vector<16xf32>
          %swap3A_136 = arith.index_cast %add3A_101 : i32 to index
          %swap3A_137 = arith.constant 48 : index
          %swap3A_138 = tpu.vector_load %arg10[%swap3A_136, %swap3A_137] {strides = array<i32>} : memref<128x128xf32, #tpu.memory_space<vmem>>, vector<1x16xf32>,
          %swap3A_139 = vector.shape_cast %swap3A_138 : vector<1x16xf32> to vector<16xf32>
          %swap3A_140 = vector.shape_cast %mul3A_135 : vector<16xf32> to vector<1x16xf32>
          tpu.vector_store %arg10[%swap3A_136, %swap3A_137], %swap3A_140 {strides = array<i32>} : memref<128x128xf32, #tpu.memory_space<vmem>>, vector<1x16xf32>,
          %get3A_141 = arith.index_cast %add3A_101 : i32 to index
          %get3A_142 = arith.constant 64 : index
          %get3A_143 = tpu.vector_load %arg10[%get3A_141, %get3A_142] {strides = array<i32>} : memref<128x128xf32, #tpu.memory_space<vmem>>, vector<1x16xf32>,
          %get3A_144 = vector.shape_cast %get3A_143 : vector<1x16xf32> to vector<16xf32>
          %mul3A_145 = arith.mulf %get3A_144, %gather3A_97 : vector<16xf32>
          %swap3A_146 = arith.index_cast %add3A_101 : i32 to index
          %swap3A_147 = arith.constant 64 : index
          %swap3A_148 = tpu.vector_load %arg10[%swap3A_146, %swap3A_147] {strides = array<i32>} : memref<128x128xf32, #tpu.memory_space<vmem>>, vector<1x16xf32>,
          %swap3A_149 = vector.shape_cast %swap3A_148 : vector<1x16xf32> to vector<16xf32>
          %swap3A_150 = vector.shape_cast %mul3A_145 : vector<16xf32> to vector<1x16xf32>
          tpu.vector_store %arg10[%swap3A_146, %swap3A_147], %swap3A_150 {strides = array<i32>} : memref<128x128xf32, #tpu.memory_space<vmem>>, vector<1x16xf32>,
          %get3A_151 = arith.index_cast %add3A_101 : i32 to index
          %get3A_152 = arith.constant 80 : index
          %get3A_153 = tpu.vector_load %arg10[%get3A_151, %get3A_152] {strides = array<i32>} : memref<128x128xf32, #tpu.memory_space<vmem>>, vector<1x16xf32>,
          %get3A_154 = vector.shape_cast %get3A_153 : vector<1x16xf32> to vector<16xf32>
          %mul3A_155 = arith.mulf %get3A_154, %gather3A_97 : vector<16xf32>
          %swap3A_156 = arith.index_cast %add3A_101 : i32 to index
          %swap3A_157 = arith.constant 80 : index
          %swap3A_158 = tpu.vector_load %arg10[%swap3A_156, %swap3A_157] {strides = array<i32>} : memref<128x128xf32, #tpu.memory_space<vmem>>, vector<1x16xf32>,
          %swap3A_159 = vector.shape_cast %swap3A_158 : vector<1x16xf32> to vector<16xf32>
          %swap3A_160 = vector.shape_cast %mul3A_155 : vector<16xf32> to vector<1x16xf32>
          tpu.vector_store %arg10[%swap3A_156, %swap3A_157], %swap3A_160 {strides = array<i32>} : memref<128x128xf32, #tpu.memory_space<vmem>>, vector<1x16xf32>,
          %get3A_161 = arith.index_cast %add3A_101 : i32 to index
          %get3A_162 = arith.constant 96 : index
          %get3A_163 = tpu.vector_load %arg10[%get3A_161, %get3A_162] {strides = array<i32>} : memref<128x128xf32, #tpu.memory_space<vmem>>, vector<1x16xf32>,
          %get3A_164 = vector.shape_cast %get3A_163 : vector<1x16xf32> to vector<16xf32>
          %mul3A_165 = arith.mulf %get3A_164, %gather3A_97 : vector<16xf32>
          %swap3A_166 = arith.index_cast %add3A_101 : i32 to index
          %swap3A_167 = arith.constant 96 : index
          %swap3A_168 = tpu.vector_load %arg10[%swap3A_166, %swap3A_167] {strides = array<i32>} : memref<128x128xf32, #tpu.memory_space<vmem>>, vector<1x16xf32>,
          %swap3A_169 = vector.shape_cast %swap3A_168 : vector<1x16xf32> to vector<16xf32>
          %swap3A_170 = vector.shape_cast %mul3A_165 : vector<16xf32> to vector<1x16xf32>
          tpu.vector_store %arg10[%swap3A_166, %swap3A_167], %swap3A_170 {strides = array<i32>} : memref<128x128xf32, #tpu.memory_space<vmem>>, vector<1x16xf32>,
          %get3A_171 = arith.index_cast %add3A_101 : i32 to index
          %get3A_172 = arith.constant 112 : index
          %get3A_173 = tpu.vector_load %arg10[%get3A_171, %get3A_172] {strides = array<i32>} : memref<128x128xf32, #tpu.memory_space<vmem>>, vector<1x16xf32>,
          %get3A_174 = vector.shape_cast %get3A_173 : vector<1x16xf32> to vector<16xf32>
          %mul3A_175 = arith.mulf %get3A_174, %gather3A_97 : vector<16xf32>
          %swap3A_176 = arith.index_cast %add3A_101 : i32 to index
          %swap3A_177 = arith.constant 112 : index
          %swap3A_178 = tpu.vector_load %arg10[%swap3A_176, %swap3A_177] {strides = array<i32>} : memref<128x128xf32, #tpu.memory_space<vmem>>, vector<1x16xf32>,
          %swap3A_179 = vector.shape_cast %swap3A_178 : vector<1x16xf32> to vector<16xf32>
          %swap3A_180 = vector.shape_cast %mul3A_175 : vector<16xf32> to vector<1x16xf32>
          tpu.vector_store %arg10[%swap3A_176, %swap3A_177], %swap3A_180 {strides = array<i32>} : memref<128x128xf32, #tpu.memory_space<vmem>>, vector<1x16xf32>,
          %broadcast_in_dim3A_181 = arith.constant 1 : i32
          %broadcast_in_dim3A_182 = vector.broadcast %broadcast_in_dim3A_181 : i32 to vector<16x1xi32>
          %gather3A_183 = vector.shape_cast %broadcast_in_dim3A_182 : vector<16x1xi32> to vector<16xi32>
          %gather3A_184 = tpu.dynamic_gather %get3A_95[%gather3A_183] in [0] : vector<16xf32>, vector<16xi32> -> vector<16xf32>
          %mul3A_185 = arith.constant 16 : i32
          %mul3A_186 = arith.muli %scan3A_90, %mul3A_185 : i32
          %add3A_187 = arith.constant 1 : i32
          %add3A_188 = arith.addi %mul3A_186, %add3A_187 : i32
          %get3A_189 = arith.index_cast %add3A_188 : i32 to index
          %get3A_190 = arith.constant 0 : index
          %get3A_191 = tpu.vector_load %arg10[%get3A_189, %get3A_190] {strides = array<i32>} : memref<128x128xf32, #tpu.memory_space<vmem>>, vector<1x16xf32>,
          %get3A_192 = vector.shape_cast %get3A_191 : vector<1x16xf32> to vector<16xf32>
          %mul3A_193 = arith.mulf %get3A_192, %gather3A_184 : vector<16xf32>
          %swap3A_194 = arith.index_cast %add3A_188 : i32 to index
          %swap3A_195 = arith.constant 0 : index
          %swap3A_196 = tpu.vector_load %arg10[%swap3A_194, %swap3A_195] {strides = array<i32>} : memref<128x128xf32, #tpu.memory_space<vmem>>, vector<1x16xf32>,
          %swap3A_197 = vector.shape_cast %swap3A_196 : vector<1x16xf32> to vector<16xf32>
          %swap3A_198 = vector.shape_cast %mul3A_193 : vector<16xf32> to vector<1x16xf32>
          tpu.vector_store %arg10[%swap3A_194, %swap3A_195], %swap3A_198 {strides = array<i32>} : memref<128x128xf32, #tpu.memory_space<vmem>>, vector<1x16xf32>,
          %get3A_199 = arith.index_cast %add3A_188 : i32 to index
          %get3A_200 = arith.constant 16 : index
          %get3A_201 = tpu.vector_load %arg10[%get3A_199, %get3A_200] {strides = array<i32>} : memref<128x128xf32, #tpu.memory_space<vmem>>, vector<1x16xf32>,
          %get3A_202 = vector.shape_cast %get3A_201 : vector<1x16xf32> to vector<16xf32>
          %mul3A_203 = arith.mulf %get3A_202, %gather3A_184 : vector<16xf32>
          %swap3A_204 = arith.index_cast %add3A_188 : i32 to index
          %swap3A_205 = arith.constant 16 : index
          %swap3A_206 = tpu.vector_load %arg10[%swap3A_204, %swap3A_205] {strides = array<i32>} : memref<128x128xf32, #tpu.memory_space<vmem>>, vector<1x16xf32>,
          %swap3A_207 = vector.shape_cast %swap3A_206 : vector<1x16xf32> to vector<16xf32>
          %swap3A_208 = vector.shape_cast %mul3A_203 : vector<16xf32> to vector<1x16xf32>
          tpu.vector_store %arg10[%swap3A_204, %swap3A_205], %swap3A_208 {strides = array<i32>} : memref<128x128xf32, #tpu.memory_space<vmem>>, vector<1x16xf32>,
          %get3A_209 = arith.index_cast %add3A_188 : i32 to index
          %get3A_210 = arith.constant 32 : index
          %get3A_211 = tpu.vector_load %arg10[%get3A_209, %get3A_210] {strides = array<i32>} : memref<128x128xf32, #tpu.memory_space<vmem>>, vector<1x16xf32>,
          %get3A_212 = vector.shape_cast %get3A_211 : vector<1x16xf32> to vector<16xf32>
          %mul3A_213 = arith.mulf %get3A_212, %gather3A_184 : vector<16xf32>
          %swap3A_214 = arith.index_cast %add3A_188 : i32 to index
          %swap3A_215 = arith.constant 32 : index
          %swap3A_216 = tpu.vector_load %arg10[%swap3A_214, %swap3A_215] {strides = array<i32>} : memref<128x128xf32, #tpu.memory_space<vmem>>, vector<1x16xf32>,
          %swap3A_217 = vector.shape_cast %swap3A_216 : vector<1x16xf32> to vector<16xf32>
          %swap3A_218 = vector.shape_cast %mul3A_213 : vector<16xf32> to vector<1x16xf32>
          tpu.vector_store %arg10[%swap3A_214, %swap3A_215], %swap3A_218 {strides = array<i32>} : memref<128x128xf32, #tpu.memory_space<vmem>>, vector<1x16xf32>,
          %get3A_219 = arith.index_cast %add3A_188 : i32 to index
          %get3A_220 = arith.constant 48 : index
          %get3A_221 = tpu.vector_load %arg10[%get3A_219, %get3A_220] {strides = array<i32>} : memref<128x128xf32, #tpu.memory_space<vmem>>, vector<1x16xf32>,
          %get3A_222 = vector.shape_cast %get3A_221 : vector<1x16xf32> to vector<16xf32>
          %mul3A_223 = arith.mulf %get3A_222, %gather3A_184 : vector<16xf32>
          %swap3A_224 = arith.index_cast %add3A_188 : i32 to index
          %swap3A_225 = arith.constant 48 : index
          %swap3A_226 = tpu.vector_load %arg10[%swap3A_224, %swap3A_225] {strides = array<i32>} : memref<128x128xf32, #tpu.memory_space<vmem>>, vector<1x16xf32>,
          %swap3A_227 = vector.shape_cast %swap3A_226 : vector<1x16xf32> to vector<16xf32>
          %swap3A_228 = vector.shape_cast %mul3A_223 : vector<16xf32> to vector<1x16xf32>
          tpu.vector_store %arg10[%swap3A_224, %swap3A_225], %swap3A_228 {strides = array<i32>} : memref<128x128xf32, #tpu.memory_space<vmem>>, vector<1x16xf32>,
          %get3A_229 = arith.index_cast %add3A_188 : i32 to index
          %get3A_230 = arith.constant 64 : index
          %get3A_231 = tpu.vector_load %arg10[%get3A_229, %get3A_230] {strides = array<i32>} : memref<128x128xf32, #tpu.memory_space<vmem>>, vector<1x16xf32>,
          %get3A_232 = vector.shape_cast %get3A_231 : vector<1x16xf32> to vector<16xf32>
          %mul3A_233 = arith.mulf %get3A_232, %gather3A_184 : vector<16xf32>
          %swap3A_234 = arith.index_cast %add3A_188 : i32 to index
          %swap3A_235 = arith.constant 64 : index
          %swap3A_236 = tpu.vector_load %arg10[%swap3A_234, %swap3A_235] {strides = array<i32>} : memref<128x128xf32, #tpu.memory_space<vmem>>, vector<1x16xf32>,
          %swap3A_237 = vector.shape_cast %swap3A_236 : vector<1x16xf32> to vector<16xf32>
          %swap3A_238 = vector.shape_cast %mul3A_233 : vector<16xf32> to vector<1x16xf32>
          tpu.vector_store %arg10[%swap3A_234, %swap3A_235], %swap3A_238 {strides = array<i32>} : memref<128x128xf32, #tpu.memory_space<vmem>>, vector<1x16xf32>,
          %get3A_239 = arith.index_cast %add3A_188 : i32 to index
          %get3A_240 = arith.constant 80 : index
          %get3A_241 = tpu.vector_load %arg10[%get3A_239, %get3A_240] {strides = array<i32>} : memref<128x128xf32, #tpu.memory_space<vmem>>, vector<1x16xf32>,
          %get3A_242 = vector.shape_cast %get3A_241 : vector<1x16xf32> to vector<16xf32>
          %mul3A_243 = arith.mulf %get3A_242, %gather3A_184 : vector<16xf32>
          %swap3A_244 = arith.index_cast %add3A_188 : i32 to index
          %swap3A_245 = arith.constant 80 : index
          %swap3A_246 = tpu.vector_load %arg10[%swap3A_244, %swap3A_245] {strides = array<i32>} : memref<128x128xf32, #tpu.memory_space<vmem>>, vector<1x16xf32>,
          %swap3A_247 = vector.shape_cast %swap3A_246 : vector<1x16xf32> to vector<16xf32>
          %swap3A_248 = vector.shape_cast %mul3A_243 : vector<16xf32> to vector<1x16xf32>
          tpu.vector_store %arg10[%swap3A_244, %swap3A_245], %swap3A_248 {strides = array<i32>} : memref<128x128xf32, #tpu.memory_space<vmem>>, vector<1x16xf32>,
          %get3A_249 = arith.index_cast %add3A_188 : i32 to index
          %get3A_250 = arith.constant 96 : index
          %get3A_251 = tpu.vector_load %arg10[%get3A_249, %get3A_250] {strides = array<i32>} : memref<128x128xf32, #tpu.memory_space<vmem>>, vector<1x16xf32>,
          %get3A_252 = vector.shape_cast %get3A_251 : vector<1x16xf32> to vector<16xf32>
          %mul3A_253 = arith.mulf %get3A_252, %gather3A_184 : vector<16xf32>
          %swap3A_254 = arith.index_cast %add3A_188 : i32 to index
          %swap3A_255 = arith.constant 96 : index
          %swap3A_256 = tpu.vector_load %arg10[%swap3A_254, %swap3A_255] {strides = array<i32>} : memref<128x128xf32, #tpu.memory_space<vmem>>, vector<1x16xf32>,
          %swap3A_257 = vector.shape_cast %swap3A_256 : vector<1x16xf32> to vector<16xf32>
          %swap3A_258 = vector.shape_cast %mul3A_253 : vector<16xf32> to vector<1x16xf32>
          tpu.vector_store %arg10[%swap3A_254, %swap3A_255], %swap3A_258 {strides = array<i32>} : memref<128x128xf32, #tpu.memory_space<vmem>>, vector<1x16xf32>,
          %get3A_259 = arith.index_cast %add3A_188 : i32 to index
          %get3A_260 = arith.constant 112 : index
          %get3A_261 = tpu.vector_load %arg10[%get3A_259, %get3A_260] {strides = array<i32>} : memref<128x128xf32, #tpu.memory_space<vmem>>, vector<1x16xf32>,
          %get3A_262 = vector.shape_cast %get3A_261 : vector<1x16xf32> to vector<16xf32>
          %mul3A_263 = arith.mulf %get3A_262, %gather3A_184 : vector<16xf32>
          %swap3A_264 = arith.index_cast %add3A_188 : i32 to index
          %swap3A_265 = arith.constant 112 : index
          %swap3A_266 = tpu.vector_load %arg10[%swap3A_264, %swap3A_265] {strides = array<i32>} : memref<128x128xf32, #tpu.memory_space<vmem>>, vector<1x16xf32>,
          %swap3A_267 = vector.shape_cast %swap3A_266 : vector<1x16xf32> to vector<16xf32>
          %swap3A_268 = vector.shape_cast %mul3A_263 : vector<16xf32> to vector<1x16xf32>
          tpu.vector_store %arg10[%swap3A_264, %swap3A_265], %swap3A_268 {strides = array<i32>} : memref<128x128xf32, #tpu.memory_space<vmem>>, vector<1x16xf32>,
          %broadcast_in_dim3A_269 = arith.constant 2 : i32
          %broadcast_in_dim3A_270 = vector.broadcast %broadcast_in_dim3A_269 : i32 to vector<16x1xi32>
          %gather3A_271 = vector.shape_cast %broadcast_in_dim3A_270 : vector<16x1xi32> to vector<16xi32>
          %gather3A_272 = tpu.dynamic_gather %get3A_95[%gather3A_271] in [0] : vector<16xf32>, vector<16xi32> -> vector<16xf32>
          %mul3A_273 = arith.constant 16 : i32
          %mul3A_274 = arith.muli %scan3A_90, %mul3A_273 : i32
          %add3A_275 = arith.constant 2 : i32
          %add3A_276 = arith.addi %mul3A_274, %add3A_275 : i32
          %get3A_277 = arith.index_cast %add3A_276 : i32 to index
          %get3A_278 = arith.constant 0 : index
          %get3A_279 = tpu.vector_load %arg10[%get3A_277, %get3A_278] {strides = array<i32>} : memref<128x128xf32, #tpu.memory_space<vmem>>, vector<1x16xf32>,
          %get3A_280 = vector.shape_cast %get3A_279 : vector<1x16xf32> to vector<16xf32>
          %mul3A_281 = arith.mulf %get3A_280, %gather3A_272 : vector<16xf32>
          %swap3A_282 = arith.index_cast %add3A_276 : i32 to index
          %swap3A_283 = arith.constant 0 : index
          %swap3A_284 = tpu.vector_load %arg10[%swap3A_282, %swap3A_283] {strides = array<i32>} : memref<128x128xf32, #tpu.memory_space<vmem>>, vector<1x16xf32>,
          %swap3A_285 = vector.shape_cast %swap3A_284 : vector<1x16xf32> to vector<16xf32>
          %swap3A_286 = vector.shape_cast %mul3A_281 : vector<16xf32> to vector<1x16xf32>
          tpu.vector_store %arg10[%swap3A_282, %swap3A_283], %swap3A_286 {strides = array<i32>} : memref<128x128xf32, #tpu.memory_space<vmem>>, vector<1x16xf32>,
          %get3A_287 = arith.index_cast %add3A_276 : i32 to index
          %get3A_288 = arith.constant 16 : index
          %get3A_289 = tpu.vector_load %arg10[%get3A_287, %get3A_288] {strides = array<i32>} : memref<128x128xf32, #tpu.memory_space<vmem>>, vector<1x16xf32>,
          %get3A_290 = vector.shape_cast %get3A_289 : vector<1x16xf32> to vector<16xf32>
          %mul3A_291 = arith.mulf %get3A_290, %gather3A_272 : vector<16xf32>
          %swap3A_292 = arith.index_cast %add3A_276 : i32 to index
          %swap3A_293 = arith.constant 16 : index
          %swap3A_294 = tpu.vector_load %arg10[%swap3A_292, %swap3A_293] {strides = array<i32>} : memref<128x128xf32, #tpu.memory_space<vmem>>, vector<1x16xf32>,
          %swap3A_295 = vector.shape_cast %swap3A_294 : vector<1x16xf32> to vector<16xf32>
          %swap3A_296 = vector.shape_cast %mul3A_291 : vector<16xf32> to vector<1x16xf32>
          tpu.vector_store %arg10[%swap3A_292, %swap3A_293], %swap3A_296 {strides = array<i32>} : memref<128x128xf32, #tpu.memory_space<vmem>>, vector<1x16xf32>,
          %get3A_297 = arith.index_cast %add3A_276 : i32 to index
          %get3A_298 = arith.constant 32 : index
          %get3A_299 = tpu.vector_load %arg10[%get3A_297, %get3A_298] {strides = array<i32>} : memref<128x128xf32, #tpu.memory_space<vmem>>, vector<1x16xf32>,
          %get3A_300 = vector.shape_cast %get3A_299 : vector<1x16xf32> to vector<16xf32>
          %mul3A_301 = arith.mulf %get3A_300, %gather3A_272 : vector<16xf32>
          %swap3A_302 = arith.index_cast %add3A_276 : i32 to index
          %swap3A_303 = arith.constant 32 : index
          %swap3A_304 = tpu.vector_load %arg10[%swap3A_302, %swap3A_303] {strides = array<i32>} : memref<128x128xf32, #tpu.memory_space<vmem>>, vector<1x16xf32>,
          %swap3A_305 = vector.shape_cast %swap3A_304 : vector<1x16xf32> to vector<16xf32>
          %swap3A_306 = vector.shape_cast %mul3A_301 : vector<16xf32> to vector<1x16xf32>
          tpu.vector_store %arg10[%swap3A_302, %swap3A_303], %swap3A_306 {strides = array<i32>} : memref<128x128xf32, #tpu.memory_space<vmem>>, vector<1x16xf32>,
          %get3A_307 = arith.index_cast %add3A_276 : i32 to index
          %get3A_308 = arith.constant 48 : index
          %get3A_309 = tpu.vector_load %arg10[%get3A_307, %get3A_308] {strides = array<i32>} : memref<128x128xf32, #tpu.memory_space<vmem>>, vector<1x16xf32>,
          %get3A_310 = vector.shape_cast %get3A_309 : vector<1x16xf32> to vector<16xf32>
          %mul3A_311 = arith.mulf %get3A_310, %gather3A_272 : vector<16xf32>
          %swap3A_312 = arith.index_cast %add3A_276 : i32 to index
          %swap3A_313 = arith.constant 48 : index
          %swap3A_314 = tpu.vector_load %arg10[%swap3A_312, %swap3A_313] {strides = array<i32>} : memref<128x128xf32, #tpu.memory_space<vmem>>, vector<1x16xf32>,
          %swap3A_315 = vector.shape_cast %swap3A_314 : vector<1x16xf32> to vector<16xf32>
          %swap3A_316 = vector.shape_cast %mul3A_311 : vector<16xf32> to vector<1x16xf32>
          tpu.vector_store %arg10[%swap3A_312, %swap3A_313], %swap3A_316 {strides = array<i32>} : memref<128x128xf32, #tpu.memory_space<vmem>>, vector<1x16xf32>,
          %get3A_317 = arith.index_cast %add3A_276 : i32 to index
          %get3A_318 = arith.constant 64 : index
          %get3A_319 = tpu.vector_load %arg10[%get3A_317, %get3A_318] {strides = array<i32>} : memref<128x128xf32, #tpu.memory_space<vmem>>, vector<1x16xf32>,
          %get3A_320 = vector.shape_cast %get3A_319 : vector<1x16xf32> to vector<16xf32>
          %mul3A_321 = arith.mulf %get3A_320, %gather3A_272 : vector<16xf32>
          %swap3A_322 = arith.index_cast %add3A_276 : i32 to index
          %swap3A_323 = arith.constant 64 : index
          %swap3A_324 = tpu.vector_load %arg10[%swap3A_322, %swap3A_323] {strides = array<i32>} : memref<128x128xf32, #tpu.memory_space<vmem>>, vector<1x16xf32>,
          %swap3A_325 = vector.shape_cast %swap3A_324 : vector<1x16xf32> to vector<16xf32>
          %swap3A_326 = vector.shape_cast %mul3A_321 : vector<16xf32> to vector<1x16xf32>
          tpu.vector_store %arg10[%swap3A_322, %swap3A_323], %swap3A_326 {strides = array<i32>} : memref<128x128xf32, #tpu.memory_space<vmem>>, vector<1x16xf32>,
          %get3A_327 = arith.index_cast %add3A_276 : i32 to index
          %get3A_328 = arith.constant 80 : index
          %get3A_329 = tpu.vector_load %arg10[%get3A_327, %get3A_328] {strides = array<i32>} : memref<128x128xf32, #tpu.memory_space<vmem>>, vector<1x16xf32>,
          %get3A_330 = vector.shape_cast %get3A_329 : vector<1x16xf32> to vector<16xf32>
          %mul3A_331 = arith.mulf %get3A_330, %gather3A_272 : vector<16xf32>
          %swap3A_332 = arith.index_cast %add3A_276 : i32 to index
          %swap3A_333 = arith.constant 80 : index
          %swap3A_334 = tpu.vector_load %arg10[%swap3A_332, %swap3A_333] {strides = array<i32>} : memref<128x128xf32, #tpu.memory_space<vmem>>, vector<1x16xf32>,
          %swap3A_335 = vector.shape_cast %swap3A_334 : vector<1x16xf32> to vector<16xf32>
          %swap3A_336 = vector.shape_cast %mul3A_331 : vector<16xf32> to vector<1x16xf32>
          tpu.vector_store %arg10[%swap3A_332, %swap3A_333], %swap3A_336 {strides = array<i32>} : memref<128x128xf32, #tpu.memory_space<vmem>>, vector<1x16xf32>,
          %get3A_337 = arith.index_cast %add3A_276 : i32 to index
          %get3A_338 = arith.constant 96 : index
          %get3A_339 = tpu.vector_load %arg10[%get3A_337, %get3A_338] {strides = array<i32>} : memref<128x128xf32, #tpu.memory_space<vmem>>, vector<1x16xf32>,
          %get3A_340 = vector.shape_cast %get3A_339 : vector<1x16xf32> to vector<16xf32>
          %mul3A_341 = arith.mulf %get3A_340, %gather3A_272 : vector<16xf32>
          %swap3A_342 = arith.index_cast %add3A_276 : i32 to index
          %swap3A_343 = arith.constant 96 : index
          %swap3A_344 = tpu.vector_load %arg10[%swap3A_342, %swap3A_343] {strides = array<i32>} : memref<128x128xf32, #tpu.memory_space<vmem>>, vector<1x16xf32>,
          %swap3A_345 = vector.shape_cast %swap3A_344 : vector<1x16xf32> to vector<16xf32>
          %swap3A_346 = vector.shape_cast %mul3A_341 : vector<16xf32> to vector<1x16xf32>
          tpu.vector_store %arg10[%swap3A_342, %swap3A_343], %swap3A_346 {strides = array<i32>} : memref<128x128xf32, #tpu.memory_space<vmem>>, vector<1x16xf32>,
          %get3A_347 = arith.index_cast %add3A_276 : i32 to index
          %get3A_348 = arith.constant 112 : index
          %get3A_349 = tpu.vector_load %arg10[%get3A_347, %get3A_348] {strides = array<i32>} : memref<128x128xf32, #tpu.memory_space<vmem>>, vector<1x16xf32>,
          %get3A_350 = vector.shape_cast %get3A_349 : vector<1x16xf32> to vector<16xf32>
          %mul3A_351 = arith.mulf %get3A_350, %gather3A_272 : vector<16xf32>
          %swap3A_352 = arith.index_cast %add3A_276 : i32 to index
          %swap3A_353 = arith.constant 112 : index
          %swap3A_354 = tpu.vector_load %arg10[%swap3A_352, %swap3A_353] {strides = array<i32>} : memref<128x128xf32, #tpu.memory_space<vmem>>, vector<1x16xf32>,
          %swap3A_355 = vector.shape_cast %swap3A_354 : vector<1x16xf32> to vector<16xf32>
          %swap3A_356 = vector.shape_cast %mul3A_351 : vector<16xf32> to vector<1x16xf32>
          tpu.vector_store %arg10[%swap3A_352, %swap3A_353], %swap3A_356 {strides = array<i32>} : memref<128x128xf32, #tpu.memory_space<vmem>>, vector<1x16xf32>,
          %broadcast_in_dim3A_357 = arith.constant 3 : i32
          %broadcast_in_dim3A_358 = vector.broadcast %broadcast_in_dim3A_357 : i32 to vector<16x1xi32>
          %gather3A_359 = vector.shape_cast %broadcast_in_dim3A_358 : vector<16x1xi32> to vector<16xi32>
          %gather3A_360 = tpu.dynamic_gather %get3A_95[%gather3A_359] in [0] : vector<16xf32>, vector<16xi32> -> vector<16xf32>
          %mul3A_361 = arith.constant 16 : i32
          %mul3A_362 = arith.muli %scan3A_90, %mul3A_361 : i32
          %add3A_363 = arith.constant 3 : i32
          %add3A_364 = arith.addi %mul3A_362, %add3A_363 : i32
          %get3A_365 = arith.index_cast %add3A_364 : i32 to index
          %get3A_366 = arith.constant 0 : index
          %get3A_367 = tpu.vector_load %arg10[%get3A_365, %get3A_366] {strides = array<i32>} : memref<128x128xf32, #tpu.memory_space<vmem>>, vector<1x16xf32>,
          %get3A_368 = vector.shape_cast %get3A_367 : vector<1x16xf32> to vector<16xf32>
          %mul3A_369 = arith.mulf %get3A_368, %gather3A_360 : vector<16xf32>
          %swap3A_370 = arith.index_cast %add3A_364 : i32 to index
          %swap3A_371 = arith.constant 0 : index
          %swap3A_372 = tpu.vector_load %arg10[%swap3A_370, %swap3A_371] {strides = array<i32>} : memref<128x128xf32, #tpu.memory_space<vmem>>, vector<1x16xf32>,
          %swap3A_373 = vector.shape_cast %swap3A_372 : vector<1x16xf32> to vector<16xf32>
          %swap3A_374 = vector.shape_cast %mul3A_369 : vector<16xf32> to vector<1x16xf32>
          tpu.vector_store %arg10[%swap3A_370, %swap3A_371], %swap3A_374 {strides = array<i32>} : memref<128x128xf32, #tpu.memory_space<vmem>>, vector<1x16xf32>,
          %get3A_375 = arith.index_cast %add3A_364 : i32 to index
          %get3A_376 = arith.constant 16 : index
          %get3A_377 = tpu.vector_load %arg10[%get3A_375, %get3A_376] {strides = array<i32>} : memref<128x128xf32, #tpu.memory_space<vmem>>, vector<1x16xf32>,
          %get3A_378 = vector.shape_cast %get3A_377 : vector<1x16xf32> to vector<16xf32>
          %mul3A_379 = arith.mulf %get3A_378, %gather3A_360 : vector<16xf32>
          %swap3A_380 = arith.index_cast %add3A_364 : i32 to index
          %swap3A_381 = arith.constant 16 : index
          %swap3A_382 = tpu.vector_load %arg10[%swap3A_380, %swap3A_381] {strides = array<i32>} : memref<128x128xf32, #tpu.memory_space<vmem>>, vector<1x16xf32>,
          %swap3A_383 = vector.shape_cast %swap3A_382 : vector<1x16xf32> to vector<16xf32>
          %swap3A_384 = vector.shape_cast %mul3A_379 : vector<16xf32> to vector<1x16xf32>
          tpu.vector_store %arg10[%swap3A_380, %swap3A_381], %swap3A_384 {strides = array<i32>} : memref<128x128xf32, #tpu.memory_space<vmem>>, vector<1x16xf32>,
          %get3A_385 = arith.index_cast %add3A_364 : i32 to index
          %get3A_386 = arith.constant 32 : index
          %get3A_387 = tpu.vector_load %arg10[%get3A_385, %get3A_386] {strides = array<i32>} : memref<128x128xf32, #tpu.memory_space<vmem>>, vector<1x16xf32>,
          %get3A_388 = vector.shape_cast %get3A_387 : vector<1x16xf32> to vector<16xf32>
          %mul3A_389 = arith.mulf %get3A_388, %gather3A_360 : vector<16xf32>
          %swap3A_390 = arith.index_cast %add3A_364 : i32 to index
          %swap3A_391 = arith.constant 32 : index
          %swap3A_392 = tpu.vector_load %arg10[%swap3A_390, %swap3A_391] {strides = array<i32>} : memref<128x128xf32, #tpu.memory_space<vmem>>, vector<1x16xf32>,
          %swap3A_393 = vector.shape_cast %swap3A_392 : vector<1x16xf32> to vector<16xf32>
          %swap3A_394 = vector.shape_cast %mul3A_389 : vector<16xf32> to vector<1x16xf32>
          tpu.vector_store %arg10[%swap3A_390, %swap3A_391], %swap3A_394 {strides = array<i32>} : memref<128x128xf32, #tpu.memory_space<vmem>>, vector<1x16xf32>,
          %get3A_395 = arith.index_cast %add3A_364 : i32 to index
          %get3A_396 = arith.constant 48 : index
          %get3A_397 = tpu.vector_load %arg10[%get3A_395, %get3A_396] {strides = array<i32>} : memref<128x128xf32, #tpu.memory_space<vmem>>, vector<1x16xf32>,
          %get3A_398 = vector.shape_cast %get3A_397 : vector<1x16xf32> to vector<16xf32>
          %mul3A_399 = arith.mulf %get3A_398, %gather3A_360 : vector<16xf32>
          %swap3A_400 = arith.index_cast %add3A_364 : i32 to index
          %swap3A_401 = arith.constant 48 : index
          %swap3A_402 = tpu.vector_load %arg10[%swap3A_400, %swap3A_401] {strides = array<i32>} : memref<128x128xf32, #tpu.memory_space<vmem>>, vector<1x16xf32>,
          %swap3A_403 = vector.shape_cast %swap3A_402 : vector<1x16xf32> to vector<16xf32>
          %swap3A_404 = vector.shape_cast %mul3A_399 : vector<16xf32> to vector<1x16xf32>
          tpu.vector_store %arg10[%swap3A_400, %swap3A_401], %swap3A_404 {strides = array<i32>} : memref<128x128xf32, #tpu.memory_space<vmem>>, vector<1x16xf32>,
          %get3A_405 = arith.index_cast %add3A_364 : i32 to index
          %get3A_406 = arith.constant 64 : index
          %get3A_407 = tpu.vector_load %arg10[%get3A_405, %get3A_406] {strides = array<i32>} : memref<128x128xf32, #tpu.memory_space<vmem>>, vector<1x16xf32>,
          %get3A_408 = vector.shape_cast %get3A_407 : vector<1x16xf32> to vector<16xf32>
          %mul3A_409 = arith.mulf %get3A_408, %gather3A_360 : vector<16xf32>
          %swap3A_410 = arith.index_cast %add3A_364 : i32 to index
          %swap3A_411 = arith.constant 64 : index
          %swap3A_412 = tpu.vector_load %arg10[%swap3A_410, %swap3A_411] {strides = array<i32>} : memref<128x128xf32, #tpu.memory_space<vmem>>, vector<1x16xf32>,
          %swap3A_413 = vector.shape_cast %swap3A_412 : vector<1x16xf32> to vector<16xf32>
          %swap3A_414 = vector.shape_cast %mul3A_409 : vector<16xf32> to vector<1x16xf32>
          tpu.vector_store %arg10[%swap3A_410, %swap3A_411], %swap3A_414 {strides = array<i32>} : memref<128x128xf32, #tpu.memory_space<vmem>>, vector<1x16xf32>,
          %get3A_415 = arith.index_cast %add3A_364 : i32 to index
          %get3A_416 = arith.constant 80 : index
          %get3A_417 = tpu.vector_load %arg10[%get3A_415, %get3A_416] {strides = array<i32>} : memref<128x128xf32, #tpu.memory_space<vmem>>, vector<1x16xf32>,
          %get3A_418 = vector.shape_cast %get3A_417 : vector<1x16xf32> to vector<16xf32>
          %mul3A_419 = arith.mulf %get3A_418, %gather3A_360 : vector<16xf32>
          %swap3A_420 = arith.index_cast %add3A_364 : i32 to index
          %swap3A_421 = arith.constant 80 : index
          %swap3A_422 = tpu.vector_load %arg10[%swap3A_420, %swap3A_421] {strides = array<i32>} : memref<128x128xf32, #tpu.memory_space<vmem>>, vector<1x16xf32>,
          %swap3A_423 = vector.shape_cast %swap3A_422 : vector<1x16xf32> to vector<16xf32>
          %swap3A_424 = vector.shape_cast %mul3A_419 : vector<16xf32> to vector<1x16xf32>
          tpu.vector_store %arg10[%swap3A_420, %swap3A_421], %swap3A_424 {strides = array<i32>} : memref<128x128xf32, #tpu.memory_space<vmem>>, vector<1x16xf32>,
          %get3A_425 = arith.index_cast %add3A_364 : i32 to index
          %get3A_426 = arith.constant 96 : index
          %get3A_427 = tpu.vector_load %arg10[%get3A_425, %get3A_426] {strides = array<i32>} : memref<128x128xf32, #tpu.memory_space<vmem>>, vector<1x16xf32>,
          %get3A_428 = vector.shape_cast %get3A_427 : vector<1x16xf32> to vector<16xf32>
          %mul3A_429 = arith.mulf %get3A_428, %gather3A_360 : vector<16xf32>
          %swap3A_430 = arith.index_cast %add3A_364 : i32 to index
          %swap3A_431 = arith.constant 96 : index
          %swap3A_432 = tpu.vector_load %arg10[%swap3A_430, %swap3A_431] {strides = array<i32>} : memref<128x128xf32, #tpu.memory_space<vmem>>, vector<1x16xf32>,
          %swap3A_433 = vector.shape_cast %swap3A_432 : vector<1x16xf32> to vector<16xf32>
          %swap3A_434 = vector.shape_cast %mul3A_429 : vector<16xf32> to vector<1x16xf32>
          tpu.vector_store %arg10[%swap3A_430, %swap3A_431], %swap3A_434 {strides = array<i32>} : memref<128x128xf32, #tpu.memory_space<vmem>>, vector<1x16xf32>,
          %get3A_435 = arith.index_cast %add3A_364 : i32 to index
          %get3A_436 = arith.constant 112 : index
          %get3A_437 = tpu.vector_load %arg10[%get3A_435, %get3A_436] {strides = array<i32>} : memref<128x128xf32, #tpu.memory_space<vmem>>, vector<1x16xf32>,
          %get3A_438 = vector.shape_cast %get3A_437 : vector<1x16xf32> to vector<16xf32>
          %mul3A_439 = arith.mulf %get3A_438, %gather3A_360 : vector<16xf32>
          %swap3A_440 = arith.index_cast %add3A_364 : i32 to index
          %swap3A_441 = arith.constant 112 : index
          %swap3A_442 = tpu.vector_load %arg10[%swap3A_440, %swap3A_441] {strides = array<i32>} : memref<128x128xf32, #tpu.memory_space<vmem>>, vector<1x16xf32>,
          %swap3A_443 = vector.shape_cast %swap3A_442 : vector<1x16xf32> to vector<16xf32>
          %swap3A_444 = vector.shape_cast %mul3A_439 : vector<16xf32> to vector<1x16xf32>
          tpu.vector_store %arg10[%swap3A_440, %swap3A_441], %swap3A_444 {strides = array<i32>} : memref<128x128xf32, #tpu.memory_space<vmem>>, vector<1x16xf32>,
          %broadcast_in_dim3A_445 = arith.constant 4 : i32
          %broadcast_in_dim3A_446 = vector.broadcast %broadcast_in_dim3A_445 : i32 to vector<16x1xi32>
          %gather3A_447 = vector.shape_cast %broadcast_in_dim3A_446 : vector<16x1xi32> to vector<16xi32>
          %gather3A_448 = tpu.dynamic_gather %get3A_95[%gather3A_447] in [0] : vector<16xf32>, vector<16xi32> -> vector<16xf32>
          %mul3A_449 = arith.constant 16 : i32
          %mul3A_450 = arith.muli %scan3A_90, %mul3A_449 : i32
          %add3A_451 = arith.constant 4 : i32
          %add3A_452 = arith.addi %mul3A_450, %add3A_451 : i32
          %get3A_453 = arith.index_cast %add3A_452 : i32 to index
          %get3A_454 = arith.constant 0 : index
          %get3A_455 = tpu.vector_load %arg10[%get3A_453, %get3A_454] {strides = array<i32>} : memref<128x128xf32, #tpu.memory_space<vmem>>, vector<1x16xf32>,
          %get3A_456 = vector.shape_cast %get3A_455 : vector<1x16xf32> to vector<16xf32>
          %mul3A_457 = arith.mulf %get3A_456, %gather3A_448 : vector<16xf32>
          %swap3A_458 = arith.index_cast %add3A_452 : i32 to index
          %swap3A_459 = arith.constant 0 : index
          %swap3A_460 = tpu.vector_load %arg10[%swap3A_458, %swap3A_459] {strides = array<i32>} : memref<128x128xf32, #tpu.memory_space<vmem>>, vector<1x16xf32>,
          %swap3A_461 = vector.shape_cast %swap3A_460 : vector<1x16xf32> to vector<16xf32>
          %swap3A_462 = vector.shape_cast %mul3A_457 : vector<16xf32> to vector<1x16xf32>
          tpu.vector_store %arg10[%swap3A_458, %swap3A_459], %swap3A_462 {strides = array<i32>} : memref<128x128xf32, #tpu.memory_space<vmem>>, vector<1x16xf32>,
          %get3A_463 = arith.index_cast %add3A_452 : i32 to index
          %get3A_464 = arith.constant 16 : index
          %get3A_465 = tpu.vector_load %arg10[%get3A_463, %get3A_464] {strides = array<i32>} : memref<128x128xf32, #tpu.memory_space<vmem>>, vector<1x16xf32>,
          %get3A_466 = vector.shape_cast %get3A_465 : vector<1x16xf32> to vector<16xf32>
          %mul3A_467 = arith.mulf %get3A_466, %gather3A_448 : vector<16xf32>
          %swap3A_468 = arith.index_cast %add3A_452 : i32 to index
          %swap3A_469 = arith.constant 16 : index
          %swap3A_470 = tpu.vector_load %arg10[%swap3A_468, %swap3A_469] {strides = array<i32>} : memref<128x128xf32, #tpu.memory_space<vmem>>, vector<1x16xf32>,
          %swap3A_471 = vector.shape_cast %swap3A_470 : vector<1x16xf32> to vector<16xf32>
          %swap3A_472 = vector.shape_cast %mul3A_467 : vector<16xf32> to vector<1x16xf32>
          tpu.vector_store %arg10[%swap3A_468, %swap3A_469], %swap3A_472 {strides = array<i32>} : memref<128x128xf32, #tpu.memory_space<vmem>>, vector<1x16xf32>,
          %get3A_473 = arith.index_cast %add3A_452 : i32 to index
          %get3A_474 = arith.constant 32 : index
          %get3A_475 = tpu.vector_load %arg10[%get3A_473, %get3A_474] {strides = array<i32>} : memref<128x128xf32, #tpu.memory_space<vmem>>, vector<1x16xf32>,
          %get3A_476 = vector.shape_cast %get3A_475 : vector<1x16xf32> to vector<16xf32>
          %mul3A_477 = arith.mulf %get3A_476, %gather3A_448 : vector<16xf32>
          %swap3A_478 = arith.index_cast %add3A_452 : i32 to index
          %swap3A_479 = arith.constant 32 : index
          %swap3A_480 = tpu.vector_load %arg10[%swap3A_478, %swap3A_479] {strides = array<i32>} : memref<128x128xf32, #tpu.memory_space<vmem>>, vector<1x16xf32>,
          %swap3A_481 = vector.shape_cast %swap3A_480 : vector<1x16xf32> to vector<16xf32>
          %swap3A_482 = vector.shape_cast %mul3A_477 : vector<16xf32> to vector<1x16xf32>
          tpu.vector_store %arg10[%swap3A_478, %swap3A_479], %swap3A_482 {strides = array<i32>} : memref<128x128xf32, #tpu.memory_space<vmem>>, vector<1x16xf32>,
          %get3A_483 = arith.index_cast %add3A_452 : i32 to index
          %get3A_484 = arith.constant 48 : index
          %get3A_485 = tpu.vector_load %arg10[%get3A_483, %get3A_484] {strides = array<i32>} : memref<128x128xf32, #tpu.memory_space<vmem>>, vector<1x16xf32>,
          %get3A_486 = vector.shape_cast %get3A_485 : vector<1x16xf32> to vector<16xf32>
          %mul3A_487 = arith.mulf %get3A_486, %gather3A_448 : vector<16xf32>
          %swap3A_488 = arith.index_cast %add3A_452 : i32 to index
          %swap3A_489 = arith.constant 48 : index
          %swap3A_490 = tpu.vector_load %arg10[%swap3A_488, %swap3A_489] {strides = array<i32>} : memref<128x128xf32, #tpu.memory_space<vmem>>, vector<1x16xf32>,
          %swap3A_491 = vector.shape_cast %swap3A_490 : vector<1x16xf32> to vector<16xf32>
          %swap3A_492 = vector.shape_cast %mul3A_487 : vector<16xf32> to vector<1x16xf32>
          tpu.vector_store %arg10[%swap3A_488, %swap3A_489], %swap3A_492 {strides = array<i32>} : memref<128x128xf32, #tpu.memory_space<vmem>>, vector<1x16xf32>,
          %get3A_493 = arith.index_cast %add3A_452 : i32 to index
          %get3A_494 = arith.constant 64 : index
          %get3A_495 = tpu.vector_load %arg10[%get3A_493, %get3A_494] {strides = array<i32>} : memref<128x128xf32, #tpu.memory_space<vmem>>, vector<1x16xf32>,
          %get3A_496 = vector.shape_cast %get3A_495 : vector<1x16xf32> to vector<16xf32>
          %mul3A_497 = arith.mulf %get3A_496, %gather3A_448 : vector<16xf32>
          %swap3A_498 = arith.index_cast %add3A_452 : i32 to index
          %swap3A_499 = arith.constant 64 : index
          %swap3A_500 = tpu.vector_load %arg10[%swap3A_498, %swap3A_499] {strides = array<i32>} : memref<128x128xf32, #tpu.memory_space<vmem>>, vector<1x16xf32>,
          %swap3A_501 = vector.shape_cast %swap3A_500 : vector<1x16xf32> to vector<16xf32>
          %swap3A_502 = vector.shape_cast %mul3A_497 : vector<16xf32> to vector<1x16xf32>
          tpu.vector_store %arg10[%swap3A_498, %swap3A_499], %swap3A_502 {strides = array<i32>} : memref<128x128xf32, #tpu.memory_space<vmem>>, vector<1x16xf32>,
          %get3A_503 = arith.index_cast %add3A_452 : i32 to index
          %get3A_504 = arith.constant 80 : index
          %get3A_505 = tpu.vector_load %arg10[%get3A_503, %get3A_504] {strides = array<i32>} : memref<128x128xf32, #tpu.memory_space<vmem>>, vector<1x16xf32>,
          %get3A_506 = vector.shape_cast %get3A_505 : vector<1x16xf32> to vector<16xf32>
          %mul3A_507 = arith.mulf %get3A_506, %gather3A_448 : vector<16xf32>
          %swap3A_508 = arith.index_cast %add3A_452 : i32 to index
          %swap3A_509 = arith.constant 80 : index
          %swap3A_510 = tpu.vector_load %arg10[%swap3A_508, %swap3A_509] {strides = array<i32>} : memref<128x128xf32, #tpu.memory_space<vmem>>, vector<1x16xf32>,
          %swap3A_511 = vector.shape_cast %swap3A_510 : vector<1x16xf32> to vector<16xf32>
          %swap3A_512 = vector.shape_cast %mul3A_507 : vector<16xf32> to vector<1x16xf32>
          tpu.vector_store %arg10[%swap3A_508, %swap3A_509], %swap3A_512 {strides = array<i32>} : memref<128x128xf32, #tpu.memory_space<vmem>>, vector<1x16xf32>,
          %get3A_513 = arith.index_cast %add3A_452 : i32 to index
          %get3A_514 = arith.constant 96 : index
          %get3A_515 = tpu.vector_load %arg10[%get3A_513, %get3A_514] {strides = array<i32>} : memref<128x128xf32, #tpu.memory_space<vmem>>, vector<1x16xf32>,
          %get3A_516 = vector.shape_cast %get3A_515 : vector<1x16xf32> to vector<16xf32>
          %mul3A_517 = arith.mulf %get3A_516, %gather3A_448 : vector<16xf32>
          %swap3A_518 = arith.index_cast %add3A_452 : i32 to index
          %swap3A_519 = arith.constant 96 : index
          %swap3A_520 = tpu.vector_load %arg10[%swap3A_518, %swap3A_519] {strides = array<i32>} : memref<128x128xf32, #tpu.memory_space<vmem>>, vector<1x16xf32>,
          %swap3A_521 = vector.shape_cast %swap3A_520 : vector<1x16xf32> to vector<16xf32>
          %swap3A_522 = vector.shape_cast %mul3A_517 : vector<16xf32> to vector<1x16xf32>
          tpu.vector_store %arg10[%swap3A_518, %swap3A_519], %swap3A_522 {strides = array<i32>} : memref<128x128xf32, #tpu.memory_space<vmem>>, vector<1x16xf32>,
          %get3A_523 = arith.index_cast %add3A_452 : i32 to index
          %get3A_524 = arith.constant 112 : index
          %get3A_525 = tpu.vector_load %arg10[%get3A_523, %get3A_524] {strides = array<i32>} : memref<128x128xf32, #tpu.memory_space<vmem>>, vector<1x16xf32>,
          %get3A_526 = vector.shape_cast %get3A_525 : vector<1x16xf32> to vector<16xf32>
          %mul3A_527 = arith.mulf %get3A_526, %gather3A_448 : vector<16xf32>
          %swap3A_528 = arith.index_cast %add3A_452 : i32 to index
          %swap3A_529 = arith.constant 112 : index
          %swap3A_530 = tpu.vector_load %arg10[%swap3A_528, %swap3A_529] {strides = array<i32>} : memref<128x128xf32, #tpu.memory_space<vmem>>, vector<1x16xf32>,
          %swap3A_531 = vector.shape_cast %swap3A_530 : vector<1x16xf32> to vector<16xf32>
          %swap3A_532 = vector.shape_cast %mul3A_527 : vector<16xf32> to vector<1x16xf32>
          tpu.vector_store %arg10[%swap3A_528, %swap3A_529], %swap3A_532 {strides = array<i32>} : memref<128x128xf32, #tpu.memory_space<vmem>>, vector<1x16xf32>,
          %broadcast_in_dim3A_533 = arith.constant 5 : i32
          %broadcast_in_dim3A_534 = vector.broadcast %broadcast_in_dim3A_533 : i32 to vector<16x1xi32>
          %gather3A_535 = vector.shape_cast %broadcast_in_dim3A_534 : vector<16x1xi32> to vector<16xi32>
          %gather3A_536 = tpu.dynamic_gather %get3A_95[%gather3A_535] in [0] : vector<16xf32>, vector<16xi32> -> vector<16xf32>
          %mul3A_537 = arith.constant 16 : i32
          %mul3A_538 = arith.muli %scan3A_90, %mul3A_537 : i32
          %add3A_539 = arith.constant 5 : i32
          %add3A_540 = arith.addi %mul3A_538, %add3A_539 : i32
          %get3A_541 = arith.index_cast %add3A_540 : i32 to index
          %get3A_542 = arith.constant 0 : index
          %get3A_543 = tpu.vector_load %arg10[%get3A_541, %get3A_542] {strides = array<i32>} : memref<128x128xf32, #tpu.memory_space<vmem>>, vector<1x16xf32>,
          %get3A_544 = vector.shape_cast %get3A_543 : vector<1x16xf32> to vector<16xf32>
          %mul3A_545 = arith.mulf %get3A_544, %gather3A_536 : vector<16xf32>
          %swap3A_546 = arith.index_cast %add3A_540 : i32 to index
          %swap3A_547 = arith.constant 0 : index
          %swap3A_548 = tpu.vector_load %arg10[%swap3A_546, %swap3A_547] {strides = array<i32>} : memref<128x128xf32, #tpu.memory_space<vmem>>, vector<1x16xf32>,
          %swap3A_549 = vector.shape_cast %swap3A_548 : vector<1x16xf32> to vector<16xf32>
          %swap3A_550 = vector.shape_cast %mul3A_545 : vector<16xf32> to vector<1x16xf32>
          tpu.vector_store %arg10[%swap3A_546, %swap3A_547], %swap3A_550 {strides = array<i32>} : memref<128x128xf32, #tpu.memory_space<vmem>>, vector<1x16xf32>,
          %get3A_551 = arith.index_cast %add3A_540 : i32 to index
          %get3A_552 = arith.constant 16 : index
          %get3A_553 = tpu.vector_load %arg10[%get3A_551, %get3A_552] {strides = array<i32>} : memref<128x128xf32, #tpu.memory_space<vmem>>, vector<1x16xf32>,
          %get3A_554 = vector.shape_cast %get3A_553 : vector<1x16xf32> to vector<16xf32>
          %mul3A_555 = arith.mulf %get3A_554, %gather3A_536 : vector<16xf32>
          %swap3A_556 = arith.index_cast %add3A_540 : i32 to index
          %swap3A_557 = arith.constant 16 : index
          %swap3A_558 = tpu.vector_load %arg10[%swap3A_556, %swap3A_557] {strides = array<i32>} : memref<128x128xf32, #tpu.memory_space<vmem>>, vector<1x16xf32>,
          %swap3A_559 = vector.shape_cast %swap3A_558 : vector<1x16xf32> to vector<16xf32>
          %swap3A_560 = vector.shape_cast %mul3A_555 : vector<16xf32> to vector<1x16xf32>
          tpu.vector_store %arg10[%swap3A_556, %swap3A_557], %swap3A_560 {strides = array<i32>} : memref<128x128xf32, #tpu.memory_space<vmem>>, vector<1x16xf32>,
          %get3A_561 = arith.index_cast %add3A_540 : i32 to index
          %get3A_562 = arith.constant 32 : index
          %get3A_563 = tpu.vector_load %arg10[%get3A_561, %get3A_562] {strides = array<i32>} : memref<128x128xf32, #tpu.memory_space<vmem>>, vector<1x16xf32>,
          %get3A_564 = vector.shape_cast %get3A_563 : vector<1x16xf32> to vector<16xf32>
          %mul3A_565 = arith.mulf %get3A_564, %gather3A_536 : vector<16xf32>
          %swap3A_566 = arith.index_cast %add3A_540 : i32 to index
          %swap3A_567 = arith.constant 32 : index
          %swap3A_568 = tpu.vector_load %arg10[%swap3A_566, %swap3A_567] {strides = array<i32>} : memref<128x128xf32, #tpu.memory_space<vmem>>, vector<1x16xf32>,
          %swap3A_569 = vector.shape_cast %swap3A_568 : vector<1x16xf32> to vector<16xf32>
          %swap3A_570 = vector.shape_cast %mul3A_565 : vector<16xf32> to vector<1x16xf32>
          tpu.vector_store %arg10[%swap3A_566, %swap3A_567], %swap3A_570 {strides = array<i32>} : memref<128x128xf32, #tpu.memory_space<vmem>>, vector<1x16xf32>,
          %get3A_571 = arith.index_cast %add3A_540 : i32 to index
          %get3A_572 = arith.constant 48 : index
          %get3A_573 = tpu.vector_load %arg10[%get3A_571, %get3A_572] {strides = array<i32>} : memref<128x128xf32, #tpu.memory_space<vmem>>, vector<1x16xf32>,
          %get3A_574 = vector.shape_cast %get3A_573 : vector<1x16xf32> to vector<16xf32>
          %mul3A_575 = arith.mulf %get3A_574, %gather3A_536 : vector<16xf32>
          %swap3A_576 = arith.index_cast %add3A_540 : i32 to index
          %swap3A_577 = arith.constant 48 : index
          %swap3A_578 = tpu.vector_load %arg10[%swap3A_576, %swap3A_577] {strides = array<i32>} : memref<128x128xf32, #tpu.memory_space<vmem>>, vector<1x16xf32>,
          %swap3A_579 = vector.shape_cast %swap3A_578 : vector<1x16xf32> to vector<16xf32>
          %swap3A_580 = vector.shape_cast %mul3A_575 : vector<16xf32> to vector<1x16xf32>
          tpu.vector_store %arg10[%swap3A_576, %swap3A_577], %swap3A_580 {strides = array<i32>} : memref<128x128xf32, #tpu.memory_space<vmem>>, vector<1x16xf32>,
          %get3A_581 = arith.index_cast %add3A_540 : i32 to index
          %get3A_582 = arith.constant 64 : index
          %get3A_583 = tpu.vector_load %arg10[%get3A_581, %get3A_582] {strides = array<i32>} : memref<128x128xf32, #tpu.memory_space<vmem>>, vector<1x16xf32>,
          %get3A_584 = vector.shape_cast %get3A_583 : vector<1x16xf32> to vector<16xf32>
          %mul3A_585 = arith.mulf %get3A_584, %gather3A_536 : vector<16xf32>
          %swap3A_586 = arith.index_cast %add3A_540 : i32 to index
          %swap3A_587 = arith.constant 64 : index
          %swap3A_588 = tpu.vector_load %arg10[%swap3A_586, %swap3A_587] {strides = array<i32>} : memref<128x128xf32, #tpu.memory_space<vmem>>, vector<1x16xf32>,
          %swap3A_589 = vector.shape_cast %swap3A_588 : vector<1x16xf32> to vector<16xf32>
          %swap3A_590 = vector.shape_cast %mul3A_585 : vector<16xf32> to vector<1x16xf32>
          tpu.vector_store %arg10[%swap3A_586, %swap3A_587], %swap3A_590 {strides = array<i32>} : memref<128x128xf32, #tpu.memory_space<vmem>>, vector<1x16xf32>,
          %get3A_591 = arith.index_cast %add3A_540 : i32 to index
          %get3A_592 = arith.constant 80 : index
          %get3A_593 = tpu.vector_load %arg10[%get3A_591, %get3A_592] {strides = array<i32>} : memref<128x128xf32, #tpu.memory_space<vmem>>, vector<1x16xf32>,
          %get3A_594 = vector.shape_cast %get3A_593 : vector<1x16xf32> to vector<16xf32>
          %mul3A_595 = arith.mulf %get3A_594, %gather3A_536 : vector<16xf32>
          %swap3A_596 = arith.index_cast %add3A_540 : i32 to index
          %swap3A_597 = arith.constant 80 : index
          %swap3A_598 = tpu.vector_load %arg10[%swap3A_596, %swap3A_597] {strides = array<i32>} : memref<128x128xf32, #tpu.memory_space<vmem>>, vector<1x16xf32>,
          %swap3A_599 = vector.shape_cast %swap3A_598 : vector<1x16xf32> to vector<16xf32>
          %swap3A_600 = vector.shape_cast %mul3A_595 : vector<16xf32> to vector<1x16xf32>
          tpu.vector_store %arg10[%swap3A_596, %swap3A_597], %swap3A_600 {strides = array<i32>} : memref<128x128xf32, #tpu.memory_space<vmem>>, vector<1x16xf32>,
          %get3A_601 = arith.index_cast %add3A_540 : i32 to index
          %get3A_602 = arith.constant 96 : index
          %get3A_603 = tpu.vector_load %arg10[%get3A_601, %get3A_602] {strides = array<i32>} : memref<128x128xf32, #tpu.memory_space<vmem>>, vector<1x16xf32>,
          %get3A_604 = vector.shape_cast %get3A_603 : vector<1x16xf32> to vector<16xf32>
          %mul3A_605 = arith.mulf %get3A_604, %gather3A_536 : vector<16xf32>
          %swap3A_606 = arith.index_cast %add3A_540 : i32 to index
          %swap3A_607 = arith.constant 96 : index
          %swap3A_608 = tpu.vector_load %arg10[%swap3A_606, %swap3A_607] {strides = array<i32>} : memref<128x128xf32, #tpu.memory_space<vmem>>, vector<1x16xf32>,
          %swap3A_609 = vector.shape_cast %swap3A_608 : vector<1x16xf32> to vector<16xf32>
          %swap3A_610 = vector.shape_cast %mul3A_605 : vector<16xf32> to vector<1x16xf32>
          tpu.vector_store %arg10[%swap3A_606, %swap3A_607], %swap3A_610 {strides = array<i32>} : memref<128x128xf32, #tpu.memory_space<vmem>>, vector<1x16xf32>,
          %get3A_611 = arith.index_cast %add3A_540 : i32 to index
          %get3A_612 = arith.constant 112 : index
          %get3A_613 = tpu.vector_load %arg10[%get3A_611, %get3A_612] {strides = array<i32>} : memref<128x128xf32, #tpu.memory_space<vmem>>, vector<1x16xf32>,
          %get3A_614 = vector.shape_cast %get3A_613 : vector<1x16xf32> to vector<16xf32>
          %mul3A_615 = arith.mulf %get3A_614, %gather3A_536 : vector<16xf32>
          %swap3A_616 = arith.index_cast %add3A_540 : i32 to index
          %swap3A_617 = arith.constant 112 : index
          %swap3A_618 = tpu.vector_load %arg10[%swap3A_616, %swap3A_617] {strides = array<i32>} : memref<128x128xf32, #tpu.memory_space<vmem>>, vector<1x16xf32>,
          %swap3A_619 = vector.shape_cast %swap3A_618 : vector<1x16xf32> to vector<16xf32>
          %swap3A_620 = vector.shape_cast %mul3A_615 : vector<16xf32> to vector<1x16xf32>
          tpu.vector_store %arg10[%swap3A_616, %swap3A_617], %swap3A_620 {strides = array<i32>} : memref<128x128xf32, #tpu.memory_space<vmem>>, vector<1x16xf32>,
          %broadcast_in_dim3A_621 = arith.constant 6 : i32
          %broadcast_in_dim3A_622 = vector.broadcast %broadcast_in_dim3A_621 : i32 to vector<16x1xi32>
          %gather3A_623 = vector.shape_cast %broadcast_in_dim3A_622 : vector<16x1xi32> to vector<16xi32>
          %gather3A_624 = tpu.dynamic_gather %get3A_95[%gather3A_623] in [0] : vector<16xf32>, vector<16xi32> -> vector<16xf32>
          %mul3A_625 = arith.constant 16 : i32
          %mul3A_626 = arith.muli %scan3A_90, %mul3A_625 : i32
          %add3A_627 = arith.constant 6 : i32
          %add3A_628 = arith.addi %mul3A_626, %add3A_627 : i32
          %get3A_629 = arith.index_cast %add3A_628 : i32 to index
          %get3A_630 = arith.constant 0 : index
          %get3A_631 = tpu.vector_load %arg10[%get3A_629, %get3A_630] {strides = array<i32>} : memref<128x128xf32, #tpu.memory_space<vmem>>, vector<1x16xf32>,
          %get3A_632 = vector.shape_cast %get3A_631 : vector<1x16xf32> to vector<16xf32>
          %mul3A_633 = arith.mulf %get3A_632, %gather3A_624 : vector<16xf32>
          %swap3A_634 = arith.index_cast %add3A_628 : i32 to index
          %swap3A_635 = arith.constant 0 : index
          %swap3A_636 = tpu.vector_load %arg10[%swap3A_634, %swap3A_635] {strides = array<i32>} : memref<128x128xf32, #tpu.memory_space<vmem>>, vector<1x16xf32>,
          %swap3A_637 = vector.shape_cast %swap3A_636 : vector<1x16xf32> to vector<16xf32>
          %swap3A_638 = vector.shape_cast %mul3A_633 : vector<16xf32> to vector<1x16xf32>
          tpu.vector_store %arg10[%swap3A_634, %swap3A_635], %swap3A_638 {strides = array<i32>} : memref<128x128xf32, #tpu.memory_space<vmem>>, vector<1x16xf32>,
          %get3A_639 = arith.index_cast %add3A_628 : i32 to index
          %get3A_640 = arith.constant 16 : index
          %get3A_641 = tpu.vector_load %arg10[%get3A_639, %get3A_640] {strides = array<i32>} : memref<128x128xf32, #tpu.memory_space<vmem>>, vector<1x16xf32>,
          %get3A_642 = vector.shape_cast %get3A_641 : vector<1x16xf32> to vector<16xf32>
          %mul3A_643 = arith.mulf %get3A_642, %gather3A_624 : vector<16xf32>
          %swap3A_644 = arith.index_cast %add3A_628 : i32 to index
          %swap3A_645 = arith.constant 16 : index
          %swap3A_646 = tpu.vector_load %arg10[%swap3A_644, %swap3A_645] {strides = array<i32>} : memref<128x128xf32, #tpu.memory_space<vmem>>, vector<1x16xf32>,
          %swap3A_647 = vector.shape_cast %swap3A_646 : vector<1x16xf32> to vector<16xf32>
          %swap3A_648 = vector.shape_cast %mul3A_643 : vector<16xf32> to vector<1x16xf32>
          tpu.vector_store %arg10[%swap3A_644, %swap3A_645], %swap3A_648 {strides = array<i32>} : memref<128x128xf32, #tpu.memory_space<vmem>>, vector<1x16xf32>,
          %get3A_649 = arith.index_cast %add3A_628 : i32 to index
          %get3A_650 = arith.constant 32 : index
          %get3A_651 = tpu.vector_load %arg10[%get3A_649, %get3A_650] {strides = array<i32>} : memref<128x128xf32, #tpu.memory_space<vmem>>, vector<1x16xf32>,
          %get3A_652 = vector.shape_cast %get3A_651 : vector<1x16xf32> to vector<16xf32>
          %mul3A_653 = arith.mulf %get3A_652, %gather3A_624 : vector<16xf32>
          %swap3A_654 = arith.index_cast %add3A_628 : i32 to index
          %swap3A_655 = arith.constant 32 : index
          %swap3A_656 = tpu.vector_load %arg10[%swap3A_654, %swap3A_655] {strides = array<i32>} : memref<128x128xf32, #tpu.memory_space<vmem>>, vector<1x16xf32>,
          %swap3A_657 = vector.shape_cast %swap3A_656 : vector<1x16xf32> to vector<16xf32>
          %swap3A_658 = vector.shape_cast %mul3A_653 : vector<16xf32> to vector<1x16xf32>
          tpu.vector_store %arg10[%swap3A_654, %swap3A_655], %swap3A_658 {strides = array<i32>} : memref<128x128xf32, #tpu.memory_space<vmem>>, vector<1x16xf32>,
          %get3A_659 = arith.index_cast %add3A_628 : i32 to index
          %get3A_660 = arith.constant 48 : index
          %get3A_661 = tpu.vector_load %arg10[%get3A_659, %get3A_660] {strides = array<i32>} : memref<128x128xf32, #tpu.memory_space<vmem>>, vector<1x16xf32>,
          %get3A_662 = vector.shape_cast %get3A_661 : vector<1x16xf32> to vector<16xf32>
          %mul3A_663 = arith.mulf %get3A_662, %gather3A_624 : vector<16xf32>
          %swap3A_664 = arith.index_cast %add3A_628 : i32 to index
          %swap3A_665 = arith.constant 48 : index
          %swap3A_666 = tpu.vector_load %arg10[%swap3A_664, %swap3A_665] {strides = array<i32>} : memref<128x128xf32, #tpu.memory_space<vmem>>, vector<1x16xf32>,
          %swap3A_667 = vector.shape_cast %swap3A_666 : vector<1x16xf32> to vector<16xf32>
          %swap3A_668 = vector.shape_cast %mul3A_663 : vector<16xf32> to vector<1x16xf32>
          tpu.vector_store %arg10[%swap3A_664, %swap3A_665], %swap3A_668 {strides = array<i32>} : memref<128x128xf32, #tpu.memory_space<vmem>>, vector<1x16xf32>,
          %get3A_669 = arith.index_cast %add3A_628 : i32 to index
          %get3A_670 = arith.constant 64 : index
          %get3A_671 = tpu.vector_load %arg10[%get3A_669, %get3A_670] {strides = array<i32>} : memref<128x128xf32, #tpu.memory_space<vmem>>, vector<1x16xf32>,
          %get3A_672 = vector.shape_cast %get3A_671 : vector<1x16xf32> to vector<16xf32>
          %mul3A_673 = arith.mulf %get3A_672, %gather3A_624 : vector<16xf32>
          %swap3A_674 = arith.index_cast %add3A_628 : i32 to index
          %swap3A_675 = arith.constant 64 : index
          %swap3A_676 = tpu.vector_load %arg10[%swap3A_674, %swap3A_675] {strides = array<i32>} : memref<128x128xf32, #tpu.memory_space<vmem>>, vector<1x16xf32>,
          %swap3A_677 = vector.shape_cast %swap3A_676 : vector<1x16xf32> to vector<16xf32>
          %swap3A_678 = vector.shape_cast %mul3A_673 : vector<16xf32> to vector<1x16xf32>
          tpu.vector_store %arg10[%swap3A_674, %swap3A_675], %swap3A_678 {strides = array<i32>} : memref<128x128xf32, #tpu.memory_space<vmem>>, vector<1x16xf32>,
          %get3A_679 = arith.index_cast %add3A_628 : i32 to index
          %get3A_680 = arith.constant 80 : index
          %get3A_681 = tpu.vector_load %arg10[%get3A_679, %get3A_680] {strides = array<i32>} : memref<128x128xf32, #tpu.memory_space<vmem>>, vector<1x16xf32>,
          %get3A_682 = vector.shape_cast %get3A_681 : vector<1x16xf32> to vector<16xf32>
          %mul3A_683 = arith.mulf %get3A_682, %gather3A_624 : vector<16xf32>
          %swap3A_684 = arith.index_cast %add3A_628 : i32 to index
          %swap3A_685 = arith.constant 80 : index
          %swap3A_686 = tpu.vector_load %arg10[%swap3A_684, %swap3A_685] {strides = array<i32>} : memref<128x128xf32, #tpu.memory_space<vmem>>, vector<1x16xf32>,
          %swap3A_687 = vector.shape_cast %swap3A_686 : vector<1x16xf32> to vector<16xf32>
          %swap3A_688 = vector.shape_cast %mul3A_683 : vector<16xf32> to vector<1x16xf32>
          tpu.vector_store %arg10[%swap3A_684, %swap3A_685], %swap3A_688 {strides = array<i32>} : memref<128x128xf32, #tpu.memory_space<vmem>>, vector<1x16xf32>,
          %get3A_689 = arith.index_cast %add3A_628 : i32 to index
          %get3A_690 = arith.constant 96 : index
          %get3A_691 = tpu.vector_load %arg10[%get3A_689, %get3A_690] {strides = array<i32>} : memref<128x128xf32, #tpu.memory_space<vmem>>, vector<1x16xf32>,
          %get3A_692 = vector.shape_cast %get3A_691 : vector<1x16xf32> to vector<16xf32>
          %mul3A_693 = arith.mulf %get3A_692, %gather3A_624 : vector<16xf32>
          %swap3A_694 = arith.index_cast %add3A_628 : i32 to index
          %swap3A_695 = arith.constant 96 : index
          %swap3A_696 = tpu.vector_load %arg10[%swap3A_694, %swap3A_695] {strides = array<i32>} : memref<128x128xf32, #tpu.memory_space<vmem>>, vector<1x16xf32>,
          %swap3A_697 = vector.shape_cast %swap3A_696 : vector<1x16xf32> to vector<16xf32>
          %swap3A_698 = vector.shape_cast %mul3A_693 : vector<16xf32> to vector<1x16xf32>
          tpu.vector_store %arg10[%swap3A_694, %swap3A_695], %swap3A_698 {strides = array<i32>} : memref<128x128xf32, #tpu.memory_space<vmem>>, vector<1x16xf32>,
          %get3A_699 = arith.index_cast %add3A_628 : i32 to index
          %get3A_700 = arith.constant 112 : index
          %get3A_701 = tpu.vector_load %arg10[%get3A_699, %get3A_700] {strides = array<i32>} : memref<128x128xf32, #tpu.memory_space<vmem>>, vector<1x16xf32>,
          %get3A_702 = vector.shape_cast %get3A_701 : vector<1x16xf32> to vector<16xf32>
          %mul3A_703 = arith.mulf %get3A_702, %gather3A_624 : vector<16xf32>
          %swap3A_704 = arith.index_cast %add3A_628 : i32 to index
          %swap3A_705 = arith.constant 112 : index
          %swap3A_706 = tpu.vector_load %arg10[%swap3A_704, %swap3A_705] {strides = array<i32>} : memref<128x128xf32, #tpu.memory_space<vmem>>, vector<1x16xf32>,
          %swap3A_707 = vector.shape_cast %swap3A_706 : vector<1x16xf32> to vector<16xf32>
          %swap3A_708 = vector.shape_cast %mul3A_703 : vector<16xf32> to vector<1x16xf32>
          tpu.vector_store %arg10[%swap3A_704, %swap3A_705], %swap3A_708 {strides = array<i32>} : memref<128x128xf32, #tpu.memory_space<vmem>>, vector<1x16xf32>,
          %broadcast_in_dim3A_709 = arith.constant 7 : i32
          %broadcast_in_dim3A_710 = vector.broadcast %broadcast_in_dim3A_709 : i32 to vector<16x1xi32>
          %gather3A_711 = vector.shape_cast %broadcast_in_dim3A_710 : vector<16x1xi32> to vector<16xi32>
          %gather3A_712 = tpu.dynamic_gather %get3A_95[%gather3A_711] in [0] : vector<16xf32>, vector<16xi32> -> vector<16xf32>
          %mul3A_713 = arith.constant 16 : i32
          %mul3A_714 = arith.muli %scan3A_90, %mul3A_713 : i32
          %add3A_715 = arith.constant 7 : i32
          %add3A_716 = arith.addi %mul3A_714, %add3A_715 : i32
          %get3A_717 = arith.index_cast %add3A_716 : i32 to index
          %get3A_718 = arith.constant 0 : index
          %get3A_719 = tpu.vector_load %arg10[%get3A_717, %get3A_718] {strides = array<i32>} : memref<128x128xf32, #tpu.memory_space<vmem>>, vector<1x16xf32>,
          %get3A_720 = vector.shape_cast %get3A_719 : vector<1x16xf32> to vector<16xf32>
          %mul3A_721 = arith.mulf %get3A_720, %gather3A_712 : vector<16xf32>
          %swap3A_722 = arith.index_cast %add3A_716 : i32 to index
          %swap3A_723 = arith.constant 0 : index
          %swap3A_724 = tpu.vector_load %arg10[%swap3A_722, %swap3A_723] {strides = array<i32>} : memref<128x128xf32, #tpu.memory_space<vmem>>, vector<1x16xf32>,
          %swap3A_725 = vector.shape_cast %swap3A_724 : vector<1x16xf32> to vector<16xf32>
          %swap3A_726 = vector.shape_cast %mul3A_721 : vector<16xf32> to vector<1x16xf32>
          tpu.vector_store %arg10[%swap3A_722, %swap3A_723], %swap3A_726 {strides = array<i32>} : memref<128x128xf32, #tpu.memory_space<vmem>>, vector<1x16xf32>,
          %get3A_727 = arith.index_cast %add3A_716 : i32 to index
          %get3A_728 = arith.constant 16 : index
          %get3A_729 = tpu.vector_load %arg10[%get3A_727, %get3A_728] {strides = array<i32>} : memref<128x128xf32, #tpu.memory_space<vmem>>, vector<1x16xf32>,
          %get3A_730 = vector.shape_cast %get3A_729 : vector<1x16xf32> to vector<16xf32>
          %mul3A_731 = arith.mulf %get3A_730, %gather3A_712 : vector<16xf32>
          %swap3A_732 = arith.index_cast %add3A_716 : i32 to index
          %swap3A_733 = arith.constant 16 : index
          %swap3A_734 = tpu.vector_load %arg10[%swap3A_732, %swap3A_733] {strides = array<i32>} : memref<128x128xf32, #tpu.memory_space<vmem>>, vector<1x16xf32>,
          %swap3A_735 = vector.shape_cast %swap3A_734 : vector<1x16xf32> to vector<16xf32>
          %swap3A_736 = vector.shape_cast %mul3A_731 : vector<16xf32> to vector<1x16xf32>
          tpu.vector_store %arg10[%swap3A_732, %swap3A_733], %swap3A_736 {strides = array<i32>} : memref<128x128xf32, #tpu.memory_space<vmem>>, vector<1x16xf32>,
          %get3A_737 = arith.index_cast %add3A_716 : i32 to index
          %get3A_738 = arith.constant 32 : index
          %get3A_739 = tpu.vector_load %arg10[%get3A_737, %get3A_738] {strides = array<i32>} : memref<128x128xf32, #tpu.memory_space<vmem>>, vector<1x16xf32>,
          %get3A_740 = vector.shape_cast %get3A_739 : vector<1x16xf32> to vector<16xf32>
          %mul3A_741 = arith.mulf %get3A_740, %gather3A_712 : vector<16xf32>
          %swap3A_742 = arith.index_cast %add3A_716 : i32 to index
          %swap3A_743 = arith.constant 32 : index
          %swap3A_744 = tpu.vector_load %arg10[%swap3A_742, %swap3A_743] {strides = array<i32>} : memref<128x128xf32, #tpu.memory_space<vmem>>, vector<1x16xf32>,
          %swap3A_745 = vector.shape_cast %swap3A_744 : vector<1x16xf32> to vector<16xf32>
          %swap3A_746 = vector.shape_cast %mul3A_741 : vector<16xf32> to vector<1x16xf32>
          tpu.vector_store %arg10[%swap3A_742, %swap3A_743], %swap3A_746 {strides = array<i32>} : memref<128x128xf32, #tpu.memory_space<vmem>>, vector<1x16xf32>,
          %get3A_747 = arith.index_cast %add3A_716 : i32 to index
          %get3A_748 = arith.constant 48 : index
          %get3A_749 = tpu.vector_load %arg10[%get3A_747, %get3A_748] {strides = array<i32>} : memref<128x128xf32, #tpu.memory_space<vmem>>, vector<1x16xf32>,
          %get3A_750 = vector.shape_cast %get3A_749 : vector<1x16xf32> to vector<16xf32>
          %mul3A_751 = arith.mulf %get3A_750, %gather3A_712 : vector<16xf32>
          %swap3A_752 = arith.index_cast %add3A_716 : i32 to index
          %swap3A_753 = arith.constant 48 : index
          %swap3A_754 = tpu.vector_load %arg10[%swap3A_752, %swap3A_753] {strides = array<i32>} : memref<128x128xf32, #tpu.memory_space<vmem>>, vector<1x16xf32>,
          %swap3A_755 = vector.shape_cast %swap3A_754 : vector<1x16xf32> to vector<16xf32>
          %swap3A_756 = vector.shape_cast %mul3A_751 : vector<16xf32> to vector<1x16xf32>
          tpu.vector_store %arg10[%swap3A_752, %swap3A_753], %swap3A_756 {strides = array<i32>} : memref<128x128xf32, #tpu.memory_space<vmem>>, vector<1x16xf32>,
          %get3A_757 = arith.index_cast %add3A_716 : i32 to index
          %get3A_758 = arith.constant 64 : index
          %get3A_759 = tpu.vector_load %arg10[%get3A_757, %get3A_758] {strides = array<i32>} : memref<128x128xf32, #tpu.memory_space<vmem>>, vector<1x16xf32>,
          %get3A_760 = vector.shape_cast %get3A_759 : vector<1x16xf32> to vector<16xf32>
          %mul3A_761 = arith.mulf %get3A_760, %gather3A_712 : vector<16xf32>
          %swap3A_762 = arith.index_cast %add3A_716 : i32 to index
          %swap3A_763 = arith.constant 64 : index
          %swap3A_764 = tpu.vector_load %arg10[%swap3A_762, %swap3A_763] {strides = array<i32>} : memref<128x128xf32, #tpu.memory_space<vmem>>, vector<1x16xf32>,
          %swap3A_765 = vector.shape_cast %swap3A_764 : vector<1x16xf32> to vector<16xf32>
          %swap3A_766 = vector.shape_cast %mul3A_761 : vector<16xf32> to vector<1x16xf32>
          tpu.vector_store %arg10[%swap3A_762, %swap3A_763], %swap3A_766 {strides = array<i32>} : memref<128x128xf32, #tpu.memory_space<vmem>>, vector<1x16xf32>,
          %get3A_767 = arith.index_cast %add3A_716 : i32 to index
          %get3A_768 = arith.constant 80 : index
          %get3A_769 = tpu.vector_load %arg10[%get3A_767, %get3A_768] {strides = array<i32>} : memref<128x128xf32, #tpu.memory_space<vmem>>, vector<1x16xf32>,
          %get3A_770 = vector.shape_cast %get3A_769 : vector<1x16xf32> to vector<16xf32>
          %mul3A_771 = arith.mulf %get3A_770, %gather3A_712 : vector<16xf32>
          %swap3A_772 = arith.index_cast %add3A_716 : i32 to index
          %swap3A_773 = arith.constant 80 : index
          %swap3A_774 = tpu.vector_load %arg10[%swap3A_772, %swap3A_773] {strides = array<i32>} : memref<128x128xf32, #tpu.memory_space<vmem>>, vector<1x16xf32>,
          %swap3A_775 = vector.shape_cast %swap3A_774 : vector<1x16xf32> to vector<16xf32>
          %swap3A_776 = vector.shape_cast %mul3A_771 : vector<16xf32> to vector<1x16xf32>
          tpu.vector_store %arg10[%swap3A_772, %swap3A_773], %swap3A_776 {strides = array<i32>} : memref<128x128xf32, #tpu.memory_space<vmem>>, vector<1x16xf32>,
          %get3A_777 = arith.index_cast %add3A_716 : i32 to index
          %get3A_778 = arith.constant 96 : index
          %get3A_779 = tpu.vector_load %arg10[%get3A_777, %get3A_778] {strides = array<i32>} : memref<128x128xf32, #tpu.memory_space<vmem>>, vector<1x16xf32>,
          %get3A_780 = vector.shape_cast %get3A_779 : vector<1x16xf32> to vector<16xf32>
          %mul3A_781 = arith.mulf %get3A_780, %gather3A_712 : vector<16xf32>
          %swap3A_782 = arith.index_cast %add3A_716 : i32 to index
          %swap3A_783 = arith.constant 96 : index
          %swap3A_784 = tpu.vector_load %arg10[%swap3A_782, %swap3A_783] {strides = array<i32>} : memref<128x128xf32, #tpu.memory_space<vmem>>, vector<1x16xf32>,
          %swap3A_785 = vector.shape_cast %swap3A_784 : vector<1x16xf32> to vector<16xf32>
          %swap3A_786 = vector.shape_cast %mul3A_781 : vector<16xf32> to vector<1x16xf32>
          tpu.vector_store %arg10[%swap3A_782, %swap3A_783], %swap3A_786 {strides = array<i32>} : memref<128x128xf32, #tpu.memory_space<vmem>>, vector<1x16xf32>,
          %get3A_787 = arith.index_cast %add3A_716 : i32 to index
          %get3A_788 = arith.constant 112 : index
          %get3A_789 = tpu.vector_load %arg10[%get3A_787, %get3A_788] {strides = array<i32>} : memref<128x128xf32, #tpu.memory_space<vmem>>, vector<1x16xf32>,
          %get3A_790 = vector.shape_cast %get3A_789 : vector<1x16xf32> to vector<16xf32>
          %mul3A_791 = arith.mulf %get3A_790, %gather3A_712 : vector<16xf32>
          %swap3A_792 = arith.index_cast %add3A_716 : i32 to index
          %swap3A_793 = arith.constant 112 : index
          %swap3A_794 = tpu.vector_load %arg10[%swap3A_792, %swap3A_793] {strides = array<i32>} : memref<128x128xf32, #tpu.memory_space<vmem>>, vector<1x16xf32>,
          %swap3A_795 = vector.shape_cast %swap3A_794 : vector<1x16xf32> to vector<16xf32>
          %swap3A_796 = vector.shape_cast %mul3A_791 : vector<16xf32> to vector<1x16xf32>
          tpu.vector_store %arg10[%swap3A_792, %swap3A_793], %swap3A_796 {strides = array<i32>} : memref<128x128xf32, #tpu.memory_space<vmem>>, vector<1x16xf32>,
          %broadcast_in_dim3A_797 = arith.constant 8 : i32
          %broadcast_in_dim3A_798 = vector.broadcast %broadcast_in_dim3A_797 : i32 to vector<16x1xi32>
          %gather3A_799 = vector.shape_cast %broadcast_in_dim3A_798 : vector<16x1xi32> to vector<16xi32>
          %gather3A_800 = tpu.dynamic_gather %get3A_95[%gather3A_799] in [0] : vector<16xf32>, vector<16xi32> -> vector<16xf32>
          %mul3A_801 = arith.constant 16 : i32
          %mul3A_802 = arith.muli %scan3A_90, %mul3A_801 : i32
          %add3A_803 = arith.constant 8 : i32
          %add3A_804 = arith.addi %mul3A_802, %add3A_803 : i32
          %get3A_805 = arith.index_cast %add3A_804 : i32 to index
          %get3A_806 = arith.constant 0 : index
          %get3A_807 = tpu.vector_load %arg10[%get3A_805, %get3A_806] {strides = array<i32>} : memref<128x128xf32, #tpu.memory_space<vmem>>, vector<1x16xf32>,
          %get3A_808 = vector.shape_cast %get3A_807 : vector<1x16xf32> to vector<16xf32>
          %mul3A_809 = arith.mulf %get3A_808, %gather3A_800 : vector<16xf32>
          %swap3A_810 = arith.index_cast %add3A_804 : i32 to index
          %swap3A_811 = arith.constant 0 : index
          %swap3A_812 = tpu.vector_load %arg10[%swap3A_810, %swap3A_811] {strides = array<i32>} : memref<128x128xf32, #tpu.memory_space<vmem>>, vector<1x16xf32>,
          %swap3A_813 = vector.shape_cast %swap3A_812 : vector<1x16xf32> to vector<16xf32>
          %swap3A_814 = vector.shape_cast %mul3A_809 : vector<16xf32> to vector<1x16xf32>
          tpu.vector_store %arg10[%swap3A_810, %swap3A_811], %swap3A_814 {strides = array<i32>} : memref<128x128xf32, #tpu.memory_space<vmem>>, vector<1x16xf32>,
          %get3A_815 = arith.index_cast %add3A_804 : i32 to index
          %get3A_816 = arith.constant 16 : index
          %get3A_817 = tpu.vector_load %arg10[%get3A_815, %get3A_816] {strides = array<i32>} : memref<128x128xf32, #tpu.memory_space<vmem>>, vector<1x16xf32>,
          %get3A_818 = vector.shape_cast %get3A_817 : vector<1x16xf32> to vector<16xf32>
          %mul3A_819 = arith.mulf %get3A_818, %gather3A_800 : vector<16xf32>
          %swap3A_820 = arith.index_cast %add3A_804 : i32 to index
          %swap3A_821 = arith.constant 16 : index
          %swap3A_822 = tpu.vector_load %arg10[%swap3A_820, %swap3A_821] {strides = array<i32>} : memref<128x128xf32, #tpu.memory_space<vmem>>, vector<1x16xf32>,
          %swap3A_823 = vector.shape_cast %swap3A_822 : vector<1x16xf32> to vector<16xf32>
          %swap3A_824 = vector.shape_cast %mul3A_819 : vector<16xf32> to vector<1x16xf32>
          tpu.vector_store %arg10[%swap3A_820, %swap3A_821], %swap3A_824 {strides = array<i32>} : memref<128x128xf32, #tpu.memory_space<vmem>>, vector<1x16xf32>,
          %get3A_825 = arith.index_cast %add3A_804 : i32 to index
          %get3A_826 = arith.constant 32 : index
          %get3A_827 = tpu.vector_load %arg10[%get3A_825, %get3A_826] {strides = array<i32>} : memref<128x128xf32, #tpu.memory_space<vmem>>, vector<1x16xf32>,
          %get3A_828 = vector.shape_cast %get3A_827 : vector<1x16xf32> to vector<16xf32>
          %mul3A_829 = arith.mulf %get3A_828, %gather3A_800 : vector<16xf32>
          %swap3A_830 = arith.index_cast %add3A_804 : i32 to index
          %swap3A_831 = arith.constant 32 : index
          %swap3A_832 = tpu.vector_load %arg10[%swap3A_830, %swap3A_831] {strides = array<i32>} : memref<128x128xf32, #tpu.memory_space<vmem>>, vector<1x16xf32>,
          %swap3A_833 = vector.shape_cast %swap3A_832 : vector<1x16xf32> to vector<16xf32>
          %swap3A_834 = vector.shape_cast %mul3A_829 : vector<16xf32> to vector<1x16xf32>
          tpu.vector_store %arg10[%swap3A_830, %swap3A_831], %swap3A_834 {strides = array<i32>} : memref<128x128xf32, #tpu.memory_space<vmem>>, vector<1x16xf32>,
          %get3A_835 = arith.index_cast %add3A_804 : i32 to index
          %get3A_836 = arith.constant 48 : index
          %get3A_837 = tpu.vector_load %arg10[%get3A_835, %get3A_836] {strides = array<i32>} : memref<128x128xf32, #tpu.memory_space<vmem>>, vector<1x16xf32>,
          %get3A_838 = vector.shape_cast %get3A_837 : vector<1x16xf32> to vector<16xf32>
          %mul3A_839 = arith.mulf %get3A_838, %gather3A_800 : vector<16xf32>
          %swap3A_840 = arith.index_cast %add3A_804 : i32 to index
          %swap3A_841 = arith.constant 48 : index
          %swap3A_842 = tpu.vector_load %arg10[%swap3A_840, %swap3A_841] {strides = array<i32>} : memref<128x128xf32, #tpu.memory_space<vmem>>, vector<1x16xf32>,
          %swap3A_843 = vector.shape_cast %swap3A_842 : vector<1x16xf32> to vector<16xf32>
          %swap3A_844 = vector.shape_cast %mul3A_839 : vector<16xf32> to vector<1x16xf32>
          tpu.vector_store %arg10[%swap3A_840, %swap3A_841], %swap3A_844 {strides = array<i32>} : memref<128x128xf32, #tpu.memory_space<vmem>>, vector<1x16xf32>,
          %get3A_845 = arith.index_cast %add3A_804 : i32 to index
          %get3A_846 = arith.constant 64 : index
          %get3A_847 = tpu.vector_load %arg10[%get3A_845, %get3A_846] {strides = array<i32>} : memref<128x128xf32, #tpu.memory_space<vmem>>, vector<1x16xf32>,
          %get3A_848 = vector.shape_cast %get3A_847 : vector<1x16xf32> to vector<16xf32>
          %mul3A_849 = arith.mulf %get3A_848, %gather3A_800 : vector<16xf32>
          %swap3A_850 = arith.index_cast %add3A_804 : i32 to index
          %swap3A_851 = arith.constant 64 : index
          %swap3A_852 = tpu.vector_load %arg10[%swap3A_850, %swap3A_851] {strides = array<i32>} : memref<128x128xf32, #tpu.memory_space<vmem>>, vector<1x16xf32>,
          %swap3A_853 = vector.shape_cast %swap3A_852 : vector<1x16xf32> to vector<16xf32>
          %swap3A_854 = vector.shape_cast %mul3A_849 : vector<16xf32> to vector<1x16xf32>
          tpu.vector_store %arg10[%swap3A_850, %swap3A_851], %swap3A_854 {strides = array<i32>} : memref<128x128xf32, #tpu.memory_space<vmem>>, vector<1x16xf32>,
          %get3A_855 = arith.index_cast %add3A_804 : i32 to index
          %get3A_856 = arith.constant 80 : index
          %get3A_857 = tpu.vector_load %arg10[%get3A_855, %get3A_856] {strides = array<i32>} : memref<128x128xf32, #tpu.memory_space<vmem>>, vector<1x16xf32>,
          %get3A_858 = vector.shape_cast %get3A_857 : vector<1x16xf32> to vector<16xf32>
          %mul3A_859 = arith.mulf %get3A_858, %gather3A_800 : vector<16xf32>
          %swap3A_860 = arith.index_cast %add3A_804 : i32 to index
          %swap3A_861 = arith.constant 80 : index
          %swap3A_862 = tpu.vector_load %arg10[%swap3A_860, %swap3A_861] {strides = array<i32>} : memref<128x128xf32, #tpu.memory_space<vmem>>, vector<1x16xf32>,
          %swap3A_863 = vector.shape_cast %swap3A_862 : vector<1x16xf32> to vector<16xf32>
          %swap3A_864 = vector.shape_cast %mul3A_859 : vector<16xf32> to vector<1x16xf32>
          tpu.vector_store %arg10[%swap3A_860, %swap3A_861], %swap3A_864 {strides = array<i32>} : memref<128x128xf32, #tpu.memory_space<vmem>>, vector<1x16xf32>,
          %get3A_865 = arith.index_cast %add3A_804 : i32 to index
          %get3A_866 = arith.constant 96 : index
          %get3A_867 = tpu.vector_load %arg10[%get3A_865, %get3A_866] {strides = array<i32>} : memref<128x128xf32, #tpu.memory_space<vmem>>, vector<1x16xf32>,
          %get3A_868 = vector.shape_cast %get3A_867 : vector<1x16xf32> to vector<16xf32>
          %mul3A_869 = arith.mulf %get3A_868, %gather3A_800 : vector<16xf32>
          %swap3A_870 = arith.index_cast %add3A_804 : i32 to index
          %swap3A_871 = arith.constant 96 : index
          %swap3A_872 = tpu.vector_load %arg10[%swap3A_870, %swap3A_871] {strides = array<i32>} : memref<128x128xf32, #tpu.memory_space<vmem>>, vector<1x16xf32>,
          %swap3A_873 = vector.shape_cast %swap3A_872 : vector<1x16xf32> to vector<16xf32>
          %swap3A_874 = vector.shape_cast %mul3A_869 : vector<16xf32> to vector<1x16xf32>
          tpu.vector_store %arg10[%swap3A_870, %swap3A_871], %swap3A_874 {strides = array<i32>} : memref<128x128xf32, #tpu.memory_space<vmem>>, vector<1x16xf32>,
          %get3A_875 = arith.index_cast %add3A_804 : i32 to index
          %get3A_876 = arith.constant 112 : index
          %get3A_877 = tpu.vector_load %arg10[%get3A_875, %get3A_876] {strides = array<i32>} : memref<128x128xf32, #tpu.memory_space<vmem>>, vector<1x16xf32>,
          %get3A_878 = vector.shape_cast %get3A_877 : vector<1x16xf32> to vector<16xf32>
          %mul3A_879 = arith.mulf %get3A_878, %gather3A_800 : vector<16xf32>
          %swap3A_880 = arith.index_cast %add3A_804 : i32 to index
          %swap3A_881 = arith.constant 112 : index
          %swap3A_882 = tpu.vector_load %arg10[%swap3A_880, %swap3A_881] {strides = array<i32>} : memref<128x128xf32, #tpu.memory_space<vmem>>, vector<1x16xf32>,
          %swap3A_883 = vector.shape_cast %swap3A_882 : vector<1x16xf32> to vector<16xf32>
          %swap3A_884 = vector.shape_cast %mul3A_879 : vector<16xf32> to vector<1x16xf32>
          tpu.vector_store %arg10[%swap3A_880, %swap3A_881], %swap3A_884 {strides = array<i32>} : memref<128x128xf32, #tpu.memory_space<vmem>>, vector<1x16xf32>,
          %broadcast_in_dim3A_885 = arith.constant 9 : i32
          %broadcast_in_dim3A_886 = vector.broadcast %broadcast_in_dim3A_885 : i32 to vector<16x1xi32>
          %gather3A_887 = vector.shape_cast %broadcast_in_dim3A_886 : vector<16x1xi32> to vector<16xi32>
          %gather3A_888 = tpu.dynamic_gather %get3A_95[%gather3A_887] in [0] : vector<16xf32>, vector<16xi32> -> vector<16xf32>
          %mul3A_889 = arith.constant 16 : i32
          %mul3A_890 = arith.muli %scan3A_90, %mul3A_889 : i32
          %add3A_891 = arith.constant 9 : i32
          %add3A_892 = arith.addi %mul3A_890, %add3A_891 : i32
          %get3A_893 = arith.index_cast %add3A_892 : i32 to index
          %get3A_894 = arith.constant 0 : index
          %get3A_895 = tpu.vector_load %arg10[%get3A_893, %get3A_894] {strides = array<i32>} : memref<128x128xf32, #tpu.memory_space<vmem>>, vector<1x16xf32>,
          %get3A_896 = vector.shape_cast %get3A_895 : vector<1x16xf32> to vector<16xf32>
          %mul3A_897 = arith.mulf %get3A_896, %gather3A_888 : vector<16xf32>
          %swap3A_898 = arith.index_cast %add3A_892 : i32 to index
          %swap3A_899 = arith.constant 0 : index
          %swap3A_900 = tpu.vector_load %arg10[%swap3A_898, %swap3A_899] {strides = array<i32>} : memref<128x128xf32, #tpu.memory_space<vmem>>, vector<1x16xf32>,
          %swap3A_901 = vector.shape_cast %swap3A_900 : vector<1x16xf32> to vector<16xf32>
          %swap3A_902 = vector.shape_cast %mul3A_897 : vector<16xf32> to vector<1x16xf32>
          tpu.vector_store %arg10[%swap3A_898, %swap3A_899], %swap3A_902 {strides = array<i32>} : memref<128x128xf32, #tpu.memory_space<vmem>>, vector<1x16xf32>,
          %get3A_903 = arith.index_cast %add3A_892 : i32 to index
          %get3A_904 = arith.constant 16 : index
          %get3A_905 = tpu.vector_load %arg10[%get3A_903, %get3A_904] {strides = array<i32>} : memref<128x128xf32, #tpu.memory_space<vmem>>, vector<1x16xf32>,
          %get3A_906 = vector.shape_cast %get3A_905 : vector<1x16xf32> to vector<16xf32>
          %mul3A_907 = arith.mulf %get3A_906, %gather3A_888 : vector<16xf32>
          %swap3A_908 = arith.index_cast %add3A_892 : i32 to index
          %swap3A_909 = arith.constant 16 : index
          %swap3A_910 = tpu.vector_load %arg10[%swap3A_908, %swap3A_909] {strides = array<i32>} : memref<128x128xf32, #tpu.memory_space<vmem>>, vector<1x16xf32>,
          %swap3A_911 = vector.shape_cast %swap3A_910 : vector<1x16xf32> to vector<16xf32>
          %swap3A_912 = vector.shape_cast %mul3A_907 : vector<16xf32> to vector<1x16xf32>
          tpu.vector_store %arg10[%swap3A_908, %swap3A_909], %swap3A_912 {strides = array<i32>} : memref<128x128xf32, #tpu.memory_space<vmem>>, vector<1x16xf32>,
          %get3A_913 = arith.index_cast %add3A_892 : i32 to index
          %get3A_914 = arith.constant 32 : index
          %get3A_915 = tpu.vector_load %arg10[%get3A_913, %get3A_914] {strides = array<i32>} : memref<128x128xf32, #tpu.memory_space<vmem>>, vector<1x16xf32>,
          %get3A_916 = vector.shape_cast %get3A_915 : vector<1x16xf32> to vector<16xf32>
          %mul3A_917 = arith.mulf %get3A_916, %gather3A_888 : vector<16xf32>
          %swap3A_918 = arith.index_cast %add3A_892 : i32 to index
          %swap3A_919 = arith.constant 32 : index
          %swap3A_920 = tpu.vector_load %arg10[%swap3A_918, %swap3A_919] {strides = array<i32>} : memref<128x128xf32, #tpu.memory_space<vmem>>, vector<1x16xf32>,
          %swap3A_921 = vector.shape_cast %swap3A_920 : vector<1x16xf32> to vector<16xf32>
          %swap3A_922 = vector.shape_cast %mul3A_917 : vector<16xf32> to vector<1x16xf32>
          tpu.vector_store %arg10[%swap3A_918, %swap3A_919], %swap3A_922 {strides = array<i32>} : memref<128x128xf32, #tpu.memory_space<vmem>>, vector<1x16xf32>,
          %get3A_923 = arith.index_cast %add3A_892 : i32 to index
          %get3A_924 = arith.constant 48 : index
          %get3A_925 = tpu.vector_load %arg10[%get3A_923, %get3A_924] {strides = array<i32>} : memref<128x128xf32, #tpu.memory_space<vmem>>, vector<1x16xf32>,
          %get3A_926 = vector.shape_cast %get3A_925 : vector<1x16xf32> to vector<16xf32>
          %mul3A_927 = arith.mulf %get3A_926, %gather3A_888 : vector<16xf32>
          %swap3A_928 = arith.index_cast %add3A_892 : i32 to index
          %swap3A_929 = arith.constant 48 : index
          %swap3A_930 = tpu.vector_load %arg10[%swap3A_928, %swap3A_929] {strides = array<i32>} : memref<128x128xf32, #tpu.memory_space<vmem>>, vector<1x16xf32>,
          %swap3A_931 = vector.shape_cast %swap3A_930 : vector<1x16xf32> to vector<16xf32>
          %swap3A_932 = vector.shape_cast %mul3A_927 : vector<16xf32> to vector<1x16xf32>
          tpu.vector_store %arg10[%swap3A_928, %swap3A_929], %swap3A_932 {strides = array<i32>} : memref<128x128xf32, #tpu.memory_space<vmem>>, vector<1x16xf32>,
          %get3A_933 = arith.index_cast %add3A_892 : i32 to index
          %get3A_934 = arith.constant 64 : index
          %get3A_935 = tpu.vector_load %arg10[%get3A_933, %get3A_934] {strides = array<i32>} : memref<128x128xf32, #tpu.memory_space<vmem>>, vector<1x16xf32>,
          %get3A_936 = vector.shape_cast %get3A_935 : vector<1x16xf32> to vector<16xf32>
          %mul3A_937 = arith.mulf %get3A_936, %gather3A_888 : vector<16xf32>
          %swap3A_938 = arith.index_cast %add3A_892 : i32 to index
          %swap3A_939 = arith.constant 64 : index
          %swap3A_940 = tpu.vector_load %arg10[%swap3A_938, %swap3A_939] {strides = array<i32>} : memref<128x128xf32, #tpu.memory_space<vmem>>, vector<1x16xf32>,
          %swap3A_941 = vector.shape_cast %swap3A_940 : vector<1x16xf32> to vector<16xf32>
          %swap3A_942 = vector.shape_cast %mul3A_937 : vector<16xf32> to vector<1x16xf32>
          tpu.vector_store %arg10[%swap3A_938, %swap3A_939], %swap3A_942 {strides = array<i32>} : memref<128x128xf32, #tpu.memory_space<vmem>>, vector<1x16xf32>,
          %get3A_943 = arith.index_cast %add3A_892 : i32 to index
          %get3A_944 = arith.constant 80 : index
          %get3A_945 = tpu.vector_load %arg10[%get3A_943, %get3A_944] {strides = array<i32>} : memref<128x128xf32, #tpu.memory_space<vmem>>, vector<1x16xf32>,
          %get3A_946 = vector.shape_cast %get3A_945 : vector<1x16xf32> to vector<16xf32>
          %mul3A_947 = arith.mulf %get3A_946, %gather3A_888 : vector<16xf32>
          %swap3A_948 = arith.index_cast %add3A_892 : i32 to index
          %swap3A_949 = arith.constant 80 : index
          %swap3A_950 = tpu.vector_load %arg10[%swap3A_948, %swap3A_949] {strides = array<i32>} : memref<128x128xf32, #tpu.memory_space<vmem>>, vector<1x16xf32>,
          %swap3A_951 = vector.shape_cast %swap3A_950 : vector<1x16xf32> to vector<16xf32>
          %swap3A_952 = vector.shape_cast %mul3A_947 : vector<16xf32> to vector<1x16xf32>
          tpu.vector_store %arg10[%swap3A_948, %swap3A_949], %swap3A_952 {strides = array<i32>} : memref<128x128xf32, #tpu.memory_space<vmem>>, vector<1x16xf32>,
          %get3A_953 = arith.index_cast %add3A_892 : i32 to index
          %get3A_954 = arith.constant 96 : index
          %get3A_955 = tpu.vector_load %arg10[%get3A_953, %get3A_954] {strides = array<i32>} : memref<128x128xf32, #tpu.memory_space<vmem>>, vector<1x16xf32>,
          %get3A_956 = vector.shape_cast %get3A_955 : vector<1x16xf32> to vector<16xf32>
          %mul3A_957 = arith.mulf %get3A_956, %gather3A_888 : vector<16xf32>
          %swap3A_958 = arith.index_cast %add3A_892 : i32 to index
          %swap3A_959 = arith.constant 96 : index
          %swap3A_960 = tpu.vector_load %arg10[%swap3A_958, %swap3A_959] {strides = array<i32>} : memref<128x128xf32, #tpu.memory_space<vmem>>, vector<1x16xf32>,
          %swap3A_961 = vector.shape_cast %swap3A_960 : vector<1x16xf32> to vector<16xf32>
          %swap3A_962 = vector.shape_cast %mul3A_957 : vector<16xf32> to vector<1x16xf32>
          tpu.vector_store %arg10[%swap3A_958, %swap3A_959], %swap3A_962 {strides = array<i32>} : memref<128x128xf32, #tpu.memory_space<vmem>>, vector<1x16xf32>,
          %get3A_963 = arith.index_cast %add3A_892 : i32 to index
          %get3A_964 = arith.constant 112 : index
          %get3A_965 = tpu.vector_load %arg10[%get3A_963, %get3A_964] {strides = array<i32>} : memref<128x128xf32, #tpu.memory_space<vmem>>, vector<1x16xf32>,
          %get3A_966 = vector.shape_cast %get3A_965 : vector<1x16xf32> to vector<16xf32>
          %mul3A_967 = arith.mulf %get3A_966, %gather3A_888 : vector<16xf32>
          %swap3A_968 = arith.index_cast %add3A_892 : i32 to index
          %swap3A_969 = arith.constant 112 : index
          %swap3A_970 = tpu.vector_load %arg10[%swap3A_968, %swap3A_969] {strides = array<i32>} : memref<128x128xf32, #tpu.memory_space<vmem>>, vector<1x16xf32>,
          %swap3A_971 = vector.shape_cast %swap3A_970 : vector<1x16xf32> to vector<16xf32>
          %swap3A_972 = vector.shape_cast %mul3A_967 : vector<16xf32> to vector<1x16xf32>
          tpu.vector_store %arg10[%swap3A_968, %swap3A_969], %swap3A_972 {strides = array<i32>} : memref<128x128xf32, #tpu.memory_space<vmem>>, vector<1x16xf32>,
          %broadcast_in_dim3A_973 = arith.constant 10 : i32
          %broadcast_in_dim3A_974 = vector.broadcast %broadcast_in_dim3A_973 : i32 to vector<16x1xi32>
          %gather3A_975 = vector.shape_cast %broadcast_in_dim3A_974 : vector<16x1xi32> to vector<16xi32>
          %gather3A_976 = tpu.dynamic_gather %get3A_95[%gather3A_975] in [0] : vector<16xf32>, vector<16xi32> -> vector<16xf32>
          %mul3A_977 = arith.constant 16 : i32
          %mul3A_978 = arith.muli %scan3A_90, %mul3A_977 : i32
          %add3A_979 = arith.constant 10 : i32
          %add3A_980 = arith.addi %mul3A_978, %add3A_979 : i32
          %get3A_981 = arith.index_cast %add3A_980 : i32 to index
          %get3A_982 = arith.constant 0 : index
          %get3A_983 = tpu.vector_load %arg10[%get3A_981, %get3A_982] {strides = array<i32>} : memref<128x128xf32, #tpu.memory_space<vmem>>, vector<1x16xf32>,
          %get3A_984 = vector.shape_cast %get3A_983 : vector<1x16xf32> to vector<16xf32>
          %mul3A_985 = arith.mulf %get3A_984, %gather3A_976 : vector<16xf32>
          %swap3A_986 = arith.index_cast %add3A_980 : i32 to index
          %swap3A_987 = arith.constant 0 : index
          %swap3A_988 = tpu.vector_load %arg10[%swap3A_986, %swap3A_987] {strides = array<i32>} : memref<128x128xf32, #tpu.memory_space<vmem>>, vector<1x16xf32>,
          %swap3A_989 = vector.shape_cast %swap3A_988 : vector<1x16xf32> to vector<16xf32>
          %swap3A_990 = vector.shape_cast %mul3A_985 : vector<16xf32> to vector<1x16xf32>
          tpu.vector_store %arg10[%swap3A_986, %swap3A_987], %swap3A_990 {strides = array<i32>} : memref<128x128xf32, #tpu.memory_space<vmem>>, vector<1x16xf32>,
          %get3A_991 = arith.index_cast %add3A_980 : i32 to index
          %get3A_992 = arith.constant 16 : index
          %get3A_993 = tpu.vector_load %arg10[%get3A_991, %get3A_992] {strides = array<i32>} : memref<128x128xf32, #tpu.memory_space<vmem>>, vector<1x16xf32>,
          %get3A_994 = vector.shape_cast %get3A_993 : vector<1x16xf32> to vector<16xf32>
          %mul3A_995 = arith.mulf %get3A_994, %gather3A_976 : vector<16xf32>
          %swap3A_996 = arith.index_cast %add3A_980 : i32 to index
          %swap3A_997 = arith.constant 16 : index
          %swap3A_998 = tpu.vector_load %arg10[%swap3A_996, %swap3A_997] {strides = array<i32>} : memref<128x128xf32, #tpu.memory_space<vmem>>, vector<1x16xf32>,
          %swap3A_999 = vector.shape_cast %swap3A_998 : vector<1x16xf32> to vector<16xf32>
          %swap3A_1000 = vector.shape_cast %mul3A_995 : vector<16xf32> to vector<1x16xf32>
          tpu.vector_store %arg10[%swap3A_996, %swap3A_997], %swap3A_1000 {strides = array<i32>} : memref<128x128xf32, #tpu.memory_space<vmem>>, vector<1x16xf32>,
          %get3A_1001 = arith.index_cast %add3A_980 : i32 to index
          %get3A_1002 = arith.constant 32 : index
          %get3A_1003 = tpu.vector_load %arg10[%get3A_1001, %get3A_1002] {strides = array<i32>} : memref<128x128xf32, #tpu.memory_space<vmem>>, vector<1x16xf32>,
          %get3A_1004 = vector.shape_cast %get3A_1003 : vector<1x16xf32> to vector<16xf32>
          %mul3A_1005 = arith.mulf %get3A_1004, %gather3A_976 : vector<16xf32>
          %swap3A_1006 = arith.index_cast %add3A_980 : i32 to index
          %swap3A_1007 = arith.constant 32 : index
          %swap3A_1008 = tpu.vector_load %arg10[%swap3A_1006, %swap3A_1007] {strides = array<i32>} : memref<128x128xf32, #tpu.memory_space<vmem>>, vector<1x16xf32>,
          %swap3A_1009 = vector.shape_cast %swap3A_1008 : vector<1x16xf32> to vector<16xf32>
          %swap3A_1010 = vector.shape_cast %mul3A_1005 : vector<16xf32> to vector<1x16xf32>
          tpu.vector_store %arg10[%swap3A_1006, %swap3A_1007], %swap3A_1010 {strides = array<i32>} : memref<128x128xf32, #tpu.memory_space<vmem>>, vector<1x16xf32>,
          %get3A_1011 = arith.index_cast %add3A_980 : i32 to index
          %get3A_1012 = arith.constant 48 : index
          %get3A_1013 = tpu.vector_load %arg10[%get3A_1011, %get3A_1012] {strides = array<i32>} : memref<128x128xf32, #tpu.memory_space<vmem>>, vector<1x16xf32>,
          %get3A_1014 = vector.shape_cast %get3A_1013 : vector<1x16xf32> to vector<16xf32>
          %mul3A_1015 = arith.mulf %get3A_1014, %gather3A_976 : vector<16xf32>
          %swap3A_1016 = arith.index_cast %add3A_980 : i32 to index
          %swap3A_1017 = arith.constant 48 : index
          %swap3A_1018 = tpu.vector_load %arg10[%swap3A_1016, %swap3A_1017] {strides = array<i32>} : memref<128x128xf32, #tpu.memory_space<vmem>>, vector<1x16xf32>,
          %swap3A_1019 = vector.shape_cast %swap3A_1018 : vector<1x16xf32> to vector<16xf32>
          %swap3A_1020 = vector.shape_cast %mul3A_1015 : vector<16xf32> to vector<1x16xf32>
          tpu.vector_store %arg10[%swap3A_1016, %swap3A_1017], %swap3A_1020 {strides = array<i32>} : memref<128x128xf32, #tpu.memory_space<vmem>>, vector<1x16xf32>,
          %get3A_1021 = arith.index_cast %add3A_980 : i32 to index
          %get3A_1022 = arith.constant 64 : index
          %get3A_1023 = tpu.vector_load %arg10[%get3A_1021, %get3A_1022] {strides = array<i32>} : memref<128x128xf32, #tpu.memory_space<vmem>>, vector<1x16xf32>,
          %get3A_1024 = vector.shape_cast %get3A_1023 : vector<1x16xf32> to vector<16xf32>
          %mul3A_1025 = arith.mulf %get3A_1024, %gather3A_976 : vector<16xf32>
          %swap3A_1026 = arith.index_cast %add3A_980 : i32 to index
          %swap3A_1027 = arith.constant 64 : index
          %swap3A_1028 = tpu.vector_load %arg10[%swap3A_1026, %swap3A_1027] {strides = array<i32>} : memref<128x128xf32, #tpu.memory_space<vmem>>, vector<1x16xf32>,
          %swap3A_1029 = vector.shape_cast %swap3A_1028 : vector<1x16xf32> to vector<16xf32>
          %swap3A_1030 = vector.shape_cast %mul3A_1025 : vector<16xf32> to vector<1x16xf32>
          tpu.vector_store %arg10[%swap3A_1026, %swap3A_1027], %swap3A_1030 {strides = array<i32>} : memref<128x128xf32, #tpu.memory_space<vmem>>, vector<1x16xf32>,
          %get3A_1031 = arith.index_cast %add3A_980 : i32 to index
          %get3A_1032 = arith.constant 80 : index
          %get3A_1033 = tpu.vector_load %arg10[%get3A_1031, %get3A_1032] {strides = array<i32>} : memref<128x128xf32, #tpu.memory_space<vmem>>, vector<1x16xf32>,
          %get3A_1034 = vector.shape_cast %get3A_1033 : vector<1x16xf32> to vector<16xf32>
          %mul3A_1035 = arith.mulf %get3A_1034, %gather3A_976 : vector<16xf32>
          %swap3A_1036 = arith.index_cast %add3A_980 : i32 to index
          %swap3A_1037 = arith.constant 80 : index
          %swap3A_1038 = tpu.vector_load %arg10[%swap3A_1036, %swap3A_1037] {strides = array<i32>} : memref<128x128xf32, #tpu.memory_space<vmem>>, vector<1x16xf32>,
          %swap3A_1039 = vector.shape_cast %swap3A_1038 : vector<1x16xf32> to vector<16xf32>
          %swap3A_1040 = vector.shape_cast %mul3A_1035 : vector<16xf32> to vector<1x16xf32>
          tpu.vector_store %arg10[%swap3A_1036, %swap3A_1037], %swap3A_1040 {strides = array<i32>} : memref<128x128xf32, #tpu.memory_space<vmem>>, vector<1x16xf32>,
          %get3A_1041 = arith.index_cast %add3A_980 : i32 to index
          %get3A_1042 = arith.constant 96 : index
          %get3A_1043 = tpu.vector_load %arg10[%get3A_1041, %get3A_1042] {strides = array<i32>} : memref<128x128xf32, #tpu.memory_space<vmem>>, vector<1x16xf32>,
          %get3A_1044 = vector.shape_cast %get3A_1043 : vector<1x16xf32> to vector<16xf32>
          %mul3A_1045 = arith.mulf %get3A_1044, %gather3A_976 : vector<16xf32>
          %swap3A_1046 = arith.index_cast %add3A_980 : i32 to index
          %swap3A_1047 = arith.constant 96 : index
          %swap3A_1048 = tpu.vector_load %arg10[%swap3A_1046, %swap3A_1047] {strides = array<i32>} : memref<128x128xf32, #tpu.memory_space<vmem>>, vector<1x16xf32>,
          %swap3A_1049 = vector.shape_cast %swap3A_1048 : vector<1x16xf32> to vector<16xf32>
          %swap3A_1050 = vector.shape_cast %mul3A_1045 : vector<16xf32> to vector<1x16xf32>
          tpu.vector_store %arg10[%swap3A_1046, %swap3A_1047], %swap3A_1050 {strides = array<i32>} : memref<128x128xf32, #tpu.memory_space<vmem>>, vector<1x16xf32>,
          %get3A_1051 = arith.index_cast %add3A_980 : i32 to index
          %get3A_1052 = arith.constant 112 : index
          %get3A_1053 = tpu.vector_load %arg10[%get3A_1051, %get3A_1052] {strides = array<i32>} : memref<128x128xf32, #tpu.memory_space<vmem>>, vector<1x16xf32>,
          %get3A_1054 = vector.shape_cast %get3A_1053 : vector<1x16xf32> to vector<16xf32>
          %mul3A_1055 = arith.mulf %get3A_1054, %gather3A_976 : vector<16xf32>
          %swap3A_1056 = arith.index_cast %add3A_980 : i32 to index
          %swap3A_1057 = arith.constant 112 : index
          %swap3A_1058 = tpu.vector_load %arg10[%swap3A_1056, %swap3A_1057] {strides = array<i32>} : memref<128x128xf32, #tpu.memory_space<vmem>>, vector<1x16xf32>,
          %swap3A_1059 = vector.shape_cast %swap3A_1058 : vector<1x16xf32> to vector<16xf32>
          %swap3A_1060 = vector.shape_cast %mul3A_1055 : vector<16xf32> to vector<1x16xf32>
          tpu.vector_store %arg10[%swap3A_1056, %swap3A_1057], %swap3A_1060 {strides = array<i32>} : memref<128x128xf32, #tpu.memory_space<vmem>>, vector<1x16xf32>,
          %broadcast_in_dim3A_1061 = arith.constant 11 : i32
          %broadcast_in_dim3A_1062 = vector.broadcast %broadcast_in_dim3A_1061 : i32 to vector<16x1xi32>
          %gather3A_1063 = vector.shape_cast %broadcast_in_dim3A_1062 : vector<16x1xi32> to vector<16xi32>
          %gather3A_1064 = tpu.dynamic_gather %get3A_95[%gather3A_1063] in [0] : vector<16xf32>, vector<16xi32> -> vector<16xf32>
          %mul3A_1065 = arith.constant 16 : i32
          %mul3A_1066 = arith.muli %scan3A_90, %mul3A_1065 : i32
          %add3A_1067 = arith.constant 11 : i32
          %add3A_1068 = arith.addi %mul3A_1066, %add3A_1067 : i32
          %get3A_1069 = arith.index_cast %add3A_1068 : i32 to index
          %get3A_1070 = arith.constant 0 : index
          %get3A_1071 = tpu.vector_load %arg10[%get3A_1069, %get3A_1070] {strides = array<i32>} : memref<128x128xf32, #tpu.memory_space<vmem>>, vector<1x16xf32>,
          %get3A_1072 = vector.shape_cast %get3A_1071 : vector<1x16xf32> to vector<16xf32>
          %mul3A_1073 = arith.mulf %get3A_1072, %gather3A_1064 : vector<16xf32>
          %swap3A_1074 = arith.index_cast %add3A_1068 : i32 to index
          %swap3A_1075 = arith.constant 0 : index
          %swap3A_1076 = tpu.vector_load %arg10[%swap3A_1074, %swap3A_1075] {strides = array<i32>} : memref<128x128xf32, #tpu.memory_space<vmem>>, vector<1x16xf32>,
          %swap3A_1077 = vector.shape_cast %swap3A_1076 : vector<1x16xf32> to vector<16xf32>
          %swap3A_1078 = vector.shape_cast %mul3A_1073 : vector<16xf32> to vector<1x16xf32>
          tpu.vector_store %arg10[%swap3A_1074, %swap3A_1075], %swap3A_1078 {strides = array<i32>} : memref<128x128xf32, #tpu.memory_space<vmem>>, vector<1x16xf32>,
          %get3A_1079 = arith.index_cast %add3A_1068 : i32 to index
          %get3A_1080 = arith.constant 16 : index
          %get3A_1081 = tpu.vector_load %arg10[%get3A_1079, %get3A_1080] {strides = array<i32>} : memref<128x128xf32, #tpu.memory_space<vmem>>, vector<1x16xf32>,
          %get3A_1082 = vector.shape_cast %get3A_1081 : vector<1x16xf32> to vector<16xf32>
          %mul3A_1083 = arith.mulf %get3A_1082, %gather3A_1064 : vector<16xf32>
          %swap3A_1084 = arith.index_cast %add3A_1068 : i32 to index
          %swap3A_1085 = arith.constant 16 : index
          %swap3A_1086 = tpu.vector_load %arg10[%swap3A_1084, %swap3A_1085] {strides = array<i32>} : memref<128x128xf32, #tpu.memory_space<vmem>>, vector<1x16xf32>,
          %swap3A_1087 = vector.shape_cast %swap3A_1086 : vector<1x16xf32> to vector<16xf32>
          %swap3A_1088 = vector.shape_cast %mul3A_1083 : vector<16xf32> to vector<1x16xf32>
          tpu.vector_store %arg10[%swap3A_1084, %swap3A_1085], %swap3A_1088 {strides = array<i32>} : memref<128x128xf32, #tpu.memory_space<vmem>>, vector<1x16xf32>,
          %get3A_1089 = arith.index_cast %add3A_1068 : i32 to index
          %get3A_1090 = arith.constant 32 : index
          %get3A_1091 = tpu.vector_load %arg10[%get3A_1089, %get3A_1090] {strides = array<i32>} : memref<128x128xf32, #tpu.memory_space<vmem>>, vector<1x16xf32>,
          %get3A_1092 = vector.shape_cast %get3A_1091 : vector<1x16xf32> to vector<16xf32>
          %mul3A_1093 = arith.mulf %get3A_1092, %gather3A_1064 : vector<16xf32>
          %swap3A_1094 = arith.index_cast %add3A_1068 : i32 to index
          %swap3A_1095 = arith.constant 32 : index
          %swap3A_1096 = tpu.vector_load %arg10[%swap3A_1094, %swap3A_1095] {strides = array<i32>} : memref<128x128xf32, #tpu.memory_space<vmem>>, vector<1x16xf32>,
          %swap3A_1097 = vector.shape_cast %swap3A_1096 : vector<1x16xf32> to vector<16xf32>
          %swap3A_1098 = vector.shape_cast %mul3A_1093 : vector<16xf32> to vector<1x16xf32>
          tpu.vector_store %arg10[%swap3A_1094, %swap3A_1095], %swap3A_1098 {strides = array<i32>} : memref<128x128xf32, #tpu.memory_space<vmem>>, vector<1x16xf32>,
          %get3A_1099 = arith.index_cast %add3A_1068 : i32 to index
          %get3A_1100 = arith.constant 48 : index
          %get3A_1101 = tpu.vector_load %arg10[%get3A_1099, %get3A_1100] {strides = array<i32>} : memref<128x128xf32, #tpu.memory_space<vmem>>, vector<1x16xf32>,
          %get3A_1102 = vector.shape_cast %get3A_1101 : vector<1x16xf32> to vector<16xf32>
          %mul3A_1103 = arith.mulf %get3A_1102, %gather3A_1064 : vector<16xf32>
          %swap3A_1104 = arith.index_cast %add3A_1068 : i32 to index
          %swap3A_1105 = arith.constant 48 : index
          %swap3A_1106 = tpu.vector_load %arg10[%swap3A_1104, %swap3A_1105] {strides = array<i32>} : memref<128x128xf32, #tpu.memory_space<vmem>>, vector<1x16xf32>,
          %swap3A_1107 = vector.shape_cast %swap3A_1106 : vector<1x16xf32> to vector<16xf32>
          %swap3A_1108 = vector.shape_cast %mul3A_1103 : vector<16xf32> to vector<1x16xf32>
          tpu.vector_store %arg10[%swap3A_1104, %swap3A_1105], %swap3A_1108 {strides = array<i32>} : memref<128x128xf32, #tpu.memory_space<vmem>>, vector<1x16xf32>,
          %get3A_1109 = arith.index_cast %add3A_1068 : i32 to index
          %get3A_1110 = arith.constant 64 : index
          %get3A_1111 = tpu.vector_load %arg10[%get3A_1109, %get3A_1110] {strides = array<i32>} : memref<128x128xf32, #tpu.memory_space<vmem>>, vector<1x16xf32>,
          %get3A_1112 = vector.shape_cast %get3A_1111 : vector<1x16xf32> to vector<16xf32>
          %mul3A_1113 = arith.mulf %get3A_1112, %gather3A_1064 : vector<16xf32>
          %swap3A_1114 = arith.index_cast %add3A_1068 : i32 to index
          %swap3A_1115 = arith.constant 64 : index
          %swap3A_1116 = tpu.vector_load %arg10[%swap3A_1114, %swap3A_1115] {strides = array<i32>} : memref<128x128xf32, #tpu.memory_space<vmem>>, vector<1x16xf32>,
          %swap3A_1117 = vector.shape_cast %swap3A_1116 : vector<1x16xf32> to vector<16xf32>
          %swap3A_1118 = vector.shape_cast %mul3A_1113 : vector<16xf32> to vector<1x16xf32>
          tpu.vector_store %arg10[%swap3A_1114, %swap3A_1115], %swap3A_1118 {strides = array<i32>} : memref<128x128xf32, #tpu.memory_space<vmem>>, vector<1x16xf32>,
          %get3A_1119 = arith.index_cast %add3A_1068 : i32 to index
          %get3A_1120 = arith.constant 80 : index
          %get3A_1121 = tpu.vector_load %arg10[%get3A_1119, %get3A_1120] {strides = array<i32>} : memref<128x128xf32, #tpu.memory_space<vmem>>, vector<1x16xf32>,
          %get3A_1122 = vector.shape_cast %get3A_1121 : vector<1x16xf32> to vector<16xf32>
          %mul3A_1123 = arith.mulf %get3A_1122, %gather3A_1064 : vector<16xf32>
          %swap3A_1124 = arith.index_cast %add3A_1068 : i32 to index
          %swap3A_1125 = arith.constant 80 : index
          %swap3A_1126 = tpu.vector_load %arg10[%swap3A_1124, %swap3A_1125] {strides = array<i32>} : memref<128x128xf32, #tpu.memory_space<vmem>>, vector<1x16xf32>,
          %swap3A_1127 = vector.shape_cast %swap3A_1126 : vector<1x16xf32> to vector<16xf32>
          %swap3A_1128 = vector.shape_cast %mul3A_1123 : vector<16xf32> to vector<1x16xf32>
          tpu.vector_store %arg10[%swap3A_1124, %swap3A_1125], %swap3A_1128 {strides = array<i32>} : memref<128x128xf32, #tpu.memory_space<vmem>>, vector<1x16xf32>,
          %get3A_1129 = arith.index_cast %add3A_1068 : i32 to index
          %get3A_1130 = arith.constant 96 : index
          %get3A_1131 = tpu.vector_load %arg10[%get3A_1129, %get3A_1130] {strides = array<i32>} : memref<128x128xf32, #tpu.memory_space<vmem>>, vector<1x16xf32>,
          %get3A_1132 = vector.shape_cast %get3A_1131 : vector<1x16xf32> to vector<16xf32>
          %mul3A_1133 = arith.mulf %get3A_1132, %gather3A_1064 : vector<16xf32>
          %swap3A_1134 = arith.index_cast %add3A_1068 : i32 to index
          %swap3A_1135 = arith.constant 96 : index
          %swap3A_1136 = tpu.vector_load %arg10[%swap3A_1134, %swap3A_1135] {strides = array<i32>} : memref<128x128xf32, #tpu.memory_space<vmem>>, vector<1x16xf32>,
          %swap3A_1137 = vector.shape_cast %swap3A_1136 : vector<1x16xf32> to vector<16xf32>
          %swap3A_1138 = vector.shape_cast %mul3A_1133 : vector<16xf32> to vector<1x16xf32>
          tpu.vector_store %arg10[%swap3A_1134, %swap3A_1135], %swap3A_1138 {strides = array<i32>} : memref<128x128xf32, #tpu.memory_space<vmem>>, vector<1x16xf32>,
          %get3A_1139 = arith.index_cast %add3A_1068 : i32 to index
          %get3A_1140 = arith.constant 112 : index
          %get3A_1141 = tpu.vector_load %arg10[%get3A_1139, %get3A_1140] {strides = array<i32>} : memref<128x128xf32, #tpu.memory_space<vmem>>, vector<1x16xf32>,
          %get3A_1142 = vector.shape_cast %get3A_1141 : vector<1x16xf32> to vector<16xf32>
          %mul3A_1143 = arith.mulf %get3A_1142, %gather3A_1064 : vector<16xf32>
          %swap3A_1144 = arith.index_cast %add3A_1068 : i32 to index
          %swap3A_1145 = arith.constant 112 : index
          %swap3A_1146 = tpu.vector_load %arg10[%swap3A_1144, %swap3A_1145] {strides = array<i32>} : memref<128x128xf32, #tpu.memory_space<vmem>>, vector<1x16xf32>,
          %swap3A_1147 = vector.shape_cast %swap3A_1146 : vector<1x16xf32> to vector<16xf32>
          %swap3A_1148 = vector.shape_cast %mul3A_1143 : vector<16xf32> to vector<1x16xf32>
          tpu.vector_store %arg10[%swap3A_1144, %swap3A_1145], %swap3A_1148 {strides = array<i32>} : memref<128x128xf32, #tpu.memory_space<vmem>>, vector<1x16xf32>,
          %broadcast_in_dim3A_1149 = arith.constant 12 : i32
          %broadcast_in_dim3A_1150 = vector.broadcast %broadcast_in_dim3A_1149 : i32 to vector<16x1xi32>
          %gather3A_1151 = vector.shape_cast %broadcast_in_dim3A_1150 : vector<16x1xi32> to vector<16xi32>
          %gather3A_1152 = tpu.dynamic_gather %get3A_95[%gather3A_1151] in [0] : vector<16xf32>, vector<16xi32> -> vector<16xf32>
          %mul3A_1153 = arith.constant 16 : i32
          %mul3A_1154 = arith.muli %scan3A_90, %mul3A_1153 : i32
          %add3A_1155 = arith.constant 12 : i32
          %add3A_1156 = arith.addi %mul3A_1154, %add3A_1155 : i32
          %get3A_1157 = arith.index_cast %add3A_1156 : i32 to index
          %get3A_1158 = arith.constant 0 : index
          %get3A_1159 = tpu.vector_load %arg10[%get3A_1157, %get3A_1158] {strides = array<i32>} : memref<128x128xf32, #tpu.memory_space<vmem>>, vector<1x16xf32>,
          %get3A_1160 = vector.shape_cast %get3A_1159 : vector<1x16xf32> to vector<16xf32>
          %mul3A_1161 = arith.mulf %get3A_1160, %gather3A_1152 : vector<16xf32>
          %swap3A_1162 = arith.index_cast %add3A_1156 : i32 to index
          %swap3A_1163 = arith.constant 0 : index
          %swap3A_1164 = tpu.vector_load %arg10[%swap3A_1162, %swap3A_1163] {strides = array<i32>} : memref<128x128xf32, #tpu.memory_space<vmem>>, vector<1x16xf32>,
          %swap3A_1165 = vector.shape_cast %swap3A_1164 : vector<1x16xf32> to vector<16xf32>
          %swap3A_1166 = vector.shape_cast %mul3A_1161 : vector<16xf32> to vector<1x16xf32>
          tpu.vector_store %arg10[%swap3A_1162, %swap3A_1163], %swap3A_1166 {strides = array<i32>} : memref<128x128xf32, #tpu.memory_space<vmem>>, vector<1x16xf32>,
          %get3A_1167 = arith.index_cast %add3A_1156 : i32 to index
          %get3A_1168 = arith.constant 16 : index
          %get3A_1169 = tpu.vector_load %arg10[%get3A_1167, %get3A_1168] {strides = array<i32>} : memref<128x128xf32, #tpu.memory_space<vmem>>, vector<1x16xf32>,
          %get3A_1170 = vector.shape_cast %get3A_1169 : vector<1x16xf32> to vector<16xf32>
          %mul3A_1171 = arith.mulf %get3A_1170, %gather3A_1152 : vector<16xf32>
          %swap3A_1172 = arith.index_cast %add3A_1156 : i32 to index
          %swap3A_1173 = arith.constant 16 : index
          %swap3A_1174 = tpu.vector_load %arg10[%swap3A_1172, %swap3A_1173] {strides = array<i32>} : memref<128x128xf32, #tpu.memory_space<vmem>>, vector<1x16xf32>,
          %swap3A_1175 = vector.shape_cast %swap3A_1174 : vector<1x16xf32> to vector<16xf32>
          %swap3A_1176 = vector.shape_cast %mul3A_1171 : vector<16xf32> to vector<1x16xf32>
          tpu.vector_store %arg10[%swap3A_1172, %swap3A_1173], %swap3A_1176 {strides = array<i32>} : memref<128x128xf32, #tpu.memory_space<vmem>>, vector<1x16xf32>,
          %get3A_1177 = arith.index_cast %add3A_1156 : i32 to index
          %get3A_1178 = arith.constant 32 : index
          %get3A_1179 = tpu.vector_load %arg10[%get3A_1177, %get3A_1178] {strides = array<i32>} : memref<128x128xf32, #tpu.memory_space<vmem>>, vector<1x16xf32>,
          %get3A_1180 = vector.shape_cast %get3A_1179 : vector<1x16xf32> to vector<16xf32>
          %mul3A_1181 = arith.mulf %get3A_1180, %gather3A_1152 : vector<16xf32>
          %swap3A_1182 = arith.index_cast %add3A_1156 : i32 to index
          %swap3A_1183 = arith.constant 32 : index
          %swap3A_1184 = tpu.vector_load %arg10[%swap3A_1182, %swap3A_1183] {strides = array<i32>} : memref<128x128xf32, #tpu.memory_space<vmem>>, vector<1x16xf32>,
          %swap3A_1185 = vector.shape_cast %swap3A_1184 : vector<1x16xf32> to vector<16xf32>
          %swap3A_1186 = vector.shape_cast %mul3A_1181 : vector<16xf32> to vector<1x16xf32>
          tpu.vector_store %arg10[%swap3A_1182, %swap3A_1183], %swap3A_1186 {strides = array<i32>} : memref<128x128xf32, #tpu.memory_space<vmem>>, vector<1x16xf32>,
          %get3A_1187 = arith.index_cast %add3A_1156 : i32 to index
          %get3A_1188 = arith.constant 48 : index
          %get3A_1189 = tpu.vector_load %arg10[%get3A_1187, %get3A_1188] {strides = array<i32>} : memref<128x128xf32, #tpu.memory_space<vmem>>, vector<1x16xf32>,
          %get3A_1190 = vector.shape_cast %get3A_1189 : vector<1x16xf32> to vector<16xf32>
          %mul3A_1191 = arith.mulf %get3A_1190, %gather3A_1152 : vector<16xf32>
          %swap3A_1192 = arith.index_cast %add3A_1156 : i32 to index
          %swap3A_1193 = arith.constant 48 : index
          %swap3A_1194 = tpu.vector_load %arg10[%swap3A_1192, %swap3A_1193] {strides = array<i32>} : memref<128x128xf32, #tpu.memory_space<vmem>>, vector<1x16xf32>,
          %swap3A_1195 = vector.shape_cast %swap3A_1194 : vector<1x16xf32> to vector<16xf32>
          %swap3A_1196 = vector.shape_cast %mul3A_1191 : vector<16xf32> to vector<1x16xf32>
          tpu.vector_store %arg10[%swap3A_1192, %swap3A_1193], %swap3A_1196 {strides = array<i32>} : memref<128x128xf32, #tpu.memory_space<vmem>>, vector<1x16xf32>,
          %get3A_1197 = arith.index_cast %add3A_1156 : i32 to index
          %get3A_1198 = arith.constant 64 : index
          %get3A_1199 = tpu.vector_load %arg10[%get3A_1197, %get3A_1198] {strides = array<i32>} : memref<128x128xf32, #tpu.memory_space<vmem>>, vector<1x16xf32>,
          %get3A_1200 = vector.shape_cast %get3A_1199 : vector<1x16xf32> to vector<16xf32>
          %mul3A_1201 = arith.mulf %get3A_1200, %gather3A_1152 : vector<16xf32>
          %swap3A_1202 = arith.index_cast %add3A_1156 : i32 to index
          %swap3A_1203 = arith.constant 64 : index
          %swap3A_1204 = tpu.vector_load %arg10[%swap3A_1202, %swap3A_1203] {strides = array<i32>} : memref<128x128xf32, #tpu.memory_space<vmem>>, vector<1x16xf32>,
          %swap3A_1205 = vector.shape_cast %swap3A_1204 : vector<1x16xf32> to vector<16xf32>
          %swap3A_1206 = vector.shape_cast %mul3A_1201 : vector<16xf32> to vector<1x16xf32>
          tpu.vector_store %arg10[%swap3A_1202, %swap3A_1203], %swap3A_1206 {strides = array<i32>} : memref<128x128xf32, #tpu.memory_space<vmem>>, vector<1x16xf32>,
          %get3A_1207 = arith.index_cast %add3A_1156 : i32 to index
          %get3A_1208 = arith.constant 80 : index
          %get3A_1209 = tpu.vector_load %arg10[%get3A_1207, %get3A_1208] {strides = array<i32>} : memref<128x128xf32, #tpu.memory_space<vmem>>, vector<1x16xf32>,
          %get3A_1210 = vector.shape_cast %get3A_1209 : vector<1x16xf32> to vector<16xf32>
          %mul3A_1211 = arith.mulf %get3A_1210, %gather3A_1152 : vector<16xf32>
          %swap3A_1212 = arith.index_cast %add3A_1156 : i32 to index
          %swap3A_1213 = arith.constant 80 : index
          %swap3A_1214 = tpu.vector_load %arg10[%swap3A_1212, %swap3A_1213] {strides = array<i32>} : memref<128x128xf32, #tpu.memory_space<vmem>>, vector<1x16xf32>,
          %swap3A_1215 = vector.shape_cast %swap3A_1214 : vector<1x16xf32> to vector<16xf32>
          %swap3A_1216 = vector.shape_cast %mul3A_1211 : vector<16xf32> to vector<1x16xf32>
          tpu.vector_store %arg10[%swap3A_1212, %swap3A_1213], %swap3A_1216 {strides = array<i32>} : memref<128x128xf32, #tpu.memory_space<vmem>>, vector<1x16xf32>,
          %get3A_1217 = arith.index_cast %add3A_1156 : i32 to index
          %get3A_1218 = arith.constant 96 : index
          %get3A_1219 = tpu.vector_load %arg10[%get3A_1217, %get3A_1218] {strides = array<i32>} : memref<128x128xf32, #tpu.memory_space<vmem>>, vector<1x16xf32>,
          %get3A_1220 = vector.shape_cast %get3A_1219 : vector<1x16xf32> to vector<16xf32>
          %mul3A_1221 = arith.mulf %get3A_1220, %gather3A_1152 : vector<16xf32>
          %swap3A_1222 = arith.index_cast %add3A_1156 : i32 to index
          %swap3A_1223 = arith.constant 96 : index
          %swap3A_1224 = tpu.vector_load %arg10[%swap3A_1222, %swap3A_1223] {strides = array<i32>} : memref<128x128xf32, #tpu.memory_space<vmem>>, vector<1x16xf32>,
          %swap3A_1225 = vector.shape_cast %swap3A_1224 : vector<1x16xf32> to vector<16xf32>
          %swap3A_1226 = vector.shape_cast %mul3A_1221 : vector<16xf32> to vector<1x16xf32>
          tpu.vector_store %arg10[%swap3A_1222, %swap3A_1223], %swap3A_1226 {strides = array<i32>} : memref<128x128xf32, #tpu.memory_space<vmem>>, vector<1x16xf32>,
          %get3A_1227 = arith.index_cast %add3A_1156 : i32 to index
          %get3A_1228 = arith.constant 112 : index
          %get3A_1229 = tpu.vector_load %arg10[%get3A_1227, %get3A_1228] {strides = array<i32>} : memref<128x128xf32, #tpu.memory_space<vmem>>, vector<1x16xf32>,
          %get3A_1230 = vector.shape_cast %get3A_1229 : vector<1x16xf32> to vector<16xf32>
          %mul3A_1231 = arith.mulf %get3A_1230, %gather3A_1152 : vector<16xf32>
          %swap3A_1232 = arith.index_cast %add3A_1156 : i32 to index
          %swap3A_1233 = arith.constant 112 : index
          %swap3A_1234 = tpu.vector_load %arg10[%swap3A_1232, %swap3A_1233] {strides = array<i32>} : memref<128x128xf32, #tpu.memory_space<vmem>>, vector<1x16xf32>,
          %swap3A_1235 = vector.shape_cast %swap3A_1234 : vector<1x16xf32> to vector<16xf32>
          %swap3A_1236 = vector.shape_cast %mul3A_1231 : vector<16xf32> to vector<1x16xf32>
          tpu.vector_store %arg10[%swap3A_1232, %swap3A_1233], %swap3A_1236 {strides = array<i32>} : memref<128x128xf32, #tpu.memory_space<vmem>>, vector<1x16xf32>,
          %broadcast_in_dim3A_1237 = arith.constant 13 : i32
          %broadcast_in_dim3A_1238 = vector.broadcast %broadcast_in_dim3A_1237 : i32 to vector<16x1xi32>
          %gather3A_1239 = vector.shape_cast %broadcast_in_dim3A_1238 : vector<16x1xi32> to vector<16xi32>
          %gather3A_1240 = tpu.dynamic_gather %get3A_95[%gather3A_1239] in [0] : vector<16xf32>, vector<16xi32> -> vector<16xf32>
          %mul3A_1241 = arith.constant 16 : i32
          %mul3A_1242 = arith.muli %scan3A_90, %mul3A_1241 : i32
          %add3A_1243 = arith.constant 13 : i32
          %add3A_1244 = arith.addi %mul3A_1242, %add3A_1243 : i32
          %get3A_1245 = arith.index_cast %add3A_1244 : i32 to index
          %get3A_1246 = arith.constant 0 : index
          %get3A_1247 = tpu.vector_load %arg10[%get3A_1245, %get3A_1246] {strides = array<i32>} : memref<128x128xf32, #tpu.memory_space<vmem>>, vector<1x16xf32>,
          %get3A_1248 = vector.shape_cast %get3A_1247 : vector<1x16xf32> to vector<16xf32>
          %mul3A_1249 = arith.mulf %get3A_1248, %gather3A_1240 : vector<16xf32>
          %swap3A_1250 = arith.index_cast %add3A_1244 : i32 to index
          %swap3A_1251 = arith.constant 0 : index
          %swap3A_1252 = tpu.vector_load %arg10[%swap3A_1250, %swap3A_1251] {strides = array<i32>} : memref<128x128xf32, #tpu.memory_space<vmem>>, vector<1x16xf32>,
          %swap3A_1253 = vector.shape_cast %swap3A_1252 : vector<1x16xf32> to vector<16xf32>
          %swap3A_1254 = vector.shape_cast %mul3A_1249 : vector<16xf32> to vector<1x16xf32>
          tpu.vector_store %arg10[%swap3A_1250, %swap3A_1251], %swap3A_1254 {strides = array<i32>} : memref<128x128xf32, #tpu.memory_space<vmem>>, vector<1x16xf32>,
          %get3A_1255 = arith.index_cast %add3A_1244 : i32 to index
          %get3A_1256 = arith.constant 16 : index
          %get3A_1257 = tpu.vector_load %arg10[%get3A_1255, %get3A_1256] {strides = array<i32>} : memref<128x128xf32, #tpu.memory_space<vmem>>, vector<1x16xf32>,
          %get3A_1258 = vector.shape_cast %get3A_1257 : vector<1x16xf32> to vector<16xf32>
          %mul3A_1259 = arith.mulf %get3A_1258, %gather3A_1240 : vector<16xf32>
          %swap3A_1260 = arith.index_cast %add3A_1244 : i32 to index
          %swap3A_1261 = arith.constant 16 : index
          %swap3A_1262 = tpu.vector_load %arg10[%swap3A_1260, %swap3A_1261] {strides = array<i32>} : memref<128x128xf32, #tpu.memory_space<vmem>>, vector<1x16xf32>,
          %swap3A_1263 = vector.shape_cast %swap3A_1262 : vector<1x16xf32> to vector<16xf32>
          %swap3A_1264 = vector.shape_cast %mul3A_1259 : vector<16xf32> to vector<1x16xf32>
          tpu.vector_store %arg10[%swap3A_1260, %swap3A_1261], %swap3A_1264 {strides = array<i32>} : memref<128x128xf32, #tpu.memory_space<vmem>>, vector<1x16xf32>,
          %get3A_1265 = arith.index_cast %add3A_1244 : i32 to index
          %get3A_1266 = arith.constant 32 : index
          %get3A_1267 = tpu.vector_load %arg10[%get3A_1265, %get3A_1266] {strides = array<i32>} : memref<128x128xf32, #tpu.memory_space<vmem>>, vector<1x16xf32>,
          %get3A_1268 = vector.shape_cast %get3A_1267 : vector<1x16xf32> to vector<16xf32>
          %mul3A_1269 = arith.mulf %get3A_1268, %gather3A_1240 : vector<16xf32>
          %swap3A_1270 = arith.index_cast %add3A_1244 : i32 to index
          %swap3A_1271 = arith.constant 32 : index
          %swap3A_1272 = tpu.vector_load %arg10[%swap3A_1270, %swap3A_1271] {strides = array<i32>} : memref<128x128xf32, #tpu.memory_space<vmem>>, vector<1x16xf32>,
          %swap3A_1273 = vector.shape_cast %swap3A_1272 : vector<1x16xf32> to vector<16xf32>
          %swap3A_1274 = vector.shape_cast %mul3A_1269 : vector<16xf32> to vector<1x16xf32>
          tpu.vector_store %arg10[%swap3A_1270, %swap3A_1271], %swap3A_1274 {strides = array<i32>} : memref<128x128xf32, #tpu.memory_space<vmem>>, vector<1x16xf32>,
          %get3A_1275 = arith.index_cast %add3A_1244 : i32 to index
          %get3A_1276 = arith.constant 48 : index
          %get3A_1277 = tpu.vector_load %arg10[%get3A_1275, %get3A_1276] {strides = array<i32>} : memref<128x128xf32, #tpu.memory_space<vmem>>, vector<1x16xf32>,
          %get3A_1278 = vector.shape_cast %get3A_1277 : vector<1x16xf32> to vector<16xf32>
          %mul3A_1279 = arith.mulf %get3A_1278, %gather3A_1240 : vector<16xf32>
          %swap3A_1280 = arith.index_cast %add3A_1244 : i32 to index
          %swap3A_1281 = arith.constant 48 : index
          %swap3A_1282 = tpu.vector_load %arg10[%swap3A_1280, %swap3A_1281] {strides = array<i32>} : memref<128x128xf32, #tpu.memory_space<vmem>>, vector<1x16xf32>,
          %swap3A_1283 = vector.shape_cast %swap3A_1282 : vector<1x16xf32> to vector<16xf32>
          %swap3A_1284 = vector.shape_cast %mul3A_1279 : vector<16xf32> to vector<1x16xf32>
          tpu.vector_store %arg10[%swap3A_1280, %swap3A_1281], %swap3A_1284 {strides = array<i32>} : memref<128x128xf32, #tpu.memory_space<vmem>>, vector<1x16xf32>,
          %get3A_1285 = arith.index_cast %add3A_1244 : i32 to index
          %get3A_1286 = arith.constant 64 : index
          %get3A_1287 = tpu.vector_load %arg10[%get3A_1285, %get3A_1286] {strides = array<i32>} : memref<128x128xf32, #tpu.memory_space<vmem>>, vector<1x16xf32>,
          %get3A_1288 = vector.shape_cast %get3A_1287 : vector<1x16xf32> to vector<16xf32>
          %mul3A_1289 = arith.mulf %get3A_1288, %gather3A_1240 : vector<16xf32>
          %swap3A_1290 = arith.index_cast %add3A_1244 : i32 to index
          %swap3A_1291 = arith.constant 64 : index
          %swap3A_1292 = tpu.vector_load %arg10[%swap3A_1290, %swap3A_1291] {strides = array<i32>} : memref<128x128xf32, #tpu.memory_space<vmem>>, vector<1x16xf32>,
          %swap3A_1293 = vector.shape_cast %swap3A_1292 : vector<1x16xf32> to vector<16xf32>
          %swap3A_1294 = vector.shape_cast %mul3A_1289 : vector<16xf32> to vector<1x16xf32>
          tpu.vector_store %arg10[%swap3A_1290, %swap3A_1291], %swap3A_1294 {strides = array<i32>} : memref<128x128xf32, #tpu.memory_space<vmem>>, vector<1x16xf32>,
          %get3A_1295 = arith.index_cast %add3A_1244 : i32 to index
          %get3A_1296 = arith.constant 80 : index
          %get3A_1297 = tpu.vector_load %arg10[%get3A_1295, %get3A_1296] {strides = array<i32>} : memref<128x128xf32, #tpu.memory_space<vmem>>, vector<1x16xf32>,
          %get3A_1298 = vector.shape_cast %get3A_1297 : vector<1x16xf32> to vector<16xf32>
          %mul3A_1299 = arith.mulf %get3A_1298, %gather3A_1240 : vector<16xf32>
          %swap3A_1300 = arith.index_cast %add3A_1244 : i32 to index
          %swap3A_1301 = arith.constant 80 : index
          %swap3A_1302 = tpu.vector_load %arg10[%swap3A_1300, %swap3A_1301] {strides = array<i32>} : memref<128x128xf32, #tpu.memory_space<vmem>>, vector<1x16xf32>,
          %swap3A_1303 = vector.shape_cast %swap3A_1302 : vector<1x16xf32> to vector<16xf32>
          %swap3A_1304 = vector.shape_cast %mul3A_1299 : vector<16xf32> to vector<1x16xf32>
          tpu.vector_store %arg10[%swap3A_1300, %swap3A_1301], %swap3A_1304 {strides = array<i32>} : memref<128x128xf32, #tpu.memory_space<vmem>>, vector<1x16xf32>,
          %get3A_1305 = arith.index_cast %add3A_1244 : i32 to index
          %get3A_1306 = arith.constant 96 : index
          %get3A_1307 = tpu.vector_load %arg10[%get3A_1305, %get3A_1306] {strides = array<i32>} : memref<128x128xf32, #tpu.memory_space<vmem>>, vector<1x16xf32>,
          %get3A_1308 = vector.shape_cast %get3A_1307 : vector<1x16xf32> to vector<16xf32>
          %mul3A_1309 = arith.mulf %get3A_1308, %gather3A_1240 : vector<16xf32>
          %swap3A_1310 = arith.index_cast %add3A_1244 : i32 to index
          %swap3A_1311 = arith.constant 96 : index
          %swap3A_1312 = tpu.vector_load %arg10[%swap3A_1310, %swap3A_1311] {strides = array<i32>} : memref<128x128xf32, #tpu.memory_space<vmem>>, vector<1x16xf32>,
          %swap3A_1313 = vector.shape_cast %swap3A_1312 : vector<1x16xf32> to vector<16xf32>
          %swap3A_1314 = vector.shape_cast %mul3A_1309 : vector<16xf32> to vector<1x16xf32>
          tpu.vector_store %arg10[%swap3A_1310, %swap3A_1311], %swap3A_1314 {strides = array<i32>} : memref<128x128xf32, #tpu.memory_space<vmem>>, vector<1x16xf32>,
          %get3A_1315 = arith.index_cast %add3A_1244 : i32 to index
          %get3A_1316 = arith.constant 112 : index
          %get3A_1317 = tpu.vector_load %arg10[%get3A_1315, %get3A_1316] {strides = array<i32>} : memref<128x128xf32, #tpu.memory_space<vmem>>, vector<1x16xf32>,
          %get3A_1318 = vector.shape_cast %get3A_1317 : vector<1x16xf32> to vector<16xf32>
          %mul3A_1319 = arith.mulf %get3A_1318, %gather3A_1240 : vector<16xf32>
          %swap3A_1320 = arith.index_cast %add3A_1244 : i32 to index
          %swap3A_1321 = arith.constant 112 : index
          %swap3A_1322 = tpu.vector_load %arg10[%swap3A_1320, %swap3A_1321] {strides = array<i32>} : memref<128x128xf32, #tpu.memory_space<vmem>>, vector<1x16xf32>,
          %swap3A_1323 = vector.shape_cast %swap3A_1322 : vector<1x16xf32> to vector<16xf32>
          %swap3A_1324 = vector.shape_cast %mul3A_1319 : vector<16xf32> to vector<1x16xf32>
          tpu.vector_store %arg10[%swap3A_1320, %swap3A_1321], %swap3A_1324 {strides = array<i32>} : memref<128x128xf32, #tpu.memory_space<vmem>>, vector<1x16xf32>,
          %broadcast_in_dim3A_1325 = arith.constant 14 : i32
          %broadcast_in_dim3A_1326 = vector.broadcast %broadcast_in_dim3A_1325 : i32 to vector<16x1xi32>
          %gather3A_1327 = vector.shape_cast %broadcast_in_dim3A_1326 : vector<16x1xi32> to vector<16xi32>
          %gather3A_1328 = tpu.dynamic_gather %get3A_95[%gather3A_1327] in [0] : vector<16xf32>, vector<16xi32> -> vector<16xf32>
          %mul3A_1329 = arith.constant 16 : i32
          %mul3A_1330 = arith.muli %scan3A_90, %mul3A_1329 : i32
          %add3A_1331 = arith.constant 14 : i32
          %add3A_1332 = arith.addi %mul3A_1330, %add3A_1331 : i32
          %get3A_1333 = arith.index_cast %add3A_1332 : i32 to index
          %get3A_1334 = arith.constant 0 : index
          %get3A_1335 = tpu.vector_load %arg10[%get3A_1333, %get3A_1334] {strides = array<i32>} : memref<128x128xf32, #tpu.memory_space<vmem>>, vector<1x16xf32>,
          %get3A_1336 = vector.shape_cast %get3A_1335 : vector<1x16xf32> to vector<16xf32>
          %mul3A_1337 = arith.mulf %get3A_1336, %gather3A_1328 : vector<16xf32>
          %swap3A_1338 = arith.index_cast %add3A_1332 : i32 to index
          %swap3A_1339 = arith.constant 0 : index
          %swap3A_1340 = tpu.vector_load %arg10[%swap3A_1338, %swap3A_1339] {strides = array<i32>} : memref<128x128xf32, #tpu.memory_space<vmem>>, vector<1x16xf32>,
          %swap3A_1341 = vector.shape_cast %swap3A_1340 : vector<1x16xf32> to vector<16xf32>
          %swap3A_1342 = vector.shape_cast %mul3A_1337 : vector<16xf32> to vector<1x16xf32>
          tpu.vector_store %arg10[%swap3A_1338, %swap3A_1339], %swap3A_1342 {strides = array<i32>} : memref<128x128xf32, #tpu.memory_space<vmem>>, vector<1x16xf32>,
          %get3A_1343 = arith.index_cast %add3A_1332 : i32 to index
          %get3A_1344 = arith.constant 16 : index
          %get3A_1345 = tpu.vector_load %arg10[%get3A_1343, %get3A_1344] {strides = array<i32>} : memref<128x128xf32, #tpu.memory_space<vmem>>, vector<1x16xf32>,
          %get3A_1346 = vector.shape_cast %get3A_1345 : vector<1x16xf32> to vector<16xf32>
          %mul3A_1347 = arith.mulf %get3A_1346, %gather3A_1328 : vector<16xf32>
          %swap3A_1348 = arith.index_cast %add3A_1332 : i32 to index
          %swap3A_1349 = arith.constant 16 : index
          %swap3A_1350 = tpu.vector_load %arg10[%swap3A_1348, %swap3A_1349] {strides = array<i32>} : memref<128x128xf32, #tpu.memory_space<vmem>>, vector<1x16xf32>,
          %swap3A_1351 = vector.shape_cast %swap3A_1350 : vector<1x16xf32> to vector<16xf32>
          %swap3A_1352 = vector.shape_cast %mul3A_1347 : vector<16xf32> to vector<1x16xf32>
          tpu.vector_store %arg10[%swap3A_1348, %swap3A_1349], %swap3A_1352 {strides = array<i32>} : memref<128x128xf32, #tpu.memory_space<vmem>>, vector<1x16xf32>,
          %get3A_1353 = arith.index_cast %add3A_1332 : i32 to index
          %get3A_1354 = arith.constant 32 : index
          %get3A_1355 = tpu.vector_load %arg10[%get3A_1353, %get3A_1354] {strides = array<i32>} : memref<128x128xf32, #tpu.memory_space<vmem>>, vector<1x16xf32>,
          %get3A_1356 = vector.shape_cast %get3A_1355 : vector<1x16xf32> to vector<16xf32>
          %mul3A_1357 = arith.mulf %get3A_1356, %gather3A_1328 : vector<16xf32>
          %swap3A_1358 = arith.index_cast %add3A_1332 : i32 to index
          %swap3A_1359 = arith.constant 32 : index
          %swap3A_1360 = tpu.vector_load %arg10[%swap3A_1358, %swap3A_1359] {strides = array<i32>} : memref<128x128xf32, #tpu.memory_space<vmem>>, vector<1x16xf32>,
          %swap3A_1361 = vector.shape_cast %swap3A_1360 : vector<1x16xf32> to vector<16xf32>
          %swap3A_1362 = vector.shape_cast %mul3A_1357 : vector<16xf32> to vector<1x16xf32>
          tpu.vector_store %arg10[%swap3A_1358, %swap3A_1359], %swap3A_1362 {strides = array<i32>} : memref<128x128xf32, #tpu.memory_space<vmem>>, vector<1x16xf32>,
          %get3A_1363 = arith.index_cast %add3A_1332 : i32 to index
          %get3A_1364 = arith.constant 48 : index
          %get3A_1365 = tpu.vector_load %arg10[%get3A_1363, %get3A_1364] {strides = array<i32>} : memref<128x128xf32, #tpu.memory_space<vmem>>, vector<1x16xf32>,
          %get3A_1366 = vector.shape_cast %get3A_1365 : vector<1x16xf32> to vector<16xf32>
          %mul3A_1367 = arith.mulf %get3A_1366, %gather3A_1328 : vector<16xf32>
          %swap3A_1368 = arith.index_cast %add3A_1332 : i32 to index
          %swap3A_1369 = arith.constant 48 : index
          %swap3A_1370 = tpu.vector_load %arg10[%swap3A_1368, %swap3A_1369] {strides = array<i32>} : memref<128x128xf32, #tpu.memory_space<vmem>>, vector<1x16xf32>,
          %swap3A_1371 = vector.shape_cast %swap3A_1370 : vector<1x16xf32> to vector<16xf32>
          %swap3A_1372 = vector.shape_cast %mul3A_1367 : vector<16xf32> to vector<1x16xf32>
          tpu.vector_store %arg10[%swap3A_1368, %swap3A_1369], %swap3A_1372 {strides = array<i32>} : memref<128x128xf32, #tpu.memory_space<vmem>>, vector<1x16xf32>,
          %get3A_1373 = arith.index_cast %add3A_1332 : i32 to index
          %get3A_1374 = arith.constant 64 : index
          %get3A_1375 = tpu.vector_load %arg10[%get3A_1373, %get3A_1374] {strides = array<i32>} : memref<128x128xf32, #tpu.memory_space<vmem>>, vector<1x16xf32>,
          %get3A_1376 = vector.shape_cast %get3A_1375 : vector<1x16xf32> to vector<16xf32>
          %mul3A_1377 = arith.mulf %get3A_1376, %gather3A_1328 : vector<16xf32>
          %swap3A_1378 = arith.index_cast %add3A_1332 : i32 to index
          %swap3A_1379 = arith.constant 64 : index
          %swap3A_1380 = tpu.vector_load %arg10[%swap3A_1378, %swap3A_1379] {strides = array<i32>} : memref<128x128xf32, #tpu.memory_space<vmem>>, vector<1x16xf32>,
          %swap3A_1381 = vector.shape_cast %swap3A_1380 : vector<1x16xf32> to vector<16xf32>
          %swap3A_1382 = vector.shape_cast %mul3A_1377 : vector<16xf32> to vector<1x16xf32>
          tpu.vector_store %arg10[%swap3A_1378, %swap3A_1379], %swap3A_1382 {strides = array<i32>} : memref<128x128xf32, #tpu.memory_space<vmem>>, vector<1x16xf32>,
          %get3A_1383 = arith.index_cast %add3A_1332 : i32 to index
          %get3A_1384 = arith.constant 80 : index
          %get3A_1385 = tpu.vector_load %arg10[%get3A_1383, %get3A_1384] {strides = array<i32>} : memref<128x128xf32, #tpu.memory_space<vmem>>, vector<1x16xf32>,
          %get3A_1386 = vector.shape_cast %get3A_1385 : vector<1x16xf32> to vector<16xf32>
          %mul3A_1387 = arith.mulf %get3A_1386, %gather3A_1328 : vector<16xf32>
          %swap3A_1388 = arith.index_cast %add3A_1332 : i32 to index
          %swap3A_1389 = arith.constant 80 : index
          %swap3A_1390 = tpu.vector_load %arg10[%swap3A_1388, %swap3A_1389] {strides = array<i32>} : memref<128x128xf32, #tpu.memory_space<vmem>>, vector<1x16xf32>,
          %swap3A_1391 = vector.shape_cast %swap3A_1390 : vector<1x16xf32> to vector<16xf32>
          %swap3A_1392 = vector.shape_cast %mul3A_1387 : vector<16xf32> to vector<1x16xf32>
          tpu.vector_store %arg10[%swap3A_1388, %swap3A_1389], %swap3A_1392 {strides = array<i32>} : memref<128x128xf32, #tpu.memory_space<vmem>>, vector<1x16xf32>,
          %get3A_1393 = arith.index_cast %add3A_1332 : i32 to index
          %get3A_1394 = arith.constant 96 : index
          %get3A_1395 = tpu.vector_load %arg10[%get3A_1393, %get3A_1394] {strides = array<i32>} : memref<128x128xf32, #tpu.memory_space<vmem>>, vector<1x16xf32>,
          %get3A_1396 = vector.shape_cast %get3A_1395 : vector<1x16xf32> to vector<16xf32>
          %mul3A_1397 = arith.mulf %get3A_1396, %gather3A_1328 : vector<16xf32>
          %swap3A_1398 = arith.index_cast %add3A_1332 : i32 to index
          %swap3A_1399 = arith.constant 96 : index
          %swap3A_1400 = tpu.vector_load %arg10[%swap3A_1398, %swap3A_1399] {strides = array<i32>} : memref<128x128xf32, #tpu.memory_space<vmem>>, vector<1x16xf32>,
          %swap3A_1401 = vector.shape_cast %swap3A_1400 : vector<1x16xf32> to vector<16xf32>
          %swap3A_1402 = vector.shape_cast %mul3A_1397 : vector<16xf32> to vector<1x16xf32>
          tpu.vector_store %arg10[%swap3A_1398, %swap3A_1399], %swap3A_1402 {strides = array<i32>} : memref<128x128xf32, #tpu.memory_space<vmem>>, vector<1x16xf32>,
          %get3A_1403 = arith.index_cast %add3A_1332 : i32 to index
          %get3A_1404 = arith.constant 112 : index
          %get3A_1405 = tpu.vector_load %arg10[%get3A_1403, %get3A_1404] {strides = array<i32>} : memref<128x128xf32, #tpu.memory_space<vmem>>, vector<1x16xf32>,
          %get3A_1406 = vector.shape_cast %get3A_1405 : vector<1x16xf32> to vector<16xf32>
          %mul3A_1407 = arith.mulf %get3A_1406, %gather3A_1328 : vector<16xf32>
          %swap3A_1408 = arith.index_cast %add3A_1332 : i32 to index
          %swap3A_1409 = arith.constant 112 : index
          %swap3A_1410 = tpu.vector_load %arg10[%swap3A_1408, %swap3A_1409] {strides = array<i32>} : memref<128x128xf32, #tpu.memory_space<vmem>>, vector<1x16xf32>,
          %swap3A_1411 = vector.shape_cast %swap3A_1410 : vector<1x16xf32> to vector<16xf32>
          %swap3A_1412 = vector.shape_cast %mul3A_1407 : vector<16xf32> to vector<1x16xf32>
          tpu.vector_store %arg10[%swap3A_1408, %swap3A_1409], %swap3A_1412 {strides = array<i32>} : memref<128x128xf32, #tpu.memory_space<vmem>>, vector<1x16xf32>,
          %broadcast_in_dim3A_1413 = arith.constant 15 : i32
          %broadcast_in_dim3A_1414 = vector.broadcast %broadcast_in_dim3A_1413 : i32 to vector<16x1xi32>
          %gather3A_1415 = vector.shape_cast %broadcast_in_dim3A_1414 : vector<16x1xi32> to vector<16xi32>
          %gather3A_1416 = tpu.dynamic_gather %get3A_95[%gather3A_1415] in [0] : vector<16xf32>, vector<16xi32> -> vector<16xf32>
          %mul3A_1417 = arith.constant 16 : i32
          %mul3A_1418 = arith.muli %scan3A_90, %mul3A_1417 : i32
          %add3A_1419 = arith.constant 15 : i32
          %add3A_1420 = arith.addi %mul3A_1418, %add3A_1419 : i32
          %get3A_1421 = arith.index_cast %add3A_1420 : i32 to index
          %get3A_1422 = arith.constant 0 : index
          %get3A_1423 = tpu.vector_load %arg10[%get3A_1421, %get3A_1422] {strides = array<i32>} : memref<128x128xf32, #tpu.memory_space<vmem>>, vector<1x16xf32>,
          %get3A_1424 = vector.shape_cast %get3A_1423 : vector<1x16xf32> to vector<16xf32>
          %mul3A_1425 = arith.mulf %get3A_1424, %gather3A_1416 : vector<16xf32>
          %swap3A_1426 = arith.index_cast %add3A_1420 : i32 to index
          %swap3A_1427 = arith.constant 0 : index
          %swap3A_1428 = tpu.vector_load %arg10[%swap3A_1426, %swap3A_1427] {strides = array<i32>} : memref<128x128xf32, #tpu.memory_space<vmem>>, vector<1x16xf32>,
          %swap3A_1429 = vector.shape_cast %swap3A_1428 : vector<1x16xf32> to vector<16xf32>
          %swap3A_1430 = vector.shape_cast %mul3A_1425 : vector<16xf32> to vector<1x16xf32>
          tpu.vector_store %arg10[%swap3A_1426, %swap3A_1427], %swap3A_1430 {strides = array<i32>} : memref<128x128xf32, #tpu.memory_space<vmem>>, vector<1x16xf32>,
          %get3A_1431 = arith.index_cast %add3A_1420 : i32 to index
          %get3A_1432 = arith.constant 16 : index
          %get3A_1433 = tpu.vector_load %arg10[%get3A_1431, %get3A_1432] {strides = array<i32>} : memref<128x128xf32, #tpu.memory_space<vmem>>, vector<1x16xf32>,
          %get3A_1434 = vector.shape_cast %get3A_1433 : vector<1x16xf32> to vector<16xf32>
          %mul3A_1435 = arith.mulf %get3A_1434, %gather3A_1416 : vector<16xf32>
          %swap3A_1436 = arith.index_cast %add3A_1420 : i32 to index
          %swap3A_1437 = arith.constant 16 : index
          %swap3A_1438 = tpu.vector_load %arg10[%swap3A_1436, %swap3A_1437] {strides = array<i32>} : memref<128x128xf32, #tpu.memory_space<vmem>>, vector<1x16xf32>,
          %swap3A_1439 = vector.shape_cast %swap3A_1438 : vector<1x16xf32> to vector<16xf32>
          %swap3A_1440 = vector.shape_cast %mul3A_1435 : vector<16xf32> to vector<1x16xf32>
          tpu.vector_store %arg10[%swap3A_1436, %swap3A_1437], %swap3A_1440 {strides = array<i32>} : memref<128x128xf32, #tpu.memory_space<vmem>>, vector<1x16xf32>,
          %get3A_1441 = arith.index_cast %add3A_1420 : i32 to index
          %get3A_1442 = arith.constant 32 : index
          %get3A_1443 = tpu.vector_load %arg10[%get3A_1441, %get3A_1442] {strides = array<i32>} : memref<128x128xf32, #tpu.memory_space<vmem>>, vector<1x16xf32>,
          %get3A_1444 = vector.shape_cast %get3A_1443 : vector<1x16xf32> to vector<16xf32>
          %mul3A_1445 = arith.mulf %get3A_1444, %gather3A_1416 : vector<16xf32>
          %swap3A_1446 = arith.index_cast %add3A_1420 : i32 to index
          %swap3A_1447 = arith.constant 32 : index
          %swap3A_1448 = tpu.vector_load %arg10[%swap3A_1446, %swap3A_1447] {strides = array<i32>} : memref<128x128xf32, #tpu.memory_space<vmem>>, vector<1x16xf32>,
          %swap3A_1449 = vector.shape_cast %swap3A_1448 : vector<1x16xf32> to vector<16xf32>
          %swap3A_1450 = vector.shape_cast %mul3A_1445 : vector<16xf32> to vector<1x16xf32>
          tpu.vector_store %arg10[%swap3A_1446, %swap3A_1447], %swap3A_1450 {strides = array<i32>} : memref<128x128xf32, #tpu.memory_space<vmem>>, vector<1x16xf32>,
          %get3A_1451 = arith.index_cast %add3A_1420 : i32 to index
          %get3A_1452 = arith.constant 48 : index
          %get3A_1453 = tpu.vector_load %arg10[%get3A_1451, %get3A_1452] {strides = array<i32>} : memref<128x128xf32, #tpu.memory_space<vmem>>, vector<1x16xf32>,
          %get3A_1454 = vector.shape_cast %get3A_1453 : vector<1x16xf32> to vector<16xf32>
          %mul3A_1455 = arith.mulf %get3A_1454, %gather3A_1416 : vector<16xf32>
          %swap3A_1456 = arith.index_cast %add3A_1420 : i32 to index
          %swap3A_1457 = arith.constant 48 : index
          %swap3A_1458 = tpu.vector_load %arg10[%swap3A_1456, %swap3A_1457] {strides = array<i32>} : memref<128x128xf32, #tpu.memory_space<vmem>>, vector<1x16xf32>,
          %swap3A_1459 = vector.shape_cast %swap3A_1458 : vector<1x16xf32> to vector<16xf32>
          %swap3A_1460 = vector.shape_cast %mul3A_1455 : vector<16xf32> to vector<1x16xf32>
          tpu.vector_store %arg10[%swap3A_1456, %swap3A_1457], %swap3A_1460 {strides = array<i32>} : memref<128x128xf32, #tpu.memory_space<vmem>>, vector<1x16xf32>,
          %get3A_1461 = arith.index_cast %add3A_1420 : i32 to index
          %get3A_1462 = arith.constant 64 : index
          %get3A_1463 = tpu.vector_load %arg10[%get3A_1461, %get3A_1462] {strides = array<i32>} : memref<128x128xf32, #tpu.memory_space<vmem>>, vector<1x16xf32>,
          %get3A_1464 = vector.shape_cast %get3A_1463 : vector<1x16xf32> to vector<16xf32>
          %mul3A_1465 = arith.mulf %get3A_1464, %gather3A_1416 : vector<16xf32>
          %swap3A_1466 = arith.index_cast %add3A_1420 : i32 to index
          %swap3A_1467 = arith.constant 64 : index
          %swap3A_1468 = tpu.vector_load %arg10[%swap3A_1466, %swap3A_1467] {strides = array<i32>} : memref<128x128xf32, #tpu.memory_space<vmem>>, vector<1x16xf32>,
          %swap3A_1469 = vector.shape_cast %swap3A_1468 : vector<1x16xf32> to vector<16xf32>
          %swap3A_1470 = vector.shape_cast %mul3A_1465 : vector<16xf32> to vector<1x16xf32>
          tpu.vector_store %arg10[%swap3A_1466, %swap3A_1467], %swap3A_1470 {strides = array<i32>} : memref<128x128xf32, #tpu.memory_space<vmem>>, vector<1x16xf32>,
          %get3A_1471 = arith.index_cast %add3A_1420 : i32 to index
          %get3A_1472 = arith.constant 80 : index
          %get3A_1473 = tpu.vector_load %arg10[%get3A_1471, %get3A_1472] {strides = array<i32>} : memref<128x128xf32, #tpu.memory_space<vmem>>, vector<1x16xf32>,
          %get3A_1474 = vector.shape_cast %get3A_1473 : vector<1x16xf32> to vector<16xf32>
          %mul3A_1475 = arith.mulf %get3A_1474, %gather3A_1416 : vector<16xf32>
          %swap3A_1476 = arith.index_cast %add3A_1420 : i32 to index
          %swap3A_1477 = arith.constant 80 : index
          %swap3A_1478 = tpu.vector_load %arg10[%swap3A_1476, %swap3A_1477] {strides = array<i32>} : memref<128x128xf32, #tpu.memory_space<vmem>>, vector<1x16xf32>,
          %swap3A_1479 = vector.shape_cast %swap3A_1478 : vector<1x16xf32> to vector<16xf32>
          %swap3A_1480 = vector.shape_cast %mul3A_1475 : vector<16xf32> to vector<1x16xf32>
          tpu.vector_store %arg10[%swap3A_1476, %swap3A_1477], %swap3A_1480 {strides = array<i32>} : memref<128x128xf32, #tpu.memory_space<vmem>>, vector<1x16xf32>,
          %get3A_1481 = arith.index_cast %add3A_1420 : i32 to index
          %get3A_1482 = arith.constant 96 : index
          %get3A_1483 = tpu.vector_load %arg10[%get3A_1481, %get3A_1482] {strides = array<i32>} : memref<128x128xf32, #tpu.memory_space<vmem>>, vector<1x16xf32>,
          %get3A_1484 = vector.shape_cast %get3A_1483 : vector<1x16xf32> to vector<16xf32>
          %mul3A_1485 = arith.mulf %get3A_1484, %gather3A_1416 : vector<16xf32>
          %swap3A_1486 = arith.index_cast %add3A_1420 : i32 to index
          %swap3A_1487 = arith.constant 96 : index
          %swap3A_1488 = tpu.vector_load %arg10[%swap3A_1486, %swap3A_1487] {strides = array<i32>} : memref<128x128xf32, #tpu.memory_space<vmem>>, vector<1x16xf32>,
          %swap3A_1489 = vector.shape_cast %swap3A_1488 : vector<1x16xf32> to vector<16xf32>
          %swap3A_1490 = vector.shape_cast %mul3A_1485 : vector<16xf32> to vector<1x16xf32>
          tpu.vector_store %arg10[%swap3A_1486, %swap3A_1487], %swap3A_1490 {strides = array<i32>} : memref<128x128xf32, #tpu.memory_space<vmem>>, vector<1x16xf32>,
          %get3A_1491 = arith.index_cast %add3A_1420 : i32 to index
          %get3A_1492 = arith.constant 112 : index
          %get3A_1493 = tpu.vector_load %arg10[%get3A_1491, %get3A_1492] {strides = array<i32>} : memref<128x128xf32, #tpu.memory_space<vmem>>, vector<1x16xf32>,
          %get3A_1494 = vector.shape_cast %get3A_1493 : vector<1x16xf32> to vector<16xf32>
          %mul3A_1495 = arith.mulf %get3A_1494, %gather3A_1416 : vector<16xf32>
          %swap3A_1496 = arith.index_cast %add3A_1420 : i32 to index
          %swap3A_1497 = arith.constant 112 : index
          %swap3A_1498 = tpu.vector_load %arg10[%swap3A_1496, %swap3A_1497] {strides = array<i32>} : memref<128x128xf32, #tpu.memory_space<vmem>>, vector<1x16xf32>,
          %swap3A_1499 = vector.shape_cast %swap3A_1498 : vector<1x16xf32> to vector<16xf32>
          %swap3A_1500 = vector.shape_cast %mul3A_1495 : vector<16xf32> to vector<1x16xf32>
          tpu.vector_store %arg10[%swap3A_1496, %swap3A_1497], %swap3A_1500 {strides = array<i32>} : memref<128x128xf32, #tpu.memory_space<vmem>>, vector<1x16xf32>,
        }
        %scan3A_68 = arith.constant 8 : i32
        "tpu.region"() ({
          %run_scoped3A = tpu.sem_alloc : memref<!tpu.dma_semaphore, #tpu.memory_space<semaphore_mem>>
          %dma_start3A_90 = arith.constant 0 : i32
          %dma_start3A_91 = tpu.memref_slice %arg8[%mul3A_48, %dma_start3A_90] : memref<40x128xi32, #tpu.memory_space<vmem>> -> memref<1x128xi32, #tpu.memory_space<vmem>>
          %dma_start3A_92 = tpu.memref_squeeze %dma_start3A_91 : memref<1x128xi32, #tpu.memory_space<vmem>> -> memref<128xi32, #tpu.memory_space<vmem>>
          %dma_start3A_93 = arith.constant 0 : i32
          %dma_start3A_94 = arith.constant 0 : i32
          %dma_start3A_95 = tpu.memref_slice %arg12[%dma_start3A_93, %dma_start3A_94] : memref<10112x128xf32, #tpu.memory_space<vmem_shared>> -> memref<10112x128xf32, #tpu.memory_space<vmem_shared>>
          tpu.enqueue_indirect_dma source(%arg10 : memref<128x128xf32, #tpu.memory_space<vmem>>) target(%dma_start3A_95 : memref<10112x128xf32, #tpu.memory_space<vmem_shared>>) offsets(%dma_start3A_92 : memref<128xi32, #tpu.memory_space<vmem>>) semaphore(%run_scoped3A : memref<!tpu.dma_semaphore, #tpu.memory_space<semaphore_mem>>) {add = true}
          %dma_wait3A_96 = arith.constant 0 : i32
          %dma_wait3A_97 = tpu.memref_slice %arg8[%mul3A_48, %dma_wait3A_96] : memref<40x128xi32, #tpu.memory_space<vmem>> -> memref<1x128xi32, #tpu.memory_space<vmem>>
          %dma_wait3A_98 = tpu.memref_squeeze %dma_wait3A_97 : memref<1x128xi32, #tpu.memory_space<vmem>> -> memref<128xi32, #tpu.memory_space<vmem>>
          %dma_wait3A_99 = arith.constant 0 : i32
          %dma_wait3A_100 = arith.constant 0 : i32
          %dma_wait3A_101 = tpu.memref_slice %arg12[%dma_wait3A_99, %dma_wait3A_100] : memref<10112x128xf32, #tpu.memory_space<vmem_shared>> -> memref<10112x128xf32, #tpu.memory_space<vmem_shared>>
          tpu.wait_indirect_dma semaphore(%run_scoped3A : memref<!tpu.dma_semaphore, #tpu.memory_space<semaphore_mem>>) src(%arg10 : memref<128x128xf32, #tpu.memory_space<vmem>>) dst(%dma_wait3A_101 : memref<10112x128xf32, #tpu.memory_space<vmem_shared>>)
          tpu.yield
        }) : () -> ()
        %add3A_69 = arith.constant 2 : i32
        %add3A_70 = arith.addi %mul3A_48, %add3A_69 : i32
        %lt3A = arith.constant 40 : i32
        %lt3A_71 = arith.cmpi slt, %add3A_70, %lt3A : i32
        %convert_element_type3A = arith.extui %lt3A_71 : i1 to i32
        %cond3A = arith.constant 0 : i32
        %cond3A_72 = arith.cmpi ne, %convert_element_type3A, %cond3A : i32
        scf.if %cond3A_72 {
          %add3A_90 = arith.constant 2 : i32
          %add3A_91 = arith.addi %mul3A_48, %add3A_90 : i32
          %dma_start3A_92 = arith.constant 0 : i32
          %dma_start3A_93 = tpu.memref_slice %arg7[%add3A_91, %dma_start3A_92] : memref<40x128xi32, #tpu.memory_space<vmem>> -> memref<1x128xi32, #tpu.memory_space<vmem>>
          %dma_start3A_94 = tpu.memref_squeeze %dma_start3A_93 : memref<1x128xi32, #tpu.memory_space<vmem>> -> memref<128xi32, #tpu.memory_space<vmem>>
          %dma_start3A_95 = arith.constant 0 : i32
          %dma_start3A_96 = arith.constant 0 : i32
          %dma_start3A_97 = tpu.memref_slice %arg2[%dma_start3A_95, %dma_start3A_96] : memref<10000x128xf32, #tpu.memory_space<hbm>> -> memref<10000x128xf32, #tpu.memory_space<hbm>>
          tpu.enqueue_indirect_dma source(%dma_start3A_97 : memref<10000x128xf32, #tpu.memory_space<hbm>>) target(%arg10 : memref<128x128xf32, #tpu.memory_space<vmem>>) offsets(%dma_start3A_94 : memref<128xi32, #tpu.memory_space<vmem>>) semaphore(%arg13 : memref<!tpu.dma_semaphore, #tpu.memory_space<semaphore_mem>>)
        } else {
        }
        %dma_wait3A_73 = arith.constant 0 : i32
        %dma_wait3A_74 = arith.constant 0 : i32
        %dma_wait3A_75 = tpu.memref_slice %arg7[%dma_wait3A_73, %dma_wait3A_74] : memref<40x128xi32, #tpu.memory_space<vmem>> -> memref<1x128xi32, #tpu.memory_space<vmem>>
        %dma_wait3A_76 = tpu.memref_squeeze %dma_wait3A_75 : memref<1x128xi32, #tpu.memory_space<vmem>> -> memref<128xi32, #tpu.memory_space<vmem>>
        %dma_wait3A_77 = arith.constant 0 : i32
        %dma_wait3A_78 = arith.constant 0 : i32
        %dma_wait3A_79 = tpu.memref_slice %arg2[%dma_wait3A_77, %dma_wait3A_78] : memref<10000x128xf32, #tpu.memory_space<hbm>> -> memref<10000x128xf32, #tpu.memory_space<hbm>>
        tpu.wait_indirect_dma semaphore(%arg14 : memref<!tpu.dma_semaphore, #tpu.memory_space<semaphore_mem>>) src(%dma_wait3A_79 : memref<10000x128xf32, #tpu.memory_space<hbm>>) dst(%arg11 : memref<128x128xf32, #tpu.memory_space<vmem>>)
        %add3A_80 = arith.constant 1 : i32
        %add3A_81 = arith.addi %mul3A_48, %add3A_80 : i32
        %scan3A_82 = arith.constant 0 : i32
        %scan3A_83 = arith.constant 0 : i32
        %scan3A_84 = arith.constant 8 : i32
        %scan3A_85 = arith.addi %scan3A_83, %scan3A_84 : i32
        %scan3A_86 = arith.constant 1 : i32
        scf.for %scan3A_90 = %scan3A_83 to %scan3A_85 step %scan3A_86  : i32 {
          %mul3A_91 = arith.constant 16 : i32
          %mul3A_92 = arith.muli %scan3A_90, %mul3A_91 : i32
          %get3A = arith.index_cast %add3A_81 : i32 to index
          %get3A_93 = arith.index_cast %mul3A_92 : i32 to index
          %get3A_94 = tpu.vector_load %arg9[%get3A, %get3A_93] {strides = array<i32>} : memref<40x128xf32, #tpu.memory_space<vmem>>, vector<1x16xf32>,
          %get3A_95 = vector.shape_cast %get3A_94 : vector<1x16xf32> to vector<16xf32>
          %broadcast_in_dim3A = arith.constant 0 : i32
          %broadcast_in_dim3A_96 = vector.broadcast %broadcast_in_dim3A : i32 to vector<16x1xi32>
          %gather3A = vector.shape_cast %broadcast_in_dim3A_96 : vector<16x1xi32> to vector<16xi32>
          %gather3A_97 = tpu.dynamic_gather %get3A_95[%gather3A] in [0] : vector<16xf32>, vector<16xi32> -> vector<16xf32>
          %mul3A_98 = arith.constant 16 : i32
          %mul3A_99 = arith.muli %scan3A_90, %mul3A_98 : i32
          %add3A_100 = arith.constant 0 : i32
          %add3A_101 = arith.addi %mul3A_99, %add3A_100 : i32
          %get3A_102 = arith.index_cast %add3A_101 : i32 to index
          %get3A_103 = arith.constant 0 : index
          %get3A_104 = tpu.vector_load %arg11[%get3A_102, %get3A_103] {strides = array<i32>} : memref<128x128xf32, #tpu.memory_space<vmem>>, vector<1x16xf32>,
          %get3A_105 = vector.shape_cast %get3A_104 : vector<1x16xf32> to vector<16xf32>
          %mul3A_106 = arith.mulf %get3A_105, %gather3A_97 : vector<16xf32>
          %swap3A = arith.index_cast %add3A_101 : i32 to index
          %swap3A_107 = arith.constant 0 : index
          %swap3A_108 = tpu.vector_load %arg11[%swap3A, %swap3A_107] {strides = array<i32>} : memref<128x128xf32, #tpu.memory_space<vmem>>, vector<1x16xf32>,
          %swap3A_109 = vector.shape_cast %swap3A_108 : vector<1x16xf32> to vector<16xf32>
          %swap3A_110 = vector.shape_cast %mul3A_106 : vector<16xf32> to vector<1x16xf32>
          tpu.vector_store %arg11[%swap3A, %swap3A_107], %swap3A_110 {strides = array<i32>} : memref<128x128xf32, #tpu.memory_space<vmem>>, vector<1x16xf32>,
          %get3A_111 = arith.index_cast %add3A_101 : i32 to index
          %get3A_112 = arith.constant 16 : index
          %get3A_113 = tpu.vector_load %arg11[%get3A_111, %get3A_112] {strides = array<i32>} : memref<128x128xf32, #tpu.memory_space<vmem>>, vector<1x16xf32>,
          %get3A_114 = vector.shape_cast %get3A_113 : vector<1x16xf32> to vector<16xf32>
          %mul3A_115 = arith.mulf %get3A_114, %gather3A_97 : vector<16xf32>
          %swap3A_116 = arith.index_cast %add3A_101 : i32 to index
          %swap3A_117 = arith.constant 16 : index
          %swap3A_118 = tpu.vector_load %arg11[%swap3A_116, %swap3A_117] {strides = array<i32>} : memref<128x128xf32, #tpu.memory_space<vmem>>, vector<1x16xf32>,
          %swap3A_119 = vector.shape_cast %swap3A_118 : vector<1x16xf32> to vector<16xf32>
          %swap3A_120 = vector.shape_cast %mul3A_115 : vector<16xf32> to vector<1x16xf32>
          tpu.vector_store %arg11[%swap3A_116, %swap3A_117], %swap3A_120 {strides = array<i32>} : memref<128x128xf32, #tpu.memory_space<vmem>>, vector<1x16xf32>,
          %get3A_121 = arith.index_cast %add3A_101 : i32 to index
          %get3A_122 = arith.constant 32 : index
          %get3A_123 = tpu.vector_load %arg11[%get3A_121, %get3A_122] {strides = array<i32>} : memref<128x128xf32, #tpu.memory_space<vmem>>, vector<1x16xf32>,
          %get3A_124 = vector.shape_cast %get3A_123 : vector<1x16xf32> to vector<16xf32>
          %mul3A_125 = arith.mulf %get3A_124, %gather3A_97 : vector<16xf32>
          %swap3A_126 = arith.index_cast %add3A_101 : i32 to index
          %swap3A_127 = arith.constant 32 : index
          %swap3A_128 = tpu.vector_load %arg11[%swap3A_126, %swap3A_127] {strides = array<i32>} : memref<128x128xf32, #tpu.memory_space<vmem>>, vector<1x16xf32>,
          %swap3A_129 = vector.shape_cast %swap3A_128 : vector<1x16xf32> to vector<16xf32>
          %swap3A_130 = vector.shape_cast %mul3A_125 : vector<16xf32> to vector<1x16xf32>
          tpu.vector_store %arg11[%swap3A_126, %swap3A_127], %swap3A_130 {strides = array<i32>} : memref<128x128xf32, #tpu.memory_space<vmem>>, vector<1x16xf32>,
          %get3A_131 = arith.index_cast %add3A_101 : i32 to index
          %get3A_132 = arith.constant 48 : index
          %get3A_133 = tpu.vector_load %arg11[%get3A_131, %get3A_132] {strides = array<i32>} : memref<128x128xf32, #tpu.memory_space<vmem>>, vector<1x16xf32>,
          %get3A_134 = vector.shape_cast %get3A_133 : vector<1x16xf32> to vector<16xf32>
          %mul3A_135 = arith.mulf %get3A_134, %gather3A_97 : vector<16xf32>
          %swap3A_136 = arith.index_cast %add3A_101 : i32 to index
          %swap3A_137 = arith.constant 48 : index
          %swap3A_138 = tpu.vector_load %arg11[%swap3A_136, %swap3A_137] {strides = array<i32>} : memref<128x128xf32, #tpu.memory_space<vmem>>, vector<1x16xf32>,
          %swap3A_139 = vector.shape_cast %swap3A_138 : vector<1x16xf32> to vector<16xf32>
          %swap3A_140 = vector.shape_cast %mul3A_135 : vector<16xf32> to vector<1x16xf32>
          tpu.vector_store %arg11[%swap3A_136, %swap3A_137], %swap3A_140 {strides = array<i32>} : memref<128x128xf32, #tpu.memory_space<vmem>>, vector<1x16xf32>,
          %get3A_141 = arith.index_cast %add3A_101 : i32 to index
          %get3A_142 = arith.constant 64 : index
          %get3A_143 = tpu.vector_load %arg11[%get3A_141, %get3A_142] {strides = array<i32>} : memref<128x128xf32, #tpu.memory_space<vmem>>, vector<1x16xf32>,
          %get3A_144 = vector.shape_cast %get3A_143 : vector<1x16xf32> to vector<16xf32>
          %mul3A_145 = arith.mulf %get3A_144, %gather3A_97 : vector<16xf32>
          %swap3A_146 = arith.index_cast %add3A_101 : i32 to index
          %swap3A_147 = arith.constant 64 : index
          %swap3A_148 = tpu.vector_load %arg11[%swap3A_146, %swap3A_147] {strides = array<i32>} : memref<128x128xf32, #tpu.memory_space<vmem>>, vector<1x16xf32>,
          %swap3A_149 = vector.shape_cast %swap3A_148 : vector<1x16xf32> to vector<16xf32>
          %swap3A_150 = vector.shape_cast %mul3A_145 : vector<16xf32> to vector<1x16xf32>
          tpu.vector_store %arg11[%swap3A_146, %swap3A_147], %swap3A_150 {strides = array<i32>} : memref<128x128xf32, #tpu.memory_space<vmem>>, vector<1x16xf32>,
          %get3A_151 = arith.index_cast %add3A_101 : i32 to index
          %get3A_152 = arith.constant 80 : index
          %get3A_153 = tpu.vector_load %arg11[%get3A_151, %get3A_152] {strides = array<i32>} : memref<128x128xf32, #tpu.memory_space<vmem>>, vector<1x16xf32>,
          %get3A_154 = vector.shape_cast %get3A_153 : vector<1x16xf32> to vector<16xf32>
          %mul3A_155 = arith.mulf %get3A_154, %gather3A_97 : vector<16xf32>
          %swap3A_156 = arith.index_cast %add3A_101 : i32 to index
          %swap3A_157 = arith.constant 80 : index
          %swap3A_158 = tpu.vector_load %arg11[%swap3A_156, %swap3A_157] {strides = array<i32>} : memref<128x128xf32, #tpu.memory_space<vmem>>, vector<1x16xf32>,
          %swap3A_159 = vector.shape_cast %swap3A_158 : vector<1x16xf32> to vector<16xf32>
          %swap3A_160 = vector.shape_cast %mul3A_155 : vector<16xf32> to vector<1x16xf32>
          tpu.vector_store %arg11[%swap3A_156, %swap3A_157], %swap3A_160 {strides = array<i32>} : memref<128x128xf32, #tpu.memory_space<vmem>>, vector<1x16xf32>,
          %get3A_161 = arith.index_cast %add3A_101 : i32 to index
          %get3A_162 = arith.constant 96 : index
          %get3A_163 = tpu.vector_load %arg11[%get3A_161, %get3A_162] {strides = array<i32>} : memref<128x128xf32, #tpu.memory_space<vmem>>, vector<1x16xf32>,
          %get3A_164 = vector.shape_cast %get3A_163 : vector<1x16xf32> to vector<16xf32>
          %mul3A_165 = arith.mulf %get3A_164, %gather3A_97 : vector<16xf32>
          %swap3A_166 = arith.index_cast %add3A_101 : i32 to index
          %swap3A_167 = arith.constant 96 : index
          %swap3A_168 = tpu.vector_load %arg11[%swap3A_166, %swap3A_167] {strides = array<i32>} : memref<128x128xf32, #tpu.memory_space<vmem>>, vector<1x16xf32>,
          %swap3A_169 = vector.shape_cast %swap3A_168 : vector<1x16xf32> to vector<16xf32>
          %swap3A_170 = vector.shape_cast %mul3A_165 : vector<16xf32> to vector<1x16xf32>
          tpu.vector_store %arg11[%swap3A_166, %swap3A_167], %swap3A_170 {strides = array<i32>} : memref<128x128xf32, #tpu.memory_space<vmem>>, vector<1x16xf32>,
          %get3A_171 = arith.index_cast %add3A_101 : i32 to index
          %get3A_172 = arith.constant 112 : index
          %get3A_173 = tpu.vector_load %arg11[%get3A_171, %get3A_172] {strides = array<i32>} : memref<128x128xf32, #tpu.memory_space<vmem>>, vector<1x16xf32>,
          %get3A_174 = vector.shape_cast %get3A_173 : vector<1x16xf32> to vector<16xf32>
          %mul3A_175 = arith.mulf %get3A_174, %gather3A_97 : vector<16xf32>
          %swap3A_176 = arith.index_cast %add3A_101 : i32 to index
          %swap3A_177 = arith.constant 112 : index
          %swap3A_178 = tpu.vector_load %arg11[%swap3A_176, %swap3A_177] {strides = array<i32>} : memref<128x128xf32, #tpu.memory_space<vmem>>, vector<1x16xf32>,
          %swap3A_179 = vector.shape_cast %swap3A_178 : vector<1x16xf32> to vector<16xf32>
          %swap3A_180 = vector.shape_cast %mul3A_175 : vector<16xf32> to vector<1x16xf32>
          tpu.vector_store %arg11[%swap3A_176, %swap3A_177], %swap3A_180 {strides = array<i32>} : memref<128x128xf32, #tpu.memory_space<vmem>>, vector<1x16xf32>,
          %broadcast_in_dim3A_181 = arith.constant 1 : i32
          %broadcast_in_dim3A_182 = vector.broadcast %broadcast_in_dim3A_181 : i32 to vector<16x1xi32>
          %gather3A_183 = vector.shape_cast %broadcast_in_dim3A_182 : vector<16x1xi32> to vector<16xi32>
          %gather3A_184 = tpu.dynamic_gather %get3A_95[%gather3A_183] in [0] : vector<16xf32>, vector<16xi32> -> vector<16xf32>
          %mul3A_185 = arith.constant 16 : i32
          %mul3A_186 = arith.muli %scan3A_90, %mul3A_185 : i32
          %add3A_187 = arith.constant 1 : i32
          %add3A_188 = arith.addi %mul3A_186, %add3A_187 : i32
          %get3A_189 = arith.index_cast %add3A_188 : i32 to index
          %get3A_190 = arith.constant 0 : index
          %get3A_191 = tpu.vector_load %arg11[%get3A_189, %get3A_190] {strides = array<i32>} : memref<128x128xf32, #tpu.memory_space<vmem>>, vector<1x16xf32>,
          %get3A_192 = vector.shape_cast %get3A_191 : vector<1x16xf32> to vector<16xf32>
          %mul3A_193 = arith.mulf %get3A_192, %gather3A_184 : vector<16xf32>
          %swap3A_194 = arith.index_cast %add3A_188 : i32 to index
          %swap3A_195 = arith.constant 0 : index
          %swap3A_196 = tpu.vector_load %arg11[%swap3A_194, %swap3A_195] {strides = array<i32>} : memref<128x128xf32, #tpu.memory_space<vmem>>, vector<1x16xf32>,
          %swap3A_197 = vector.shape_cast %swap3A_196 : vector<1x16xf32> to vector<16xf32>
          %swap3A_198 = vector.shape_cast %mul3A_193 : vector<16xf32> to vector<1x16xf32>
          tpu.vector_store %arg11[%swap3A_194, %swap3A_195], %swap3A_198 {strides = array<i32>} : memref<128x128xf32, #tpu.memory_space<vmem>>, vector<1x16xf32>,
          %get3A_199 = arith.index_cast %add3A_188 : i32 to index
          %get3A_200 = arith.constant 16 : index
          %get3A_201 = tpu.vector_load %arg11[%get3A_199, %get3A_200] {strides = array<i32>} : memref<128x128xf32, #tpu.memory_space<vmem>>, vector<1x16xf32>,
          %get3A_202 = vector.shape_cast %get3A_201 : vector<1x16xf32> to vector<16xf32>
          %mul3A_203 = arith.mulf %get3A_202, %gather3A_184 : vector<16xf32>
          %swap3A_204 = arith.index_cast %add3A_188 : i32 to index
          %swap3A_205 = arith.constant 16 : index
          %swap3A_206 = tpu.vector_load %arg11[%swap3A_204, %swap3A_205] {strides = array<i32>} : memref<128x128xf32, #tpu.memory_space<vmem>>, vector<1x16xf32>,
          %swap3A_207 = vector.shape_cast %swap3A_206 : vector<1x16xf32> to vector<16xf32>
          %swap3A_208 = vector.shape_cast %mul3A_203 : vector<16xf32> to vector<1x16xf32>
          tpu.vector_store %arg11[%swap3A_204, %swap3A_205], %swap3A_208 {strides = array<i32>} : memref<128x128xf32, #tpu.memory_space<vmem>>, vector<1x16xf32>,
          %get3A_209 = arith.index_cast %add3A_188 : i32 to index
          %get3A_210 = arith.constant 32 : index
          %get3A_211 = tpu.vector_load %arg11[%get3A_209, %get3A_210] {strides = array<i32>} : memref<128x128xf32, #tpu.memory_space<vmem>>, vector<1x16xf32>,
          %get3A_212 = vector.shape_cast %get3A_211 : vector<1x16xf32> to vector<16xf32>
          %mul3A_213 = arith.mulf %get3A_212, %gather3A_184 : vector<16xf32>
          %swap3A_214 = arith.index_cast %add3A_188 : i32 to index
          %swap3A_215 = arith.constant 32 : index
          %swap3A_216 = tpu.vector_load %arg11[%swap3A_214, %swap3A_215] {strides = array<i32>} : memref<128x128xf32, #tpu.memory_space<vmem>>, vector<1x16xf32>,
          %swap3A_217 = vector.shape_cast %swap3A_216 : vector<1x16xf32> to vector<16xf32>
          %swap3A_218 = vector.shape_cast %mul3A_213 : vector<16xf32> to vector<1x16xf32>
          tpu.vector_store %arg11[%swap3A_214, %swap3A_215], %swap3A_218 {strides = array<i32>} : memref<128x128xf32, #tpu.memory_space<vmem>>, vector<1x16xf32>,
          %get3A_219 = arith.index_cast %add3A_188 : i32 to index
          %get3A_220 = arith.constant 48 : index
          %get3A_221 = tpu.vector_load %arg11[%get3A_219, %get3A_220] {strides = array<i32>} : memref<128x128xf32, #tpu.memory_space<vmem>>, vector<1x16xf32>,
          %get3A_222 = vector.shape_cast %get3A_221 : vector<1x16xf32> to vector<16xf32>
          %mul3A_223 = arith.mulf %get3A_222, %gather3A_184 : vector<16xf32>
          %swap3A_224 = arith.index_cast %add3A_188 : i32 to index
          %swap3A_225 = arith.constant 48 : index
          %swap3A_226 = tpu.vector_load %arg11[%swap3A_224, %swap3A_225] {strides = array<i32>} : memref<128x128xf32, #tpu.memory_space<vmem>>, vector<1x16xf32>,
          %swap3A_227 = vector.shape_cast %swap3A_226 : vector<1x16xf32> to vector<16xf32>
          %swap3A_228 = vector.shape_cast %mul3A_223 : vector<16xf32> to vector<1x16xf32>
          tpu.vector_store %arg11[%swap3A_224, %swap3A_225], %swap3A_228 {strides = array<i32>} : memref<128x128xf32, #tpu.memory_space<vmem>>, vector<1x16xf32>,
          %get3A_229 = arith.index_cast %add3A_188 : i32 to index
          %get3A_230 = arith.constant 64 : index
          %get3A_231 = tpu.vector_load %arg11[%get3A_229, %get3A_230] {strides = array<i32>} : memref<128x128xf32, #tpu.memory_space<vmem>>, vector<1x16xf32>,
          %get3A_232 = vector.shape_cast %get3A_231 : vector<1x16xf32> to vector<16xf32>
          %mul3A_233 = arith.mulf %get3A_232, %gather3A_184 : vector<16xf32>
          %swap3A_234 = arith.index_cast %add3A_188 : i32 to index
          %swap3A_235 = arith.constant 64 : index
          %swap3A_236 = tpu.vector_load %arg11[%swap3A_234, %swap3A_235] {strides = array<i32>} : memref<128x128xf32, #tpu.memory_space<vmem>>, vector<1x16xf32>,
          %swap3A_237 = vector.shape_cast %swap3A_236 : vector<1x16xf32> to vector<16xf32>
          %swap3A_238 = vector.shape_cast %mul3A_233 : vector<16xf32> to vector<1x16xf32>
          tpu.vector_store %arg11[%swap3A_234, %swap3A_235], %swap3A_238 {strides = array<i32>} : memref<128x128xf32, #tpu.memory_space<vmem>>, vector<1x16xf32>,
          %get3A_239 = arith.index_cast %add3A_188 : i32 to index
          %get3A_240 = arith.constant 80 : index
          %get3A_241 = tpu.vector_load %arg11[%get3A_239, %get3A_240] {strides = array<i32>} : memref<128x128xf32, #tpu.memory_space<vmem>>, vector<1x16xf32>,
          %get3A_242 = vector.shape_cast %get3A_241 : vector<1x16xf32> to vector<16xf32>
          %mul3A_243 = arith.mulf %get3A_242, %gather3A_184 : vector<16xf32>
          %swap3A_244 = arith.index_cast %add3A_188 : i32 to index
          %swap3A_245 = arith.constant 80 : index
          %swap3A_246 = tpu.vector_load %arg11[%swap3A_244, %swap3A_245] {strides = array<i32>} : memref<128x128xf32, #tpu.memory_space<vmem>>, vector<1x16xf32>,
          %swap3A_247 = vector.shape_cast %swap3A_246 : vector<1x16xf32> to vector<16xf32>
          %swap3A_248 = vector.shape_cast %mul3A_243 : vector<16xf32> to vector<1x16xf32>
          tpu.vector_store %arg11[%swap3A_244, %swap3A_245], %swap3A_248 {strides = array<i32>} : memref<128x128xf32, #tpu.memory_space<vmem>>, vector<1x16xf32>,
          %get3A_249 = arith.index_cast %add3A_188 : i32 to index
          %get3A_250 = arith.constant 96 : index
          %get3A_251 = tpu.vector_load %arg11[%get3A_249, %get3A_250] {strides = array<i32>} : memref<128x128xf32, #tpu.memory_space<vmem>>, vector<1x16xf32>,
          %get3A_252 = vector.shape_cast %get3A_251 : vector<1x16xf32> to vector<16xf32>
          %mul3A_253 = arith.mulf %get3A_252, %gather3A_184 : vector<16xf32>
          %swap3A_254 = arith.index_cast %add3A_188 : i32 to index
          %swap3A_255 = arith.constant 96 : index
          %swap3A_256 = tpu.vector_load %arg11[%swap3A_254, %swap3A_255] {strides = array<i32>} : memref<128x128xf32, #tpu.memory_space<vmem>>, vector<1x16xf32>,
          %swap3A_257 = vector.shape_cast %swap3A_256 : vector<1x16xf32> to vector<16xf32>
          %swap3A_258 = vector.shape_cast %mul3A_253 : vector<16xf32> to vector<1x16xf32>
          tpu.vector_store %arg11[%swap3A_254, %swap3A_255], %swap3A_258 {strides = array<i32>} : memref<128x128xf32, #tpu.memory_space<vmem>>, vector<1x16xf32>,
          %get3A_259 = arith.index_cast %add3A_188 : i32 to index
          %get3A_260 = arith.constant 112 : index
          %get3A_261 = tpu.vector_load %arg11[%get3A_259, %get3A_260] {strides = array<i32>} : memref<128x128xf32, #tpu.memory_space<vmem>>, vector<1x16xf32>,
          %get3A_262 = vector.shape_cast %get3A_261 : vector<1x16xf32> to vector<16xf32>
          %mul3A_263 = arith.mulf %get3A_262, %gather3A_184 : vector<16xf32>
          %swap3A_264 = arith.index_cast %add3A_188 : i32 to index
          %swap3A_265 = arith.constant 112 : index
          %swap3A_266 = tpu.vector_load %arg11[%swap3A_264, %swap3A_265] {strides = array<i32>} : memref<128x128xf32, #tpu.memory_space<vmem>>, vector<1x16xf32>,
          %swap3A_267 = vector.shape_cast %swap3A_266 : vector<1x16xf32> to vector<16xf32>
          %swap3A_268 = vector.shape_cast %mul3A_263 : vector<16xf32> to vector<1x16xf32>
          tpu.vector_store %arg11[%swap3A_264, %swap3A_265], %swap3A_268 {strides = array<i32>} : memref<128x128xf32, #tpu.memory_space<vmem>>, vector<1x16xf32>,
          %broadcast_in_dim3A_269 = arith.constant 2 : i32
          %broadcast_in_dim3A_270 = vector.broadcast %broadcast_in_dim3A_269 : i32 to vector<16x1xi32>
          %gather3A_271 = vector.shape_cast %broadcast_in_dim3A_270 : vector<16x1xi32> to vector<16xi32>
          %gather3A_272 = tpu.dynamic_gather %get3A_95[%gather3A_271] in [0] : vector<16xf32>, vector<16xi32> -> vector<16xf32>
          %mul3A_273 = arith.constant 16 : i32
          %mul3A_274 = arith.muli %scan3A_90, %mul3A_273 : i32
          %add3A_275 = arith.constant 2 : i32
          %add3A_276 = arith.addi %mul3A_274, %add3A_275 : i32
          %get3A_277 = arith.index_cast %add3A_276 : i32 to index
          %get3A_278 = arith.constant 0 : index
          %get3A_279 = tpu.vector_load %arg11[%get3A_277, %get3A_278] {strides = array<i32>} : memref<128x128xf32, #tpu.memory_space<vmem>>, vector<1x16xf32>,
          %get3A_280 = vector.shape_cast %get3A_279 : vector<1x16xf32> to vector<16xf32>
          %mul3A_281 = arith.mulf %get3A_280, %gather3A_272 : vector<16xf32>
          %swap3A_282 = arith.index_cast %add3A_276 : i32 to index
          %swap3A_283 = arith.constant 0 : index
          %swap3A_284 = tpu.vector_load %arg11[%swap3A_282, %swap3A_283] {strides = array<i32>} : memref<128x128xf32, #tpu.memory_space<vmem>>, vector<1x16xf32>,
          %swap3A_285 = vector.shape_cast %swap3A_284 : vector<1x16xf32> to vector<16xf32>
          %swap3A_286 = vector.shape_cast %mul3A_281 : vector<16xf32> to vector<1x16xf32>
          tpu.vector_store %arg11[%swap3A_282, %swap3A_283], %swap3A_286 {strides = array<i32>} : memref<128x128xf32, #tpu.memory_space<vmem>>, vector<1x16xf32>,
          %get3A_287 = arith.index_cast %add3A_276 : i32 to index
          %get3A_288 = arith.constant 16 : index
          %get3A_289 = tpu.vector_load %arg11[%get3A_287, %get3A_288] {strides = array<i32>} : memref<128x128xf32, #tpu.memory_space<vmem>>, vector<1x16xf32>,
          %get3A_290 = vector.shape_cast %get3A_289 : vector<1x16xf32> to vector<16xf32>
          %mul3A_291 = arith.mulf %get3A_290, %gather3A_272 : vector<16xf32>
          %swap3A_292 = arith.index_cast %add3A_276 : i32 to index
          %swap3A_293 = arith.constant 16 : index
          %swap3A_294 = tpu.vector_load %arg11[%swap3A_292, %swap3A_293] {strides = array<i32>} : memref<128x128xf32, #tpu.memory_space<vmem>>, vector<1x16xf32>,
          %swap3A_295 = vector.shape_cast %swap3A_294 : vector<1x16xf32> to vector<16xf32>
          %swap3A_296 = vector.shape_cast %mul3A_291 : vector<16xf32> to vector<1x16xf32>
          tpu.vector_store %arg11[%swap3A_292, %swap3A_293], %swap3A_296 {strides = array<i32>} : memref<128x128xf32, #tpu.memory_space<vmem>>, vector<1x16xf32>,
          %get3A_297 = arith.index_cast %add3A_276 : i32 to index
          %get3A_298 = arith.constant 32 : index
          %get3A_299 = tpu.vector_load %arg11[%get3A_297, %get3A_298] {strides = array<i32>} : memref<128x128xf32, #tpu.memory_space<vmem>>, vector<1x16xf32>,
          %get3A_300 = vector.shape_cast %get3A_299 : vector<1x16xf32> to vector<16xf32>
          %mul3A_301 = arith.mulf %get3A_300, %gather3A_272 : vector<16xf32>
          %swap3A_302 = arith.index_cast %add3A_276 : i32 to index
          %swap3A_303 = arith.constant 32 : index
          %swap3A_304 = tpu.vector_load %arg11[%swap3A_302, %swap3A_303] {strides = array<i32>} : memref<128x128xf32, #tpu.memory_space<vmem>>, vector<1x16xf32>,
          %swap3A_305 = vector.shape_cast %swap3A_304 : vector<1x16xf32> to vector<16xf32>
          %swap3A_306 = vector.shape_cast %mul3A_301 : vector<16xf32> to vector<1x16xf32>
          tpu.vector_store %arg11[%swap3A_302, %swap3A_303], %swap3A_306 {strides = array<i32>} : memref<128x128xf32, #tpu.memory_space<vmem>>, vector<1x16xf32>,
          %get3A_307 = arith.index_cast %add3A_276 : i32 to index
          %get3A_308 = arith.constant 48 : index
          %get3A_309 = tpu.vector_load %arg11[%get3A_307, %get3A_308] {strides = array<i32>} : memref<128x128xf32, #tpu.memory_space<vmem>>, vector<1x16xf32>,
          %get3A_310 = vector.shape_cast %get3A_309 : vector<1x16xf32> to vector<16xf32>
          %mul3A_311 = arith.mulf %get3A_310, %gather3A_272 : vector<16xf32>
          %swap3A_312 = arith.index_cast %add3A_276 : i32 to index
          %swap3A_313 = arith.constant 48 : index
          %swap3A_314 = tpu.vector_load %arg11[%swap3A_312, %swap3A_313] {strides = array<i32>} : memref<128x128xf32, #tpu.memory_space<vmem>>, vector<1x16xf32>,
          %swap3A_315 = vector.shape_cast %swap3A_314 : vector<1x16xf32> to vector<16xf32>
          %swap3A_316 = vector.shape_cast %mul3A_311 : vector<16xf32> to vector<1x16xf32>
          tpu.vector_store %arg11[%swap3A_312, %swap3A_313], %swap3A_316 {strides = array<i32>} : memref<128x128xf32, #tpu.memory_space<vmem>>, vector<1x16xf32>,
          %get3A_317 = arith.index_cast %add3A_276 : i32 to index
          %get3A_318 = arith.constant 64 : index
          %get3A_319 = tpu.vector_load %arg11[%get3A_317, %get3A_318] {strides = array<i32>} : memref<128x128xf32, #tpu.memory_space<vmem>>, vector<1x16xf32>,
          %get3A_320 = vector.shape_cast %get3A_319 : vector<1x16xf32> to vector<16xf32>
          %mul3A_321 = arith.mulf %get3A_320, %gather3A_272 : vector<16xf32>
          %swap3A_322 = arith.index_cast %add3A_276 : i32 to index
          %swap3A_323 = arith.constant 64 : index
          %swap3A_324 = tpu.vector_load %arg11[%swap3A_322, %swap3A_323] {strides = array<i32>} : memref<128x128xf32, #tpu.memory_space<vmem>>, vector<1x16xf32>,
          %swap3A_325 = vector.shape_cast %swap3A_324 : vector<1x16xf32> to vector<16xf32>
          %swap3A_326 = vector.shape_cast %mul3A_321 : vector<16xf32> to vector<1x16xf32>
          tpu.vector_store %arg11[%swap3A_322, %swap3A_323], %swap3A_326 {strides = array<i32>} : memref<128x128xf32, #tpu.memory_space<vmem>>, vector<1x16xf32>,
          %get3A_327 = arith.index_cast %add3A_276 : i32 to index
          %get3A_328 = arith.constant 80 : index
          %get3A_329 = tpu.vector_load %arg11[%get3A_327, %get3A_328] {strides = array<i32>} : memref<128x128xf32, #tpu.memory_space<vmem>>, vector<1x16xf32>,
          %get3A_330 = vector.shape_cast %get3A_329 : vector<1x16xf32> to vector<16xf32>
          %mul3A_331 = arith.mulf %get3A_330, %gather3A_272 : vector<16xf32>
          %swap3A_332 = arith.index_cast %add3A_276 : i32 to index
          %swap3A_333 = arith.constant 80 : index
          %swap3A_334 = tpu.vector_load %arg11[%swap3A_332, %swap3A_333] {strides = array<i32>} : memref<128x128xf32, #tpu.memory_space<vmem>>, vector<1x16xf32>,
          %swap3A_335 = vector.shape_cast %swap3A_334 : vector<1x16xf32> to vector<16xf32>
          %swap3A_336 = vector.shape_cast %mul3A_331 : vector<16xf32> to vector<1x16xf32>
          tpu.vector_store %arg11[%swap3A_332, %swap3A_333], %swap3A_336 {strides = array<i32>} : memref<128x128xf32, #tpu.memory_space<vmem>>, vector<1x16xf32>,
          %get3A_337 = arith.index_cast %add3A_276 : i32 to index
          %get3A_338 = arith.constant 96 : index
          %get3A_339 = tpu.vector_load %arg11[%get3A_337, %get3A_338] {strides = array<i32>} : memref<128x128xf32, #tpu.memory_space<vmem>>, vector<1x16xf32>,
          %get3A_340 = vector.shape_cast %get3A_339 : vector<1x16xf32> to vector<16xf32>
          %mul3A_341 = arith.mulf %get3A_340, %gather3A_272 : vector<16xf32>
          %swap3A_342 = arith.index_cast %add3A_276 : i32 to index
          %swap3A_343 = arith.constant 96 : index
          %swap3A_344 = tpu.vector_load %arg11[%swap3A_342, %swap3A_343] {strides = array<i32>} : memref<128x128xf32, #tpu.memory_space<vmem>>, vector<1x16xf32>,
          %swap3A_345 = vector.shape_cast %swap3A_344 : vector<1x16xf32> to vector<16xf32>
          %swap3A_346 = vector.shape_cast %mul3A_341 : vector<16xf32> to vector<1x16xf32>
          tpu.vector_store %arg11[%swap3A_342, %swap3A_343], %swap3A_346 {strides = array<i32>} : memref<128x128xf32, #tpu.memory_space<vmem>>, vector<1x16xf32>,
          %get3A_347 = arith.index_cast %add3A_276 : i32 to index
          %get3A_348 = arith.constant 112 : index
          %get3A_349 = tpu.vector_load %arg11[%get3A_347, %get3A_348] {strides = array<i32>} : memref<128x128xf32, #tpu.memory_space<vmem>>, vector<1x16xf32>,
          %get3A_350 = vector.shape_cast %get3A_349 : vector<1x16xf32> to vector<16xf32>
          %mul3A_351 = arith.mulf %get3A_350, %gather3A_272 : vector<16xf32>
          %swap3A_352 = arith.index_cast %add3A_276 : i32 to index
          %swap3A_353 = arith.constant 112 : index
          %swap3A_354 = tpu.vector_load %arg11[%swap3A_352, %swap3A_353] {strides = array<i32>} : memref<128x128xf32, #tpu.memory_space<vmem>>, vector<1x16xf32>,
          %swap3A_355 = vector.shape_cast %swap3A_354 : vector<1x16xf32> to vector<16xf32>
          %swap3A_356 = vector.shape_cast %mul3A_351 : vector<16xf32> to vector<1x16xf32>
          tpu.vector_store %arg11[%swap3A_352, %swap3A_353], %swap3A_356 {strides = array<i32>} : memref<128x128xf32, #tpu.memory_space<vmem>>, vector<1x16xf32>,
          %broadcast_in_dim3A_357 = arith.constant 3 : i32
          %broadcast_in_dim3A_358 = vector.broadcast %broadcast_in_dim3A_357 : i32 to vector<16x1xi32>
          %gather3A_359 = vector.shape_cast %broadcast_in_dim3A_358 : vector<16x1xi32> to vector<16xi32>
          %gather3A_360 = tpu.dynamic_gather %get3A_95[%gather3A_359] in [0] : vector<16xf32>, vector<16xi32> -> vector<16xf32>
          %mul3A_361 = arith.constant 16 : i32
          %mul3A_362 = arith.muli %scan3A_90, %mul3A_361 : i32
          %add3A_363 = arith.constant 3 : i32
          %add3A_364 = arith.addi %mul3A_362, %add3A_363 : i32
          %get3A_365 = arith.index_cast %add3A_364 : i32 to index
          %get3A_366 = arith.constant 0 : index
          %get3A_367 = tpu.vector_load %arg11[%get3A_365, %get3A_366] {strides = array<i32>} : memref<128x128xf32, #tpu.memory_space<vmem>>, vector<1x16xf32>,
          %get3A_368 = vector.shape_cast %get3A_367 : vector<1x16xf32> to vector<16xf32>
          %mul3A_369 = arith.mulf %get3A_368, %gather3A_360 : vector<16xf32>
          %swap3A_370 = arith.index_cast %add3A_364 : i32 to index
          %swap3A_371 = arith.constant 0 : index
          %swap3A_372 = tpu.vector_load %arg11[%swap3A_370, %swap3A_371] {strides = array<i32>} : memref<128x128xf32, #tpu.memory_space<vmem>>, vector<1x16xf32>,
          %swap3A_373 = vector.shape_cast %swap3A_372 : vector<1x16xf32> to vector<16xf32>
          %swap3A_374 = vector.shape_cast %mul3A_369 : vector<16xf32> to vector<1x16xf32>
          tpu.vector_store %arg11[%swap3A_370, %swap3A_371], %swap3A_374 {strides = array<i32>} : memref<128x128xf32, #tpu.memory_space<vmem>>, vector<1x16xf32>,
          %get3A_375 = arith.index_cast %add3A_364 : i32 to index
          %get3A_376 = arith.constant 16 : index
          %get3A_377 = tpu.vector_load %arg11[%get3A_375, %get3A_376] {strides = array<i32>} : memref<128x128xf32, #tpu.memory_space<vmem>>, vector<1x16xf32>,
          %get3A_378 = vector.shape_cast %get3A_377 : vector<1x16xf32> to vector<16xf32>
          %mul3A_379 = arith.mulf %get3A_378, %gather3A_360 : vector<16xf32>
          %swap3A_380 = arith.index_cast %add3A_364 : i32 to index
          %swap3A_381 = arith.constant 16 : index
          %swap3A_382 = tpu.vector_load %arg11[%swap3A_380, %swap3A_381] {strides = array<i32>} : memref<128x128xf32, #tpu.memory_space<vmem>>, vector<1x16xf32>,
          %swap3A_383 = vector.shape_cast %swap3A_382 : vector<1x16xf32> to vector<16xf32>
          %swap3A_384 = vector.shape_cast %mul3A_379 : vector<16xf32> to vector<1x16xf32>
          tpu.vector_store %arg11[%swap3A_380, %swap3A_381], %swap3A_384 {strides = array<i32>} : memref<128x128xf32, #tpu.memory_space<vmem>>, vector<1x16xf32>,
          %get3A_385 = arith.index_cast %add3A_364 : i32 to index
          %get3A_386 = arith.constant 32 : index
          %get3A_387 = tpu.vector_load %arg11[%get3A_385, %get3A_386] {strides = array<i32>} : memref<128x128xf32, #tpu.memory_space<vmem>>, vector<1x16xf32>,
          %get3A_388 = vector.shape_cast %get3A_387 : vector<1x16xf32> to vector<16xf32>
          %mul3A_389 = arith.mulf %get3A_388, %gather3A_360 : vector<16xf32>
          %swap3A_390 = arith.index_cast %add3A_364 : i32 to index
          %swap3A_391 = arith.constant 32 : index
          %swap3A_392 = tpu.vector_load %arg11[%swap3A_390, %swap3A_391] {strides = array<i32>} : memref<128x128xf32, #tpu.memory_space<vmem>>, vector<1x16xf32>,
          %swap3A_393 = vector.shape_cast %swap3A_392 : vector<1x16xf32> to vector<16xf32>
          %swap3A_394 = vector.shape_cast %mul3A_389 : vector<16xf32> to vector<1x16xf32>
          tpu.vector_store %arg11[%swap3A_390, %swap3A_391], %swap3A_394 {strides = array<i32>} : memref<128x128xf32, #tpu.memory_space<vmem>>, vector<1x16xf32>,
          %get3A_395 = arith.index_cast %add3A_364 : i32 to index
          %get3A_396 = arith.constant 48 : index
          %get3A_397 = tpu.vector_load %arg11[%get3A_395, %get3A_396] {strides = array<i32>} : memref<128x128xf32, #tpu.memory_space<vmem>>, vector<1x16xf32>,
          %get3A_398 = vector.shape_cast %get3A_397 : vector<1x16xf32> to vector<16xf32>
          %mul3A_399 = arith.mulf %get3A_398, %gather3A_360 : vector<16xf32>
          %swap3A_400 = arith.index_cast %add3A_364 : i32 to index
          %swap3A_401 = arith.constant 48 : index
          %swap3A_402 = tpu.vector_load %arg11[%swap3A_400, %swap3A_401] {strides = array<i32>} : memref<128x128xf32, #tpu.memory_space<vmem>>, vector<1x16xf32>,
          %swap3A_403 = vector.shape_cast %swap3A_402 : vector<1x16xf32> to vector<16xf32>
          %swap3A_404 = vector.shape_cast %mul3A_399 : vector<16xf32> to vector<1x16xf32>
          tpu.vector_store %arg11[%swap3A_400, %swap3A_401], %swap3A_404 {strides = array<i32>} : memref<128x128xf32, #tpu.memory_space<vmem>>, vector<1x16xf32>,
          %get3A_405 = arith.index_cast %add3A_364 : i32 to index
          %get3A_406 = arith.constant 64 : index
          %get3A_407 = tpu.vector_load %arg11[%get3A_405, %get3A_406] {strides = array<i32>} : memref<128x128xf32, #tpu.memory_space<vmem>>, vector<1x16xf32>,
          %get3A_408 = vector.shape_cast %get3A_407 : vector<1x16xf32> to vector<16xf32>
          %mul3A_409 = arith.mulf %get3A_408, %gather3A_360 : vector<16xf32>
          %swap3A_410 = arith.index_cast %add3A_364 : i32 to index
          %swap3A_411 = arith.constant 64 : index
          %swap3A_412 = tpu.vector_load %arg11[%swap3A_410, %swap3A_411] {strides = array<i32>} : memref<128x128xf32, #tpu.memory_space<vmem>>, vector<1x16xf32>,
          %swap3A_413 = vector.shape_cast %swap3A_412 : vector<1x16xf32> to vector<16xf32>
          %swap3A_414 = vector.shape_cast %mul3A_409 : vector<16xf32> to vector<1x16xf32>
          tpu.vector_store %arg11[%swap3A_410, %swap3A_411], %swap3A_414 {strides = array<i32>} : memref<128x128xf32, #tpu.memory_space<vmem>>, vector<1x16xf32>,
          %get3A_415 = arith.index_cast %add3A_364 : i32 to index
          %get3A_416 = arith.constant 80 : index
          %get3A_417 = tpu.vector_load %arg11[%get3A_415, %get3A_416] {strides = array<i32>} : memref<128x128xf32, #tpu.memory_space<vmem>>, vector<1x16xf32>,
          %get3A_418 = vector.shape_cast %get3A_417 : vector<1x16xf32> to vector<16xf32>
          %mul3A_419 = arith.mulf %get3A_418, %gather3A_360 : vector<16xf32>
          %swap3A_420 = arith.index_cast %add3A_364 : i32 to index
          %swap3A_421 = arith.constant 80 : index
          %swap3A_422 = tpu.vector_load %arg11[%swap3A_420, %swap3A_421] {strides = array<i32>} : memref<128x128xf32, #tpu.memory_space<vmem>>, vector<1x16xf32>,
          %swap3A_423 = vector.shape_cast %swap3A_422 : vector<1x16xf32> to vector<16xf32>
          %swap3A_424 = vector.shape_cast %mul3A_419 : vector<16xf32> to vector<1x16xf32>
          tpu.vector_store %arg11[%swap3A_420, %swap3A_421], %swap3A_424 {strides = array<i32>} : memref<128x128xf32, #tpu.memory_space<vmem>>, vector<1x16xf32>,
          %get3A_425 = arith.index_cast %add3A_364 : i32 to index
          %get3A_426 = arith.constant 96 : index
          %get3A_427 = tpu.vector_load %arg11[%get3A_425, %get3A_426] {strides = array<i32>} : memref<128x128xf32, #tpu.memory_space<vmem>>, vector<1x16xf32>,
          %get3A_428 = vector.shape_cast %get3A_427 : vector<1x16xf32> to vector<16xf32>
          %mul3A_429 = arith.mulf %get3A_428, %gather3A_360 : vector<16xf32>
          %swap3A_430 = arith.index_cast %add3A_364 : i32 to index
          %swap3A_431 = arith.constant 96 : index
          %swap3A_432 = tpu.vector_load %arg11[%swap3A_430, %swap3A_431] {strides = array<i32>} : memref<128x128xf32, #tpu.memory_space<vmem>>, vector<1x16xf32>,
          %swap3A_433 = vector.shape_cast %swap3A_432 : vector<1x16xf32> to vector<16xf32>
          %swap3A_434 = vector.shape_cast %mul3A_429 : vector<16xf32> to vector<1x16xf32>
          tpu.vector_store %arg11[%swap3A_430, %swap3A_431], %swap3A_434 {strides = array<i32>} : memref<128x128xf32, #tpu.memory_space<vmem>>, vector<1x16xf32>,
          %get3A_435 = arith.index_cast %add3A_364 : i32 to index
          %get3A_436 = arith.constant 112 : index
          %get3A_437 = tpu.vector_load %arg11[%get3A_435, %get3A_436] {strides = array<i32>} : memref<128x128xf32, #tpu.memory_space<vmem>>, vector<1x16xf32>,
          %get3A_438 = vector.shape_cast %get3A_437 : vector<1x16xf32> to vector<16xf32>
          %mul3A_439 = arith.mulf %get3A_438, %gather3A_360 : vector<16xf32>
          %swap3A_440 = arith.index_cast %add3A_364 : i32 to index
          %swap3A_441 = arith.constant 112 : index
          %swap3A_442 = tpu.vector_load %arg11[%swap3A_440, %swap3A_441] {strides = array<i32>} : memref<128x128xf32, #tpu.memory_space<vmem>>, vector<1x16xf32>,
          %swap3A_443 = vector.shape_cast %swap3A_442 : vector<1x16xf32> to vector<16xf32>
          %swap3A_444 = vector.shape_cast %mul3A_439 : vector<16xf32> to vector<1x16xf32>
          tpu.vector_store %arg11[%swap3A_440, %swap3A_441], %swap3A_444 {strides = array<i32>} : memref<128x128xf32, #tpu.memory_space<vmem>>, vector<1x16xf32>,
          %broadcast_in_dim3A_445 = arith.constant 4 : i32
          %broadcast_in_dim3A_446 = vector.broadcast %broadcast_in_dim3A_445 : i32 to vector<16x1xi32>
          %gather3A_447 = vector.shape_cast %broadcast_in_dim3A_446 : vector<16x1xi32> to vector<16xi32>
          %gather3A_448 = tpu.dynamic_gather %get3A_95[%gather3A_447] in [0] : vector<16xf32>, vector<16xi32> -> vector<16xf32>
          %mul3A_449 = arith.constant 16 : i32
          %mul3A_450 = arith.muli %scan3A_90, %mul3A_449 : i32
          %add3A_451 = arith.constant 4 : i32
          %add3A_452 = arith.addi %mul3A_450, %add3A_451 : i32
          %get3A_453 = arith.index_cast %add3A_452 : i32 to index
          %get3A_454 = arith.constant 0 : index
          %get3A_455 = tpu.vector_load %arg11[%get3A_453, %get3A_454] {strides = array<i32>} : memref<128x128xf32, #tpu.memory_space<vmem>>, vector<1x16xf32>,
          %get3A_456 = vector.shape_cast %get3A_455 : vector<1x16xf32> to vector<16xf32>
          %mul3A_457 = arith.mulf %get3A_456, %gather3A_448 : vector<16xf32>
          %swap3A_458 = arith.index_cast %add3A_452 : i32 to index
          %swap3A_459 = arith.constant 0 : index
          %swap3A_460 = tpu.vector_load %arg11[%swap3A_458, %swap3A_459] {strides = array<i32>} : memref<128x128xf32, #tpu.memory_space<vmem>>, vector<1x16xf32>,
          %swap3A_461 = vector.shape_cast %swap3A_460 : vector<1x16xf32> to vector<16xf32>
          %swap3A_462 = vector.shape_cast %mul3A_457 : vector<16xf32> to vector<1x16xf32>
          tpu.vector_store %arg11[%swap3A_458, %swap3A_459], %swap3A_462 {strides = array<i32>} : memref<128x128xf32, #tpu.memory_space<vmem>>, vector<1x16xf32>,
          %get3A_463 = arith.index_cast %add3A_452 : i32 to index
          %get3A_464 = arith.constant 16 : index
          %get3A_465 = tpu.vector_load %arg11[%get3A_463, %get3A_464] {strides = array<i32>} : memref<128x128xf32, #tpu.memory_space<vmem>>, vector<1x16xf32>,
          %get3A_466 = vector.shape_cast %get3A_465 : vector<1x16xf32> to vector<16xf32>
          %mul3A_467 = arith.mulf %get3A_466, %gather3A_448 : vector<16xf32>
          %swap3A_468 = arith.index_cast %add3A_452 : i32 to index
          %swap3A_469 = arith.constant 16 : index
          %swap3A_470 = tpu.vector_load %arg11[%swap3A_468, %swap3A_469] {strides = array<i32>} : memref<128x128xf32, #tpu.memory_space<vmem>>, vector<1x16xf32>,
          %swap3A_471 = vector.shape_cast %swap3A_470 : vector<1x16xf32> to vector<16xf32>
          %swap3A_472 = vector.shape_cast %mul3A_467 : vector<16xf32> to vector<1x16xf32>
          tpu.vector_store %arg11[%swap3A_468, %swap3A_469], %swap3A_472 {strides = array<i32>} : memref<128x128xf32, #tpu.memory_space<vmem>>, vector<1x16xf32>,
          %get3A_473 = arith.index_cast %add3A_452 : i32 to index
          %get3A_474 = arith.constant 32 : index
          %get3A_475 = tpu.vector_load %arg11[%get3A_473, %get3A_474] {strides = array<i32>} : memref<128x128xf32, #tpu.memory_space<vmem>>, vector<1x16xf32>,
          %get3A_476 = vector.shape_cast %get3A_475 : vector<1x16xf32> to vector<16xf32>
          %mul3A_477 = arith.mulf %get3A_476, %gather3A_448 : vector<16xf32>
          %swap3A_478 = arith.index_cast %add3A_452 : i32 to index
          %swap3A_479 = arith.constant 32 : index
          %swap3A_480 = tpu.vector_load %arg11[%swap3A_478, %swap3A_479] {strides = array<i32>} : memref<128x128xf32, #tpu.memory_space<vmem>>, vector<1x16xf32>,
          %swap3A_481 = vector.shape_cast %swap3A_480 : vector<1x16xf32> to vector<16xf32>
          %swap3A_482 = vector.shape_cast %mul3A_477 : vector<16xf32> to vector<1x16xf32>
          tpu.vector_store %arg11[%swap3A_478, %swap3A_479], %swap3A_482 {strides = array<i32>} : memref<128x128xf32, #tpu.memory_space<vmem>>, vector<1x16xf32>,
          %get3A_483 = arith.index_cast %add3A_452 : i32 to index
          %get3A_484 = arith.constant 48 : index
          %get3A_485 = tpu.vector_load %arg11[%get3A_483, %get3A_484] {strides = array<i32>} : memref<128x128xf32, #tpu.memory_space<vmem>>, vector<1x16xf32>,
          %get3A_486 = vector.shape_cast %get3A_485 : vector<1x16xf32> to vector<16xf32>
          %mul3A_487 = arith.mulf %get3A_486, %gather3A_448 : vector<16xf32>
          %swap3A_488 = arith.index_cast %add3A_452 : i32 to index
          %swap3A_489 = arith.constant 48 : index
          %swap3A_490 = tpu.vector_load %arg11[%swap3A_488, %swap3A_489] {strides = array<i32>} : memref<128x128xf32, #tpu.memory_space<vmem>>, vector<1x16xf32>,
          %swap3A_491 = vector.shape_cast %swap3A_490 : vector<1x16xf32> to vector<16xf32>
          %swap3A_492 = vector.shape_cast %mul3A_487 : vector<16xf32> to vector<1x16xf32>
          tpu.vector_store %arg11[%swap3A_488, %swap3A_489], %swap3A_492 {strides = array<i32>} : memref<128x128xf32, #tpu.memory_space<vmem>>, vector<1x16xf32>,
          %get3A_493 = arith.index_cast %add3A_452 : i32 to index
          %get3A_494 = arith.constant 64 : index
          %get3A_495 = tpu.vector_load %arg11[%get3A_493, %get3A_494] {strides = array<i32>} : memref<128x128xf32, #tpu.memory_space<vmem>>, vector<1x16xf32>,
          %get3A_496 = vector.shape_cast %get3A_495 : vector<1x16xf32> to vector<16xf32>
          %mul3A_497 = arith.mulf %get3A_496, %gather3A_448 : vector<16xf32>
          %swap3A_498 = arith.index_cast %add3A_452 : i32 to index
          %swap3A_499 = arith.constant 64 : index
          %swap3A_500 = tpu.vector_load %arg11[%swap3A_498, %swap3A_499] {strides = array<i32>} : memref<128x128xf32, #tpu.memory_space<vmem>>, vector<1x16xf32>,
          %swap3A_501 = vector.shape_cast %swap3A_500 : vector<1x16xf32> to vector<16xf32>
          %swap3A_502 = vector.shape_cast %mul3A_497 : vector<16xf32> to vector<1x16xf32>
          tpu.vector_store %arg11[%swap3A_498, %swap3A_499], %swap3A_502 {strides = array<i32>} : memref<128x128xf32, #tpu.memory_space<vmem>>, vector<1x16xf32>,
          %get3A_503 = arith.index_cast %add3A_452 : i32 to index
          %get3A_504 = arith.constant 80 : index
          %get3A_505 = tpu.vector_load %arg11[%get3A_503, %get3A_504] {strides = array<i32>} : memref<128x128xf32, #tpu.memory_space<vmem>>, vector<1x16xf32>,
          %get3A_506 = vector.shape_cast %get3A_505 : vector<1x16xf32> to vector<16xf32>
          %mul3A_507 = arith.mulf %get3A_506, %gather3A_448 : vector<16xf32>
          %swap3A_508 = arith.index_cast %add3A_452 : i32 to index
          %swap3A_509 = arith.constant 80 : index
          %swap3A_510 = tpu.vector_load %arg11[%swap3A_508, %swap3A_509] {strides = array<i32>} : memref<128x128xf32, #tpu.memory_space<vmem>>, vector<1x16xf32>,
          %swap3A_511 = vector.shape_cast %swap3A_510 : vector<1x16xf32> to vector<16xf32>
          %swap3A_512 = vector.shape_cast %mul3A_507 : vector<16xf32> to vector<1x16xf32>
          tpu.vector_store %arg11[%swap3A_508, %swap3A_509], %swap3A_512 {strides = array<i32>} : memref<128x128xf32, #tpu.memory_space<vmem>>, vector<1x16xf32>,
          %get3A_513 = arith.index_cast %add3A_452 : i32 to index
          %get3A_514 = arith.constant 96 : index
          %get3A_515 = tpu.vector_load %arg11[%get3A_513, %get3A_514] {strides = array<i32>} : memref<128x128xf32, #tpu.memory_space<vmem>>, vector<1x16xf32>,
          %get3A_516 = vector.shape_cast %get3A_515 : vector<1x16xf32> to vector<16xf32>
          %mul3A_517 = arith.mulf %get3A_516, %gather3A_448 : vector<16xf32>
          %swap3A_518 = arith.index_cast %add3A_452 : i32 to index
          %swap3A_519 = arith.constant 96 : index
          %swap3A_520 = tpu.vector_load %arg11[%swap3A_518, %swap3A_519] {strides = array<i32>} : memref<128x128xf32, #tpu.memory_space<vmem>>, vector<1x16xf32>,
          %swap3A_521 = vector.shape_cast %swap3A_520 : vector<1x16xf32> to vector<16xf32>
          %swap3A_522 = vector.shape_cast %mul3A_517 : vector<16xf32> to vector<1x16xf32>
          tpu.vector_store %arg11[%swap3A_518, %swap3A_519], %swap3A_522 {strides = array<i32>} : memref<128x128xf32, #tpu.memory_space<vmem>>, vector<1x16xf32>,
          %get3A_523 = arith.index_cast %add3A_452 : i32 to index
          %get3A_524 = arith.constant 112 : index
          %get3A_525 = tpu.vector_load %arg11[%get3A_523, %get3A_524] {strides = array<i32>} : memref<128x128xf32, #tpu.memory_space<vmem>>, vector<1x16xf32>,
          %get3A_526 = vector.shape_cast %get3A_525 : vector<1x16xf32> to vector<16xf32>
          %mul3A_527 = arith.mulf %get3A_526, %gather3A_448 : vector<16xf32>
          %swap3A_528 = arith.index_cast %add3A_452 : i32 to index
          %swap3A_529 = arith.constant 112 : index
          %swap3A_530 = tpu.vector_load %arg11[%swap3A_528, %swap3A_529] {strides = array<i32>} : memref<128x128xf32, #tpu.memory_space<vmem>>, vector<1x16xf32>,
          %swap3A_531 = vector.shape_cast %swap3A_530 : vector<1x16xf32> to vector<16xf32>
          %swap3A_532 = vector.shape_cast %mul3A_527 : vector<16xf32> to vector<1x16xf32>
          tpu.vector_store %arg11[%swap3A_528, %swap3A_529], %swap3A_532 {strides = array<i32>} : memref<128x128xf32, #tpu.memory_space<vmem>>, vector<1x16xf32>,
          %broadcast_in_dim3A_533 = arith.constant 5 : i32
          %broadcast_in_dim3A_534 = vector.broadcast %broadcast_in_dim3A_533 : i32 to vector<16x1xi32>
          %gather3A_535 = vector.shape_cast %broadcast_in_dim3A_534 : vector<16x1xi32> to vector<16xi32>
          %gather3A_536 = tpu.dynamic_gather %get3A_95[%gather3A_535] in [0] : vector<16xf32>, vector<16xi32> -> vector<16xf32>
          %mul3A_537 = arith.constant 16 : i32
          %mul3A_538 = arith.muli %scan3A_90, %mul3A_537 : i32
          %add3A_539 = arith.constant 5 : i32
          %add3A_540 = arith.addi %mul3A_538, %add3A_539 : i32
          %get3A_541 = arith.index_cast %add3A_540 : i32 to index
          %get3A_542 = arith.constant 0 : index
          %get3A_543 = tpu.vector_load %arg11[%get3A_541, %get3A_542] {strides = array<i32>} : memref<128x128xf32, #tpu.memory_space<vmem>>, vector<1x16xf32>,
          %get3A_544 = vector.shape_cast %get3A_543 : vector<1x16xf32> to vector<16xf32>
          %mul3A_545 = arith.mulf %get3A_544, %gather3A_536 : vector<16xf32>
          %swap3A_546 = arith.index_cast %add3A_540 : i32 to index
          %swap3A_547 = arith.constant 0 : index
          %swap3A_548 = tpu.vector_load %arg11[%swap3A_546, %swap3A_547] {strides = array<i32>} : memref<128x128xf32, #tpu.memory_space<vmem>>, vector<1x16xf32>,
          %swap3A_549 = vector.shape_cast %swap3A_548 : vector<1x16xf32> to vector<16xf32>
          %swap3A_550 = vector.shape_cast %mul3A_545 : vector<16xf32> to vector<1x16xf32>
          tpu.vector_store %arg11[%swap3A_546, %swap3A_547], %swap3A_550 {strides = array<i32>} : memref<128x128xf32, #tpu.memory_space<vmem>>, vector<1x16xf32>,
          %get3A_551 = arith.index_cast %add3A_540 : i32 to index
          %get3A_552 = arith.constant 16 : index
          %get3A_553 = tpu.vector_load %arg11[%get3A_551, %get3A_552] {strides = array<i32>} : memref<128x128xf32, #tpu.memory_space<vmem>>, vector<1x16xf32>,
          %get3A_554 = vector.shape_cast %get3A_553 : vector<1x16xf32> to vector<16xf32>
          %mul3A_555 = arith.mulf %get3A_554, %gather3A_536 : vector<16xf32>
          %swap3A_556 = arith.index_cast %add3A_540 : i32 to index
          %swap3A_557 = arith.constant 16 : index
          %swap3A_558 = tpu.vector_load %arg11[%swap3A_556, %swap3A_557] {strides = array<i32>} : memref<128x128xf32, #tpu.memory_space<vmem>>, vector<1x16xf32>,
          %swap3A_559 = vector.shape_cast %swap3A_558 : vector<1x16xf32> to vector<16xf32>
          %swap3A_560 = vector.shape_cast %mul3A_555 : vector<16xf32> to vector<1x16xf32>
          tpu.vector_store %arg11[%swap3A_556, %swap3A_557], %swap3A_560 {strides = array<i32>} : memref<128x128xf32, #tpu.memory_space<vmem>>, vector<1x16xf32>,
          %get3A_561 = arith.index_cast %add3A_540 : i32 to index
          %get3A_562 = arith.constant 32 : index
          %get3A_563 = tpu.vector_load %arg11[%get3A_561, %get3A_562] {strides = array<i32>} : memref<128x128xf32, #tpu.memory_space<vmem>>, vector<1x16xf32>,
          %get3A_564 = vector.shape_cast %get3A_563 : vector<1x16xf32> to vector<16xf32>
          %mul3A_565 = arith.mulf %get3A_564, %gather3A_536 : vector<16xf32>
          %swap3A_566 = arith.index_cast %add3A_540 : i32 to index
          %swap3A_567 = arith.constant 32 : index
          %swap3A_568 = tpu.vector_load %arg11[%swap3A_566, %swap3A_567] {strides = array<i32>} : memref<128x128xf32, #tpu.memory_space<vmem>>, vector<1x16xf32>,
          %swap3A_569 = vector.shape_cast %swap3A_568 : vector<1x16xf32> to vector<16xf32>
          %swap3A_570 = vector.shape_cast %mul3A_565 : vector<16xf32> to vector<1x16xf32>
          tpu.vector_store %arg11[%swap3A_566, %swap3A_567], %swap3A_570 {strides = array<i32>} : memref<128x128xf32, #tpu.memory_space<vmem>>, vector<1x16xf32>,
          %get3A_571 = arith.index_cast %add3A_540 : i32 to index
          %get3A_572 = arith.constant 48 : index
          %get3A_573 = tpu.vector_load %arg11[%get3A_571, %get3A_572] {strides = array<i32>} : memref<128x128xf32, #tpu.memory_space<vmem>>, vector<1x16xf32>,
          %get3A_574 = vector.shape_cast %get3A_573 : vector<1x16xf32> to vector<16xf32>
          %mul3A_575 = arith.mulf %get3A_574, %gather3A_536 : vector<16xf32>
          %swap3A_576 = arith.index_cast %add3A_540 : i32 to index
          %swap3A_577 = arith.constant 48 : index
          %swap3A_578 = tpu.vector_load %arg11[%swap3A_576, %swap3A_577] {strides = array<i32>} : memref<128x128xf32, #tpu.memory_space<vmem>>, vector<1x16xf32>,
          %swap3A_579 = vector.shape_cast %swap3A_578 : vector<1x16xf32> to vector<16xf32>
          %swap3A_580 = vector.shape_cast %mul3A_575 : vector<16xf32> to vector<1x16xf32>
          tpu.vector_store %arg11[%swap3A_576, %swap3A_577], %swap3A_580 {strides = array<i32>} : memref<128x128xf32, #tpu.memory_space<vmem>>, vector<1x16xf32>,
          %get3A_581 = arith.index_cast %add3A_540 : i32 to index
          %get3A_582 = arith.constant 64 : index
          %get3A_583 = tpu.vector_load %arg11[%get3A_581, %get3A_582] {strides = array<i32>} : memref<128x128xf32, #tpu.memory_space<vmem>>, vector<1x16xf32>,
          %get3A_584 = vector.shape_cast %get3A_583 : vector<1x16xf32> to vector<16xf32>
          %mul3A_585 = arith.mulf %get3A_584, %gather3A_536 : vector<16xf32>
          %swap3A_586 = arith.index_cast %add3A_540 : i32 to index
          %swap3A_587 = arith.constant 64 : index
          %swap3A_588 = tpu.vector_load %arg11[%swap3A_586, %swap3A_587] {strides = array<i32>} : memref<128x128xf32, #tpu.memory_space<vmem>>, vector<1x16xf32>,
          %swap3A_589 = vector.shape_cast %swap3A_588 : vector<1x16xf32> to vector<16xf32>
          %swap3A_590 = vector.shape_cast %mul3A_585 : vector<16xf32> to vector<1x16xf32>
          tpu.vector_store %arg11[%swap3A_586, %swap3A_587], %swap3A_590 {strides = array<i32>} : memref<128x128xf32, #tpu.memory_space<vmem>>, vector<1x16xf32>,
          %get3A_591 = arith.index_cast %add3A_540 : i32 to index
          %get3A_592 = arith.constant 80 : index
          %get3A_593 = tpu.vector_load %arg11[%get3A_591, %get3A_592] {strides = array<i32>} : memref<128x128xf32, #tpu.memory_space<vmem>>, vector<1x16xf32>,
          %get3A_594 = vector.shape_cast %get3A_593 : vector<1x16xf32> to vector<16xf32>
          %mul3A_595 = arith.mulf %get3A_594, %gather3A_536 : vector<16xf32>
          %swap3A_596 = arith.index_cast %add3A_540 : i32 to index
          %swap3A_597 = arith.constant 80 : index
          %swap3A_598 = tpu.vector_load %arg11[%swap3A_596, %swap3A_597] {strides = array<i32>} : memref<128x128xf32, #tpu.memory_space<vmem>>, vector<1x16xf32>,
          %swap3A_599 = vector.shape_cast %swap3A_598 : vector<1x16xf32> to vector<16xf32>
          %swap3A_600 = vector.shape_cast %mul3A_595 : vector<16xf32> to vector<1x16xf32>
          tpu.vector_store %arg11[%swap3A_596, %swap3A_597], %swap3A_600 {strides = array<i32>} : memref<128x128xf32, #tpu.memory_space<vmem>>, vector<1x16xf32>,
          %get3A_601 = arith.index_cast %add3A_540 : i32 to index
          %get3A_602 = arith.constant 96 : index
          %get3A_603 = tpu.vector_load %arg11[%get3A_601, %get3A_602] {strides = array<i32>} : memref<128x128xf32, #tpu.memory_space<vmem>>, vector<1x16xf32>,
          %get3A_604 = vector.shape_cast %get3A_603 : vector<1x16xf32> to vector<16xf32>
          %mul3A_605 = arith.mulf %get3A_604, %gather3A_536 : vector<16xf32>
          %swap3A_606 = arith.index_cast %add3A_540 : i32 to index
          %swap3A_607 = arith.constant 96 : index
          %swap3A_608 = tpu.vector_load %arg11[%swap3A_606, %swap3A_607] {strides = array<i32>} : memref<128x128xf32, #tpu.memory_space<vmem>>, vector<1x16xf32>,
          %swap3A_609 = vector.shape_cast %swap3A_608 : vector<1x16xf32> to vector<16xf32>
          %swap3A_610 = vector.shape_cast %mul3A_605 : vector<16xf32> to vector<1x16xf32>
          tpu.vector_store %arg11[%swap3A_606, %swap3A_607], %swap3A_610 {strides = array<i32>} : memref<128x128xf32, #tpu.memory_space<vmem>>, vector<1x16xf32>,
          %get3A_611 = arith.index_cast %add3A_540 : i32 to index
          %get3A_612 = arith.constant 112 : index
          %get3A_613 = tpu.vector_load %arg11[%get3A_611, %get3A_612] {strides = array<i32>} : memref<128x128xf32, #tpu.memory_space<vmem>>, vector<1x16xf32>,
          %get3A_614 = vector.shape_cast %get3A_613 : vector<1x16xf32> to vector<16xf32>
          %mul3A_615 = arith.mulf %get3A_614, %gather3A_536 : vector<16xf32>
          %swap3A_616 = arith.index_cast %add3A_540 : i32 to index
          %swap3A_617 = arith.constant 112 : index
          %swap3A_618 = tpu.vector_load %arg11[%swap3A_616, %swap3A_617] {strides = array<i32>} : memref<128x128xf32, #tpu.memory_space<vmem>>, vector<1x16xf32>,
          %swap3A_619 = vector.shape_cast %swap3A_618 : vector<1x16xf32> to vector<16xf32>
          %swap3A_620 = vector.shape_cast %mul3A_615 : vector<16xf32> to vector<1x16xf32>
          tpu.vector_store %arg11[%swap3A_616, %swap3A_617], %swap3A_620 {strides = array<i32>} : memref<128x128xf32, #tpu.memory_space<vmem>>, vector<1x16xf32>,
          %broadcast_in_dim3A_621 = arith.constant 6 : i32
          %broadcast_in_dim3A_622 = vector.broadcast %broadcast_in_dim3A_621 : i32 to vector<16x1xi32>
          %gather3A_623 = vector.shape_cast %broadcast_in_dim3A_622 : vector<16x1xi32> to vector<16xi32>
          %gather3A_624 = tpu.dynamic_gather %get3A_95[%gather3A_623] in [0] : vector<16xf32>, vector<16xi32> -> vector<16xf32>
          %mul3A_625 = arith.constant 16 : i32
          %mul3A_626 = arith.muli %scan3A_90, %mul3A_625 : i32
          %add3A_627 = arith.constant 6 : i32
          %add3A_628 = arith.addi %mul3A_626, %add3A_627 : i32
          %get3A_629 = arith.index_cast %add3A_628 : i32 to index
          %get3A_630 = arith.constant 0 : index
          %get3A_631 = tpu.vector_load %arg11[%get3A_629, %get3A_630] {strides = array<i32>} : memref<128x128xf32, #tpu.memory_space<vmem>>, vector<1x16xf32>,
          %get3A_632 = vector.shape_cast %get3A_631 : vector<1x16xf32> to vector<16xf32>
          %mul3A_633 = arith.mulf %get3A_632, %gather3A_624 : vector<16xf32>
          %swap3A_634 = arith.index_cast %add3A_628 : i32 to index
          %swap3A_635 = arith.constant 0 : index
          %swap3A_636 = tpu.vector_load %arg11[%swap3A_634, %swap3A_635] {strides = array<i32>} : memref<128x128xf32, #tpu.memory_space<vmem>>, vector<1x16xf32>,
          %swap3A_637 = vector.shape_cast %swap3A_636 : vector<1x16xf32> to vector<16xf32>
          %swap3A_638 = vector.shape_cast %mul3A_633 : vector<16xf32> to vector<1x16xf32>
          tpu.vector_store %arg11[%swap3A_634, %swap3A_635], %swap3A_638 {strides = array<i32>} : memref<128x128xf32, #tpu.memory_space<vmem>>, vector<1x16xf32>,
          %get3A_639 = arith.index_cast %add3A_628 : i32 to index
          %get3A_640 = arith.constant 16 : index
          %get3A_641 = tpu.vector_load %arg11[%get3A_639, %get3A_640] {strides = array<i32>} : memref<128x128xf32, #tpu.memory_space<vmem>>, vector<1x16xf32>,
          %get3A_642 = vector.shape_cast %get3A_641 : vector<1x16xf32> to vector<16xf32>
          %mul3A_643 = arith.mulf %get3A_642, %gather3A_624 : vector<16xf32>
          %swap3A_644 = arith.index_cast %add3A_628 : i32 to index
          %swap3A_645 = arith.constant 16 : index
          %swap3A_646 = tpu.vector_load %arg11[%swap3A_644, %swap3A_645] {strides = array<i32>} : memref<128x128xf32, #tpu.memory_space<vmem>>, vector<1x16xf32>,
          %swap3A_647 = vector.shape_cast %swap3A_646 : vector<1x16xf32> to vector<16xf32>
          %swap3A_648 = vector.shape_cast %mul3A_643 : vector<16xf32> to vector<1x16xf32>
          tpu.vector_store %arg11[%swap3A_644, %swap3A_645], %swap3A_648 {strides = array<i32>} : memref<128x128xf32, #tpu.memory_space<vmem>>, vector<1x16xf32>,
          %get3A_649 = arith.index_cast %add3A_628 : i32 to index
          %get3A_650 = arith.constant 32 : index
          %get3A_651 = tpu.vector_load %arg11[%get3A_649, %get3A_650] {strides = array<i32>} : memref<128x128xf32, #tpu.memory_space<vmem>>, vector<1x16xf32>,
          %get3A_652 = vector.shape_cast %get3A_651 : vector<1x16xf32> to vector<16xf32>
          %mul3A_653 = arith.mulf %get3A_652, %gather3A_624 : vector<16xf32>
          %swap3A_654 = arith.index_cast %add3A_628 : i32 to index
          %swap3A_655 = arith.constant 32 : index
          %swap3A_656 = tpu.vector_load %arg11[%swap3A_654, %swap3A_655] {strides = array<i32>} : memref<128x128xf32, #tpu.memory_space<vmem>>, vector<1x16xf32>,
          %swap3A_657 = vector.shape_cast %swap3A_656 : vector<1x16xf32> to vector<16xf32>
          %swap3A_658 = vector.shape_cast %mul3A_653 : vector<16xf32> to vector<1x16xf32>
          tpu.vector_store %arg11[%swap3A_654, %swap3A_655], %swap3A_658 {strides = array<i32>} : memref<128x128xf32, #tpu.memory_space<vmem>>, vector<1x16xf32>,
          %get3A_659 = arith.index_cast %add3A_628 : i32 to index
          %get3A_660 = arith.constant 48 : index
          %get3A_661 = tpu.vector_load %arg11[%get3A_659, %get3A_660] {strides = array<i32>} : memref<128x128xf32, #tpu.memory_space<vmem>>, vector<1x16xf32>,
          %get3A_662 = vector.shape_cast %get3A_661 : vector<1x16xf32> to vector<16xf32>
          %mul3A_663 = arith.mulf %get3A_662, %gather3A_624 : vector<16xf32>
          %swap3A_664 = arith.index_cast %add3A_628 : i32 to index
          %swap3A_665 = arith.constant 48 : index
          %swap3A_666 = tpu.vector_load %arg11[%swap3A_664, %swap3A_665] {strides = array<i32>} : memref<128x128xf32, #tpu.memory_space<vmem>>, vector<1x16xf32>,
          %swap3A_667 = vector.shape_cast %swap3A_666 : vector<1x16xf32> to vector<16xf32>
          %swap3A_668 = vector.shape_cast %mul3A_663 : vector<16xf32> to vector<1x16xf32>
          tpu.vector_store %arg11[%swap3A_664, %swap3A_665], %swap3A_668 {strides = array<i32>} : memref<128x128xf32, #tpu.memory_space<vmem>>, vector<1x16xf32>,
          %get3A_669 = arith.index_cast %add3A_628 : i32 to index
          %get3A_670 = arith.constant 64 : index
          %get3A_671 = tpu.vector_load %arg11[%get3A_669, %get3A_670] {strides = array<i32>} : memref<128x128xf32, #tpu.memory_space<vmem>>, vector<1x16xf32>,
          %get3A_672 = vector.shape_cast %get3A_671 : vector<1x16xf32> to vector<16xf32>
          %mul3A_673 = arith.mulf %get3A_672, %gather3A_624 : vector<16xf32>
          %swap3A_674 = arith.index_cast %add3A_628 : i32 to index
          %swap3A_675 = arith.constant 64 : index
          %swap3A_676 = tpu.vector_load %arg11[%swap3A_674, %swap3A_675] {strides = array<i32>} : memref<128x128xf32, #tpu.memory_space<vmem>>, vector<1x16xf32>,
          %swap3A_677 = vector.shape_cast %swap3A_676 : vector<1x16xf32> to vector<16xf32>
          %swap3A_678 = vector.shape_cast %mul3A_673 : vector<16xf32> to vector<1x16xf32>
          tpu.vector_store %arg11[%swap3A_674, %swap3A_675], %swap3A_678 {strides = array<i32>} : memref<128x128xf32, #tpu.memory_space<vmem>>, vector<1x16xf32>,
          %get3A_679 = arith.index_cast %add3A_628 : i32 to index
          %get3A_680 = arith.constant 80 : index
          %get3A_681 = tpu.vector_load %arg11[%get3A_679, %get3A_680] {strides = array<i32>} : memref<128x128xf32, #tpu.memory_space<vmem>>, vector<1x16xf32>,
          %get3A_682 = vector.shape_cast %get3A_681 : vector<1x16xf32> to vector<16xf32>
          %mul3A_683 = arith.mulf %get3A_682, %gather3A_624 : vector<16xf32>
          %swap3A_684 = arith.index_cast %add3A_628 : i32 to index
          %swap3A_685 = arith.constant 80 : index
          %swap3A_686 = tpu.vector_load %arg11[%swap3A_684, %swap3A_685] {strides = array<i32>} : memref<128x128xf32, #tpu.memory_space<vmem>>, vector<1x16xf32>,
          %swap3A_687 = vector.shape_cast %swap3A_686 : vector<1x16xf32> to vector<16xf32>
          %swap3A_688 = vector.shape_cast %mul3A_683 : vector<16xf32> to vector<1x16xf32>
          tpu.vector_store %arg11[%swap3A_684, %swap3A_685], %swap3A_688 {strides = array<i32>} : memref<128x128xf32, #tpu.memory_space<vmem>>, vector<1x16xf32>,
          %get3A_689 = arith.index_cast %add3A_628 : i32 to index
          %get3A_690 = arith.constant 96 : index
          %get3A_691 = tpu.vector_load %arg11[%get3A_689, %get3A_690] {strides = array<i32>} : memref<128x128xf32, #tpu.memory_space<vmem>>, vector<1x16xf32>,
          %get3A_692 = vector.shape_cast %get3A_691 : vector<1x16xf32> to vector<16xf32>
          %mul3A_693 = arith.mulf %get3A_692, %gather3A_624 : vector<16xf32>
          %swap3A_694 = arith.index_cast %add3A_628 : i32 to index
          %swap3A_695 = arith.constant 96 : index
          %swap3A_696 = tpu.vector_load %arg11[%swap3A_694, %swap3A_695] {strides = array<i32>} : memref<128x128xf32, #tpu.memory_space<vmem>>, vector<1x16xf32>,
          %swap3A_697 = vector.shape_cast %swap3A_696 : vector<1x16xf32> to vector<16xf32>
          %swap3A_698 = vector.shape_cast %mul3A_693 : vector<16xf32> to vector<1x16xf32>
          tpu.vector_store %arg11[%swap3A_694, %swap3A_695], %swap3A_698 {strides = array<i32>} : memref<128x128xf32, #tpu.memory_space<vmem>>, vector<1x16xf32>,
          %get3A_699 = arith.index_cast %add3A_628 : i32 to index
          %get3A_700 = arith.constant 112 : index
          %get3A_701 = tpu.vector_load %arg11[%get3A_699, %get3A_700] {strides = array<i32>} : memref<128x128xf32, #tpu.memory_space<vmem>>, vector<1x16xf32>,
          %get3A_702 = vector.shape_cast %get3A_701 : vector<1x16xf32> to vector<16xf32>
          %mul3A_703 = arith.mulf %get3A_702, %gather3A_624 : vector<16xf32>
          %swap3A_704 = arith.index_cast %add3A_628 : i32 to index
          %swap3A_705 = arith.constant 112 : index
          %swap3A_706 = tpu.vector_load %arg11[%swap3A_704, %swap3A_705] {strides = array<i32>} : memref<128x128xf32, #tpu.memory_space<vmem>>, vector<1x16xf32>,
          %swap3A_707 = vector.shape_cast %swap3A_706 : vector<1x16xf32> to vector<16xf32>
          %swap3A_708 = vector.shape_cast %mul3A_703 : vector<16xf32> to vector<1x16xf32>
          tpu.vector_store %arg11[%swap3A_704, %swap3A_705], %swap3A_708 {strides = array<i32>} : memref<128x128xf32, #tpu.memory_space<vmem>>, vector<1x16xf32>,
          %broadcast_in_dim3A_709 = arith.constant 7 : i32
          %broadcast_in_dim3A_710 = vector.broadcast %broadcast_in_dim3A_709 : i32 to vector<16x1xi32>
          %gather3A_711 = vector.shape_cast %broadcast_in_dim3A_710 : vector<16x1xi32> to vector<16xi32>
          %gather3A_712 = tpu.dynamic_gather %get3A_95[%gather3A_711] in [0] : vector<16xf32>, vector<16xi32> -> vector<16xf32>
          %mul3A_713 = arith.constant 16 : i32
          %mul3A_714 = arith.muli %scan3A_90, %mul3A_713 : i32
          %add3A_715 = arith.constant 7 : i32
          %add3A_716 = arith.addi %mul3A_714, %add3A_715 : i32
          %get3A_717 = arith.index_cast %add3A_716 : i32 to index
          %get3A_718 = arith.constant 0 : index
          %get3A_719 = tpu.vector_load %arg11[%get3A_717, %get3A_718] {strides = array<i32>} : memref<128x128xf32, #tpu.memory_space<vmem>>, vector<1x16xf32>,
          %get3A_720 = vector.shape_cast %get3A_719 : vector<1x16xf32> to vector<16xf32>
          %mul3A_721 = arith.mulf %get3A_720, %gather3A_712 : vector<16xf32>
          %swap3A_722 = arith.index_cast %add3A_716 : i32 to index
          %swap3A_723 = arith.constant 0 : index
          %swap3A_724 = tpu.vector_load %arg11[%swap3A_722, %swap3A_723] {strides = array<i32>} : memref<128x128xf32, #tpu.memory_space<vmem>>, vector<1x16xf32>,
          %swap3A_725 = vector.shape_cast %swap3A_724 : vector<1x16xf32> to vector<16xf32>
          %swap3A_726 = vector.shape_cast %mul3A_721 : vector<16xf32> to vector<1x16xf32>
          tpu.vector_store %arg11[%swap3A_722, %swap3A_723], %swap3A_726 {strides = array<i32>} : memref<128x128xf32, #tpu.memory_space<vmem>>, vector<1x16xf32>,
          %get3A_727 = arith.index_cast %add3A_716 : i32 to index
          %get3A_728 = arith.constant 16 : index
          %get3A_729 = tpu.vector_load %arg11[%get3A_727, %get3A_728] {strides = array<i32>} : memref<128x128xf32, #tpu.memory_space<vmem>>, vector<1x16xf32>,
          %get3A_730 = vector.shape_cast %get3A_729 : vector<1x16xf32> to vector<16xf32>
          %mul3A_731 = arith.mulf %get3A_730, %gather3A_712 : vector<16xf32>
          %swap3A_732 = arith.index_cast %add3A_716 : i32 to index
          %swap3A_733 = arith.constant 16 : index
          %swap3A_734 = tpu.vector_load %arg11[%swap3A_732, %swap3A_733] {strides = array<i32>} : memref<128x128xf32, #tpu.memory_space<vmem>>, vector<1x16xf32>,
          %swap3A_735 = vector.shape_cast %swap3A_734 : vector<1x16xf32> to vector<16xf32>
          %swap3A_736 = vector.shape_cast %mul3A_731 : vector<16xf32> to vector<1x16xf32>
          tpu.vector_store %arg11[%swap3A_732, %swap3A_733], %swap3A_736 {strides = array<i32>} : memref<128x128xf32, #tpu.memory_space<vmem>>, vector<1x16xf32>,
          %get3A_737 = arith.index_cast %add3A_716 : i32 to index
          %get3A_738 = arith.constant 32 : index
          %get3A_739 = tpu.vector_load %arg11[%get3A_737, %get3A_738] {strides = array<i32>} : memref<128x128xf32, #tpu.memory_space<vmem>>, vector<1x16xf32>,
          %get3A_740 = vector.shape_cast %get3A_739 : vector<1x16xf32> to vector<16xf32>
          %mul3A_741 = arith.mulf %get3A_740, %gather3A_712 : vector<16xf32>
          %swap3A_742 = arith.index_cast %add3A_716 : i32 to index
          %swap3A_743 = arith.constant 32 : index
          %swap3A_744 = tpu.vector_load %arg11[%swap3A_742, %swap3A_743] {strides = array<i32>} : memref<128x128xf32, #tpu.memory_space<vmem>>, vector<1x16xf32>,
          %swap3A_745 = vector.shape_cast %swap3A_744 : vector<1x16xf32> to vector<16xf32>
          %swap3A_746 = vector.shape_cast %mul3A_741 : vector<16xf32> to vector<1x16xf32>
          tpu.vector_store %arg11[%swap3A_742, %swap3A_743], %swap3A_746 {strides = array<i32>} : memref<128x128xf32, #tpu.memory_space<vmem>>, vector<1x16xf32>,
          %get3A_747 = arith.index_cast %add3A_716 : i32 to index
          %get3A_748 = arith.constant 48 : index
          %get3A_749 = tpu.vector_load %arg11[%get3A_747, %get3A_748] {strides = array<i32>} : memref<128x128xf32, #tpu.memory_space<vmem>>, vector<1x16xf32>,
          %get3A_750 = vector.shape_cast %get3A_749 : vector<1x16xf32> to vector<16xf32>
          %mul3A_751 = arith.mulf %get3A_750, %gather3A_712 : vector<16xf32>
          %swap3A_752 = arith.index_cast %add3A_716 : i32 to index
          %swap3A_753 = arith.constant 48 : index
          %swap3A_754 = tpu.vector_load %arg11[%swap3A_752, %swap3A_753] {strides = array<i32>} : memref<128x128xf32, #tpu.memory_space<vmem>>, vector<1x16xf32>,
          %swap3A_755 = vector.shape_cast %swap3A_754 : vector<1x16xf32> to vector<16xf32>
          %swap3A_756 = vector.shape_cast %mul3A_751 : vector<16xf32> to vector<1x16xf32>
          tpu.vector_store %arg11[%swap3A_752, %swap3A_753], %swap3A_756 {strides = array<i32>} : memref<128x128xf32, #tpu.memory_space<vmem>>, vector<1x16xf32>,
          %get3A_757 = arith.index_cast %add3A_716 : i32 to index
          %get3A_758 = arith.constant 64 : index
          %get3A_759 = tpu.vector_load %arg11[%get3A_757, %get3A_758] {strides = array<i32>} : memref<128x128xf32, #tpu.memory_space<vmem>>, vector<1x16xf32>,
          %get3A_760 = vector.shape_cast %get3A_759 : vector<1x16xf32> to vector<16xf32>
          %mul3A_761 = arith.mulf %get3A_760, %gather3A_712 : vector<16xf32>
          %swap3A_762 = arith.index_cast %add3A_716 : i32 to index
          %swap3A_763 = arith.constant 64 : index
          %swap3A_764 = tpu.vector_load %arg11[%swap3A_762, %swap3A_763] {strides = array<i32>} : memref<128x128xf32, #tpu.memory_space<vmem>>, vector<1x16xf32>,
          %swap3A_765 = vector.shape_cast %swap3A_764 : vector<1x16xf32> to vector<16xf32>
          %swap3A_766 = vector.shape_cast %mul3A_761 : vector<16xf32> to vector<1x16xf32>
          tpu.vector_store %arg11[%swap3A_762, %swap3A_763], %swap3A_766 {strides = array<i32>} : memref<128x128xf32, #tpu.memory_space<vmem>>, vector<1x16xf32>,
          %get3A_767 = arith.index_cast %add3A_716 : i32 to index
          %get3A_768 = arith.constant 80 : index
          %get3A_769 = tpu.vector_load %arg11[%get3A_767, %get3A_768] {strides = array<i32>} : memref<128x128xf32, #tpu.memory_space<vmem>>, vector<1x16xf32>,
          %get3A_770 = vector.shape_cast %get3A_769 : vector<1x16xf32> to vector<16xf32>
          %mul3A_771 = arith.mulf %get3A_770, %gather3A_712 : vector<16xf32>
          %swap3A_772 = arith.index_cast %add3A_716 : i32 to index
          %swap3A_773 = arith.constant 80 : index
          %swap3A_774 = tpu.vector_load %arg11[%swap3A_772, %swap3A_773] {strides = array<i32>} : memref<128x128xf32, #tpu.memory_space<vmem>>, vector<1x16xf32>,
          %swap3A_775 = vector.shape_cast %swap3A_774 : vector<1x16xf32> to vector<16xf32>
          %swap3A_776 = vector.shape_cast %mul3A_771 : vector<16xf32> to vector<1x16xf32>
          tpu.vector_store %arg11[%swap3A_772, %swap3A_773], %swap3A_776 {strides = array<i32>} : memref<128x128xf32, #tpu.memory_space<vmem>>, vector<1x16xf32>,
          %get3A_777 = arith.index_cast %add3A_716 : i32 to index
          %get3A_778 = arith.constant 96 : index
          %get3A_779 = tpu.vector_load %arg11[%get3A_777, %get3A_778] {strides = array<i32>} : memref<128x128xf32, #tpu.memory_space<vmem>>, vector<1x16xf32>,
          %get3A_780 = vector.shape_cast %get3A_779 : vector<1x16xf32> to vector<16xf32>
          %mul3A_781 = arith.mulf %get3A_780, %gather3A_712 : vector<16xf32>
          %swap3A_782 = arith.index_cast %add3A_716 : i32 to index
          %swap3A_783 = arith.constant 96 : index
          %swap3A_784 = tpu.vector_load %arg11[%swap3A_782, %swap3A_783] {strides = array<i32>} : memref<128x128xf32, #tpu.memory_space<vmem>>, vector<1x16xf32>,
          %swap3A_785 = vector.shape_cast %swap3A_784 : vector<1x16xf32> to vector<16xf32>
          %swap3A_786 = vector.shape_cast %mul3A_781 : vector<16xf32> to vector<1x16xf32>
          tpu.vector_store %arg11[%swap3A_782, %swap3A_783], %swap3A_786 {strides = array<i32>} : memref<128x128xf32, #tpu.memory_space<vmem>>, vector<1x16xf32>,
          %get3A_787 = arith.index_cast %add3A_716 : i32 to index
          %get3A_788 = arith.constant 112 : index
          %get3A_789 = tpu.vector_load %arg11[%get3A_787, %get3A_788] {strides = array<i32>} : memref<128x128xf32, #tpu.memory_space<vmem>>, vector<1x16xf32>,
          %get3A_790 = vector.shape_cast %get3A_789 : vector<1x16xf32> to vector<16xf32>
          %mul3A_791 = arith.mulf %get3A_790, %gather3A_712 : vector<16xf32>
          %swap3A_792 = arith.index_cast %add3A_716 : i32 to index
          %swap3A_793 = arith.constant 112 : index
          %swap3A_794 = tpu.vector_load %arg11[%swap3A_792, %swap3A_793] {strides = array<i32>} : memref<128x128xf32, #tpu.memory_space<vmem>>, vector<1x16xf32>,
          %swap3A_795 = vector.shape_cast %swap3A_794 : vector<1x16xf32> to vector<16xf32>
          %swap3A_796 = vector.shape_cast %mul3A_791 : vector<16xf32> to vector<1x16xf32>
          tpu.vector_store %arg11[%swap3A_792, %swap3A_793], %swap3A_796 {strides = array<i32>} : memref<128x128xf32, #tpu.memory_space<vmem>>, vector<1x16xf32>,
          %broadcast_in_dim3A_797 = arith.constant 8 : i32
          %broadcast_in_dim3A_798 = vector.broadcast %broadcast_in_dim3A_797 : i32 to vector<16x1xi32>
          %gather3A_799 = vector.shape_cast %broadcast_in_dim3A_798 : vector<16x1xi32> to vector<16xi32>
          %gather3A_800 = tpu.dynamic_gather %get3A_95[%gather3A_799] in [0] : vector<16xf32>, vector<16xi32> -> vector<16xf32>
          %mul3A_801 = arith.constant 16 : i32
          %mul3A_802 = arith.muli %scan3A_90, %mul3A_801 : i32
          %add3A_803 = arith.constant 8 : i32
          %add3A_804 = arith.addi %mul3A_802, %add3A_803 : i32
          %get3A_805 = arith.index_cast %add3A_804 : i32 to index
          %get3A_806 = arith.constant 0 : index
          %get3A_807 = tpu.vector_load %arg11[%get3A_805, %get3A_806] {strides = array<i32>} : memref<128x128xf32, #tpu.memory_space<vmem>>, vector<1x16xf32>,
          %get3A_808 = vector.shape_cast %get3A_807 : vector<1x16xf32> to vector<16xf32>
          %mul3A_809 = arith.mulf %get3A_808, %gather3A_800 : vector<16xf32>
          %swap3A_810 = arith.index_cast %add3A_804 : i32 to index
          %swap3A_811 = arith.constant 0 : index
          %swap3A_812 = tpu.vector_load %arg11[%swap3A_810, %swap3A_811] {strides = array<i32>} : memref<128x128xf32, #tpu.memory_space<vmem>>, vector<1x16xf32>,
          %swap3A_813 = vector.shape_cast %swap3A_812 : vector<1x16xf32> to vector<16xf32>
          %swap3A_814 = vector.shape_cast %mul3A_809 : vector<16xf32> to vector<1x16xf32>
          tpu.vector_store %arg11[%swap3A_810, %swap3A_811], %swap3A_814 {strides = array<i32>} : memref<128x128xf32, #tpu.memory_space<vmem>>, vector<1x16xf32>,
          %get3A_815 = arith.index_cast %add3A_804 : i32 to index
          %get3A_816 = arith.constant 16 : index
          %get3A_817 = tpu.vector_load %arg11[%get3A_815, %get3A_816] {strides = array<i32>} : memref<128x128xf32, #tpu.memory_space<vmem>>, vector<1x16xf32>,
          %get3A_818 = vector.shape_cast %get3A_817 : vector<1x16xf32> to vector<16xf32>
          %mul3A_819 = arith.mulf %get3A_818, %gather3A_800 : vector<16xf32>
          %swap3A_820 = arith.index_cast %add3A_804 : i32 to index
          %swap3A_821 = arith.constant 16 : index
          %swap3A_822 = tpu.vector_load %arg11[%swap3A_820, %swap3A_821] {strides = array<i32>} : memref<128x128xf32, #tpu.memory_space<vmem>>, vector<1x16xf32>,
          %swap3A_823 = vector.shape_cast %swap3A_822 : vector<1x16xf32> to vector<16xf32>
          %swap3A_824 = vector.shape_cast %mul3A_819 : vector<16xf32> to vector<1x16xf32>
          tpu.vector_store %arg11[%swap3A_820, %swap3A_821], %swap3A_824 {strides = array<i32>} : memref<128x128xf32, #tpu.memory_space<vmem>>, vector<1x16xf32>,
          %get3A_825 = arith.index_cast %add3A_804 : i32 to index
          %get3A_826 = arith.constant 32 : index
          %get3A_827 = tpu.vector_load %arg11[%get3A_825, %get3A_826] {strides = array<i32>} : memref<128x128xf32, #tpu.memory_space<vmem>>, vector<1x16xf32>,
          %get3A_828 = vector.shape_cast %get3A_827 : vector<1x16xf32> to vector<16xf32>
          %mul3A_829 = arith.mulf %get3A_828, %gather3A_800 : vector<16xf32>
          %swap3A_830 = arith.index_cast %add3A_804 : i32 to index
          %swap3A_831 = arith.constant 32 : index
          %swap3A_832 = tpu.vector_load %arg11[%swap3A_830, %swap3A_831] {strides = array<i32>} : memref<128x128xf32, #tpu.memory_space<vmem>>, vector<1x16xf32>,
          %swap3A_833 = vector.shape_cast %swap3A_832 : vector<1x16xf32> to vector<16xf32>
          %swap3A_834 = vector.shape_cast %mul3A_829 : vector<16xf32> to vector<1x16xf32>
          tpu.vector_store %arg11[%swap3A_830, %swap3A_831], %swap3A_834 {strides = array<i32>} : memref<128x128xf32, #tpu.memory_space<vmem>>, vector<1x16xf32>,
          %get3A_835 = arith.index_cast %add3A_804 : i32 to index
          %get3A_836 = arith.constant 48 : index
          %get3A_837 = tpu.vector_load %arg11[%get3A_835, %get3A_836] {strides = array<i32>} : memref<128x128xf32, #tpu.memory_space<vmem>>, vector<1x16xf32>,
          %get3A_838 = vector.shape_cast %get3A_837 : vector<1x16xf32> to vector<16xf32>
          %mul3A_839 = arith.mulf %get3A_838, %gather3A_800 : vector<16xf32>
          %swap3A_840 = arith.index_cast %add3A_804 : i32 to index
          %swap3A_841 = arith.constant 48 : index
          %swap3A_842 = tpu.vector_load %arg11[%swap3A_840, %swap3A_841] {strides = array<i32>} : memref<128x128xf32, #tpu.memory_space<vmem>>, vector<1x16xf32>,
          %swap3A_843 = vector.shape_cast %swap3A_842 : vector<1x16xf32> to vector<16xf32>
          %swap3A_844 = vector.shape_cast %mul3A_839 : vector<16xf32> to vector<1x16xf32>
          tpu.vector_store %arg11[%swap3A_840, %swap3A_841], %swap3A_844 {strides = array<i32>} : memref<128x128xf32, #tpu.memory_space<vmem>>, vector<1x16xf32>,
          %get3A_845 = arith.index_cast %add3A_804 : i32 to index
          %get3A_846 = arith.constant 64 : index
          %get3A_847 = tpu.vector_load %arg11[%get3A_845, %get3A_846] {strides = array<i32>} : memref<128x128xf32, #tpu.memory_space<vmem>>, vector<1x16xf32>,
          %get3A_848 = vector.shape_cast %get3A_847 : vector<1x16xf32> to vector<16xf32>
          %mul3A_849 = arith.mulf %get3A_848, %gather3A_800 : vector<16xf32>
          %swap3A_850 = arith.index_cast %add3A_804 : i32 to index
          %swap3A_851 = arith.constant 64 : index
          %swap3A_852 = tpu.vector_load %arg11[%swap3A_850, %swap3A_851] {strides = array<i32>} : memref<128x128xf32, #tpu.memory_space<vmem>>, vector<1x16xf32>,
          %swap3A_853 = vector.shape_cast %swap3A_852 : vector<1x16xf32> to vector<16xf32>
          %swap3A_854 = vector.shape_cast %mul3A_849 : vector<16xf32> to vector<1x16xf32>
          tpu.vector_store %arg11[%swap3A_850, %swap3A_851], %swap3A_854 {strides = array<i32>} : memref<128x128xf32, #tpu.memory_space<vmem>>, vector<1x16xf32>,
          %get3A_855 = arith.index_cast %add3A_804 : i32 to index
          %get3A_856 = arith.constant 80 : index
          %get3A_857 = tpu.vector_load %arg11[%get3A_855, %get3A_856] {strides = array<i32>} : memref<128x128xf32, #tpu.memory_space<vmem>>, vector<1x16xf32>,
          %get3A_858 = vector.shape_cast %get3A_857 : vector<1x16xf32> to vector<16xf32>
          %mul3A_859 = arith.mulf %get3A_858, %gather3A_800 : vector<16xf32>
          %swap3A_860 = arith.index_cast %add3A_804 : i32 to index
          %swap3A_861 = arith.constant 80 : index
          %swap3A_862 = tpu.vector_load %arg11[%swap3A_860, %swap3A_861] {strides = array<i32>} : memref<128x128xf32, #tpu.memory_space<vmem>>, vector<1x16xf32>,
          %swap3A_863 = vector.shape_cast %swap3A_862 : vector<1x16xf32> to vector<16xf32>
          %swap3A_864 = vector.shape_cast %mul3A_859 : vector<16xf32> to vector<1x16xf32>
          tpu.vector_store %arg11[%swap3A_860, %swap3A_861], %swap3A_864 {strides = array<i32>} : memref<128x128xf32, #tpu.memory_space<vmem>>, vector<1x16xf32>,
          %get3A_865 = arith.index_cast %add3A_804 : i32 to index
          %get3A_866 = arith.constant 96 : index
          %get3A_867 = tpu.vector_load %arg11[%get3A_865, %get3A_866] {strides = array<i32>} : memref<128x128xf32, #tpu.memory_space<vmem>>, vector<1x16xf32>,
          %get3A_868 = vector.shape_cast %get3A_867 : vector<1x16xf32> to vector<16xf32>
          %mul3A_869 = arith.mulf %get3A_868, %gather3A_800 : vector<16xf32>
          %swap3A_870 = arith.index_cast %add3A_804 : i32 to index
          %swap3A_871 = arith.constant 96 : index
          %swap3A_872 = tpu.vector_load %arg11[%swap3A_870, %swap3A_871] {strides = array<i32>} : memref<128x128xf32, #tpu.memory_space<vmem>>, vector<1x16xf32>,
          %swap3A_873 = vector.shape_cast %swap3A_872 : vector<1x16xf32> to vector<16xf32>
          %swap3A_874 = vector.shape_cast %mul3A_869 : vector<16xf32> to vector<1x16xf32>
          tpu.vector_store %arg11[%swap3A_870, %swap3A_871], %swap3A_874 {strides = array<i32>} : memref<128x128xf32, #tpu.memory_space<vmem>>, vector<1x16xf32>,
          %get3A_875 = arith.index_cast %add3A_804 : i32 to index
          %get3A_876 = arith.constant 112 : index
          %get3A_877 = tpu.vector_load %arg11[%get3A_875, %get3A_876] {strides = array<i32>} : memref<128x128xf32, #tpu.memory_space<vmem>>, vector<1x16xf32>,
          %get3A_878 = vector.shape_cast %get3A_877 : vector<1x16xf32> to vector<16xf32>
          %mul3A_879 = arith.mulf %get3A_878, %gather3A_800 : vector<16xf32>
          %swap3A_880 = arith.index_cast %add3A_804 : i32 to index
          %swap3A_881 = arith.constant 112 : index
          %swap3A_882 = tpu.vector_load %arg11[%swap3A_880, %swap3A_881] {strides = array<i32>} : memref<128x128xf32, #tpu.memory_space<vmem>>, vector<1x16xf32>,
          %swap3A_883 = vector.shape_cast %swap3A_882 : vector<1x16xf32> to vector<16xf32>
          %swap3A_884 = vector.shape_cast %mul3A_879 : vector<16xf32> to vector<1x16xf32>
          tpu.vector_store %arg11[%swap3A_880, %swap3A_881], %swap3A_884 {strides = array<i32>} : memref<128x128xf32, #tpu.memory_space<vmem>>, vector<1x16xf32>,
          %broadcast_in_dim3A_885 = arith.constant 9 : i32
          %broadcast_in_dim3A_886 = vector.broadcast %broadcast_in_dim3A_885 : i32 to vector<16x1xi32>
          %gather3A_887 = vector.shape_cast %broadcast_in_dim3A_886 : vector<16x1xi32> to vector<16xi32>
          %gather3A_888 = tpu.dynamic_gather %get3A_95[%gather3A_887] in [0] : vector<16xf32>, vector<16xi32> -> vector<16xf32>
          %mul3A_889 = arith.constant 16 : i32
          %mul3A_890 = arith.muli %scan3A_90, %mul3A_889 : i32
          %add3A_891 = arith.constant 9 : i32
          %add3A_892 = arith.addi %mul3A_890, %add3A_891 : i32
          %get3A_893 = arith.index_cast %add3A_892 : i32 to index
          %get3A_894 = arith.constant 0 : index
          %get3A_895 = tpu.vector_load %arg11[%get3A_893, %get3A_894] {strides = array<i32>} : memref<128x128xf32, #tpu.memory_space<vmem>>, vector<1x16xf32>,
          %get3A_896 = vector.shape_cast %get3A_895 : vector<1x16xf32> to vector<16xf32>
          %mul3A_897 = arith.mulf %get3A_896, %gather3A_888 : vector<16xf32>
          %swap3A_898 = arith.index_cast %add3A_892 : i32 to index
          %swap3A_899 = arith.constant 0 : index
          %swap3A_900 = tpu.vector_load %arg11[%swap3A_898, %swap3A_899] {strides = array<i32>} : memref<128x128xf32, #tpu.memory_space<vmem>>, vector<1x16xf32>,
          %swap3A_901 = vector.shape_cast %swap3A_900 : vector<1x16xf32> to vector<16xf32>
          %swap3A_902 = vector.shape_cast %mul3A_897 : vector<16xf32> to vector<1x16xf32>
          tpu.vector_store %arg11[%swap3A_898, %swap3A_899], %swap3A_902 {strides = array<i32>} : memref<128x128xf32, #tpu.memory_space<vmem>>, vector<1x16xf32>,
          %get3A_903 = arith.index_cast %add3A_892 : i32 to index
          %get3A_904 = arith.constant 16 : index
          %get3A_905 = tpu.vector_load %arg11[%get3A_903, %get3A_904] {strides = array<i32>} : memref<128x128xf32, #tpu.memory_space<vmem>>, vector<1x16xf32>,
          %get3A_906 = vector.shape_cast %get3A_905 : vector<1x16xf32> to vector<16xf32>
          %mul3A_907 = arith.mulf %get3A_906, %gather3A_888 : vector<16xf32>
          %swap3A_908 = arith.index_cast %add3A_892 : i32 to index
          %swap3A_909 = arith.constant 16 : index
          %swap3A_910 = tpu.vector_load %arg11[%swap3A_908, %swap3A_909] {strides = array<i32>} : memref<128x128xf32, #tpu.memory_space<vmem>>, vector<1x16xf32>,
          %swap3A_911 = vector.shape_cast %swap3A_910 : vector<1x16xf32> to vector<16xf32>
          %swap3A_912 = vector.shape_cast %mul3A_907 : vector<16xf32> to vector<1x16xf32>
          tpu.vector_store %arg11[%swap3A_908, %swap3A_909], %swap3A_912 {strides = array<i32>} : memref<128x128xf32, #tpu.memory_space<vmem>>, vector<1x16xf32>,
          %get3A_913 = arith.index_cast %add3A_892 : i32 to index
          %get3A_914 = arith.constant 32 : index
          %get3A_915 = tpu.vector_load %arg11[%get3A_913, %get3A_914] {strides = array<i32>} : memref<128x128xf32, #tpu.memory_space<vmem>>, vector<1x16xf32>,
          %get3A_916 = vector.shape_cast %get3A_915 : vector<1x16xf32> to vector<16xf32>
          %mul3A_917 = arith.mulf %get3A_916, %gather3A_888 : vector<16xf32>
          %swap3A_918 = arith.index_cast %add3A_892 : i32 to index
          %swap3A_919 = arith.constant 32 : index
          %swap3A_920 = tpu.vector_load %arg11[%swap3A_918, %swap3A_919] {strides = array<i32>} : memref<128x128xf32, #tpu.memory_space<vmem>>, vector<1x16xf32>,
          %swap3A_921 = vector.shape_cast %swap3A_920 : vector<1x16xf32> to vector<16xf32>
          %swap3A_922 = vector.shape_cast %mul3A_917 : vector<16xf32> to vector<1x16xf32>
          tpu.vector_store %arg11[%swap3A_918, %swap3A_919], %swap3A_922 {strides = array<i32>} : memref<128x128xf32, #tpu.memory_space<vmem>>, vector<1x16xf32>,
          %get3A_923 = arith.index_cast %add3A_892 : i32 to index
          %get3A_924 = arith.constant 48 : index
          %get3A_925 = tpu.vector_load %arg11[%get3A_923, %get3A_924] {strides = array<i32>} : memref<128x128xf32, #tpu.memory_space<vmem>>, vector<1x16xf32>,
          %get3A_926 = vector.shape_cast %get3A_925 : vector<1x16xf32> to vector<16xf32>
          %mul3A_927 = arith.mulf %get3A_926, %gather3A_888 : vector<16xf32>
          %swap3A_928 = arith.index_cast %add3A_892 : i32 to index
          %swap3A_929 = arith.constant 48 : index
          %swap3A_930 = tpu.vector_load %arg11[%swap3A_928, %swap3A_929] {strides = array<i32>} : memref<128x128xf32, #tpu.memory_space<vmem>>, vector<1x16xf32>,
          %swap3A_931 = vector.shape_cast %swap3A_930 : vector<1x16xf32> to vector<16xf32>
          %swap3A_932 = vector.shape_cast %mul3A_927 : vector<16xf32> to vector<1x16xf32>
          tpu.vector_store %arg11[%swap3A_928, %swap3A_929], %swap3A_932 {strides = array<i32>} : memref<128x128xf32, #tpu.memory_space<vmem>>, vector<1x16xf32>,
          %get3A_933 = arith.index_cast %add3A_892 : i32 to index
          %get3A_934 = arith.constant 64 : index
          %get3A_935 = tpu.vector_load %arg11[%get3A_933, %get3A_934] {strides = array<i32>} : memref<128x128xf32, #tpu.memory_space<vmem>>, vector<1x16xf32>,
          %get3A_936 = vector.shape_cast %get3A_935 : vector<1x16xf32> to vector<16xf32>
          %mul3A_937 = arith.mulf %get3A_936, %gather3A_888 : vector<16xf32>
          %swap3A_938 = arith.index_cast %add3A_892 : i32 to index
          %swap3A_939 = arith.constant 64 : index
          %swap3A_940 = tpu.vector_load %arg11[%swap3A_938, %swap3A_939] {strides = array<i32>} : memref<128x128xf32, #tpu.memory_space<vmem>>, vector<1x16xf32>,
          %swap3A_941 = vector.shape_cast %swap3A_940 : vector<1x16xf32> to vector<16xf32>
          %swap3A_942 = vector.shape_cast %mul3A_937 : vector<16xf32> to vector<1x16xf32>
          tpu.vector_store %arg11[%swap3A_938, %swap3A_939], %swap3A_942 {strides = array<i32>} : memref<128x128xf32, #tpu.memory_space<vmem>>, vector<1x16xf32>,
          %get3A_943 = arith.index_cast %add3A_892 : i32 to index
          %get3A_944 = arith.constant 80 : index
          %get3A_945 = tpu.vector_load %arg11[%get3A_943, %get3A_944] {strides = array<i32>} : memref<128x128xf32, #tpu.memory_space<vmem>>, vector<1x16xf32>,
          %get3A_946 = vector.shape_cast %get3A_945 : vector<1x16xf32> to vector<16xf32>
          %mul3A_947 = arith.mulf %get3A_946, %gather3A_888 : vector<16xf32>
          %swap3A_948 = arith.index_cast %add3A_892 : i32 to index
          %swap3A_949 = arith.constant 80 : index
          %swap3A_950 = tpu.vector_load %arg11[%swap3A_948, %swap3A_949] {strides = array<i32>} : memref<128x128xf32, #tpu.memory_space<vmem>>, vector<1x16xf32>,
          %swap3A_951 = vector.shape_cast %swap3A_950 : vector<1x16xf32> to vector<16xf32>
          %swap3A_952 = vector.shape_cast %mul3A_947 : vector<16xf32> to vector<1x16xf32>
          tpu.vector_store %arg11[%swap3A_948, %swap3A_949], %swap3A_952 {strides = array<i32>} : memref<128x128xf32, #tpu.memory_space<vmem>>, vector<1x16xf32>,
          %get3A_953 = arith.index_cast %add3A_892 : i32 to index
          %get3A_954 = arith.constant 96 : index
          %get3A_955 = tpu.vector_load %arg11[%get3A_953, %get3A_954] {strides = array<i32>} : memref<128x128xf32, #tpu.memory_space<vmem>>, vector<1x16xf32>,
          %get3A_956 = vector.shape_cast %get3A_955 : vector<1x16xf32> to vector<16xf32>
          %mul3A_957 = arith.mulf %get3A_956, %gather3A_888 : vector<16xf32>
          %swap3A_958 = arith.index_cast %add3A_892 : i32 to index
          %swap3A_959 = arith.constant 96 : index
          %swap3A_960 = tpu.vector_load %arg11[%swap3A_958, %swap3A_959] {strides = array<i32>} : memref<128x128xf32, #tpu.memory_space<vmem>>, vector<1x16xf32>,
          %swap3A_961 = vector.shape_cast %swap3A_960 : vector<1x16xf32> to vector<16xf32>
          %swap3A_962 = vector.shape_cast %mul3A_957 : vector<16xf32> to vector<1x16xf32>
          tpu.vector_store %arg11[%swap3A_958, %swap3A_959], %swap3A_962 {strides = array<i32>} : memref<128x128xf32, #tpu.memory_space<vmem>>, vector<1x16xf32>,
          %get3A_963 = arith.index_cast %add3A_892 : i32 to index
          %get3A_964 = arith.constant 112 : index
          %get3A_965 = tpu.vector_load %arg11[%get3A_963, %get3A_964] {strides = array<i32>} : memref<128x128xf32, #tpu.memory_space<vmem>>, vector<1x16xf32>,
          %get3A_966 = vector.shape_cast %get3A_965 : vector<1x16xf32> to vector<16xf32>
          %mul3A_967 = arith.mulf %get3A_966, %gather3A_888 : vector<16xf32>
          %swap3A_968 = arith.index_cast %add3A_892 : i32 to index
          %swap3A_969 = arith.constant 112 : index
          %swap3A_970 = tpu.vector_load %arg11[%swap3A_968, %swap3A_969] {strides = array<i32>} : memref<128x128xf32, #tpu.memory_space<vmem>>, vector<1x16xf32>,
          %swap3A_971 = vector.shape_cast %swap3A_970 : vector<1x16xf32> to vector<16xf32>
          %swap3A_972 = vector.shape_cast %mul3A_967 : vector<16xf32> to vector<1x16xf32>
          tpu.vector_store %arg11[%swap3A_968, %swap3A_969], %swap3A_972 {strides = array<i32>} : memref<128x128xf32, #tpu.memory_space<vmem>>, vector<1x16xf32>,
          %broadcast_in_dim3A_973 = arith.constant 10 : i32
          %broadcast_in_dim3A_974 = vector.broadcast %broadcast_in_dim3A_973 : i32 to vector<16x1xi32>
          %gather3A_975 = vector.shape_cast %broadcast_in_dim3A_974 : vector<16x1xi32> to vector<16xi32>
          %gather3A_976 = tpu.dynamic_gather %get3A_95[%gather3A_975] in [0] : vector<16xf32>, vector<16xi32> -> vector<16xf32>
          %mul3A_977 = arith.constant 16 : i32
          %mul3A_978 = arith.muli %scan3A_90, %mul3A_977 : i32
          %add3A_979 = arith.constant 10 : i32
          %add3A_980 = arith.addi %mul3A_978, %add3A_979 : i32
          %get3A_981 = arith.index_cast %add3A_980 : i32 to index
          %get3A_982 = arith.constant 0 : index
          %get3A_983 = tpu.vector_load %arg11[%get3A_981, %get3A_982] {strides = array<i32>} : memref<128x128xf32, #tpu.memory_space<vmem>>, vector<1x16xf32>,
          %get3A_984 = vector.shape_cast %get3A_983 : vector<1x16xf32> to vector<16xf32>
          %mul3A_985 = arith.mulf %get3A_984, %gather3A_976 : vector<16xf32>
          %swap3A_986 = arith.index_cast %add3A_980 : i32 to index
          %swap3A_987 = arith.constant 0 : index
          %swap3A_988 = tpu.vector_load %arg11[%swap3A_986, %swap3A_987] {strides = array<i32>} : memref<128x128xf32, #tpu.memory_space<vmem>>, vector<1x16xf32>,
          %swap3A_989 = vector.shape_cast %swap3A_988 : vector<1x16xf32> to vector<16xf32>
          %swap3A_990 = vector.shape_cast %mul3A_985 : vector<16xf32> to vector<1x16xf32>
          tpu.vector_store %arg11[%swap3A_986, %swap3A_987], %swap3A_990 {strides = array<i32>} : memref<128x128xf32, #tpu.memory_space<vmem>>, vector<1x16xf32>,
          %get3A_991 = arith.index_cast %add3A_980 : i32 to index
          %get3A_992 = arith.constant 16 : index
          %get3A_993 = tpu.vector_load %arg11[%get3A_991, %get3A_992] {strides = array<i32>} : memref<128x128xf32, #tpu.memory_space<vmem>>, vector<1x16xf32>,
          %get3A_994 = vector.shape_cast %get3A_993 : vector<1x16xf32> to vector<16xf32>
          %mul3A_995 = arith.mulf %get3A_994, %gather3A_976 : vector<16xf32>
          %swap3A_996 = arith.index_cast %add3A_980 : i32 to index
          %swap3A_997 = arith.constant 16 : index
          %swap3A_998 = tpu.vector_load %arg11[%swap3A_996, %swap3A_997] {strides = array<i32>} : memref<128x128xf32, #tpu.memory_space<vmem>>, vector<1x16xf32>,
          %swap3A_999 = vector.shape_cast %swap3A_998 : vector<1x16xf32> to vector<16xf32>
          %swap3A_1000 = vector.shape_cast %mul3A_995 : vector<16xf32> to vector<1x16xf32>
          tpu.vector_store %arg11[%swap3A_996, %swap3A_997], %swap3A_1000 {strides = array<i32>} : memref<128x128xf32, #tpu.memory_space<vmem>>, vector<1x16xf32>,
          %get3A_1001 = arith.index_cast %add3A_980 : i32 to index
          %get3A_1002 = arith.constant 32 : index
          %get3A_1003 = tpu.vector_load %arg11[%get3A_1001, %get3A_1002] {strides = array<i32>} : memref<128x128xf32, #tpu.memory_space<vmem>>, vector<1x16xf32>,
          %get3A_1004 = vector.shape_cast %get3A_1003 : vector<1x16xf32> to vector<16xf32>
          %mul3A_1005 = arith.mulf %get3A_1004, %gather3A_976 : vector<16xf32>
          %swap3A_1006 = arith.index_cast %add3A_980 : i32 to index
          %swap3A_1007 = arith.constant 32 : index
          %swap3A_1008 = tpu.vector_load %arg11[%swap3A_1006, %swap3A_1007] {strides = array<i32>} : memref<128x128xf32, #tpu.memory_space<vmem>>, vector<1x16xf32>,
          %swap3A_1009 = vector.shape_cast %swap3A_1008 : vector<1x16xf32> to vector<16xf32>
          %swap3A_1010 = vector.shape_cast %mul3A_1005 : vector<16xf32> to vector<1x16xf32>
          tpu.vector_store %arg11[%swap3A_1006, %swap3A_1007], %swap3A_1010 {strides = array<i32>} : memref<128x128xf32, #tpu.memory_space<vmem>>, vector<1x16xf32>,
          %get3A_1011 = arith.index_cast %add3A_980 : i32 to index
          %get3A_1012 = arith.constant 48 : index
          %get3A_1013 = tpu.vector_load %arg11[%get3A_1011, %get3A_1012] {strides = array<i32>} : memref<128x128xf32, #tpu.memory_space<vmem>>, vector<1x16xf32>,
          %get3A_1014 = vector.shape_cast %get3A_1013 : vector<1x16xf32> to vector<16xf32>
          %mul3A_1015 = arith.mulf %get3A_1014, %gather3A_976 : vector<16xf32>
          %swap3A_1016 = arith.index_cast %add3A_980 : i32 to index
          %swap3A_1017 = arith.constant 48 : index
          %swap3A_1018 = tpu.vector_load %arg11[%swap3A_1016, %swap3A_1017] {strides = array<i32>} : memref<128x128xf32, #tpu.memory_space<vmem>>, vector<1x16xf32>,
          %swap3A_1019 = vector.shape_cast %swap3A_1018 : vector<1x16xf32> to vector<16xf32>
          %swap3A_1020 = vector.shape_cast %mul3A_1015 : vector<16xf32> to vector<1x16xf32>
          tpu.vector_store %arg11[%swap3A_1016, %swap3A_1017], %swap3A_1020 {strides = array<i32>} : memref<128x128xf32, #tpu.memory_space<vmem>>, vector<1x16xf32>,
          %get3A_1021 = arith.index_cast %add3A_980 : i32 to index
          %get3A_1022 = arith.constant 64 : index
          %get3A_1023 = tpu.vector_load %arg11[%get3A_1021, %get3A_1022] {strides = array<i32>} : memref<128x128xf32, #tpu.memory_space<vmem>>, vector<1x16xf32>,
          %get3A_1024 = vector.shape_cast %get3A_1023 : vector<1x16xf32> to vector<16xf32>
          %mul3A_1025 = arith.mulf %get3A_1024, %gather3A_976 : vector<16xf32>
          %swap3A_1026 = arith.index_cast %add3A_980 : i32 to index
          %swap3A_1027 = arith.constant 64 : index
          %swap3A_1028 = tpu.vector_load %arg11[%swap3A_1026, %swap3A_1027] {strides = array<i32>} : memref<128x128xf32, #tpu.memory_space<vmem>>, vector<1x16xf32>,
          %swap3A_1029 = vector.shape_cast %swap3A_1028 : vector<1x16xf32> to vector<16xf32>
          %swap3A_1030 = vector.shape_cast %mul3A_1025 : vector<16xf32> to vector<1x16xf32>
          tpu.vector_store %arg11[%swap3A_1026, %swap3A_1027], %swap3A_1030 {strides = array<i32>} : memref<128x128xf32, #tpu.memory_space<vmem>>, vector<1x16xf32>,
          %get3A_1031 = arith.index_cast %add3A_980 : i32 to index
          %get3A_1032 = arith.constant 80 : index
          %get3A_1033 = tpu.vector_load %arg11[%get3A_1031, %get3A_1032] {strides = array<i32>} : memref<128x128xf32, #tpu.memory_space<vmem>>, vector<1x16xf32>,
          %get3A_1034 = vector.shape_cast %get3A_1033 : vector<1x16xf32> to vector<16xf32>
          %mul3A_1035 = arith.mulf %get3A_1034, %gather3A_976 : vector<16xf32>
          %swap3A_1036 = arith.index_cast %add3A_980 : i32 to index
          %swap3A_1037 = arith.constant 80 : index
          %swap3A_1038 = tpu.vector_load %arg11[%swap3A_1036, %swap3A_1037] {strides = array<i32>} : memref<128x128xf32, #tpu.memory_space<vmem>>, vector<1x16xf32>,
          %swap3A_1039 = vector.shape_cast %swap3A_1038 : vector<1x16xf32> to vector<16xf32>
          %swap3A_1040 = vector.shape_cast %mul3A_1035 : vector<16xf32> to vector<1x16xf32>
          tpu.vector_store %arg11[%swap3A_1036, %swap3A_1037], %swap3A_1040 {strides = array<i32>} : memref<128x128xf32, #tpu.memory_space<vmem>>, vector<1x16xf32>,
          %get3A_1041 = arith.index_cast %add3A_980 : i32 to index
          %get3A_1042 = arith.constant 96 : index
          %get3A_1043 = tpu.vector_load %arg11[%get3A_1041, %get3A_1042] {strides = array<i32>} : memref<128x128xf32, #tpu.memory_space<vmem>>, vector<1x16xf32>,
          %get3A_1044 = vector.shape_cast %get3A_1043 : vector<1x16xf32> to vector<16xf32>
          %mul3A_1045 = arith.mulf %get3A_1044, %gather3A_976 : vector<16xf32>
          %swap3A_1046 = arith.index_cast %add3A_980 : i32 to index
          %swap3A_1047 = arith.constant 96 : index
          %swap3A_1048 = tpu.vector_load %arg11[%swap3A_1046, %swap3A_1047] {strides = array<i32>} : memref<128x128xf32, #tpu.memory_space<vmem>>, vector<1x16xf32>,
          %swap3A_1049 = vector.shape_cast %swap3A_1048 : vector<1x16xf32> to vector<16xf32>
          %swap3A_1050 = vector.shape_cast %mul3A_1045 : vector<16xf32> to vector<1x16xf32>
          tpu.vector_store %arg11[%swap3A_1046, %swap3A_1047], %swap3A_1050 {strides = array<i32>} : memref<128x128xf32, #tpu.memory_space<vmem>>, vector<1x16xf32>,
          %get3A_1051 = arith.index_cast %add3A_980 : i32 to index
          %get3A_1052 = arith.constant 112 : index
          %get3A_1053 = tpu.vector_load %arg11[%get3A_1051, %get3A_1052] {strides = array<i32>} : memref<128x128xf32, #tpu.memory_space<vmem>>, vector<1x16xf32>,
          %get3A_1054 = vector.shape_cast %get3A_1053 : vector<1x16xf32> to vector<16xf32>
          %mul3A_1055 = arith.mulf %get3A_1054, %gather3A_976 : vector<16xf32>
          %swap3A_1056 = arith.index_cast %add3A_980 : i32 to index
          %swap3A_1057 = arith.constant 112 : index
          %swap3A_1058 = tpu.vector_load %arg11[%swap3A_1056, %swap3A_1057] {strides = array<i32>} : memref<128x128xf32, #tpu.memory_space<vmem>>, vector<1x16xf32>,
          %swap3A_1059 = vector.shape_cast %swap3A_1058 : vector<1x16xf32> to vector<16xf32>
          %swap3A_1060 = vector.shape_cast %mul3A_1055 : vector<16xf32> to vector<1x16xf32>
          tpu.vector_store %arg11[%swap3A_1056, %swap3A_1057], %swap3A_1060 {strides = array<i32>} : memref<128x128xf32, #tpu.memory_space<vmem>>, vector<1x16xf32>,
          %broadcast_in_dim3A_1061 = arith.constant 11 : i32
          %broadcast_in_dim3A_1062 = vector.broadcast %broadcast_in_dim3A_1061 : i32 to vector<16x1xi32>
          %gather3A_1063 = vector.shape_cast %broadcast_in_dim3A_1062 : vector<16x1xi32> to vector<16xi32>
          %gather3A_1064 = tpu.dynamic_gather %get3A_95[%gather3A_1063] in [0] : vector<16xf32>, vector<16xi32> -> vector<16xf32>
          %mul3A_1065 = arith.constant 16 : i32
          %mul3A_1066 = arith.muli %scan3A_90, %mul3A_1065 : i32
          %add3A_1067 = arith.constant 11 : i32
          %add3A_1068 = arith.addi %mul3A_1066, %add3A_1067 : i32
          %get3A_1069 = arith.index_cast %add3A_1068 : i32 to index
          %get3A_1070 = arith.constant 0 : index
          %get3A_1071 = tpu.vector_load %arg11[%get3A_1069, %get3A_1070] {strides = array<i32>} : memref<128x128xf32, #tpu.memory_space<vmem>>, vector<1x16xf32>,
          %get3A_1072 = vector.shape_cast %get3A_1071 : vector<1x16xf32> to vector<16xf32>
          %mul3A_1073 = arith.mulf %get3A_1072, %gather3A_1064 : vector<16xf32>
          %swap3A_1074 = arith.index_cast %add3A_1068 : i32 to index
          %swap3A_1075 = arith.constant 0 : index
          %swap3A_1076 = tpu.vector_load %arg11[%swap3A_1074, %swap3A_1075] {strides = array<i32>} : memref<128x128xf32, #tpu.memory_space<vmem>>, vector<1x16xf32>,
          %swap3A_1077 = vector.shape_cast %swap3A_1076 : vector<1x16xf32> to vector<16xf32>
          %swap3A_1078 = vector.shape_cast %mul3A_1073 : vector<16xf32> to vector<1x16xf32>
          tpu.vector_store %arg11[%swap3A_1074, %swap3A_1075], %swap3A_1078 {strides = array<i32>} : memref<128x128xf32, #tpu.memory_space<vmem>>, vector<1x16xf32>,
          %get3A_1079 = arith.index_cast %add3A_1068 : i32 to index
          %get3A_1080 = arith.constant 16 : index
          %get3A_1081 = tpu.vector_load %arg11[%get3A_1079, %get3A_1080] {strides = array<i32>} : memref<128x128xf32, #tpu.memory_space<vmem>>, vector<1x16xf32>,
          %get3A_1082 = vector.shape_cast %get3A_1081 : vector<1x16xf32> to vector<16xf32>
          %mul3A_1083 = arith.mulf %get3A_1082, %gather3A_1064 : vector<16xf32>
          %swap3A_1084 = arith.index_cast %add3A_1068 : i32 to index
          %swap3A_1085 = arith.constant 16 : index
          %swap3A_1086 = tpu.vector_load %arg11[%swap3A_1084, %swap3A_1085] {strides = array<i32>} : memref<128x128xf32, #tpu.memory_space<vmem>>, vector<1x16xf32>,
          %swap3A_1087 = vector.shape_cast %swap3A_1086 : vector<1x16xf32> to vector<16xf32>
          %swap3A_1088 = vector.shape_cast %mul3A_1083 : vector<16xf32> to vector<1x16xf32>
          tpu.vector_store %arg11[%swap3A_1084, %swap3A_1085], %swap3A_1088 {strides = array<i32>} : memref<128x128xf32, #tpu.memory_space<vmem>>, vector<1x16xf32>,
          %get3A_1089 = arith.index_cast %add3A_1068 : i32 to index
          %get3A_1090 = arith.constant 32 : index
          %get3A_1091 = tpu.vector_load %arg11[%get3A_1089, %get3A_1090] {strides = array<i32>} : memref<128x128xf32, #tpu.memory_space<vmem>>, vector<1x16xf32>,
          %get3A_1092 = vector.shape_cast %get3A_1091 : vector<1x16xf32> to vector<16xf32>
          %mul3A_1093 = arith.mulf %get3A_1092, %gather3A_1064 : vector<16xf32>
          %swap3A_1094 = arith.index_cast %add3A_1068 : i32 to index
          %swap3A_1095 = arith.constant 32 : index
          %swap3A_1096 = tpu.vector_load %arg11[%swap3A_1094, %swap3A_1095] {strides = array<i32>} : memref<128x128xf32, #tpu.memory_space<vmem>>, vector<1x16xf32>,
          %swap3A_1097 = vector.shape_cast %swap3A_1096 : vector<1x16xf32> to vector<16xf32>
          %swap3A_1098 = vector.shape_cast %mul3A_1093 : vector<16xf32> to vector<1x16xf32>
          tpu.vector_store %arg11[%swap3A_1094, %swap3A_1095], %swap3A_1098 {strides = array<i32>} : memref<128x128xf32, #tpu.memory_space<vmem>>, vector<1x16xf32>,
          %get3A_1099 = arith.index_cast %add3A_1068 : i32 to index
          %get3A_1100 = arith.constant 48 : index
          %get3A_1101 = tpu.vector_load %arg11[%get3A_1099, %get3A_1100] {strides = array<i32>} : memref<128x128xf32, #tpu.memory_space<vmem>>, vector<1x16xf32>,
          %get3A_1102 = vector.shape_cast %get3A_1101 : vector<1x16xf32> to vector<16xf32>
          %mul3A_1103 = arith.mulf %get3A_1102, %gather3A_1064 : vector<16xf32>
          %swap3A_1104 = arith.index_cast %add3A_1068 : i32 to index
          %swap3A_1105 = arith.constant 48 : index
          %swap3A_1106 = tpu.vector_load %arg11[%swap3A_1104, %swap3A_1105] {strides = array<i32>} : memref<128x128xf32, #tpu.memory_space<vmem>>, vector<1x16xf32>,
          %swap3A_1107 = vector.shape_cast %swap3A_1106 : vector<1x16xf32> to vector<16xf32>
          %swap3A_1108 = vector.shape_cast %mul3A_1103 : vector<16xf32> to vector<1x16xf32>
          tpu.vector_store %arg11[%swap3A_1104, %swap3A_1105], %swap3A_1108 {strides = array<i32>} : memref<128x128xf32, #tpu.memory_space<vmem>>, vector<1x16xf32>,
          %get3A_1109 = arith.index_cast %add3A_1068 : i32 to index
          %get3A_1110 = arith.constant 64 : index
          %get3A_1111 = tpu.vector_load %arg11[%get3A_1109, %get3A_1110] {strides = array<i32>} : memref<128x128xf32, #tpu.memory_space<vmem>>, vector<1x16xf32>,
          %get3A_1112 = vector.shape_cast %get3A_1111 : vector<1x16xf32> to vector<16xf32>
          %mul3A_1113 = arith.mulf %get3A_1112, %gather3A_1064 : vector<16xf32>
          %swap3A_1114 = arith.index_cast %add3A_1068 : i32 to index
          %swap3A_1115 = arith.constant 64 : index
          %swap3A_1116 = tpu.vector_load %arg11[%swap3A_1114, %swap3A_1115] {strides = array<i32>} : memref<128x128xf32, #tpu.memory_space<vmem>>, vector<1x16xf32>,
          %swap3A_1117 = vector.shape_cast %swap3A_1116 : vector<1x16xf32> to vector<16xf32>
          %swap3A_1118 = vector.shape_cast %mul3A_1113 : vector<16xf32> to vector<1x16xf32>
          tpu.vector_store %arg11[%swap3A_1114, %swap3A_1115], %swap3A_1118 {strides = array<i32>} : memref<128x128xf32, #tpu.memory_space<vmem>>, vector<1x16xf32>,
          %get3A_1119 = arith.index_cast %add3A_1068 : i32 to index
          %get3A_1120 = arith.constant 80 : index
          %get3A_1121 = tpu.vector_load %arg11[%get3A_1119, %get3A_1120] {strides = array<i32>} : memref<128x128xf32, #tpu.memory_space<vmem>>, vector<1x16xf32>,
          %get3A_1122 = vector.shape_cast %get3A_1121 : vector<1x16xf32> to vector<16xf32>
          %mul3A_1123 = arith.mulf %get3A_1122, %gather3A_1064 : vector<16xf32>
          %swap3A_1124 = arith.index_cast %add3A_1068 : i32 to index
          %swap3A_1125 = arith.constant 80 : index
          %swap3A_1126 = tpu.vector_load %arg11[%swap3A_1124, %swap3A_1125] {strides = array<i32>} : memref<128x128xf32, #tpu.memory_space<vmem>>, vector<1x16xf32>,
          %swap3A_1127 = vector.shape_cast %swap3A_1126 : vector<1x16xf32> to vector<16xf32>
          %swap3A_1128 = vector.shape_cast %mul3A_1123 : vector<16xf32> to vector<1x16xf32>
          tpu.vector_store %arg11[%swap3A_1124, %swap3A_1125], %swap3A_1128 {strides = array<i32>} : memref<128x128xf32, #tpu.memory_space<vmem>>, vector<1x16xf32>,
          %get3A_1129 = arith.index_cast %add3A_1068 : i32 to index
          %get3A_1130 = arith.constant 96 : index
          %get3A_1131 = tpu.vector_load %arg11[%get3A_1129, %get3A_1130] {strides = array<i32>} : memref<128x128xf32, #tpu.memory_space<vmem>>, vector<1x16xf32>,
          %get3A_1132 = vector.shape_cast %get3A_1131 : vector<1x16xf32> to vector<16xf32>
          %mul3A_1133 = arith.mulf %get3A_1132, %gather3A_1064 : vector<16xf32>
          %swap3A_1134 = arith.index_cast %add3A_1068 : i32 to index
          %swap3A_1135 = arith.constant 96 : index
          %swap3A_1136 = tpu.vector_load %arg11[%swap3A_1134, %swap3A_1135] {strides = array<i32>} : memref<128x128xf32, #tpu.memory_space<vmem>>, vector<1x16xf32>,
          %swap3A_1137 = vector.shape_cast %swap3A_1136 : vector<1x16xf32> to vector<16xf32>
          %swap3A_1138 = vector.shape_cast %mul3A_1133 : vector<16xf32> to vector<1x16xf32>
          tpu.vector_store %arg11[%swap3A_1134, %swap3A_1135], %swap3A_1138 {strides = array<i32>} : memref<128x128xf32, #tpu.memory_space<vmem>>, vector<1x16xf32>,
          %get3A_1139 = arith.index_cast %add3A_1068 : i32 to index
          %get3A_1140 = arith.constant 112 : index
          %get3A_1141 = tpu.vector_load %arg11[%get3A_1139, %get3A_1140] {strides = array<i32>} : memref<128x128xf32, #tpu.memory_space<vmem>>, vector<1x16xf32>,
          %get3A_1142 = vector.shape_cast %get3A_1141 : vector<1x16xf32> to vector<16xf32>
          %mul3A_1143 = arith.mulf %get3A_1142, %gather3A_1064 : vector<16xf32>
          %swap3A_1144 = arith.index_cast %add3A_1068 : i32 to index
          %swap3A_1145 = arith.constant 112 : index
          %swap3A_1146 = tpu.vector_load %arg11[%swap3A_1144, %swap3A_1145] {strides = array<i32>} : memref<128x128xf32, #tpu.memory_space<vmem>>, vector<1x16xf32>,
          %swap3A_1147 = vector.shape_cast %swap3A_1146 : vector<1x16xf32> to vector<16xf32>
          %swap3A_1148 = vector.shape_cast %mul3A_1143 : vector<16xf32> to vector<1x16xf32>
          tpu.vector_store %arg11[%swap3A_1144, %swap3A_1145], %swap3A_1148 {strides = array<i32>} : memref<128x128xf32, #tpu.memory_space<vmem>>, vector<1x16xf32>,
          %broadcast_in_dim3A_1149 = arith.constant 12 : i32
          %broadcast_in_dim3A_1150 = vector.broadcast %broadcast_in_dim3A_1149 : i32 to vector<16x1xi32>
          %gather3A_1151 = vector.shape_cast %broadcast_in_dim3A_1150 : vector<16x1xi32> to vector<16xi32>
          %gather3A_1152 = tpu.dynamic_gather %get3A_95[%gather3A_1151] in [0] : vector<16xf32>, vector<16xi32> -> vector<16xf32>
          %mul3A_1153 = arith.constant 16 : i32
          %mul3A_1154 = arith.muli %scan3A_90, %mul3A_1153 : i32
          %add3A_1155 = arith.constant 12 : i32
          %add3A_1156 = arith.addi %mul3A_1154, %add3A_1155 : i32
          %get3A_1157 = arith.index_cast %add3A_1156 : i32 to index
          %get3A_1158 = arith.constant 0 : index
          %get3A_1159 = tpu.vector_load %arg11[%get3A_1157, %get3A_1158] {strides = array<i32>} : memref<128x128xf32, #tpu.memory_space<vmem>>, vector<1x16xf32>,
          %get3A_1160 = vector.shape_cast %get3A_1159 : vector<1x16xf32> to vector<16xf32>
          %mul3A_1161 = arith.mulf %get3A_1160, %gather3A_1152 : vector<16xf32>
          %swap3A_1162 = arith.index_cast %add3A_1156 : i32 to index
          %swap3A_1163 = arith.constant 0 : index
          %swap3A_1164 = tpu.vector_load %arg11[%swap3A_1162, %swap3A_1163] {strides = array<i32>} : memref<128x128xf32, #tpu.memory_space<vmem>>, vector<1x16xf32>,
          %swap3A_1165 = vector.shape_cast %swap3A_1164 : vector<1x16xf32> to vector<16xf32>
          %swap3A_1166 = vector.shape_cast %mul3A_1161 : vector<16xf32> to vector<1x16xf32>
          tpu.vector_store %arg11[%swap3A_1162, %swap3A_1163], %swap3A_1166 {strides = array<i32>} : memref<128x128xf32, #tpu.memory_space<vmem>>, vector<1x16xf32>,
          %get3A_1167 = arith.index_cast %add3A_1156 : i32 to index
          %get3A_1168 = arith.constant 16 : index
          %get3A_1169 = tpu.vector_load %arg11[%get3A_1167, %get3A_1168] {strides = array<i32>} : memref<128x128xf32, #tpu.memory_space<vmem>>, vector<1x16xf32>,
          %get3A_1170 = vector.shape_cast %get3A_1169 : vector<1x16xf32> to vector<16xf32>
          %mul3A_1171 = arith.mulf %get3A_1170, %gather3A_1152 : vector<16xf32>
          %swap3A_1172 = arith.index_cast %add3A_1156 : i32 to index
          %swap3A_1173 = arith.constant 16 : index
          %swap3A_1174 = tpu.vector_load %arg11[%swap3A_1172, %swap3A_1173] {strides = array<i32>} : memref<128x128xf32, #tpu.memory_space<vmem>>, vector<1x16xf32>,
          %swap3A_1175 = vector.shape_cast %swap3A_1174 : vector<1x16xf32> to vector<16xf32>
          %swap3A_1176 = vector.shape_cast %mul3A_1171 : vector<16xf32> to vector<1x16xf32>
          tpu.vector_store %arg11[%swap3A_1172, %swap3A_1173], %swap3A_1176 {strides = array<i32>} : memref<128x128xf32, #tpu.memory_space<vmem>>, vector<1x16xf32>,
          %get3A_1177 = arith.index_cast %add3A_1156 : i32 to index
          %get3A_1178 = arith.constant 32 : index
          %get3A_1179 = tpu.vector_load %arg11[%get3A_1177, %get3A_1178] {strides = array<i32>} : memref<128x128xf32, #tpu.memory_space<vmem>>, vector<1x16xf32>,
          %get3A_1180 = vector.shape_cast %get3A_1179 : vector<1x16xf32> to vector<16xf32>
          %mul3A_1181 = arith.mulf %get3A_1180, %gather3A_1152 : vector<16xf32>
          %swap3A_1182 = arith.index_cast %add3A_1156 : i32 to index
          %swap3A_1183 = arith.constant 32 : index
          %swap3A_1184 = tpu.vector_load %arg11[%swap3A_1182, %swap3A_1183] {strides = array<i32>} : memref<128x128xf32, #tpu.memory_space<vmem>>, vector<1x16xf32>,
          %swap3A_1185 = vector.shape_cast %swap3A_1184 : vector<1x16xf32> to vector<16xf32>
          %swap3A_1186 = vector.shape_cast %mul3A_1181 : vector<16xf32> to vector<1x16xf32>
          tpu.vector_store %arg11[%swap3A_1182, %swap3A_1183], %swap3A_1186 {strides = array<i32>} : memref<128x128xf32, #tpu.memory_space<vmem>>, vector<1x16xf32>,
          %get3A_1187 = arith.index_cast %add3A_1156 : i32 to index
          %get3A_1188 = arith.constant 48 : index
          %get3A_1189 = tpu.vector_load %arg11[%get3A_1187, %get3A_1188] {strides = array<i32>} : memref<128x128xf32, #tpu.memory_space<vmem>>, vector<1x16xf32>,
          %get3A_1190 = vector.shape_cast %get3A_1189 : vector<1x16xf32> to vector<16xf32>
          %mul3A_1191 = arith.mulf %get3A_1190, %gather3A_1152 : vector<16xf32>
          %swap3A_1192 = arith.index_cast %add3A_1156 : i32 to index
          %swap3A_1193 = arith.constant 48 : index
          %swap3A_1194 = tpu.vector_load %arg11[%swap3A_1192, %swap3A_1193] {strides = array<i32>} : memref<128x128xf32, #tpu.memory_space<vmem>>, vector<1x16xf32>,
          %swap3A_1195 = vector.shape_cast %swap3A_1194 : vector<1x16xf32> to vector<16xf32>
          %swap3A_1196 = vector.shape_cast %mul3A_1191 : vector<16xf32> to vector<1x16xf32>
          tpu.vector_store %arg11[%swap3A_1192, %swap3A_1193], %swap3A_1196 {strides = array<i32>} : memref<128x128xf32, #tpu.memory_space<vmem>>, vector<1x16xf32>,
          %get3A_1197 = arith.index_cast %add3A_1156 : i32 to index
          %get3A_1198 = arith.constant 64 : index
          %get3A_1199 = tpu.vector_load %arg11[%get3A_1197, %get3A_1198] {strides = array<i32>} : memref<128x128xf32, #tpu.memory_space<vmem>>, vector<1x16xf32>,
          %get3A_1200 = vector.shape_cast %get3A_1199 : vector<1x16xf32> to vector<16xf32>
          %mul3A_1201 = arith.mulf %get3A_1200, %gather3A_1152 : vector<16xf32>
          %swap3A_1202 = arith.index_cast %add3A_1156 : i32 to index
          %swap3A_1203 = arith.constant 64 : index
          %swap3A_1204 = tpu.vector_load %arg11[%swap3A_1202, %swap3A_1203] {strides = array<i32>} : memref<128x128xf32, #tpu.memory_space<vmem>>, vector<1x16xf32>,
          %swap3A_1205 = vector.shape_cast %swap3A_1204 : vector<1x16xf32> to vector<16xf32>
          %swap3A_1206 = vector.shape_cast %mul3A_1201 : vector<16xf32> to vector<1x16xf32>
          tpu.vector_store %arg11[%swap3A_1202, %swap3A_1203], %swap3A_1206 {strides = array<i32>} : memref<128x128xf32, #tpu.memory_space<vmem>>, vector<1x16xf32>,
          %get3A_1207 = arith.index_cast %add3A_1156 : i32 to index
          %get3A_1208 = arith.constant 80 : index
          %get3A_1209 = tpu.vector_load %arg11[%get3A_1207, %get3A_1208] {strides = array<i32>} : memref<128x128xf32, #tpu.memory_space<vmem>>, vector<1x16xf32>,
          %get3A_1210 = vector.shape_cast %get3A_1209 : vector<1x16xf32> to vector<16xf32>
          %mul3A_1211 = arith.mulf %get3A_1210, %gather3A_1152 : vector<16xf32>
          %swap3A_1212 = arith.index_cast %add3A_1156 : i32 to index
          %swap3A_1213 = arith.constant 80 : index
          %swap3A_1214 = tpu.vector_load %arg11[%swap3A_1212, %swap3A_1213] {strides = array<i32>} : memref<128x128xf32, #tpu.memory_space<vmem>>, vector<1x16xf32>,
          %swap3A_1215 = vector.shape_cast %swap3A_1214 : vector<1x16xf32> to vector<16xf32>
          %swap3A_1216 = vector.shape_cast %mul3A_1211 : vector<16xf32> to vector<1x16xf32>
          tpu.vector_store %arg11[%swap3A_1212, %swap3A_1213], %swap3A_1216 {strides = array<i32>} : memref<128x128xf32, #tpu.memory_space<vmem>>, vector<1x16xf32>,
          %get3A_1217 = arith.index_cast %add3A_1156 : i32 to index
          %get3A_1218 = arith.constant 96 : index
          %get3A_1219 = tpu.vector_load %arg11[%get3A_1217, %get3A_1218] {strides = array<i32>} : memref<128x128xf32, #tpu.memory_space<vmem>>, vector<1x16xf32>,
          %get3A_1220 = vector.shape_cast %get3A_1219 : vector<1x16xf32> to vector<16xf32>
          %mul3A_1221 = arith.mulf %get3A_1220, %gather3A_1152 : vector<16xf32>
          %swap3A_1222 = arith.index_cast %add3A_1156 : i32 to index
          %swap3A_1223 = arith.constant 96 : index
          %swap3A_1224 = tpu.vector_load %arg11[%swap3A_1222, %swap3A_1223] {strides = array<i32>} : memref<128x128xf32, #tpu.memory_space<vmem>>, vector<1x16xf32>,
          %swap3A_1225 = vector.shape_cast %swap3A_1224 : vector<1x16xf32> to vector<16xf32>
          %swap3A_1226 = vector.shape_cast %mul3A_1221 : vector<16xf32> to vector<1x16xf32>
          tpu.vector_store %arg11[%swap3A_1222, %swap3A_1223], %swap3A_1226 {strides = array<i32>} : memref<128x128xf32, #tpu.memory_space<vmem>>, vector<1x16xf32>,
          %get3A_1227 = arith.index_cast %add3A_1156 : i32 to index
          %get3A_1228 = arith.constant 112 : index
          %get3A_1229 = tpu.vector_load %arg11[%get3A_1227, %get3A_1228] {strides = array<i32>} : memref<128x128xf32, #tpu.memory_space<vmem>>, vector<1x16xf32>,
          %get3A_1230 = vector.shape_cast %get3A_1229 : vector<1x16xf32> to vector<16xf32>
          %mul3A_1231 = arith.mulf %get3A_1230, %gather3A_1152 : vector<16xf32>
          %swap3A_1232 = arith.index_cast %add3A_1156 : i32 to index
          %swap3A_1233 = arith.constant 112 : index
          %swap3A_1234 = tpu.vector_load %arg11[%swap3A_1232, %swap3A_1233] {strides = array<i32>} : memref<128x128xf32, #tpu.memory_space<vmem>>, vector<1x16xf32>,
          %swap3A_1235 = vector.shape_cast %swap3A_1234 : vector<1x16xf32> to vector<16xf32>
          %swap3A_1236 = vector.shape_cast %mul3A_1231 : vector<16xf32> to vector<1x16xf32>
          tpu.vector_store %arg11[%swap3A_1232, %swap3A_1233], %swap3A_1236 {strides = array<i32>} : memref<128x128xf32, #tpu.memory_space<vmem>>, vector<1x16xf32>,
          %broadcast_in_dim3A_1237 = arith.constant 13 : i32
          %broadcast_in_dim3A_1238 = vector.broadcast %broadcast_in_dim3A_1237 : i32 to vector<16x1xi32>
          %gather3A_1239 = vector.shape_cast %broadcast_in_dim3A_1238 : vector<16x1xi32> to vector<16xi32>
          %gather3A_1240 = tpu.dynamic_gather %get3A_95[%gather3A_1239] in [0] : vector<16xf32>, vector<16xi32> -> vector<16xf32>
          %mul3A_1241 = arith.constant 16 : i32
          %mul3A_1242 = arith.muli %scan3A_90, %mul3A_1241 : i32
          %add3A_1243 = arith.constant 13 : i32
          %add3A_1244 = arith.addi %mul3A_1242, %add3A_1243 : i32
          %get3A_1245 = arith.index_cast %add3A_1244 : i32 to index
          %get3A_1246 = arith.constant 0 : index
          %get3A_1247 = tpu.vector_load %arg11[%get3A_1245, %get3A_1246] {strides = array<i32>} : memref<128x128xf32, #tpu.memory_space<vmem>>, vector<1x16xf32>,
          %get3A_1248 = vector.shape_cast %get3A_1247 : vector<1x16xf32> to vector<16xf32>
          %mul3A_1249 = arith.mulf %get3A_1248, %gather3A_1240 : vector<16xf32>
          %swap3A_1250 = arith.index_cast %add3A_1244 : i32 to index
          %swap3A_1251 = arith.constant 0 : index
          %swap3A_1252 = tpu.vector_load %arg11[%swap3A_1250, %swap3A_1251] {strides = array<i32>} : memref<128x128xf32, #tpu.memory_space<vmem>>, vector<1x16xf32>,
          %swap3A_1253 = vector.shape_cast %swap3A_1252 : vector<1x16xf32> to vector<16xf32>
          %swap3A_1254 = vector.shape_cast %mul3A_1249 : vector<16xf32> to vector<1x16xf32>
          tpu.vector_store %arg11[%swap3A_1250, %swap3A_1251], %swap3A_1254 {strides = array<i32>} : memref<128x128xf32, #tpu.memory_space<vmem>>, vector<1x16xf32>,
          %get3A_1255 = arith.index_cast %add3A_1244 : i32 to index
          %get3A_1256 = arith.constant 16 : index
          %get3A_1257 = tpu.vector_load %arg11[%get3A_1255, %get3A_1256] {strides = array<i32>} : memref<128x128xf32, #tpu.memory_space<vmem>>, vector<1x16xf32>,
          %get3A_1258 = vector.shape_cast %get3A_1257 : vector<1x16xf32> to vector<16xf32>
          %mul3A_1259 = arith.mulf %get3A_1258, %gather3A_1240 : vector<16xf32>
          %swap3A_1260 = arith.index_cast %add3A_1244 : i32 to index
          %swap3A_1261 = arith.constant 16 : index
          %swap3A_1262 = tpu.vector_load %arg11[%swap3A_1260, %swap3A_1261] {strides = array<i32>} : memref<128x128xf32, #tpu.memory_space<vmem>>, vector<1x16xf32>,
          %swap3A_1263 = vector.shape_cast %swap3A_1262 : vector<1x16xf32> to vector<16xf32>
          %swap3A_1264 = vector.shape_cast %mul3A_1259 : vector<16xf32> to vector<1x16xf32>
          tpu.vector_store %arg11[%swap3A_1260, %swap3A_1261], %swap3A_1264 {strides = array<i32>} : memref<128x128xf32, #tpu.memory_space<vmem>>, vector<1x16xf32>,
          %get3A_1265 = arith.index_cast %add3A_1244 : i32 to index
          %get3A_1266 = arith.constant 32 : index
          %get3A_1267 = tpu.vector_load %arg11[%get3A_1265, %get3A_1266] {strides = array<i32>} : memref<128x128xf32, #tpu.memory_space<vmem>>, vector<1x16xf32>,
          %get3A_1268 = vector.shape_cast %get3A_1267 : vector<1x16xf32> to vector<16xf32>
          %mul3A_1269 = arith.mulf %get3A_1268, %gather3A_1240 : vector<16xf32>
          %swap3A_1270 = arith.index_cast %add3A_1244 : i32 to index
          %swap3A_1271 = arith.constant 32 : index
          %swap3A_1272 = tpu.vector_load %arg11[%swap3A_1270, %swap3A_1271] {strides = array<i32>} : memref<128x128xf32, #tpu.memory_space<vmem>>, vector<1x16xf32>,
          %swap3A_1273 = vector.shape_cast %swap3A_1272 : vector<1x16xf32> to vector<16xf32>
          %swap3A_1274 = vector.shape_cast %mul3A_1269 : vector<16xf32> to vector<1x16xf32>
          tpu.vector_store %arg11[%swap3A_1270, %swap3A_1271], %swap3A_1274 {strides = array<i32>} : memref<128x128xf32, #tpu.memory_space<vmem>>, vector<1x16xf32>,
          %get3A_1275 = arith.index_cast %add3A_1244 : i32 to index
          %get3A_1276 = arith.constant 48 : index
          %get3A_1277 = tpu.vector_load %arg11[%get3A_1275, %get3A_1276] {strides = array<i32>} : memref<128x128xf32, #tpu.memory_space<vmem>>, vector<1x16xf32>,
          %get3A_1278 = vector.shape_cast %get3A_1277 : vector<1x16xf32> to vector<16xf32>
          %mul3A_1279 = arith.mulf %get3A_1278, %gather3A_1240 : vector<16xf32>
          %swap3A_1280 = arith.index_cast %add3A_1244 : i32 to index
          %swap3A_1281 = arith.constant 48 : index
          %swap3A_1282 = tpu.vector_load %arg11[%swap3A_1280, %swap3A_1281] {strides = array<i32>} : memref<128x128xf32, #tpu.memory_space<vmem>>, vector<1x16xf32>,
          %swap3A_1283 = vector.shape_cast %swap3A_1282 : vector<1x16xf32> to vector<16xf32>
          %swap3A_1284 = vector.shape_cast %mul3A_1279 : vector<16xf32> to vector<1x16xf32>
          tpu.vector_store %arg11[%swap3A_1280, %swap3A_1281], %swap3A_1284 {strides = array<i32>} : memref<128x128xf32, #tpu.memory_space<vmem>>, vector<1x16xf32>,
          %get3A_1285 = arith.index_cast %add3A_1244 : i32 to index
          %get3A_1286 = arith.constant 64 : index
          %get3A_1287 = tpu.vector_load %arg11[%get3A_1285, %get3A_1286] {strides = array<i32>} : memref<128x128xf32, #tpu.memory_space<vmem>>, vector<1x16xf32>,
          %get3A_1288 = vector.shape_cast %get3A_1287 : vector<1x16xf32> to vector<16xf32>
          %mul3A_1289 = arith.mulf %get3A_1288, %gather3A_1240 : vector<16xf32>
          %swap3A_1290 = arith.index_cast %add3A_1244 : i32 to index
          %swap3A_1291 = arith.constant 64 : index
          %swap3A_1292 = tpu.vector_load %arg11[%swap3A_1290, %swap3A_1291] {strides = array<i32>} : memref<128x128xf32, #tpu.memory_space<vmem>>, vector<1x16xf32>,
          %swap3A_1293 = vector.shape_cast %swap3A_1292 : vector<1x16xf32> to vector<16xf32>
          %swap3A_1294 = vector.shape_cast %mul3A_1289 : vector<16xf32> to vector<1x16xf32>
          tpu.vector_store %arg11[%swap3A_1290, %swap3A_1291], %swap3A_1294 {strides = array<i32>} : memref<128x128xf32, #tpu.memory_space<vmem>>, vector<1x16xf32>,
          %get3A_1295 = arith.index_cast %add3A_1244 : i32 to index
          %get3A_1296 = arith.constant 80 : index
          %get3A_1297 = tpu.vector_load %arg11[%get3A_1295, %get3A_1296] {strides = array<i32>} : memref<128x128xf32, #tpu.memory_space<vmem>>, vector<1x16xf32>,
          %get3A_1298 = vector.shape_cast %get3A_1297 : vector<1x16xf32> to vector<16xf32>
          %mul3A_1299 = arith.mulf %get3A_1298, %gather3A_1240 : vector<16xf32>
          %swap3A_1300 = arith.index_cast %add3A_1244 : i32 to index
          %swap3A_1301 = arith.constant 80 : index
          %swap3A_1302 = tpu.vector_load %arg11[%swap3A_1300, %swap3A_1301] {strides = array<i32>} : memref<128x128xf32, #tpu.memory_space<vmem>>, vector<1x16xf32>,
          %swap3A_1303 = vector.shape_cast %swap3A_1302 : vector<1x16xf32> to vector<16xf32>
          %swap3A_1304 = vector.shape_cast %mul3A_1299 : vector<16xf32> to vector<1x16xf32>
          tpu.vector_store %arg11[%swap3A_1300, %swap3A_1301], %swap3A_1304 {strides = array<i32>} : memref<128x128xf32, #tpu.memory_space<vmem>>, vector<1x16xf32>,
          %get3A_1305 = arith.index_cast %add3A_1244 : i32 to index
          %get3A_1306 = arith.constant 96 : index
          %get3A_1307 = tpu.vector_load %arg11[%get3A_1305, %get3A_1306] {strides = array<i32>} : memref<128x128xf32, #tpu.memory_space<vmem>>, vector<1x16xf32>,
          %get3A_1308 = vector.shape_cast %get3A_1307 : vector<1x16xf32> to vector<16xf32>
          %mul3A_1309 = arith.mulf %get3A_1308, %gather3A_1240 : vector<16xf32>
          %swap3A_1310 = arith.index_cast %add3A_1244 : i32 to index
          %swap3A_1311 = arith.constant 96 : index
          %swap3A_1312 = tpu.vector_load %arg11[%swap3A_1310, %swap3A_1311] {strides = array<i32>} : memref<128x128xf32, #tpu.memory_space<vmem>>, vector<1x16xf32>,
          %swap3A_1313 = vector.shape_cast %swap3A_1312 : vector<1x16xf32> to vector<16xf32>
          %swap3A_1314 = vector.shape_cast %mul3A_1309 : vector<16xf32> to vector<1x16xf32>
          tpu.vector_store %arg11[%swap3A_1310, %swap3A_1311], %swap3A_1314 {strides = array<i32>} : memref<128x128xf32, #tpu.memory_space<vmem>>, vector<1x16xf32>,
          %get3A_1315 = arith.index_cast %add3A_1244 : i32 to index
          %get3A_1316 = arith.constant 112 : index
          %get3A_1317 = tpu.vector_load %arg11[%get3A_1315, %get3A_1316] {strides = array<i32>} : memref<128x128xf32, #tpu.memory_space<vmem>>, vector<1x16xf32>,
          %get3A_1318 = vector.shape_cast %get3A_1317 : vector<1x16xf32> to vector<16xf32>
          %mul3A_1319 = arith.mulf %get3A_1318, %gather3A_1240 : vector<16xf32>
          %swap3A_1320 = arith.index_cast %add3A_1244 : i32 to index
          %swap3A_1321 = arith.constant 112 : index
          %swap3A_1322 = tpu.vector_load %arg11[%swap3A_1320, %swap3A_1321] {strides = array<i32>} : memref<128x128xf32, #tpu.memory_space<vmem>>, vector<1x16xf32>,
          %swap3A_1323 = vector.shape_cast %swap3A_1322 : vector<1x16xf32> to vector<16xf32>
          %swap3A_1324 = vector.shape_cast %mul3A_1319 : vector<16xf32> to vector<1x16xf32>
          tpu.vector_store %arg11[%swap3A_1320, %swap3A_1321], %swap3A_1324 {strides = array<i32>} : memref<128x128xf32, #tpu.memory_space<vmem>>, vector<1x16xf32>,
          %broadcast_in_dim3A_1325 = arith.constant 14 : i32
          %broadcast_in_dim3A_1326 = vector.broadcast %broadcast_in_dim3A_1325 : i32 to vector<16x1xi32>
          %gather3A_1327 = vector.shape_cast %broadcast_in_dim3A_1326 : vector<16x1xi32> to vector<16xi32>
          %gather3A_1328 = tpu.dynamic_gather %get3A_95[%gather3A_1327] in [0] : vector<16xf32>, vector<16xi32> -> vector<16xf32>
          %mul3A_1329 = arith.constant 16 : i32
          %mul3A_1330 = arith.muli %scan3A_90, %mul3A_1329 : i32
          %add3A_1331 = arith.constant 14 : i32
          %add3A_1332 = arith.addi %mul3A_1330, %add3A_1331 : i32
          %get3A_1333 = arith.index_cast %add3A_1332 : i32 to index
          %get3A_1334 = arith.constant 0 : index
          %get3A_1335 = tpu.vector_load %arg11[%get3A_1333, %get3A_1334] {strides = array<i32>} : memref<128x128xf32, #tpu.memory_space<vmem>>, vector<1x16xf32>,
          %get3A_1336 = vector.shape_cast %get3A_1335 : vector<1x16xf32> to vector<16xf32>
          %mul3A_1337 = arith.mulf %get3A_1336, %gather3A_1328 : vector<16xf32>
          %swap3A_1338 = arith.index_cast %add3A_1332 : i32 to index
          %swap3A_1339 = arith.constant 0 : index
          %swap3A_1340 = tpu.vector_load %arg11[%swap3A_1338, %swap3A_1339] {strides = array<i32>} : memref<128x128xf32, #tpu.memory_space<vmem>>, vector<1x16xf32>,
          %swap3A_1341 = vector.shape_cast %swap3A_1340 : vector<1x16xf32> to vector<16xf32>
          %swap3A_1342 = vector.shape_cast %mul3A_1337 : vector<16xf32> to vector<1x16xf32>
          tpu.vector_store %arg11[%swap3A_1338, %swap3A_1339], %swap3A_1342 {strides = array<i32>} : memref<128x128xf32, #tpu.memory_space<vmem>>, vector<1x16xf32>,
          %get3A_1343 = arith.index_cast %add3A_1332 : i32 to index
          %get3A_1344 = arith.constant 16 : index
          %get3A_1345 = tpu.vector_load %arg11[%get3A_1343, %get3A_1344] {strides = array<i32>} : memref<128x128xf32, #tpu.memory_space<vmem>>, vector<1x16xf32>,
          %get3A_1346 = vector.shape_cast %get3A_1345 : vector<1x16xf32> to vector<16xf32>
          %mul3A_1347 = arith.mulf %get3A_1346, %gather3A_1328 : vector<16xf32>
          %swap3A_1348 = arith.index_cast %add3A_1332 : i32 to index
          %swap3A_1349 = arith.constant 16 : index
          %swap3A_1350 = tpu.vector_load %arg11[%swap3A_1348, %swap3A_1349] {strides = array<i32>} : memref<128x128xf32, #tpu.memory_space<vmem>>, vector<1x16xf32>,
          %swap3A_1351 = vector.shape_cast %swap3A_1350 : vector<1x16xf32> to vector<16xf32>
          %swap3A_1352 = vector.shape_cast %mul3A_1347 : vector<16xf32> to vector<1x16xf32>
          tpu.vector_store %arg11[%swap3A_1348, %swap3A_1349], %swap3A_1352 {strides = array<i32>} : memref<128x128xf32, #tpu.memory_space<vmem>>, vector<1x16xf32>,
          %get3A_1353 = arith.index_cast %add3A_1332 : i32 to index
          %get3A_1354 = arith.constant 32 : index
          %get3A_1355 = tpu.vector_load %arg11[%get3A_1353, %get3A_1354] {strides = array<i32>} : memref<128x128xf32, #tpu.memory_space<vmem>>, vector<1x16xf32>,
          %get3A_1356 = vector.shape_cast %get3A_1355 : vector<1x16xf32> to vector<16xf32>
          %mul3A_1357 = arith.mulf %get3A_1356, %gather3A_1328 : vector<16xf32>
          %swap3A_1358 = arith.index_cast %add3A_1332 : i32 to index
          %swap3A_1359 = arith.constant 32 : index
          %swap3A_1360 = tpu.vector_load %arg11[%swap3A_1358, %swap3A_1359] {strides = array<i32>} : memref<128x128xf32, #tpu.memory_space<vmem>>, vector<1x16xf32>,
          %swap3A_1361 = vector.shape_cast %swap3A_1360 : vector<1x16xf32> to vector<16xf32>
          %swap3A_1362 = vector.shape_cast %mul3A_1357 : vector<16xf32> to vector<1x16xf32>
          tpu.vector_store %arg11[%swap3A_1358, %swap3A_1359], %swap3A_1362 {strides = array<i32>} : memref<128x128xf32, #tpu.memory_space<vmem>>, vector<1x16xf32>,
          %get3A_1363 = arith.index_cast %add3A_1332 : i32 to index
          %get3A_1364 = arith.constant 48 : index
          %get3A_1365 = tpu.vector_load %arg11[%get3A_1363, %get3A_1364] {strides = array<i32>} : memref<128x128xf32, #tpu.memory_space<vmem>>, vector<1x16xf32>,
          %get3A_1366 = vector.shape_cast %get3A_1365 : vector<1x16xf32> to vector<16xf32>
          %mul3A_1367 = arith.mulf %get3A_1366, %gather3A_1328 : vector<16xf32>
          %swap3A_1368 = arith.index_cast %add3A_1332 : i32 to index
          %swap3A_1369 = arith.constant 48 : index
          %swap3A_1370 = tpu.vector_load %arg11[%swap3A_1368, %swap3A_1369] {strides = array<i32>} : memref<128x128xf32, #tpu.memory_space<vmem>>, vector<1x16xf32>,
          %swap3A_1371 = vector.shape_cast %swap3A_1370 : vector<1x16xf32> to vector<16xf32>
          %swap3A_1372 = vector.shape_cast %mul3A_1367 : vector<16xf32> to vector<1x16xf32>
          tpu.vector_store %arg11[%swap3A_1368, %swap3A_1369], %swap3A_1372 {strides = array<i32>} : memref<128x128xf32, #tpu.memory_space<vmem>>, vector<1x16xf32>,
          %get3A_1373 = arith.index_cast %add3A_1332 : i32 to index
          %get3A_1374 = arith.constant 64 : index
          %get3A_1375 = tpu.vector_load %arg11[%get3A_1373, %get3A_1374] {strides = array<i32>} : memref<128x128xf32, #tpu.memory_space<vmem>>, vector<1x16xf32>,
          %get3A_1376 = vector.shape_cast %get3A_1375 : vector<1x16xf32> to vector<16xf32>
          %mul3A_1377 = arith.mulf %get3A_1376, %gather3A_1328 : vector<16xf32>
          %swap3A_1378 = arith.index_cast %add3A_1332 : i32 to index
          %swap3A_1379 = arith.constant 64 : index
          %swap3A_1380 = tpu.vector_load %arg11[%swap3A_1378, %swap3A_1379] {strides = array<i32>} : memref<128x128xf32, #tpu.memory_space<vmem>>, vector<1x16xf32>,
          %swap3A_1381 = vector.shape_cast %swap3A_1380 : vector<1x16xf32> to vector<16xf32>
          %swap3A_1382 = vector.shape_cast %mul3A_1377 : vector<16xf32> to vector<1x16xf32>
          tpu.vector_store %arg11[%swap3A_1378, %swap3A_1379], %swap3A_1382 {strides = array<i32>} : memref<128x128xf32, #tpu.memory_space<vmem>>, vector<1x16xf32>,
          %get3A_1383 = arith.index_cast %add3A_1332 : i32 to index
          %get3A_1384 = arith.constant 80 : index
          %get3A_1385 = tpu.vector_load %arg11[%get3A_1383, %get3A_1384] {strides = array<i32>} : memref<128x128xf32, #tpu.memory_space<vmem>>, vector<1x16xf32>,
          %get3A_1386 = vector.shape_cast %get3A_1385 : vector<1x16xf32> to vector<16xf32>
          %mul3A_1387 = arith.mulf %get3A_1386, %gather3A_1328 : vector<16xf32>
          %swap3A_1388 = arith.index_cast %add3A_1332 : i32 to index
          %swap3A_1389 = arith.constant 80 : index
          %swap3A_1390 = tpu.vector_load %arg11[%swap3A_1388, %swap3A_1389] {strides = array<i32>} : memref<128x128xf32, #tpu.memory_space<vmem>>, vector<1x16xf32>,
          %swap3A_1391 = vector.shape_cast %swap3A_1390 : vector<1x16xf32> to vector<16xf32>
          %swap3A_1392 = vector.shape_cast %mul3A_1387 : vector<16xf32> to vector<1x16xf32>
          tpu.vector_store %arg11[%swap3A_1388, %swap3A_1389], %swap3A_1392 {strides = array<i32>} : memref<128x128xf32, #tpu.memory_space<vmem>>, vector<1x16xf32>,
          %get3A_1393 = arith.index_cast %add3A_1332 : i32 to index
          %get3A_1394 = arith.constant 96 : index
          %get3A_1395 = tpu.vector_load %arg11[%get3A_1393, %get3A_1394] {strides = array<i32>} : memref<128x128xf32, #tpu.memory_space<vmem>>, vector<1x16xf32>,
          %get3A_1396 = vector.shape_cast %get3A_1395 : vector<1x16xf32> to vector<16xf32>
          %mul3A_1397 = arith.mulf %get3A_1396, %gather3A_1328 : vector<16xf32>
          %swap3A_1398 = arith.index_cast %add3A_1332 : i32 to index
          %swap3A_1399 = arith.constant 96 : index
          %swap3A_1400 = tpu.vector_load %arg11[%swap3A_1398, %swap3A_1399] {strides = array<i32>} : memref<128x128xf32, #tpu.memory_space<vmem>>, vector<1x16xf32>,
          %swap3A_1401 = vector.shape_cast %swap3A_1400 : vector<1x16xf32> to vector<16xf32>
          %swap3A_1402 = vector.shape_cast %mul3A_1397 : vector<16xf32> to vector<1x16xf32>
          tpu.vector_store %arg11[%swap3A_1398, %swap3A_1399], %swap3A_1402 {strides = array<i32>} : memref<128x128xf32, #tpu.memory_space<vmem>>, vector<1x16xf32>,
          %get3A_1403 = arith.index_cast %add3A_1332 : i32 to index
          %get3A_1404 = arith.constant 112 : index
          %get3A_1405 = tpu.vector_load %arg11[%get3A_1403, %get3A_1404] {strides = array<i32>} : memref<128x128xf32, #tpu.memory_space<vmem>>, vector<1x16xf32>,
          %get3A_1406 = vector.shape_cast %get3A_1405 : vector<1x16xf32> to vector<16xf32>
          %mul3A_1407 = arith.mulf %get3A_1406, %gather3A_1328 : vector<16xf32>
          %swap3A_1408 = arith.index_cast %add3A_1332 : i32 to index
          %swap3A_1409 = arith.constant 112 : index
          %swap3A_1410 = tpu.vector_load %arg11[%swap3A_1408, %swap3A_1409] {strides = array<i32>} : memref<128x128xf32, #tpu.memory_space<vmem>>, vector<1x16xf32>,
          %swap3A_1411 = vector.shape_cast %swap3A_1410 : vector<1x16xf32> to vector<16xf32>
          %swap3A_1412 = vector.shape_cast %mul3A_1407 : vector<16xf32> to vector<1x16xf32>
          tpu.vector_store %arg11[%swap3A_1408, %swap3A_1409], %swap3A_1412 {strides = array<i32>} : memref<128x128xf32, #tpu.memory_space<vmem>>, vector<1x16xf32>,
          %broadcast_in_dim3A_1413 = arith.constant 15 : i32
          %broadcast_in_dim3A_1414 = vector.broadcast %broadcast_in_dim3A_1413 : i32 to vector<16x1xi32>
          %gather3A_1415 = vector.shape_cast %broadcast_in_dim3A_1414 : vector<16x1xi32> to vector<16xi32>
          %gather3A_1416 = tpu.dynamic_gather %get3A_95[%gather3A_1415] in [0] : vector<16xf32>, vector<16xi32> -> vector<16xf32>
          %mul3A_1417 = arith.constant 16 : i32
          %mul3A_1418 = arith.muli %scan3A_90, %mul3A_1417 : i32
          %add3A_1419 = arith.constant 15 : i32
          %add3A_1420 = arith.addi %mul3A_1418, %add3A_1419 : i32
          %get3A_1421 = arith.index_cast %add3A_1420 : i32 to index
          %get3A_1422 = arith.constant 0 : index
          %get3A_1423 = tpu.vector_load %arg11[%get3A_1421, %get3A_1422] {strides = array<i32>} : memref<128x128xf32, #tpu.memory_space<vmem>>, vector<1x16xf32>,
          %get3A_1424 = vector.shape_cast %get3A_1423 : vector<1x16xf32> to vector<16xf32>
          %mul3A_1425 = arith.mulf %get3A_1424, %gather3A_1416 : vector<16xf32>
          %swap3A_1426 = arith.index_cast %add3A_1420 : i32 to index
          %swap3A_1427 = arith.constant 0 : index
          %swap3A_1428 = tpu.vector_load %arg11[%swap3A_1426, %swap3A_1427] {strides = array<i32>} : memref<128x128xf32, #tpu.memory_space<vmem>>, vector<1x16xf32>,
          %swap3A_1429 = vector.shape_cast %swap3A_1428 : vector<1x16xf32> to vector<16xf32>
          %swap3A_1430 = vector.shape_cast %mul3A_1425 : vector<16xf32> to vector<1x16xf32>
          tpu.vector_store %arg11[%swap3A_1426, %swap3A_1427], %swap3A_1430 {strides = array<i32>} : memref<128x128xf32, #tpu.memory_space<vmem>>, vector<1x16xf32>,
          %get3A_1431 = arith.index_cast %add3A_1420 : i32 to index
          %get3A_1432 = arith.constant 16 : index
          %get3A_1433 = tpu.vector_load %arg11[%get3A_1431, %get3A_1432] {strides = array<i32>} : memref<128x128xf32, #tpu.memory_space<vmem>>, vector<1x16xf32>,
          %get3A_1434 = vector.shape_cast %get3A_1433 : vector<1x16xf32> to vector<16xf32>
          %mul3A_1435 = arith.mulf %get3A_1434, %gather3A_1416 : vector<16xf32>
          %swap3A_1436 = arith.index_cast %add3A_1420 : i32 to index
          %swap3A_1437 = arith.constant 16 : index
          %swap3A_1438 = tpu.vector_load %arg11[%swap3A_1436, %swap3A_1437] {strides = array<i32>} : memref<128x128xf32, #tpu.memory_space<vmem>>, vector<1x16xf32>,
          %swap3A_1439 = vector.shape_cast %swap3A_1438 : vector<1x16xf32> to vector<16xf32>
          %swap3A_1440 = vector.shape_cast %mul3A_1435 : vector<16xf32> to vector<1x16xf32>
          tpu.vector_store %arg11[%swap3A_1436, %swap3A_1437], %swap3A_1440 {strides = array<i32>} : memref<128x128xf32, #tpu.memory_space<vmem>>, vector<1x16xf32>,
          %get3A_1441 = arith.index_cast %add3A_1420 : i32 to index
          %get3A_1442 = arith.constant 32 : index
          %get3A_1443 = tpu.vector_load %arg11[%get3A_1441, %get3A_1442] {strides = array<i32>} : memref<128x128xf32, #tpu.memory_space<vmem>>, vector<1x16xf32>,
          %get3A_1444 = vector.shape_cast %get3A_1443 : vector<1x16xf32> to vector<16xf32>
          %mul3A_1445 = arith.mulf %get3A_1444, %gather3A_1416 : vector<16xf32>
          %swap3A_1446 = arith.index_cast %add3A_1420 : i32 to index
          %swap3A_1447 = arith.constant 32 : index
          %swap3A_1448 = tpu.vector_load %arg11[%swap3A_1446, %swap3A_1447] {strides = array<i32>} : memref<128x128xf32, #tpu.memory_space<vmem>>, vector<1x16xf32>,
          %swap3A_1449 = vector.shape_cast %swap3A_1448 : vector<1x16xf32> to vector<16xf32>
          %swap3A_1450 = vector.shape_cast %mul3A_1445 : vector<16xf32> to vector<1x16xf32>
          tpu.vector_store %arg11[%swap3A_1446, %swap3A_1447], %swap3A_1450 {strides = array<i32>} : memref<128x128xf32, #tpu.memory_space<vmem>>, vector<1x16xf32>,
          %get3A_1451 = arith.index_cast %add3A_1420 : i32 to index
          %get3A_1452 = arith.constant 48 : index
          %get3A_1453 = tpu.vector_load %arg11[%get3A_1451, %get3A_1452] {strides = array<i32>} : memref<128x128xf32, #tpu.memory_space<vmem>>, vector<1x16xf32>,
          %get3A_1454 = vector.shape_cast %get3A_1453 : vector<1x16xf32> to vector<16xf32>
          %mul3A_1455 = arith.mulf %get3A_1454, %gather3A_1416 : vector<16xf32>
          %swap3A_1456 = arith.index_cast %add3A_1420 : i32 to index
          %swap3A_1457 = arith.constant 48 : index
          %swap3A_1458 = tpu.vector_load %arg11[%swap3A_1456, %swap3A_1457] {strides = array<i32>} : memref<128x128xf32, #tpu.memory_space<vmem>>, vector<1x16xf32>,
          %swap3A_1459 = vector.shape_cast %swap3A_1458 : vector<1x16xf32> to vector<16xf32>
          %swap3A_1460 = vector.shape_cast %mul3A_1455 : vector<16xf32> to vector<1x16xf32>
          tpu.vector_store %arg11[%swap3A_1456, %swap3A_1457], %swap3A_1460 {strides = array<i32>} : memref<128x128xf32, #tpu.memory_space<vmem>>, vector<1x16xf32>,
          %get3A_1461 = arith.index_cast %add3A_1420 : i32 to index
          %get3A_1462 = arith.constant 64 : index
          %get3A_1463 = tpu.vector_load %arg11[%get3A_1461, %get3A_1462] {strides = array<i32>} : memref<128x128xf32, #tpu.memory_space<vmem>>, vector<1x16xf32>,
          %get3A_1464 = vector.shape_cast %get3A_1463 : vector<1x16xf32> to vector<16xf32>
          %mul3A_1465 = arith.mulf %get3A_1464, %gather3A_1416 : vector<16xf32>
          %swap3A_1466 = arith.index_cast %add3A_1420 : i32 to index
          %swap3A_1467 = arith.constant 64 : index
          %swap3A_1468 = tpu.vector_load %arg11[%swap3A_1466, %swap3A_1467] {strides = array<i32>} : memref<128x128xf32, #tpu.memory_space<vmem>>, vector<1x16xf32>,
          %swap3A_1469 = vector.shape_cast %swap3A_1468 : vector<1x16xf32> to vector<16xf32>
          %swap3A_1470 = vector.shape_cast %mul3A_1465 : vector<16xf32> to vector<1x16xf32>
          tpu.vector_store %arg11[%swap3A_1466, %swap3A_1467], %swap3A_1470 {strides = array<i32>} : memref<128x128xf32, #tpu.memory_space<vmem>>, vector<1x16xf32>,
          %get3A_1471 = arith.index_cast %add3A_1420 : i32 to index
          %get3A_1472 = arith.constant 80 : index
          %get3A_1473 = tpu.vector_load %arg11[%get3A_1471, %get3A_1472] {strides = array<i32>} : memref<128x128xf32, #tpu.memory_space<vmem>>, vector<1x16xf32>,
          %get3A_1474 = vector.shape_cast %get3A_1473 : vector<1x16xf32> to vector<16xf32>
          %mul3A_1475 = arith.mulf %get3A_1474, %gather3A_1416 : vector<16xf32>
          %swap3A_1476 = arith.index_cast %add3A_1420 : i32 to index
          %swap3A_1477 = arith.constant 80 : index
          %swap3A_1478 = tpu.vector_load %arg11[%swap3A_1476, %swap3A_1477] {strides = array<i32>} : memref<128x128xf32, #tpu.memory_space<vmem>>, vector<1x16xf32>,
          %swap3A_1479 = vector.shape_cast %swap3A_1478 : vector<1x16xf32> to vector<16xf32>
          %swap3A_1480 = vector.shape_cast %mul3A_1475 : vector<16xf32> to vector<1x16xf32>
          tpu.vector_store %arg11[%swap3A_1476, %swap3A_1477], %swap3A_1480 {strides = array<i32>} : memref<128x128xf32, #tpu.memory_space<vmem>>, vector<1x16xf32>,
          %get3A_1481 = arith.index_cast %add3A_1420 : i32 to index
          %get3A_1482 = arith.constant 96 : index
          %get3A_1483 = tpu.vector_load %arg11[%get3A_1481, %get3A_1482] {strides = array<i32>} : memref<128x128xf32, #tpu.memory_space<vmem>>, vector<1x16xf32>,
          %get3A_1484 = vector.shape_cast %get3A_1483 : vector<1x16xf32> to vector<16xf32>
          %mul3A_1485 = arith.mulf %get3A_1484, %gather3A_1416 : vector<16xf32>
          %swap3A_1486 = arith.index_cast %add3A_1420 : i32 to index
          %swap3A_1487 = arith.constant 96 : index
          %swap3A_1488 = tpu.vector_load %arg11[%swap3A_1486, %swap3A_1487] {strides = array<i32>} : memref<128x128xf32, #tpu.memory_space<vmem>>, vector<1x16xf32>,
          %swap3A_1489 = vector.shape_cast %swap3A_1488 : vector<1x16xf32> to vector<16xf32>
          %swap3A_1490 = vector.shape_cast %mul3A_1485 : vector<16xf32> to vector<1x16xf32>
          tpu.vector_store %arg11[%swap3A_1486, %swap3A_1487], %swap3A_1490 {strides = array<i32>} : memref<128x128xf32, #tpu.memory_space<vmem>>, vector<1x16xf32>,
          %get3A_1491 = arith.index_cast %add3A_1420 : i32 to index
          %get3A_1492 = arith.constant 112 : index
          %get3A_1493 = tpu.vector_load %arg11[%get3A_1491, %get3A_1492] {strides = array<i32>} : memref<128x128xf32, #tpu.memory_space<vmem>>, vector<1x16xf32>,
          %get3A_1494 = vector.shape_cast %get3A_1493 : vector<1x16xf32> to vector<16xf32>
          %mul3A_1495 = arith.mulf %get3A_1494, %gather3A_1416 : vector<16xf32>
          %swap3A_1496 = arith.index_cast %add3A_1420 : i32 to index
          %swap3A_1497 = arith.constant 112 : index
          %swap3A_1498 = tpu.vector_load %arg11[%swap3A_1496, %swap3A_1497] {strides = array<i32>} : memref<128x128xf32, #tpu.memory_space<vmem>>, vector<1x16xf32>,
          %swap3A_1499 = vector.shape_cast %swap3A_1498 : vector<1x16xf32> to vector<16xf32>
          %swap3A_1500 = vector.shape_cast %mul3A_1495 : vector<16xf32> to vector<1x16xf32>
          tpu.vector_store %arg11[%swap3A_1496, %swap3A_1497], %swap3A_1500 {strides = array<i32>} : memref<128x128xf32, #tpu.memory_space<vmem>>, vector<1x16xf32>,
        }
        %scan3A_87 = arith.constant 8 : i32
        %add3A_88 = arith.constant 1 : i32
        %add3A_89 = arith.addi %mul3A_48, %add3A_88 : i32
        "tpu.region"() ({
          %run_scoped3A = tpu.sem_alloc : memref<!tpu.dma_semaphore, #tpu.memory_space<semaphore_mem>>
          %dma_start3A_90 = arith.constant 0 : i32
          %dma_start3A_91 = tpu.memref_slice %arg8[%add3A_89, %dma_start3A_90] : memref<40x128xi32, #tpu.memory_space<vmem>> -> memref<1x128xi32, #tpu.memory_space<vmem>>
          %dma_start3A_92 = tpu.memref_squeeze %dma_start3A_91 : memref<1x128xi32, #tpu.memory_space<vmem>> -> memref<128xi32, #tpu.memory_space<vmem>>
          %dma_start3A_93 = arith.constant 0 : i32
          %dma_start3A_94 = arith.constant 0 : i32
          %dma_start3A_95 = tpu.memref_slice %arg12[%dma_start3A_93, %dma_start3A_94] : memref<10112x128xf32, #tpu.memory_space<vmem_shared>> -> memref<10112x128xf32, #tpu.memory_space<vmem_shared>>
          tpu.enqueue_indirect_dma source(%arg11 : memref<128x128xf32, #tpu.memory_space<vmem>>) target(%dma_start3A_95 : memref<10112x128xf32, #tpu.memory_space<vmem_shared>>) offsets(%dma_start3A_92 : memref<128xi32, #tpu.memory_space<vmem>>) semaphore(%run_scoped3A : memref<!tpu.dma_semaphore, #tpu.memory_space<semaphore_mem>>) {add = true}
          %dma_wait3A_96 = arith.constant 0 : i32
          %dma_wait3A_97 = tpu.memref_slice %arg8[%add3A_89, %dma_wait3A_96] : memref<40x128xi32, #tpu.memory_space<vmem>> -> memref<1x128xi32, #tpu.memory_space<vmem>>
          %dma_wait3A_98 = tpu.memref_squeeze %dma_wait3A_97 : memref<1x128xi32, #tpu.memory_space<vmem>> -> memref<128xi32, #tpu.memory_space<vmem>>
          %dma_wait3A_99 = arith.constant 0 : i32
          %dma_wait3A_100 = arith.constant 0 : i32
          %dma_wait3A_101 = tpu.memref_slice %arg12[%dma_wait3A_99, %dma_wait3A_100] : memref<10112x128xf32, #tpu.memory_space<vmem_shared>> -> memref<10112x128xf32, #tpu.memory_space<vmem_shared>>
          tpu.wait_indirect_dma semaphore(%run_scoped3A : memref<!tpu.dma_semaphore, #tpu.memory_space<semaphore_mem>>) src(%arg11 : memref<128x128xf32, #tpu.memory_space<vmem>>) dst(%dma_wait3A_101 : memref<10112x128xf32, #tpu.memory_space<vmem_shared>>)
          tpu.yield
        }) : () -> ()
      }
      %scan3A_45 = arith.constant 20 : i32
    }
    %scan3A_21 = arith.constant 2 : i32
    %barrier3A_22 = arith.constant 0 : index
    tpu.barrier barrier_id(%barrier3A_22)
    %mul3A_23 = arith.constant 632 : i32
    %mul3A_24 = arith.muli %arg1, %mul3A_23 : i32
    %mul3A_25 = arith.constant 632 : i32
    %mul3A_26 = arith.muli %arg1, %mul3A_25 : i32
    "tpu.region"() ({
      %run_scoped3A = tpu.sem_alloc : memref<!tpu.dma_semaphore, #tpu.memory_space<semaphore_mem>>
      %dma_start3A = arith.constant 0 : i32
      %dma_start3A_27 = tpu.memref_slice %arg6[%arg0, %mul3A_26, %dma_start3A] : memref<2x10112x128xf32, #tpu.memory_space<hbm>> -> memref<1x632x128xf32, #tpu.memory_space<hbm>>
      %dma_start3A_28 = tpu.memref_squeeze %dma_start3A_27 : memref<1x632x128xf32, #tpu.memory_space<hbm>> -> memref<632x128xf32, #tpu.memory_space<hbm>>
      %dma_start3A_29 = arith.constant 0 : i32
      %dma_start3A_30 = tpu.memref_slice %arg12[%mul3A_24, %dma_start3A_29] : memref<10112x128xf32, #tpu.memory_space<vmem_shared>> -> memref<632x128xf32, #tpu.memory_space<vmem_shared>>
      tpu.enqueue_dma source(%dma_start3A_30 : memref<632x128xf32, #tpu.memory_space<vmem_shared>>) target(%dma_start3A_28 : memref<632x128xf32, #tpu.memory_space<hbm>>) target_semaphore(%run_scoped3A : memref<!tpu.dma_semaphore, #tpu.memory_space<semaphore_mem>>)
      %dma_wait3A = arith.constant 0 : i32
      %dma_wait3A_31 = tpu.memref_slice %arg6[%arg0, %mul3A_26, %dma_wait3A] : memref<2x10112x128xf32, #tpu.memory_space<hbm>> -> memref<1x632x128xf32, #tpu.memory_space<hbm>>
      %dma_wait3A_32 = tpu.memref_squeeze %dma_wait3A_31 : memref<1x632x128xf32, #tpu.memory_space<hbm>> -> memref<632x128xf32, #tpu.memory_space<hbm>>
      %dma_wait3A_33 = arith.constant 0 : i32
      %dma_wait3A_34 = tpu.memref_slice %arg12[%mul3A_24, %dma_wait3A_33] : memref<10112x128xf32, #tpu.memory_space<vmem_shared>> -> memref<632x128xf32, #tpu.memory_space<vmem_shared>>
      tpu.wait_dma2 semaphore(%run_scoped3A : memref<!tpu.dma_semaphore, #tpu.memory_space<semaphore_mem>>) src(%dma_wait3A_34 : memref<632x128xf32, #tpu.memory_space<vmem_shared>>) dst(%dma_wait3A_32 : memref<632x128xf32, #tpu.memory_space<hbm>>)
      tpu.yield
    }) : () -> ()
    return
  }
}

module attributes {stable_mosaic.version = 14 : i64} {
  func.func @_tc_body(%arg0: i32, %arg1: memref<2x1000x128xf32, #tpu.memory_space<vmem>>, %arg2: memref<128x128xf32, #tpu.memory_space<vmem>>, %arg3: memref<1000x128xf32, #tpu.memory_space<vmem>>) attributes {dimension_semantics = [#tpu.dimension_semantics<arbitrary>], iteration_bounds = array<i64: 10>, scalar_prefetch = 0 : i64, scratch_operands = 0 : i64, tpu.core_type = #tpu.core_type<tc>, window_params = [{transform_indices = @transform_0, window_bounds = array<i64: 2, 1000, 128>}, {pipeline_mode = #tpu.pipeline_mode<synchronous>, transform_indices = @transform_1, window_bounds = array<i64: 128, 128>}, {transform_indices = @transform_2, window_bounds = array<i64: 1000, 128>}]} {
    %get3A = arith.constant 0 : index
    %get3A_0 = arith.constant 0 : index
    %get3A_1 = arith.constant 0 : index
    %get3A_2 = vector.load %arg1[%get3A, %get3A_0, %get3A_1] : memref<2x1000x128xf32, #tpu.memory_space<vmem>>, vector<1x1000x128xf32>
    %get3A_3 = vector.shape_cast %get3A_2 : vector<1x1000x128xf32> to vector<1000x128xf32>
    %get3A_4 = arith.constant 1 : index
    %get3A_5 = arith.constant 0 : index
    %get3A_6 = arith.constant 0 : index
    %get3A_7 = vector.load %arg1[%get3A_4, %get3A_5, %get3A_6] : memref<2x1000x128xf32, #tpu.memory_space<vmem>>, vector<1x1000x128xf32>
    %get3A_8 = vector.shape_cast %get3A_7 : vector<1x1000x128xf32> to vector<1000x128xf32>
    %add3A = arith.addf %get3A_3, %get3A_8 : vector<1000x128xf32>
    %get3A_9 = arith.constant 0 : index
    %get3A_10 = arith.constant 0 : index
    %get3A_11 = vector.load %arg2[%get3A_9, %get3A_10] : memref<128x128xf32, #tpu.memory_space<vmem>>, vector<128x128xf32>
    %dot_general3A = arith.constant dense<0.000000e+00> : vector<1000x128xf32>
    %dot_general3A_12 = tpu.matmul %add3A, %get3A_11, %dot_general3A {dimension_numbers = #tpu.dot_dimension_numbers<[1], [0], [0], [1], [0, 0, 1, 1], [], []>, transpose_lhs_hint = false} : vector<1000x128xf32>, vector<128x128xf32>, vector<1000x128xf32> -> vector<1000x128xf32>
    %max3A = arith.constant 0.000000e+00 : f32
    %max3A_13 = vector.broadcast %max3A : f32 to vector<1000x128xf32>
    %max3A_14 = arith.maximumf %dot_general3A_12, %max3A_13 : vector<1000x128xf32>
    %swap3A = arith.constant 0 : index
    %swap3A_15 = arith.constant 0 : index
    %swap3A_16 = vector.load %arg3[%swap3A, %swap3A_15] : memref<1000x128xf32, #tpu.memory_space<vmem>>, vector<1000x128xf32>
    tpu.vector_store %arg3[%swap3A, %swap3A_15], %max3A_14 {strides = array<i32>} : memref<1000x128xf32, #tpu.memory_space<vmem>>, vector<1000x128xf32>,
    return
  }
  func.func @transform_0(%arg0: i32) -> (i32, i32, i32) {
    %c0_i32 = arith.constant 0 : i32
    %c0_i32_0 = arith.constant 0 : i32
    %c0_i32_1 = arith.constant 0 : i32
    return %c0_i32, %arg0, %c0_i32_0 : i32, i32, i32
  }
  func.func @transform_1(%arg0: i32) -> (i32, i32) {
    %c0_i32 = arith.constant 0 : i32
    %c0_i32_0 = arith.constant 0 : i32
    %c0_i32_1 = arith.constant 0 : i32
    return %c0_i32, %c0_i32_0 : i32, i32
  }
  func.func @transform_2(%arg0: i32) -> (i32, i32) {
    %c0_i32 = arith.constant 0 : i32
    %c0_i32_0 = arith.constant 0 : i32
    return %arg0, %c0_i32 : i32, i32
  }
}

</mosaic_0001>

<sc_bundles>
// kernel: kernel.4.cloned.1.call-start
scs
__scs_entry_jumppad:
0x0: {  	(pc) =	sbr.rel $0x88, $3  }
0x1: {  	(tag) =	ssettag $0x0;
	lr =	simm.s32 $0x1  }
0x2: {  	[smem:$0x3F9D] =	sst lr;
	_ =	strace $0xD0000000  }
0x3: {  	_ = 	snop  }
0x4: {  	_ = 	snop  }
0x5: {  	_ = 	snop  }
0x6: {  	_ = 	snop  }
0x7: {  	_ = 	snop  }
__scs_overlays_trampoline_lowered:
0x8: {  	[smem:$0x3FAC] =	sst s0  }
0x9: {  	[smem:$0x3FAD] =	sst s1  }
0xa: {  	[smem:$0x3FAE] =	sst s2  }
0xb: {  	[smem:$0x3FAF] =	sst s3  }
0xc: {  	[smem:$0x3FB0] =	sst s4  }
0xd: {  	[smem:$0x3FB1] =	sst s5  }
0xe: {  	[smem:$0x3FB2] =	sst s6  }
0xf: {  	[smem:$0x3FB3] =	sst s7  }
0x10: {  	[smem:$0x3FB4] =	sst s8  }
0x11: {  	[smem:$0x3FB5] =	sst s9;
	s0 =	simm.s32 @!p0 $0x0  }
0x12: {  	s1 =	sld [smem:$0x3F9B];
	s0 =	simm.s32 @p0 $0x1  }
0x13: {  	[smem:$0x3FB6] =	sst s0;
	s0 =	simm.s32 @!p1 $0x0  }
0x14: {  	s2 =	sld [smem:$0x3F9A];
	s0 =	simm.s32 @p1 $0x1  }
0x15: {  	[smem:$0x3FB7] =	sst s0;
	s0 =	simm.s32 @!p2 $0x0  }
0x16: {  	s3 =	sld [smem:$0x3FDB];
	s0 =	simm.s32 @p2 $0x1  }
0x17: {  	s4 =	simm.s32 $0x1BF5;
	[smem:$0x3FB9] =	sst s0  }
0x18: {  	s0 =	sld [smem:$0x3F9C];
	_ =	swait.ge [sflag:s4], $0x0  }
0x19: {  	s7 =	sld [smem:$0x3F9D]  }
0x1a: {  	s8 =	sadd.s32 $0xFFFFE003, lr  }
0x1b: {  	s9 =	sadd.s32 $0xFFFFFEF7, lr;
	s5 =	simm.s32 $0xFFFFFFFF;
	p2 =	slt.u32 s8, $0xFFFFF086  }
0x1c: {  	p1 =	slt.u32 s9, $0xF7A;
	s5 =	simm.s32 @!p2 $0x0  }
0x1d: {  	s5 =	simm.s32 @p1 $0x1;
	p0 =	seq.s32 s7, s2  }
0x1e: {  	s7 =	smul.u32 @!p0 $0xF7A, s2;
	p2 =	seq.s32 @!p0 s5, $0x0  }
0x1f: {  	s9 =	smul.u32 $0xF7A, s1;
	s8 =	simm.s32 @!p0 $0x1BF5;
	p2 =	por !p2, p0  }
0x20: {  	[sflag:s8] =	ssyncset.s32 @!p0 $0xFFFFF086;
	s6 =	sadd.s32 @!p0 s3, s7;
	s7 =	simm.s32 @!p0 $0x108  }
0x21: {  	s3 =	sadd.s32 s3, s9;
	s6 =	sadd.s32 @!p0 $0x88, s6;
	s7 =	simm.s32 @p2 $0x1082  }
0x22: {  	[simem:s7], [sflag:s8] =	dma.local @!p0 [hbm:s6], $0xF7A  }
0x23: {  	s9 =	sor.u32 $0xD0000000, s2;
	s6 =	simm.s32 $0x108;
	_ =	swait.ge @!p0 [sflag:s8], $0x0  }
0x24: {  	s3 =	sadd.s32 $0x88, s3;
	s6 =	simm.s32 @!p1 $0x1082;
	[sflag:s4] =	ssyncset.s32 $0xFFFFF086  }
0x25: {  	[simem:s6], [sflag:s4] =	dma.local [hbm:s3], $0xF7A  }
0x26: {  	[smem:$0x3F9D] =	sst s1;
	(tag) =	ssettag s2;
	_ =	strace s9  }
0x27: {  	s1 =	sld [smem:$0x3FAD]  }
0x28: {  	s2 =	sld [smem:$0x3FAE]  }
0x29: {  	s4 =	sld [smem:$0x3FB0]  }
0x2a: {  	p0 =	seq.s32 s5, $0x0;
	s5 =	sld [smem:$0x3FB1]  }
0x2b: {  	s6 =	sld [smem:$0x3FB2]  }
0x2c: {  	s7 =	sld [smem:$0x3FB3]  }
0x2d: {  	s3 =	simm.s32 $0x108;
	s8 =	sld [smem:$0x3FB4]  }
0x2e: {  	s3 =	simm.s32 @!p0 $0x1082;
	s9 =	sld [smem:$0x3FB5]  }
0x2f: {  	lr =	sadd.s32 s0, s3;
	s0 =	sld [smem:$0x3FAC]  }
0x30: {  	s3 =	sld [smem:$0x3FAF]  }
0x31: {  	[smem:$0x3FB8] =	sst s10  }
0x32: {  	s10 =	sld [smem:$0x3FB6];
	_ =	sdelay $0x3  }
0x33: {  	p0 =	seq.s32 s10, $0x1;
	s10 =	sld [smem:$0x3FB8];
	_ =	sdelay $0x3  }
0x34: {  	[smem:$0x3FB8] =	sst s10  }
0x35: {  	s10 =	sld [smem:$0x3FB7];
	_ =	sdelay $0x3  }
0x36: {  	p1 =	seq.s32 s10, $0x1;
	s10 =	sld [smem:$0x3FB8];
	_ =	sdelay $0x3  }
0x37: {  	[smem:$0x3FB8] =	sst s10  }
0x38: {  	s10 =	sld [smem:$0x3FB9]  }
0x39: {  	_ = 	snop;
	(pc) =	sbr.ind lr, $3  }
0x3a: {  	_ = 	snop  }
0x3b: {  	_ = 	snop  }
0x3c: {  	p2 =	seq.s32 s10, $0x1;
	s10 =	sld [smem:$0x3FB8]  }
0x3d: {  	_ =	shalt  }
0x3e: {  	_ =	shalt  }
0x3f: {  	_ =	shalt  }
0x40: {  	_ =	shalt  }
0x41: {  	_ =	shalt  }
0x42: {  	_ =	shalt  }
0x43: {  	_ =	shalt  }
0x44: {  	_ =	shalt  }
0x45: {  	_ =	shalt  }
0x46: {  	_ =	shalt  }
0x47: {  	_ =	shalt  }
0x48: {  	_ =	shalt  }
0x49: {  	_ =	shalt  }
0x4a: {  	_ =	shalt  }
0x4b: {  	_ =	shalt  }
0x4c: {  	_ =	shalt  }
0x4d: {  	_ =	shalt  }
0x4e: {  	_ =	shalt  }
0x4f: {  	_ =	shalt  }
0x50: {  	_ =	shalt  }
0x51: {  	_ =	shalt  }
0x52: {  	_ =	shalt  }
0x53: {  	_ =	shalt  }
0x54: {  	_ =	shalt  }
0x55: {  	_ =	shalt  }
0x56: {  	_ =	shalt  }
0x57: {  	_ =	shalt  }
0x58: {  	_ =	shalt  }
0x59: {  	_ =	shalt  }
0x5a: {  	_ =	shalt  }
0x5b: {  	_ =	shalt  }
0x5c: {  	_ =	shalt  }
0x5d: {  	_ =	shalt  }
0x5e: {  	_ =	shalt  }
0x5f: {  	_ =	shalt  }
0x60: {  	_ =	shalt  }
0x61: {  	_ =	shalt  }
0x62: {  	_ =	shalt  }
0x63: {  	_ =	shalt  }
0x64: {  	_ =	shalt  }
0x65: {  	_ =	shalt  }
0x66: {  	_ =	shalt  }
0x67: {  	_ =	shalt  }
0x68: {  	_ =	shalt  }
0x69: {  	_ =	shalt  }
0x6a: {  	_ =	shalt  }
0x6b: {  	_ =	shalt  }
0x6c: {  	_ =	shalt  }
0x6d: {  	_ =	shalt  }
0x6e: {  	_ =	shalt  }
0x6f: {  	_ =	shalt  }
0x70: {  	_ =	shalt  }
0x71: {  	_ =	shalt  }
0x72: {  	_ =	shalt  }
0x73: {  	_ =	shalt  }
0x74: {  	_ =	shalt  }
0x75: {  	_ =	shalt  }
0x76: {  	_ =	shalt  }
0x77: {  	_ =	shalt  }
0x78: {  	_ =	shalt  }
0x79: {  	_ =	shalt  }
0x7a: {  	_ =	shalt  }
0x7b: {  	_ =	shalt  }
0x7c: {  	_ =	shalt  }
0x7d: {  	_ =	shalt  }
0x7e: {  	_ =	shalt  }
0x7f: {  	_ =	shalt  }
0x80: {  	_ =	shalt  }
0x81: {  	_ =	shalt  }
0x82: {  	_ =	shalt  }
0x83: {  	_ =	shalt  }
0x84: {  	_ =	shalt  }
0x85: {  	_ =	shalt  }
0x86: {  	_ =	shalt  }
0x87: {  	_ =	shalt  }
.Lfunc_end0:
.L_simem_size_0:
called_computation_lowered:
.L_overlay_start_0:
0x88: {  	s2 =	sld [smem:$0x3FD9]  }
0x89: {  	s3 =	sld [smem:$0x3FFE];
	_ =	sdelay $0x1  }
0x8a: {  	s1 =	srdreg.scid  }
0x8b: {  	s0 =	sand.u32 $0x1, s1  }
0x8c: {  	s17 =	sshll.u32 s0, $0xA;
	s2 =	sadd.s32 s3, s2  }
0x8d: {  	s2 =	sadd.s32 s2, s17  }
0x8e: {  	[smem:$0x3FC4] =	sst s2  }
0x8f: {  	_ = 	snop  }
0x90: {  	s2 =	sld [smem:$0x3FC9]  }
0x91: {  	s18 =	sld [smem:$0x3FD0];
	(tm) =	ssettm $0x1  }
0x92: {  	s4 =	sld [smem:$0x3FFB];
	_ =	sdelay $0x3  }
0x93: {  	_ =	strace s4  }
0x94: {  	s4 =	sld [smem:$0x3FFC];
	_ =	sdelay $0x3  }
0x95: {  	_ =	strace s4  }
0x96: {  	s4 =	sld [smem:$0x3FFD];
	_ =	sdelay $0x3  }
0x97: {  	_ =	strace s4  }
0x98: {  	_ =	strace $0x8FFFFFFF  }
0x99: {  	s19 =	sld [smem:$0x3FDB];
	_ =	sdelay $0x1  }
0x9a: {  	s5 =	simm.s32 $_scs_section_size  }
0x9b: {  	s6 =	simm.s32 $_size__tile_overlayer_lowered;
	s7 =	simm.s32 $_tile_overlayer_lowered  }
0x9c: {  	s22 =	simm.s32 $0x1BFF;
	s21 =	sshll.u32 s7, $0x1;
	s4 =	sadd.s32 s5, s19  }
0x9d: {  	s8 =	simm.s32 $0x0;
	s20 =	sshll.u32 s6, $0x1;
	s6 =	sadd.s32 s21, s4  }
0x9e: {  	[timem:s8], [sflag:s22] =	dma.local [hbm:s6], s20  }
0x9f: {  	_ =	swait.ge [sflag:s22], s20  }
0xa0: {  	s5 =	ssub.s32 $0x0, s20;
	[sflag:s22] =	ssyncset.done $0x0  }
0xa1: {  	[sflag:s22] =	ssyncadd.s32 s5;
	_ =	sdelay $0x1  }
0xa2: {  	s23 =	simm.s32 $0x1B8B  }
0xa3: {  	_ =	swait.ge [sflag:s23], $0x1  }
0xa4: {  	[sflag:s23] =	ssyncset.done $0x0  }
0xa5: {  	s25 =	simm.s32 $0x1B8E;
	s24 =	sld [smem:$0x3FFE];
	[sflag:s23] =	ssyncadd.s32 $0xFFFFFFFF  }
0xa6: {  	s26 =	simm.s32 $execute0_lowered;
	[smem:$0x3FD2] =	sst s25  }
0xa7: {  	s6 =	sshll.u32 s26, $0x1;
	_ =	strace $0x80000046;
	[dreg:$0x1] =	wrdreg $0xFFFFFFFF  }
0xa8: {  	s28 =	simm.s32 $_size_execute0_lowered;
	s4 =	sadd.s32 s4, s6;
	[dreg:$0x0] =	wrdreg $0x0  }
0xa9: {  	s6 =	sshll.u32 s28, $0x1;
	[dreg:$0x2] =	wrdreg s4  }
0xaa: {  	[dreg:$0x3] =	wrdreg s6  }
0xab: {  	[dreg:$0x4] =	wrdreg $0xC0  }
0xac: {  	_ =	task [dreg:s8], $0x5FFFF  }
0xad: {  	[dreg:$0x1] =	wrdreg $0xFFFFFFFF  }
0xae: {  	[dreg:$0x0] =	wrdreg $0x60  }
0xaf: {  	[dreg:$0x2] =	wrdreg s2  }
0xb0: {  	[dreg:$0x3] =	wrdreg s24  }
0xb1: {  	[dreg:$0x4] =	wrdreg s18  }
0xb2: {  	[dreg:$0x5] =	wrdreg $0xBC000  }
0xb3: {  	[dreg:$0x6] =	wrdreg $0x9  }
0xb4: {  	_ =	task.clear_ibuf [dreg:s8], $0x7FFFF;
	_ =	strace $0x90000046  }
0xb5: {  	s29 =	simm.s32 $0x9;
	_ =	strace $0x80000048  }
0xb6: {  	_ =	swait.ge [sflag:s29], $0x1  }
0xb7: {  	[sflag:s29] =	ssyncadd.s32 $0xFFFFFFFF  }
0xb8: {  	_ =	strace $0x90000048  }
0xb9: {  	_ =	sfence  }
0xba: {  	s30 =	sld [smem:$0x0];
	_ =	sdelay $0x2  }
0xbb: {  	s31 =	sshll.u32 s1, $0xD;
	s1 =	sshrl.u32 s1, $0x2  }
0xbc: {  	s3 =	sand.u32 $0x4000, s31;
	s1 =	sadd.s32 s1, s30  }
0xbd: {  	s0 =	sor.u32 s3, s0;
	s1 =	sshll.u32 s1, $0x11  }
0xbe: {  	s0 =	sor.u32 s1, s0  }
0xbf: {  	s0 =	sadd.s32 $0x8F2B, s0  }
0xc0: {  	[sflag:s0] =	ssyncadd.remote.s32 $0x1  }
0xc1: {  	_ =	sfence.sel $0xFFFF  }
0xc2: {  	[dreg:$0x0] =	wrdreg $0xFFFFFFFF;
	(pc) =	sbr.abs _section_cstart, $3  }
0xc3: {  	[dreg:$0x1] =	wrdreg $0xFFFFFFFF  }
0xc4: {  	_ =	task.clear_ibuf [dreg:s8], $0x2FFFF;
	_ =	strace $0x9FFFFFFF  }
0xc5: {  	(tm) =	ssettm $0x7FFFFFFF  }
tec
execute0_lowered:
.L_overlay_start_1:
0x0: {  	(tag) =	ssettag $0x1  }
0x1: {  	s0 =	rddreg [dreg:$0x0]  }
0x2: {  	s8 =	rddreg [dreg:$0x1]  }
0x3: {  	s3 =	rddreg [dreg:$0x2]  }
0x4: {  	s1 =	srdreg.scid;
	s4 =	rddreg [dreg:$0x3]  }
0x5: {  	s2 =	stileid.u32;
	s5 =	simm.s32 $0x0;
	s17 =	simm.s32 $0x3  }
0x6: {  	s18 =	simm.s32 $0x1400;
	s19 =	simm.s32 $0x2800;
	s20 =	simm.s32 $0x80  }
0x7: {  	s21 =	simm.s32 $0x7C00;
	s22 =	simm.s32 $0x1;
	s7 =	smul.u32 $0x13C00, s2  }
0x8: {  	s9 =	sand.u32 $0x1, s1;
	s1 =	rddreg [dreg:$0x4];
	s11 =	smul.u32 $0x4F000, s2  }
0x9: {  	s23 =	simm.s32 $0x2;
	[smem:$0x7FF] =	sst s5;
	s16 =	smul.u32 $0x2800, s2  }
0xa: {  	s6 =	smul.u32 $0x13C000, s9;
	_ =	strace $0x80000047;
	s30 =	ssub.s32 $0x2, s9  }
0xb: {  	v0 =	vimm.f32 $0.0e+00;
	v1 =	vimm.s32 $0x0;
	s13 =	smul.u32 $0x28000, s9;
	s31 =	sshrl.u32 s30, $0x1;
	s11 =	sshrl.u32 s11, $0x2  }
0xc: {  	v2 =	vimm.s32 $0x1;
	v3 =	vimm.s32 $0x2;
	v4 =	vimm.s32 $0x3;
	s7 =	sadd.s32 s7, s6;
	s6 =	sadd.s32 $0xA400, s8;
	s15 =	ssub.s32 s30, s31  }
0xd: {  	v5 =	vimm.s32 $0x4;
	v6 =	vimm.s32 $0x5;
	v7 =	vimm.s32 $0x6;
	s13 =	sadd.s32 s16, s13;
	s16 =	simm.s32 $0x3C00;
	s10 =	sshrl.u32 s7, $0x3  }
0xe: {  	v8 =	vimm.s32 $0x7;
	v9 =	vimm.s32 $0x8;
	v10 =	vimm.s32 $0x9;
	s7 =	sadd.s32 $0x400, s8;
	s14 =	sadd.s32 s10, s8;
	s8 =	sadd.s32 s11, s4  }
0xf: {  	v11 =	vimm.s32 $0xA;
	v12 =	vimm.s32 $0xB;
	v13 =	vimm.s32 $0xC;
	s15 =	smax.u32 s15, $0x1;
	s9 =	sadd.s32 $0x4000, s8;
	s10 =	sadd.s32 $0x8000, s8  }
0x10: {  	v14 =	vimm.s32 $0xD;
	v15 =	vimm.s32 $0xE;
	v16 =	vimm.s32 $0xF;
	s11 =	sadd.s32 $0xC000, s8;
	s12 =	sadd.s32 $0x10000, s8;
	s14 =	sadd.s32 $0x14400, s14  }
.LBB2_1:
0x11: {  	s24 =	simm.s32 $0x0;
	s25 =	simm.s32 $0x200  }
.LBB2_2:
0x12: {  	p0 =	sne.s32 s25, $0xFE00;
	[tilespmem:s24+$0x3C70] =	vst v0  }
0x13: {  	[tilespmem:s24+$0x3C00] =	vst v0  }
0x14: {  	[tilespmem:s24+$0x3C10] =	vst v0  }
.Ltmp0:
0x15: {  	[tilespmem:s24+$0x3C20] =	vst v0;
	(pc) =	sbr.rel @p0 .LBB2_2-.Ltmp0, $4  }
0x16: {  	[tilespmem:s24+$0x3C30] =	vst v0  }
0x17: {  	[tilespmem:s24+$0x3C40] =	vst v0  }
0x18: {  	[tilespmem:s24+$0x3C50] =	vst v0  }
0x19: {  	[tilespmem:s24+$0x3C60] =	vst v0;
	s24 =	sshra.s32 s25, $0x2;
	s25 =	sadd.s32 $0x200, s25  }
0x1a: {  	[tilespmem:s24+$0x3C70] =	vst v0  }
0x1b: {  	[tilespmem:s24+$0x3C00] =	vst v0  }
0x1c: {  	[tilespmem:s24+$0x3C10] =	vst v0  }
0x1d: {  	[tilespmem:s24+$0x3C20] =	vst v0  }
0x1e: {  	[tilespmem:s24+$0x3C30] =	vst v0  }
0x1f: {  	[tilespmem:s24+$0x3C40] =	vst v0  }
0x20: {  	[tilespmem:s24+$0x3C50] =	vst v0  }
0x21: {  	[tilespmem:s24+$0x3C60] =	vst v0  }
0x22: {  	[spmem:s8] =	stream.linear.scatter [tilespmem:s16], [sflag:$0x3], $0x4000, $0x38;
	[tilespmem:$0x1F800] =	vst v63  }
0x23: {  	_ =	swait.ge [sflag:s17], $0x4000  }
0x24: {  	[sflag:s17] =	ssyncset.done $0x0  }
0x25: {  	[sflag:s17] =	ssyncadd.s32 $0xFFFFC000  }
0x26: {  	[spmem:s9] =	stream.linear.scatter [tilespmem:s16], [sflag:$0x3], $0x4000, $0x38;
	[tilespmem:$0x1F800] =	vst v63  }
0x27: {  	_ =	swait.ge [sflag:s17], $0x4000  }
0x28: {  	[sflag:s17] =	ssyncset.done $0x0  }
0x29: {  	[sflag:s17] =	ssyncadd.s32 $0xFFFFC000  }
0x2a: {  	[spmem:s10] =	stream.linear.scatter [tilespmem:s16], [sflag:$0x3], $0x4000, $0x38;
	[tilespmem:$0x1F800] =	vst v63  }
0x2b: {  	_ =	swait.ge [sflag:s17], $0x4000  }
0x2c: {  	[sflag:s17] =	ssyncset.done $0x0  }
0x2d: {  	[sflag:s17] =	ssyncadd.s32 $0xFFFFC000  }
0x2e: {  	[spmem:s11] =	stream.linear.scatter [tilespmem:s16], [sflag:$0x3], $0x4000, $0x38;
	[tilespmem:$0x1F800] =	vst v63  }
0x2f: {  	_ =	swait.ge [sflag:s17], $0x4000  }
0x30: {  	[sflag:s17] =	ssyncset.done $0x0  }
0x31: {  	[sflag:s17] =	ssyncadd.s32 $0xFFFFC000  }
0x32: {  	[spmem:s12] =	stream.linear.scatter [tilespmem:s16], [sflag:$0x3], $0x3C00, $0x38;
	[tilespmem:$0x1F800] =	vst v63  }
0x33: {  	_ =	swait.ge [sflag:s17], $0x3C00  }
0x34: {  	[sflag:s17] =	ssyncset.done $0x0  }
0x35: {  	s24 =	simm.s32 $0x0;
	[sflag:s17] =	ssyncadd.s32 $0xFFFFC400  }
0x36: {  	p1 =	por $0x1, $0x1;
	s25 =	simm.s32 $0x0;
	[bflag:$0x0] =	sbarrier.arrive $0xFFFF  }
.LBB2_4:
0x37: {  	s25 =	sadd.s32 s25, s13  }
0x38: {  	s25 =	sshrl.u32 s25, $0x3  }
0x39: {  	s26 =	sadd.s32 s6, s25  }
0x3a: {  	[tilespmem:s24], [sflag:$0x3] =	stream.linear.gather [hbm4b:s26+s24], $0x1400, $0x38;
	[tilespmem:$0x1F800] =	vst v63  }
0x3b: {  	_ =	swait.ge [sflag:s17], $0x1400  }
0x3c: {  	[sflag:s17] =	ssyncset.done $0x0  }
0x3d: {  	s31 =	sadd.s32 s3, s25;
	[sflag:s17] =	ssyncadd.s32 $0xFFFFEC00  }
0x3e: {  	[tilespmem:s18], [sflag:$0x3] =	stream.linear.gather [hbm4b:s31+s24], $0x1400, $0x38;
	[tilespmem:$0x1F800] =	vst v63  }
0x3f: {  	_ =	swait.ge [sflag:s17], $0x1400  }
0x40: {  	[sflag:s17] =	ssyncset.done $0x0  }
0x41: {  	s25 =	sadd.s32 s7, s25;
	[sflag:s17] =	ssyncadd.s32 $0xFFFFEC00  }
0x42: {  	[tilespmem:s19], [sflag:$0x3] =	stream.linear.gather [hbm4b:s25+s24], $0x1400, $0x38;
	[tilespmem:$0x1F800] =	vst v63  }
0x43: {  	_ =	swait.ge [sflag:s17], $0x1400  }
0x44: {  	[sflag:s17] =	ssyncset.done $0x0  }
0x45: {  	p0 =	por p1, p1;
	s25 =	simm.s32 $0x0;
	[sflag:s17] =	ssyncadd.s32 $0xFFFFEC00  }
0x46: {  	[tilespmem:s16], [sflag:$0x1] =	stream.indirect.gather [hbm4b:s0+s20], $0x80, s24, s20, $0xb8;
	[tilespmem:$0x1F800] =	vst v63  }
.LBB2_5:
0x47: {  	s26 =	sshll.u32 s25, $0x8;
	s28 =	sshll.u32 s25, $0xA  }
0x48: {  	s26 =	sor.u32 $0x80, s26;
	s29 =	sshrl.u32 s28, $0x2  }
0x49: {  	[tilespmem:s21], [sflag:$0x2] =	stream.indirect.gather [hbm4b:s0+s20], $0x80, s26, s20, $0xb8;
	[tilespmem:$0x1F800] =	vst v63  }
0x4a: {  	s31 =	sadd.s32 $0x2800, s29  }
0x4b: {  	_ =	swait.ge [sflag:s22], $0x4000;
	v17 =	vmov s31  }
0x4c: {  	[sflag:s22] =	ssyncset.done $0x0  }
0x4d: {  	s30 =	simm.s32 $0x0;
	[sflag:s22] =	ssyncadd.s32 $0xFFFFC000  }
.LBB2_6:
0x4e: {  	s31 =	sshll.u32 s30, $0x4  }
0x4f: {  	s31 =	sand.u32 $0x3FFFFFF0, s31  }
0x50: {  	v18 =	vld.idx.msk [tilespmem:v17+s31+$0x0 ss:$0x1], $0xffff;
	s31 =	sshll.u32 s30, $0xB  }
0x51: {  	s31 =	sand.u32 $0x3FFFF800, s31  }
0x52: {  	v19 =	vld [tilespmem:s31+$0x3C00]  }
0x53: {  	v20 =	vld [tilespmem:s31+$0x3C10]  }
0x54: {  	v21 =	vld [tilespmem:s31+$0x3C20]  }
0x55: {  	v23 =	vld [tilespmem:s31+$0x3C30];
	v22 =	vperm.xlane v18, v1  }
0x56: {  	v24 =	vld [tilespmem:s31+$0x3C40]  }
0x57: {  	v25 =	vld [tilespmem:s31+$0x3C50];
	v19 =	vmul.f32 v19, v22  }
0x58: {  	v26 =	vld [tilespmem:s31+$0x3C60];
	v20 =	vmul.f32 v20, v22  }
0x59: {  	v43 =	vld [tilespmem:s31+$0x3C70];
	[tilespmem:s31+$0x3C00] =	vst v19;
	v19 =	vmul.f32 v21, v22  }
0x5a: {  	v45 =	vld [tilespmem:s31+$0x3C80];
	v44 =	vmul.f32 v23, v22;
	[tilespmem:s31+$0x3C10] =	vst v20  }
0x5b: {  	v46 =	vld [tilespmem:s31+$0x3C90];
	[tilespmem:s31+$0x3C20] =	vst v19;
	v19 =	vmul.f32 v24, v22  }
0x5c: {  	v48 =	vld [tilespmem:s31+$0x3CA0];
	v47 =	vmul.f32 v25, v22;
	[tilespmem:s31+$0x3C30] =	vst v44  }
0x5d: {  	v27 =	vld [tilespmem:s31+$0x3CB0];
	v49 =	vperm.xlane v18, v2;
	[tilespmem:s31+$0x3C40] =	vst v19;
	v19 =	vmul.f32 v26, v22  }
0x5e: {  	v51 =	vld [tilespmem:s31+$0x3CC0];
	v50 =	vmul.f32 v43, v22;
	[tilespmem:s31+$0x3C50] =	vst v47  }
0x5f: {  	v52 =	vld [tilespmem:s31+$0x3CD0];
	[tilespmem:s31+$0x3C60] =	vst v19;
	v19 =	vmul.f32 v45, v49  }
0x60: {  	v54 =	vld [tilespmem:s31+$0x3CE0];
	v53 =	vmul.f32 v46, v49;
	[tilespmem:s31+$0x3C70] =	vst v50  }
0x61: {  	v55 =	vld [tilespmem:s31+$0x3CF0];
	[tilespmem:s31+$0x3C80] =	vst v19;
	v19 =	vmul.f32 v48, v49  }
0x62: {  	v57 =	vld [tilespmem:s31+$0x3D00];
	v56 =	vmul.f32 v27, v49;
	[tilespmem:s31+$0x3C90] =	vst v53  }
0x63: {  	v58 =	vld [tilespmem:s31+$0x3D10];
	[tilespmem:s31+$0x3CA0] =	vst v19;
	v19 =	vmul.f32 v51, v49  }
0x64: {  	v60 =	vld [tilespmem:s31+$0x3D20];
	v59 =	vmul.f32 v52, v49;
	[tilespmem:s31+$0x3CB0] =	vst v56  }
0x65: {  	v62 =	vld [tilespmem:s31+$0x3D30];
	v61 =	vperm.xlane v18, v3;
	[tilespmem:s31+$0x3CC0] =	vst v19;
	v19 =	vmul.f32 v54, v49  }
0x66: {  	v28 =	vld [tilespmem:s31+$0x3D40];
	v63 =	vmul.f32 v55, v49;
	[tilespmem:s31+$0x3CD0] =	vst v59  }
0x67: {  	v29 =	vld [tilespmem:s31+$0x3D50];
	[tilespmem:s31+$0x3CE0] =	vst v19;
	v19 =	vmul.f32 v57, v61  }
0x68: {  	v31 =	vld [tilespmem:s31+$0x3D60];
	v30 =	vmul.f32 v58, v61;
	[tilespmem:s31+$0x3CF0] =	vst v63  }
0x69: {  	v32 =	vld [tilespmem:s31+$0x3D70];
	[tilespmem:s31+$0x3D00] =	vst v19;
	v19 =	vmul.f32 v60, v61  }
0x6a: {  	v34 =	vld [tilespmem:s31+$0x3D80];
	v33 =	vmul.f32 v62, v61;
	[tilespmem:s31+$0x3D10] =	vst v30  }
0x6b: {  	v35 =	vld [tilespmem:s31+$0x3D90];
	[tilespmem:s31+$0x3D20] =	vst v19;
	v19 =	vmul.f32 v28, v61  }
0x6c: {  	v37 =	vld [tilespmem:s31+$0x3DA0];
	v36 =	vmul.f32 v29, v61;
	[tilespmem:s31+$0x3D30] =	vst v33  }
0x6d: {  	v39 =	vld [tilespmem:s31+$0x3DB0];
	v38 =	vperm.xlane v18, v4;
	[tilespmem:s31+$0x3D40] =	vst v19;
	v19 =	vmul.f32 v31, v61  }
0x6e: {  	v41 =	vld [tilespmem:s31+$0x3DC0];
	v40 =	vmul.f32 v32, v61;
	[tilespmem:s31+$0x3D50] =	vst v36  }
0x6f: {  	v45 =	vld [tilespmem:s31+$0x3DF0];
	[tilespmem:s31+$0x3D60] =	vst v19;
	v19 =	vmul.f32 v34, v38  }
0x70: {  	v43 =	vmul.f32 v35, v38;
	[tilespmem:s31+$0x3D70] =	vst v40;
	v44 =	vld [tilespmem:s31+$0x3DE0]  }
0x71: {  	v42 =	vld [tilespmem:s31+$0x3DD0];
	[tilespmem:s31+$0x3D80] =	vst v19;
	v19 =	vmul.f32 v37, v38  }
0x72: {  	v46 =	vmul.f32 v39, v38;
	[tilespmem:s31+$0x3D90] =	vst v43;
	v47 =	vld [tilespmem:s31+$0x3E00]  }
0x73: {  	v52 =	vld [tilespmem:s31+$0x3E30];
	[tilespmem:s31+$0x3DA0] =	vst v19;
	v19 =	vmul.f32 v41, v38  }
0x74: {  	[tilespmem:s31+$0x3DB0] =	vst v46;
	v50 =	vld [tilespmem:s31+$0x3E20];
	v53 =	vmul.f32 v45, v38  }
0x75: {  	v55 =	vld [tilespmem:s31+$0x3E50];
	v51 =	vperm.xlane v18, v5;
	[tilespmem:s31+$0x3DC0] =	vst v19;
	v19 =	vmul.f32 v44, v38  }
0x76: {  	v49 =	vmul.f32 v42, v38;
	v54 =	vld [tilespmem:s31+$0x3E40];
	[tilespmem:s31+$0x3DF0] =	vst v53  }
0x77: {  	v58 =	vld [tilespmem:s31+$0x3E70];
	[tilespmem:s31+$0x3DE0] =	vst v19;
	v19 =	vmul.f32 v47, v51  }
0x78: {  	v59 =	vmul.f32 v52, v51;
	[tilespmem:s31+$0x3DD0] =	vst v49;
	v57 =	vld [tilespmem:s31+$0x3E60]  }
0x79: {  	v48 =	vld [tilespmem:s31+$0x3E10];
	[tilespmem:s31+$0x3E00] =	vst v19;
	v19 =	vmul.f32 v50, v51  }
0x7a: {  	v62 =	vmul.f32 v55, v51;
	[tilespmem:s31+$0x3E30] =	vst v59;
	v60 =	vld [tilespmem:s31+$0x3E80]  }
0x7b: {  	v40 =	vld [tilespmem:s31+$0x3F10];
	[tilespmem:s31+$0x3E20] =	vst v19;
	v19 =	vmul.f32 v54, v51  }
0x7c: {  	v63 =	vld [tilespmem:s31+$0x3EA0];
	v32 =	vmul.f32 v58, v51;
	[tilespmem:s31+$0x3E50] =	vst v62  }
0x7d: {  	v30 =	vperm.xlane v18, v6;
	v61 =	vld [tilespmem:s31+$0x3E90];
	[tilespmem:s31+$0x3E40] =	vst v19;
	v19 =	vmul.f32 v57, v51  }
0x7e: {  	v33 =	vld [tilespmem:s31+$0x3EC0];
	v43 =	vperm.xlane v18, v7;
	v56 =	vmul.f32 v48, v51;
	[tilespmem:s31+$0x3E70] =	vst v32  }
0x7f: {  	v53 =	vld [tilespmem:s31+$0x3F90];
	[tilespmem:s31+$0x3E60] =	vst v19;
	v19 =	vmul.f32 v60, v30  }
0x80: {  	v36 =	vld [tilespmem:s31+$0x3EE0];
	v48 =	vmul.f32 v40, v43;
	[tilespmem:s31+$0x3E10] =	vst v56  }
0x81: {  	v31 =	vld [tilespmem:s31+$0x3EB0];
	[tilespmem:s31+$0x3E80] =	vst v19;
	v19 =	vmul.f32 v63, v30  }
0x82: {  	v39 =	vld [tilespmem:s31+$0x3F00];
	[tilespmem:s31+$0x3F10] =	vst v48;
	v56 =	vperm.xlane v18, v8;
	v35 =	vmul.f32 v61, v30  }
0x83: {  	v34 =	vld [tilespmem:s31+$0x3ED0];
	[tilespmem:s31+$0x3EA0] =	vst v19;
	v19 =	vmul.f32 v33, v30  }
0x84: {  	v42 =	vld [tilespmem:s31+$0x3F20];
	v61 =	vmul.f32 v53, v56;
	[tilespmem:s31+$0x3E90] =	vst v35  }
0x85: {  	v37 =	vld [tilespmem:s31+$0x3EF0];
	[tilespmem:s31+$0x3EC0] =	vst v19;
	v19 =	vmul.f32 v36, v30  }
0x86: {  	v46 =	vld [tilespmem:s31+$0x3F40];
	[tilespmem:s31+$0x3F90] =	vst v61;
	v38 =	vmul.f32 v31, v30  }
0x87: {  	v47 =	vld [tilespmem:s31+$0x3F50];
	[tilespmem:s31+$0x3EE0] =	vst v19;
	v19 =	vmul.f32 v39, v43  }
0x88: {  	v49 =	vld [tilespmem:s31+$0x3F60];
	v41 =	vmul.f32 v34, v30;
	[tilespmem:s31+$0x3EB0] =	vst v38  }
0x89: {  	v38 =	vld [tilespmem:s31+$0x4050];
	[tilespmem:s31+$0x3F00] =	vst v19;
	v19 =	vmul.f32 v42, v43  }
0x8a: {  	v52 =	vld [tilespmem:s31+$0x3F80];
	[tilespmem:s31+$0x3ED0] =	vst v41;
	v45 =	vmul.f32 v37, v30  }
0x8b: {  	v44 =	vld [tilespmem:s31+$0x3F30];
	[tilespmem:s31+$0x3F20] =	vst v19;
	v19 =	vmul.f32 v46, v43  }
0x8c: {  	v55 =	vld [tilespmem:s31+$0x3FA0];
	v34 =	vperm.xlane v18, v9;
	[tilespmem:s31+$0x3EF0] =	vst v45;
	v54 =	vmul.f32 v47, v43  }
0x8d: {  	v50 =	vld [tilespmem:s31+$0x3F70];
	[tilespmem:s31+$0x3F40] =	vst v19;
	v19 =	vmul.f32 v49, v43  }
0x8e: {  	v59 =	vld [tilespmem:s31+$0x3FC0];
	v45 =	vmul.f32 v38, v34;
	[tilespmem:s31+$0x3F50] =	vst v54  }
0x8f: {  	v57 =	vld [tilespmem:s31+$0x3FB0];
	[tilespmem:s31+$0x3F60] =	vst v19;
	v19 =	vmul.f32 v52, v56  }
0x90: {  	v62 =	vld [tilespmem:s31+$0x3FE0];
	v51 =	vmul.f32 v44, v43;
	[tilespmem:s31+$0x4050] =	vst v45  }
0x91: {  	v60 =	vld [tilespmem:s31+$0x3FD0];
	[tilespmem:s31+$0x3F80] =	vst v19;
	v19 =	vmul.f32 v55, v56  }
0x92: {  	v58 =	vmul.f32 v50, v43;
	[tilespmem:s31+$0x3F30] =	vst v51;
	v30 =	vld [tilespmem:s31+$0x4000]  }
0x93: {  	v51 =	vld [tilespmem:s31+$0x40D0];
	[tilespmem:s31+$0x3FA0] =	vst v19;
	v19 =	vmul.f32 v59, v56  }
0x94: {  	[tilespmem:s31+$0x3F70] =	vst v58;
	v29 =	vmul.f32 v57, v56;
	v33 =	vld [tilespmem:s31+$0x4020]  }
0x95: {  	v63 =	vld [tilespmem:s31+$0x3FF0];
	[tilespmem:s31+$0x3FC0] =	vst v19;
	v19 =	vmul.f32 v62, v56  }
0x96: {  	v37 =	vld [tilespmem:s31+$0x4040];
	v47 =	vperm.xlane v18, v10;
	[tilespmem:s31+$0x3FB0] =	vst v29;
	v32 =	vmul.f32 v60, v56  }
0x97: {  	v61 =	vld [tilespmem:s31+$0x4130];
	[tilespmem:s31+$0x3FE0] =	vst v19;
	v19 =	vmul.f32 v30, v34  }
0x98: {  	v40 =	vld [tilespmem:s31+$0x4060];
	v58 =	vmul.f32 v51, v47;
	[tilespmem:s31+$0x3FD0] =	vst v32  }
0x99: {  	v31 =	vld [tilespmem:s31+$0x4010];
	[tilespmem:s31+$0x4000] =	vst v19;
	v19 =	vmul.f32 v33, v34  }
0x9a: {  	v60 =	vperm.xlane v18, v11;
	v36 =	vmul.f32 v63, v56;
	[tilespmem:s31+$0x40D0] =	vst v58;
	v43 =	vld [tilespmem:s31+$0x4080]  }
0x9b: {  	v57 =	vld [tilespmem:s31+$0x4110];
	[tilespmem:s31+$0x4020] =	vst v19;
	v19 =	vmul.f32 v37, v34  }
0x9c: {  	v32 =	vmul.f32 v61, v60;
	[tilespmem:s31+$0x3FF0] =	vst v36;
	v46 =	vld [tilespmem:s31+$0x40A0]  }
0x9d: {  	v35 =	vld [tilespmem:s31+$0x4030];
	[tilespmem:s31+$0x4040] =	vst v19;
	v19 =	vmul.f32 v40, v34  }
0x9e: {  	v50 =	vld [tilespmem:s31+$0x40C0];
	v39 =	vmul.f32 v31, v34;
	[tilespmem:s31+$0x4130] =	vst v32  }
0x9f: {  	v28 =	vld [tilespmem:s31+$0x4150];
	[tilespmem:s31+$0x4060] =	vst v19;
	v19 =	vmul.f32 v43, v47  }
0xa0: {  	v53 =	vld [tilespmem:s31+$0x40E0];
	v29 =	vmul.f32 v57, v60;
	[tilespmem:s31+$0x4010] =	vst v39  }
0xa1: {  	v31 =	vld [tilespmem:s31+$0x4170];
	[tilespmem:s31+$0x4080] =	vst v19;
	v19 =	vmul.f32 v46, v47  }
0xa2: {  	v42 =	vmul.f32 v35, v34;
	[tilespmem:s31+$0x4110] =	vst v29;
	v56 =	vld [tilespmem:s31+$0x4100]  }
0xa3: {  	v41 =	vld [tilespmem:s31+$0x4070];
	[tilespmem:s31+$0x40A0] =	vst v19;
	v19 =	vmul.f32 v50, v47  }
0xa4: {  	v35 =	vmul.f32 v28, v60;
	[tilespmem:s31+$0x4030] =	vst v42;
	v59 =	vld [tilespmem:s31+$0x4120]  }
0xa5: {  	v44 =	vld [tilespmem:s31+$0x4090];
	[tilespmem:s31+$0x40C0] =	vst v19;
	v19 =	vmul.f32 v53, v47  }
0xa6: {  	v63 =	vld [tilespmem:s31+$0x4140];
	[tilespmem:s31+$0x4150] =	vst v35;
	v39 =	vmul.f32 v31, v60  }
0xa7: {  	v48 =	vld [tilespmem:s31+$0x40B0];
	[tilespmem:s31+$0x40E0] =	vst v19;
	v19 =	vmul.f32 v56, v60  }
0xa8: {  	v49 =	vmul.f32 v41, v34;
	[tilespmem:s31+$0x4170] =	vst v39;
	v30 =	vld [tilespmem:s31+$0x4160]  }
0xa9: {  	v54 =	vld [tilespmem:s31+$0x40F0];
	[tilespmem:s31+$0x4100] =	vst v19;
	v19 =	vmul.f32 v59, v60  }
0xaa: {  	[tilespmem:s31+$0x4070] =	vst v49;
	v52 =	vmul.f32 v44, v47;
	v33 =	vld [tilespmem:s31+$0x4180]  }
0xab: {  	v38 =	vld [tilespmem:s31+$0x41B0];
	[tilespmem:s31+$0x4120] =	vst v19;
	v19 =	vmul.f32 v63, v60  }
0xac: {  	v36 =	vld [tilespmem:s31+$0x41A0];
	[tilespmem:s31+$0x4090] =	vst v52;
	v55 =	vmul.f32 v48, v47  }
0xad: {  	v41 =	vld [tilespmem:s31+$0x41D0];
	v37 =	vperm.xlane v18, v12;
	[tilespmem:s31+$0x4140] =	vst v19;
	v19 =	vmul.f32 v30, v60  }
0xae: {  	[tilespmem:s31+$0x40B0] =	vst v55;
	v62 =	vmul.f32 v54, v47;
	v40 =	vld [tilespmem:s31+$0x41C0]  }
0xaf: {  	v44 =	vld [tilespmem:s31+$0x41F0];
	[tilespmem:s31+$0x4160] =	vst v19;
	v19 =	vmul.f32 v33, v37  }
0xb0: {  	[tilespmem:s31+$0x40F0] =	vst v62;
	v45 =	vmul.f32 v38, v37;
	v43 =	vld [tilespmem:s31+$0x41E0]  }
0xb1: {  	v34 =	vld [tilespmem:s31+$0x4190];
	[tilespmem:s31+$0x4180] =	vst v19;
	v19 =	vmul.f32 v36, v37  }
0xb2: {  	v48 =	vmul.f32 v41, v37;
	[tilespmem:s31+$0x41B0] =	vst v45;
	v46 =	vld [tilespmem:s31+$0x4200]  }
0xb3: {  	v51 =	vld [tilespmem:s31+$0x4230];
	[tilespmem:s31+$0x41A0] =	vst v19;
	v19 =	vmul.f32 v40, v37  }
0xb4: {  	v49 =	vld [tilespmem:s31+$0x4220];
	v52 =	vmul.f32 v44, v37;
	[tilespmem:s31+$0x41D0] =	vst v48  }
0xb5: {  	v54 =	vld [tilespmem:s31+$0x4250];
	v50 =	vperm.xlane v18, v13;
	[tilespmem:s31+$0x41C0] =	vst v19;
	v19 =	vmul.f32 v43, v37  }
0xb6: {  	[tilespmem:s31+$0x41F0] =	vst v52;
	v42 =	vmul.f32 v34, v37;
	v53 =	vld [tilespmem:s31+$0x4240]  }
0xb7: {  	v57 =	vld [tilespmem:s31+$0x4270];
	[tilespmem:s31+$0x41E0] =	vst v19;
	v19 =	vmul.f32 v46, v50  }
0xb8: {  	[tilespmem:s31+$0x4190] =	vst v42;
	v58 =	vmul.f32 v51, v50;
	v56 =	vld [tilespmem:s31+$0x4260]  }
0xb9: {  	v47 =	vld [tilespmem:s31+$0x4210];
	[tilespmem:s31+$0x4200] =	vst v19;
	v19 =	vmul.f32 v49, v50  }
0xba: {  	v61 =	vmul.f32 v54, v50;
	[tilespmem:s31+$0x4230] =	vst v58;
	v59 =	vld [tilespmem:s31+$0x4280]  }
0xbb: {  	v39 =	vld [tilespmem:s31+$0x4310];
	[tilespmem:s31+$0x4220] =	vst v19;
	v19 =	vmul.f32 v53, v50  }
0xbc: {  	v62 =	vld [tilespmem:s31+$0x42A0];
	v31 =	vmul.f32 v57, v50;
	[tilespmem:s31+$0x4250] =	vst v61  }
0xbd: {  	v63 =	vperm.xlane v18, v14;
	v60 =	vld [tilespmem:s31+$0x4290];
	[tilespmem:s31+$0x4240] =	vst v19;
	v19 =	vmul.f32 v56, v50  }
0xbe: {  	v32 =	vld [tilespmem:s31+$0x42C0];
	v42 =	vperm.xlane v18, v15;
	[tilespmem:s31+$0x4270] =	vst v31;
	v55 =	vmul.f32 v47, v50  }
0xbf: {  	v33 =	vld [tilespmem:s31+$0x42D0];
	[tilespmem:s31+$0x4260] =	vst v19;
	v19 =	vmul.f32 v59, v63  }
0xc0: {  	v35 =	vld [tilespmem:s31+$0x42E0];
	v47 =	vmul.f32 v39, v42;
	[tilespmem:s31+$0x4210] =	vst v55  }
0xc1: {  	v30 =	vld [tilespmem:s31+$0x42B0];
	[tilespmem:s31+$0x4280] =	vst v19;
	v19 =	vmul.f32 v62, v63  }
0xc2: {  	v38 =	vld [tilespmem:s31+$0x4300];
	[tilespmem:s31+$0x4310] =	vst v47;
	v34 =	vmul.f32 v60, v63  }
0xc3: {  	v36 =	vld [tilespmem:s31+$0x42F0];
	[tilespmem:s31+$0x42A0] =	vst v19;
	v19 =	vmul.f32 v32, v63  }
0xc4: {  	v41 =	vld [tilespmem:s31+$0x4320];
	[tilespmem:s31+$0x4290] =	vst v34;
	v40 =	vmul.f32 v33, v63  }
0xc5: {  	v46 =	vld [tilespmem:s31+$0x4350];
	[tilespmem:s31+$0x42C0] =	vst v19;
	v19 =	vmul.f32 v35, v63  }
0xc6: {  	v45 =	vld [tilespmem:s31+$0x4340];
	v37 =	vmul.f32 v30, v63;
	[tilespmem:s31+$0x42D0] =	vst v40  }
0xc7: {  	v43 =	vld [tilespmem:s31+$0x4330];
	[tilespmem:s31+$0x42E0] =	vst v19;
	v19 =	vmul.f32 v38, v42  }
0xc8: {  	v48 =	vld [tilespmem:s31+$0x4360];
	v44 =	vmul.f32 v36, v63;
	[tilespmem:s31+$0x42B0] =	vst v37  }
0xc9: {  	v49 =	vld [tilespmem:s31+$0x4370];
	[tilespmem:s31+$0x4300] =	vst v19;
	v19 =	vmul.f32 v41, v42  }
0xca: {  	v51 =	vld [tilespmem:s31+$0x4380];
	[tilespmem:s31+$0x42F0] =	vst v44;
	v53 =	vmul.f32 v46, v42  }
0xcb: {  	v52 =	vld [tilespmem:s31+$0x4390];
	[tilespmem:s31+$0x4320] =	vst v19;
	v19 =	vmul.f32 v45, v42  }
0xcc: {  	v54 =	vld [tilespmem:s31+$0x43A0];
	v50 =	vmul.f32 v43, v42;
	[tilespmem:s31+$0x4350] =	vst v53  }
0xcd: {  	v18 =	vperm.xlane v18, v16;
	v55 =	vld [tilespmem:s31+$0x43B0];
	[tilespmem:s31+$0x4340] =	vst v19;
	v19 =	vmul.f32 v48, v42  }
0xce: {  	v57 =	vld [tilespmem:s31+$0x43C0];
	v56 =	vmul.f32 v49, v42;
	[tilespmem:s31+$0x4330] =	vst v50  }
0xcf: {  	v58 =	vld [tilespmem:s31+$0x43D0];
	[tilespmem:s31+$0x4360] =	vst v19;
	v19 =	vmul.f32 v51, v18  }
0xd0: {  	v60 =	vld [tilespmem:s31+$0x43E0];
	v59 =	vmul.f32 v52, v18;
	[tilespmem:s31+$0x4370] =	vst v56  }
0xd1: {  	v61 =	vld [tilespmem:s31+$0x43F0];
	[tilespmem:s31+$0x4380] =	vst v19;
	v19 =	vmul.f32 v54, v18  }
0xd2: {  	[tilespmem:s31+$0x4390] =	vst v59;
	v62 =	vmul.f32 v55, v18  }
0xd3: {  	p1 =	sne.s32 s30, $0x7;
	[tilespmem:s31+$0x43A0] =	vst v19;
	v19 =	vmul.f32 v57, v18  }
.Ltmp1:
0xd4: {  	[tilespmem:s31+$0x43B0] =	vst v62;
	v63 =	vmul.f32 v58, v18;
	(pc) =	sbr.rel @p1 .LBB2_6-.Ltmp1, $4  }
0xd5: {  	[tilespmem:s31+$0x43C0] =	vst v19;
	v19 =	vmul.f32 v60, v18  }
0xd6: {  	[tilespmem:s31+$0x43D0] =	vst v63;
	v18 =	vmul.f32 v61, v18  }
0xd7: {  	[tilespmem:s31+$0x43E0] =	vst v19  }
0xd8: {  	s30 =	sadd.s32 $0x1, s30;
	[tilespmem:s31+$0x43F0] =	vst v18  }
0xd9: {  	s29 =	sadd.s32 $0x1400, s29  }
0xda: {  	[spmem:s4] =	stream.indirect.scatter.add.f32 [tilespmem:s16], [sflag:$0x3], $0x80, s29, s20, $0xb8;
	[tilespmem:$0x1F800] =	vst v63  }
0xdb: {  	p1 =	seq.s32 s25, $0x13;
	s31 =	sadd.s32 $0x2800, s26;
	_ =	swait.ge [sflag:s17], $0x4000  }
0xdc: {  	s28 =	sshrl.u32 @!p1 s28, $0x2;
	s29 =	simm.s32 @!p1 $0x80;
	[sflag:s17] =	ssyncset.done $0x0  }
0xdd: {  	s30 =	simm.s32 @!p1 $0x3C00;
	s28 =	sadd.s32 @!p1 $0x100, s28;
	[sflag:s17] =	ssyncadd.s32 $0xFFFFC000  }
0xde: {  	[tilespmem:s30], [sflag:$0x1] =	stream.indirect.gather @!p1 [hbm4b:s0+s29], $0x80, s28, s29, $0xb8;
	[tilespmem:$0x1F800] =	vst v63  }
0xdf: {  	v17 =	vmov s31;
	_ =	swait.ge [sflag:s23], $0x4000  }
0xe0: {  	[sflag:s23] =	ssyncset.done $0x0  }
0xe1: {  	s28 =	simm.s32 $0x0;
	[sflag:s23] =	ssyncadd.s32 $0xFFFFC000  }
.LBB2_8:
0xe2: {  	s29 =	sshll.u32 s28, $0x4  }
0xe3: {  	s29 =	sand.u32 $0x3FFFFFF0, s29  }
0xe4: {  	s31 =	sshll.u32 s28, $0xB;
	v18 =	vld.idx.msk [tilespmem:v17+s29+$0x0 ss:$0x1], $0xffff  }
0xe5: {  	s29 =	sand.u32 $0x3FFFF800, s31  }
0xe6: {  	v19 =	vld [tilespmem:s29+$0x7C00]  }
0xe7: {  	v20 =	vld [tilespmem:s29+$0x7C10]  }
0xe8: {  	v21 =	vld [tilespmem:s29+$0x7C20]  }
0xe9: {  	v23 =	vld [tilespmem:s29+$0x7C30];
	v22 =	vperm.xlane v18, v1  }
0xea: {  	v24 =	vld [tilespmem:s29+$0x7C40]  }
0xeb: {  	v25 =	vld [tilespmem:s29+$0x7C50];
	v19 =	vmul.f32 v19, v22  }
0xec: {  	v26 =	vld [tilespmem:s29+$0x7C60];
	v20 =	vmul.f32 v20, v22  }
0xed: {  	v43 =	vld [tilespmem:s29+$0x7C70];
	[tilespmem:s29+$0x7C00] =	vst v19;
	v19 =	vmul.f32 v21, v22  }
0xee: {  	v45 =	vld [tilespmem:s29+$0x7C80];
	v44 =	vmul.f32 v23, v22;
	[tilespmem:s29+$0x7C10] =	vst v20  }
0xef: {  	v46 =	vld [tilespmem:s29+$0x7C90];
	[tilespmem:s29+$0x7C20] =	vst v19;
	v19 =	vmul.f32 v24, v22  }
0xf0: {  	v48 =	vld [tilespmem:s29+$0x7CA0];
	v47 =	vmul.f32 v25, v22;
	[tilespmem:s29+$0x7C30] =	vst v44  }
0xf1: {  	v27 =	vld [tilespmem:s29+$0x7CB0];
	v49 =	vperm.xlane v18, v2;
	[tilespmem:s29+$0x7C40] =	vst v19;
	v19 =	vmul.f32 v26, v22  }
0xf2: {  	v51 =	vld [tilespmem:s29+$0x7CC0];
	v50 =	vmul.f32 v43, v22;
	[tilespmem:s29+$0x7C50] =	vst v47  }
0xf3: {  	v52 =	vld [tilespmem:s29+$0x7CD0];
	[tilespmem:s29+$0x7C60] =	vst v19;
	v19 =	vmul.f32 v45, v49  }
0xf4: {  	v54 =	vld [tilespmem:s29+$0x7CE0];
	v53 =	vmul.f32 v46, v49;
	[tilespmem:s29+$0x7C70] =	vst v50  }
0xf5: {  	v55 =	vld [tilespmem:s29+$0x7CF0];
	[tilespmem:s29+$0x7C80] =	vst v19;
	v19 =	vmul.f32 v48, v49  }
0xf6: {  	v57 =	vld [tilespmem:s29+$0x7D00];
	v56 =	vmul.f32 v27, v49;
	[tilespmem:s29+$0x7C90] =	vst v53  }
0xf7: {  	v58 =	vld [tilespmem:s29+$0x7D10];
	[tilespmem:s29+$0x7CA0] =	vst v19;
	v19 =	vmul.f32 v51, v49  }
0xf8: {  	v60 =	vld [tilespmem:s29+$0x7D20];
	v59 =	vmul.f32 v52, v49;
	[tilespmem:s29+$0x7CB0] =	vst v56  }
0xf9: {  	v62 =	vld [tilespmem:s29+$0x7D30];
	v61 =	vperm.xlane v18, v3;
	[tilespmem:s29+$0x7CC0] =	vst v19;
	v19 =	vmul.f32 v54, v49  }
0xfa: {  	v28 =	vld [tilespmem:s29+$0x7D40];
	v63 =	vmul.f32 v55, v49;
	[tilespmem:s29+$0x7CD0] =	vst v59  }
0xfb: {  	v29 =	vld [tilespmem:s29+$0x7D50];
	[tilespmem:s29+$0x7CE0] =	vst v19;
	v19 =	vmul.f32 v57, v61  }
0xfc: {  	v31 =	vld [tilespmem:s29+$0x7D60];
	v30 =	vmul.f32 v58, v61;
	[tilespmem:s29+$0x7CF0] =	vst v63  }
0xfd: {  	v32 =	vld [tilespmem:s29+$0x7D70];
	[tilespmem:s29+$0x7D00] =	vst v19;
	v19 =	vmul.f32 v60, v61  }
0xfe: {  	v34 =	vld [tilespmem:s29+$0x7D80];
	v33 =	vmul.f32 v62, v61;
	[tilespmem:s29+$0x7D10] =	vst v30  }
0xff: {  	v35 =	vld [tilespmem:s29+$0x7D90];
	[tilespmem:s29+$0x7D20] =	vst v19;
	v19 =	vmul.f32 v28, v61  }
0x100: {  	v37 =	vld [tilespmem:s29+$0x7DA0];
	v36 =	vmul.f32 v29, v61;
	[tilespmem:s29+$0x7D30] =	vst v33  }
0x101: {  	v39 =	vld [tilespmem:s29+$0x7DB0];
	v38 =	vperm.xlane v18, v4;
	[tilespmem:s29+$0x7D40] =	vst v19;
	v19 =	vmul.f32 v31, v61  }
0x102: {  	v41 =	vld [tilespmem:s29+$0x7DC0];
	v40 =	vmul.f32 v32, v61;
	[tilespmem:s29+$0x7D50] =	vst v36  }
0x103: {  	v45 =	vld [tilespmem:s29+$0x7DF0];
	[tilespmem:s29+$0x7D60] =	vst v19;
	v19 =	vmul.f32 v34, v38  }
0x104: {  	v43 =	vmul.f32 v35, v38;
	[tilespmem:s29+$0x7D70] =	vst v40;
	v44 =	vld [tilespmem:s29+$0x7DE0]  }
0x105: {  	v42 =	vld [tilespmem:s29+$0x7DD0];
	[tilespmem:s29+$0x7D80] =	vst v19;
	v19 =	vmul.f32 v37, v38  }
0x106: {  	v46 =	vmul.f32 v39, v38;
	[tilespmem:s29+$0x7D90] =	vst v43;
	v47 =	vld [tilespmem:s29+$0x7E00]  }
0x107: {  	v52 =	vld [tilespmem:s29+$0x7E30];
	[tilespmem:s29+$0x7DA0] =	vst v19;
	v19 =	vmul.f32 v41, v38  }
0x108: {  	[tilespmem:s29+$0x7DB0] =	vst v46;
	v50 =	vld [tilespmem:s29+$0x7E20];
	v53 =	vmul.f32 v45, v38  }
0x109: {  	v55 =	vld [tilespmem:s29+$0x7E50];
	v51 =	vperm.xlane v18, v5;
	[tilespmem:s29+$0x7DC0] =	vst v19;
	v19 =	vmul.f32 v44, v38  }
0x10a: {  	v49 =	vmul.f32 v42, v38;
	v54 =	vld [tilespmem:s29+$0x7E40];
	[tilespmem:s29+$0x7DF0] =	vst v53  }
0x10b: {  	v58 =	vld [tilespmem:s29+$0x7E70];
	[tilespmem:s29+$0x7DE0] =	vst v19;
	v19 =	vmul.f32 v47, v51  }
0x10c: {  	v59 =	vmul.f32 v52, v51;
	[tilespmem:s29+$0x7DD0] =	vst v49;
	v57 =	vld [tilespmem:s29+$0x7E60]  }
0x10d: {  	v48 =	vld [tilespmem:s29+$0x7E10];
	[tilespmem:s29+$0x7E00] =	vst v19;
	v19 =	vmul.f32 v50, v51  }
0x10e: {  	v62 =	vmul.f32 v55, v51;
	[tilespmem:s29+$0x7E30] =	vst v59;
	v60 =	vld [tilespmem:s29+$0x7E80]  }
0x10f: {  	v40 =	vld [tilespmem:s29+$0x7F10];
	[tilespmem:s29+$0x7E20] =	vst v19;
	v19 =	vmul.f32 v54, v51  }
0x110: {  	v63 =	vld [tilespmem:s29+$0x7EA0];
	v32 =	vmul.f32 v58, v51;
	[tilespmem:s29+$0x7E50] =	vst v62  }
0x111: {  	v30 =	vperm.xlane v18, v6;
	v61 =	vld [tilespmem:s29+$0x7E90];
	[tilespmem:s29+$0x7E40] =	vst v19;
	v19 =	vmul.f32 v57, v51  }
0x112: {  	v33 =	vld [tilespmem:s29+$0x7EC0];
	v43 =	vperm.xlane v18, v7;
	v56 =	vmul.f32 v48, v51;
	[tilespmem:s29+$0x7E70] =	vst v32  }
0x113: {  	v53 =	vld [tilespmem:s29+$0x7F90];
	[tilespmem:s29+$0x7E60] =	vst v19;
	v19 =	vmul.f32 v60, v30  }
0x114: {  	v36 =	vld [tilespmem:s29+$0x7EE0];
	v48 =	vmul.f32 v40, v43;
	[tilespmem:s29+$0x7E10] =	vst v56  }
0x115: {  	v31 =	vld [tilespmem:s29+$0x7EB0];
	[tilespmem:s29+$0x7E80] =	vst v19;
	v19 =	vmul.f32 v63, v30  }
0x116: {  	v39 =	vld [tilespmem:s29+$0x7F00];
	[tilespmem:s29+$0x7F10] =	vst v48;
	v56 =	vperm.xlane v18, v8;
	v35 =	vmul.f32 v61, v30  }
0x117: {  	v34 =	vld [tilespmem:s29+$0x7ED0];
	[tilespmem:s29+$0x7EA0] =	vst v19;
	v19 =	vmul.f32 v33, v30  }
0x118: {  	v42 =	vld [tilespmem:s29+$0x7F20];
	v61 =	vmul.f32 v53, v56;
	[tilespmem:s29+$0x7E90] =	vst v35  }
0x119: {  	v37 =	vld [tilespmem:s29+$0x7EF0];
	[tilespmem:s29+$0x7EC0] =	vst v19;
	v19 =	vmul.f32 v36, v30  }
0x11a: {  	v46 =	vld [tilespmem:s29+$0x7F40];
	[tilespmem:s29+$0x7F90] =	vst v61;
	v38 =	vmul.f32 v31, v30  }
0x11b: {  	v47 =	vld [tilespmem:s29+$0x7F50];
	[tilespmem:s29+$0x7EE0] =	vst v19;
	v19 =	vmul.f32 v39, v43  }
0x11c: {  	v49 =	vld [tilespmem:s29+$0x7F60];
	v41 =	vmul.f32 v34, v30;
	[tilespmem:s29+$0x7EB0] =	vst v38  }
0x11d: {  	v38 =	vld [tilespmem:s29+$0x8050];
	[tilespmem:s29+$0x7F00] =	vst v19;
	v19 =	vmul.f32 v42, v43  }
0x11e: {  	v52 =	vld [tilespmem:s29+$0x7F80];
	[tilespmem:s29+$0x7ED0] =	vst v41;
	v45 =	vmul.f32 v37, v30  }
0x11f: {  	v44 =	vld [tilespmem:s29+$0x7F30];
	[tilespmem:s29+$0x7F20] =	vst v19;
	v19 =	vmul.f32 v46, v43  }
0x120: {  	v55 =	vld [tilespmem:s29+$0x7FA0];
	v34 =	vperm.xlane v18, v9;
	[tilespmem:s29+$0x7EF0] =	vst v45;
	v54 =	vmul.f32 v47, v43  }
0x121: {  	v50 =	vld [tilespmem:s29+$0x7F70];
	[tilespmem:s29+$0x7F40] =	vst v19;
	v19 =	vmul.f32 v49, v43  }
0x122: {  	v59 =	vld [tilespmem:s29+$0x7FC0];
	v45 =	vmul.f32 v38, v34;
	[tilespmem:s29+$0x7F50] =	vst v54  }
0x123: {  	v57 =	vld [tilespmem:s29+$0x7FB0];
	[tilespmem:s29+$0x7F60] =	vst v19;
	v19 =	vmul.f32 v52, v56  }
0x124: {  	v62 =	vld [tilespmem:s29+$0x7FE0];
	v51 =	vmul.f32 v44, v43;
	[tilespmem:s29+$0x8050] =	vst v45  }
0x125: {  	v60 =	vld [tilespmem:s29+$0x7FD0];
	[tilespmem:s29+$0x7F80] =	vst v19;
	v19 =	vmul.f32 v55, v56  }
0x126: {  	v58 =	vmul.f32 v50, v43;
	[tilespmem:s29+$0x7F30] =	vst v51;
	v30 =	vld [tilespmem:s29+$0x8000]  }
0x127: {  	v51 =	vld [tilespmem:s29+$0x80D0];
	[tilespmem:s29+$0x7FA0] =	vst v19;
	v19 =	vmul.f32 v59, v56  }
0x128: {  	[tilespmem:s29+$0x7F70] =	vst v58;
	v29 =	vmul.f32 v57, v56;
	v33 =	vld [tilespmem:s29+$0x8020]  }
0x129: {  	v63 =	vld [tilespmem:s29+$0x7FF0];
	[tilespmem:s29+$0x7FC0] =	vst v19;
	v19 =	vmul.f32 v62, v56  }
0x12a: {  	v37 =	vld [tilespmem:s29+$0x8040];
	v47 =	vperm.xlane v18, v10;
	[tilespmem:s29+$0x7FB0] =	vst v29;
	v32 =	vmul.f32 v60, v56  }
0x12b: {  	v61 =	vld [tilespmem:s29+$0x8130];
	[tilespmem:s29+$0x7FE0] =	vst v19;
	v19 =	vmul.f32 v30, v34  }
0x12c: {  	v40 =	vld [tilespmem:s29+$0x8060];
	v58 =	vmul.f32 v51, v47;
	[tilespmem:s29+$0x7FD0] =	vst v32  }
0x12d: {  	v31 =	vld [tilespmem:s29+$0x8010];
	[tilespmem:s29+$0x8000] =	vst v19;
	v19 =	vmul.f32 v33, v34  }
0x12e: {  	v60 =	vperm.xlane v18, v11;
	v36 =	vmul.f32 v63, v56;
	[tilespmem:s29+$0x80D0] =	vst v58;
	v43 =	vld [tilespmem:s29+$0x8080]  }
0x12f: {  	v57 =	vld [tilespmem:s29+$0x8110];
	[tilespmem:s29+$0x8020] =	vst v19;
	v19 =	vmul.f32 v37, v34  }
0x130: {  	v32 =	vmul.f32 v61, v60;
	[tilespmem:s29+$0x7FF0] =	vst v36;
	v46 =	vld [tilespmem:s29+$0x80A0]  }
0x131: {  	v35 =	vld [tilespmem:s29+$0x8030];
	[tilespmem:s29+$0x8040] =	vst v19;
	v19 =	vmul.f32 v40, v34  }
0x132: {  	v50 =	vld [tilespmem:s29+$0x80C0];
	v39 =	vmul.f32 v31, v34;
	[tilespmem:s29+$0x8130] =	vst v32  }
0x133: {  	v28 =	vld [tilespmem:s29+$0x8150];
	[tilespmem:s29+$0x8060] =	vst v19;
	v19 =	vmul.f32 v43, v47  }
0x134: {  	v53 =	vld [tilespmem:s29+$0x80E0];
	v29 =	vmul.f32 v57, v60;
	[tilespmem:s29+$0x8010] =	vst v39  }
0x135: {  	v31 =	vld [tilespmem:s29+$0x8170];
	[tilespmem:s29+$0x8080] =	vst v19;
	v19 =	vmul.f32 v46, v47  }
0x136: {  	v42 =	vmul.f32 v35, v34;
	[tilespmem:s29+$0x8110] =	vst v29;
	v56 =	vld [tilespmem:s29+$0x8100]  }
0x137: {  	v41 =	vld [tilespmem:s29+$0x8070];
	[tilespmem:s29+$0x80A0] =	vst v19;
	v19 =	vmul.f32 v50, v47  }
0x138: {  	v35 =	vmul.f32 v28, v60;
	[tilespmem:s29+$0x8030] =	vst v42;
	v59 =	vld [tilespmem:s29+$0x8120]  }
0x139: {  	v44 =	vld [tilespmem:s29+$0x8090];
	[tilespmem:s29+$0x80C0] =	vst v19;
	v19 =	vmul.f32 v53, v47  }
0x13a: {  	v63 =	vld [tilespmem:s29+$0x8140];
	[tilespmem:s29+$0x8150] =	vst v35;
	v39 =	vmul.f32 v31, v60  }
0x13b: {  	v48 =	vld [tilespmem:s29+$0x80B0];
	[tilespmem:s29+$0x80E0] =	vst v19;
	v19 =	vmul.f32 v56, v60  }
0x13c: {  	v49 =	vmul.f32 v41, v34;
	[tilespmem:s29+$0x8170] =	vst v39;
	v30 =	vld [tilespmem:s29+$0x8160]  }
0x13d: {  	v54 =	vld [tilespmem:s29+$0x80F0];
	[tilespmem:s29+$0x8100] =	vst v19;
	v19 =	vmul.f32 v59, v60  }
0x13e: {  	[tilespmem:s29+$0x8070] =	vst v49;
	v52 =	vmul.f32 v44, v47;
	v33 =	vld [tilespmem:s29+$0x8180]  }
0x13f: {  	v38 =	vld [tilespmem:s29+$0x81B0];
	[tilespmem:s29+$0x8120] =	vst v19;
	v19 =	vmul.f32 v63, v60  }
0x140: {  	v36 =	vld [tilespmem:s29+$0x81A0];
	[tilespmem:s29+$0x8090] =	vst v52;
	v55 =	vmul.f32 v48, v47  }
0x141: {  	v41 =	vld [tilespmem:s29+$0x81D0];
	v37 =	vperm.xlane v18, v12;
	[tilespmem:s29+$0x8140] =	vst v19;
	v19 =	vmul.f32 v30, v60  }
0x142: {  	[tilespmem:s29+$0x80B0] =	vst v55;
	v62 =	vmul.f32 v54, v47;
	v40 =	vld [tilespmem:s29+$0x81C0]  }
0x143: {  	v44 =	vld [tilespmem:s29+$0x81F0];
	[tilespmem:s29+$0x8160] =	vst v19;
	v19 =	vmul.f32 v33, v37  }
0x144: {  	[tilespmem:s29+$0x80F0] =	vst v62;
	v45 =	vmul.f32 v38, v37;
	v43 =	vld [tilespmem:s29+$0x81E0]  }
0x145: {  	v34 =	vld [tilespmem:s29+$0x8190];
	[tilespmem:s29+$0x8180] =	vst v19;
	v19 =	vmul.f32 v36, v37  }
0x146: {  	v48 =	vmul.f32 v41, v37;
	[tilespmem:s29+$0x81B0] =	vst v45;
	v46 =	vld [tilespmem:s29+$0x8200]  }
0x147: {  	v51 =	vld [tilespmem:s29+$0x8230];
	[tilespmem:s29+$0x81A0] =	vst v19;
	v19 =	vmul.f32 v40, v37  }
0x148: {  	v49 =	vld [tilespmem:s29+$0x8220];
	v52 =	vmul.f32 v44, v37;
	[tilespmem:s29+$0x81D0] =	vst v48  }
0x149: {  	v54 =	vld [tilespmem:s29+$0x8250];
	v50 =	vperm.xlane v18, v13;
	[tilespmem:s29+$0x81C0] =	vst v19;
	v19 =	vmul.f32 v43, v37  }
0x14a: {  	[tilespmem:s29+$0x81F0] =	vst v52;
	v42 =	vmul.f32 v34, v37;
	v53 =	vld [tilespmem:s29+$0x8240]  }
0x14b: {  	v57 =	vld [tilespmem:s29+$0x8270];
	[tilespmem:s29+$0x81E0] =	vst v19;
	v19 =	vmul.f32 v46, v50  }
0x14c: {  	[tilespmem:s29+$0x8190] =	vst v42;
	v58 =	vmul.f32 v51, v50;
	v56 =	vld [tilespmem:s29+$0x8260]  }
0x14d: {  	v47 =	vld [tilespmem:s29+$0x8210];
	[tilespmem:s29+$0x8200] =	vst v19;
	v19 =	vmul.f32 v49, v50  }
0x14e: {  	v61 =	vmul.f32 v54, v50;
	[tilespmem:s29+$0x8230] =	vst v58;
	v59 =	vld [tilespmem:s29+$0x8280]  }
0x14f: {  	v39 =	vld [tilespmem:s29+$0x8310];
	[tilespmem:s29+$0x8220] =	vst v19;
	v19 =	vmul.f32 v53, v50  }
0x150: {  	v62 =	vld [tilespmem:s29+$0x82A0];
	v31 =	vmul.f32 v57, v50;
	[tilespmem:s29+$0x8250] =	vst v61  }
0x151: {  	v63 =	vperm.xlane v18, v14;
	v60 =	vld [tilespmem:s29+$0x8290];
	[tilespmem:s29+$0x8240] =	vst v19;
	v19 =	vmul.f32 v56, v50  }
0x152: {  	v32 =	vld [tilespmem:s29+$0x82C0];
	v42 =	vperm.xlane v18, v15;
	[tilespmem:s29+$0x8270] =	vst v31;
	v55 =	vmul.f32 v47, v50  }
0x153: {  	v33 =	vld [tilespmem:s29+$0x82D0];
	[tilespmem:s29+$0x8260] =	vst v19;
	v19 =	vmul.f32 v59, v63  }
0x154: {  	v35 =	vld [tilespmem:s29+$0x82E0];
	v47 =	vmul.f32 v39, v42;
	[tilespmem:s29+$0x8210] =	vst v55  }
0x155: {  	v30 =	vld [tilespmem:s29+$0x82B0];
	[tilespmem:s29+$0x8280] =	vst v19;
	v19 =	vmul.f32 v62, v63  }
0x156: {  	v38 =	vld [tilespmem:s29+$0x8300];
	[tilespmem:s29+$0x8310] =	vst v47;
	v34 =	vmul.f32 v60, v63  }
0x157: {  	v36 =	vld [tilespmem:s29+$0x82F0];
	[tilespmem:s29+$0x82A0] =	vst v19;
	v19 =	vmul.f32 v32, v63  }
0x158: {  	v41 =	vld [tilespmem:s29+$0x8320];
	[tilespmem:s29+$0x8290] =	vst v34;
	v40 =	vmul.f32 v33, v63  }
0x159: {  	v46 =	vld [tilespmem:s29+$0x8350];
	[tilespmem:s29+$0x82C0] =	vst v19;
	v19 =	vmul.f32 v35, v63  }
0x15a: {  	v45 =	vld [tilespmem:s29+$0x8340];
	v37 =	vmul.f32 v30, v63;
	[tilespmem:s29+$0x82D0] =	vst v40  }
0x15b: {  	v43 =	vld [tilespmem:s29+$0x8330];
	[tilespmem:s29+$0x82E0] =	vst v19;
	v19 =	vmul.f32 v38, v42  }
0x15c: {  	v48 =	vld [tilespmem:s29+$0x8360];
	v44 =	vmul.f32 v36, v63;
	[tilespmem:s29+$0x82B0] =	vst v37  }
0x15d: {  	v49 =	vld [tilespmem:s29+$0x8370];
	[tilespmem:s29+$0x8300] =	vst v19;
	v19 =	vmul.f32 v41, v42  }
0x15e: {  	v51 =	vld [tilespmem:s29+$0x8380];
	[tilespmem:s29+$0x82F0] =	vst v44;
	v53 =	vmul.f32 v46, v42  }
0x15f: {  	v52 =	vld [tilespmem:s29+$0x8390];
	[tilespmem:s29+$0x8320] =	vst v19;
	v19 =	vmul.f32 v45, v42  }
0x160: {  	v54 =	vld [tilespmem:s29+$0x83A0];
	v50 =	vmul.f32 v43, v42;
	[tilespmem:s29+$0x8350] =	vst v53  }
0x161: {  	v18 =	vperm.xlane v18, v16;
	v55 =	vld [tilespmem:s29+$0x83B0];
	[tilespmem:s29+$0x8340] =	vst v19;
	v19 =	vmul.f32 v48, v42  }
0x162: {  	v57 =	vld [tilespmem:s29+$0x83C0];
	v56 =	vmul.f32 v49, v42;
	[tilespmem:s29+$0x8330] =	vst v50  }
0x163: {  	v58 =	vld [tilespmem:s29+$0x83D0];
	[tilespmem:s29+$0x8360] =	vst v19;
	v19 =	vmul.f32 v51, v18  }
0x164: {  	v60 =	vld [tilespmem:s29+$0x83E0];
	v59 =	vmul.f32 v52, v18;
	[tilespmem:s29+$0x8370] =	vst v56  }
0x165: {  	v61 =	vld [tilespmem:s29+$0x83F0];
	[tilespmem:s29+$0x8380] =	vst v19;
	v19 =	vmul.f32 v54, v18  }
0x166: {  	[tilespmem:s29+$0x8390] =	vst v59;
	v62 =	vmul.f32 v55, v18  }
0x167: {  	p1 =	sne.s32 s28, $0x7;
	[tilespmem:s29+$0x83A0] =	vst v19;
	v19 =	vmul.f32 v57, v18  }
.Ltmp2:
0x168: {  	[tilespmem:s29+$0x83B0] =	vst v62;
	v63 =	vmul.f32 v58, v18;
	(pc) =	sbr.rel @p1 .LBB2_8-.Ltmp2, $4  }
0x169: {  	[tilespmem:s29+$0x83C0] =	vst v19;
	v19 =	vmul.f32 v60, v18  }
0x16a: {  	[tilespmem:s29+$0x83D0] =	vst v63;
	v18 =	vmul.f32 v61, v18  }
0x16b: {  	[tilespmem:s29+$0x83E0] =	vst v19  }
0x16c: {  	s28 =	sadd.s32 $0x1, s28;
	[tilespmem:s29+$0x83F0] =	vst v18  }
0x16d: {  	s25 =	sadd.s32 $0x1, s25  }
0x16e: {  	p1 =	sne.s32 s25, $0x14  }
.Ltmp3:
0x16f: {  	s26 =	sadd.s32 $0x1400, s26;
	(pc) =	sbr.rel @p1 .LBB2_5-.Ltmp3, $4  }
0x170: {  	[spmem:s4] =	stream.indirect.scatter.add.f32 [tilespmem:s21], [sflag:$0x3], $0x80, s26, s20, $0xb8;
	[tilespmem:$0x1F800] =	vst v63  }
0x171: {  	_ =	swait.ge [sflag:s17], $0x4000  }
0x172: {  	[sflag:s17] =	ssyncset.done $0x0  }
0x173: {  	[sflag:s17] =	ssyncadd.s32 $0xFFFFC000  }
.Ltmp4:
0x174: {  	(pc) =	sbr.rel @p0 .LBB2_4-.Ltmp4, $2  }
0x175: {  	_ =	sdelay $0x2  }
0x176: {  	s25 =	simm.s32 $0x1400;
	p1 =	por $0x0, $0x0  }
0x177: {  	s5 =	sadd.s32 $0x1, s5  }
0x178: {  	s24 =	sshll.u32 s2, $0x6;
	[bflag:$0x0] =	sbarrier.arrive $0xFFFF;
	p0 =	sne.s32 s5, s15  }
.Ltmp5:
0x179: {  	s25 =	sshrl.u32 s8, $0x3;
	s24 =	sor.u32 $0x1C03, s24;
	(pc) =	sbr.rel @p0 .LBB2_1-.Ltmp5, $4  }
0x17a: {  	[hbm:s14], [sflag:s24] =	dma.local [spmem:s25], $0x2780  }
0x17b: {  	_ =	swait.ge [sflag:s17], $0x2780  }
0x17c: {  	[sflag:s17] =	ssyncset.done $0x0  }
0x17d: {  	[sflag:s17] =	ssyncadd.s32 $0xFFFFD880  }
0x17e: {  	_ =	sfence.sel $0x180000  }
0x17f: {  	[bflag:$0x0] =	sbarrier.arrive $0xFFFF  }
0x180: {  	p0 =	sne.s32 s2, $0x0;
	_ =	strace $0x90000047  }
0x181: {  	s0 =	sadd.s32 @!p0 $0x100000, s1;
	[bflag:$0x2] =	sbarrier.arrive $0xFFFF  }
0x182: {  	[sflag:s0] =	ssyncadd.tile.s32 @!p0 $0x1;
	_ =	shalt  }
.Lfunc_end2:
_tile_overlayer_lowered:
.L_overlay_start_2:
0x183: {  	(tag) =	ssettag $0x2  }
0x184: {  	s0 =	rddreg [dreg:$0x0];
	s2 =	stileid.u32  }
0x185: {  	s1 =	rddreg [dreg:$0x1];
	p0 =	sne.s32 s2, $0x0  }
0x186: {  	s3 =	rddreg [dreg:$0x2];
	[bflag:$0x3] =	sbarrier.arrive $0xFFFF;
	s2 =	simm.s32 @!p0 $0x1C03  }
0x187: {  	[timem:s3], [sflag:s2] =	dma.local @!p0 [hbm:s0], s1  }
0x188: {  	s0 =	simm.s32 @!p0 $0x3  }
0x189: {  	_ =	swait.ge @!p0 [sflag:s0], s1  }
0x18a: {  	s1 =	ssub.s32 @!p0 $0x0, s1;
	[sflag:s0] =	ssyncset.done @!p0 $0x0  }
0x18b: {  	[sflag:s0] =	ssyncadd.s32 @!p0 s1  }
0x18c: {  	[bflag:$0x3] =	sbarrier.arrive $0xFFFF  }
0x18d: {  	_ =	shalt  }

</sc_bundles>
